<compile_context>
chip_gen: v7x
topology: tpu7x:2x2x1
jax: 0.10.2.dev20260603
libtpu: 0.0.44.dev20260713+nightly
codegen_flags: <defaults>
</compile_context>

<pallas_src>
import functools

import jax
import jax.numpy as jnp
from jax import lax
from jax.experimental import pallas as pl
from jax.experimental.pallas import tpu as pltpu
from jax.experimental.pallas import tpu_sc as plsc

N = 10000
E = 160000
DIN = 1024
H = 256
HH = 128
NSUB = 16
ES = E // NSUB
CW = 128
NCH = (ES + CW - 1) // CW
TAIL = ES - (NCH - 1) * CW
PADE = NCH * CW
NDUM = 8
NCOPY = 10
CPR = N // NCOPY
BN_EPS = 1e-5

_PREC = jax.lax.Precision.DEFAULT

_sc_mesh = plsc.VectorSubcoreMesh(core_axis_name="c", subcore_axis_name="s",
                                  num_cores=2, num_subcores=NSUB)



@functools.partial(
    pl.kernel,
    out_type=jax.ShapeDtypeStruct((N, HH), jnp.float32),
    mesh=_sc_mesh,
    scratch_types=[
        pltpu.VMEM((NCH, CW), jnp.int32),
        pltpu.VMEM((CW, HH), jnp.float32),
        pltpu.VMEM_SHARED((N + NDUM, HH), jnp.float32),
        pltpu.SemaphoreType.DMA,
    ],
)
def _deg_kernel(dstp, ones, zeros, deg_out, dst_v, ones_v, accum, sem):
    c = lax.axis_index("c")
    s = lax.axis_index("s")

    @pl.when(c == 0)
    def _():
        pl.when(s < NCOPY)(
            lambda: pltpu.sync_copy(zeros, accum.at[pl.ds(s * CPR, CPR)]))
        pltpu.sync_copy(dstp.at[s], dst_v)
        pltpu.sync_copy(ones, ones_v)
        plsc.subcore_barrier()

        for k in range(min(4, NCH)):
            pltpu.async_copy(ones_v, accum.at[dst_v.at[k]], sem, add=True)

        def chunk(j, carry):
            pltpu.make_async_copy(ones_v, accum.at[dst_v.at[j]], sem).wait()

            @pl.when(j + 4 < NCH)
            def _():
                pltpu.async_copy(ones_v, accum.at[dst_v.at[j + 4]], sem,
                                 add=True)
            return carry

        lax.fori_loop(0, NCH, chunk, 0)
        plsc.subcore_barrier()
        sl = pl.ds(s * CPR, CPR)
        pl.when(s < NCOPY)(
            lambda: pltpu.sync_copy(accum.at[sl], deg_out.at[sl]))


@functools.partial(
    pl.kernel,
    out_type=(jax.ShapeDtypeStruct((N, HH), jnp.float32),
              jax.ShapeDtypeStruct((N, HH), jnp.float32)),
    mesh=_sc_mesh,
    scratch_types=[
        pltpu.VMEM((4, CW), jnp.int32),
        pltpu.VMEM((4, CW), jnp.int32),
        pltpu.VMEM((3, CW, HH), jnp.float32),
        pltpu.VMEM_SHARED((N + NDUM, HH), jnp.float32),
        pltpu.SemaphoreType.DMA,
        pltpu.SemaphoreType.DMA,
    ],
)
def _seg_kernel(h_lo, h_hi, srcp, dstp, zeros, c_lo, c_hi,
                src_v, dst_v, rows_v, accum, sem, sem_i):
    c = lax.axis_index("c")
    s = lax.axis_index("s")
    pl.when(s < NCOPY)(
        lambda: pltpu.sync_copy(zeros, accum.at[pl.ds(s * CPR, CPR)]))
    pltpu.sync_copy(srcp.at[s, 0], src_v.at[0])
    pltpu.sync_copy(dstp.at[s, 0], dst_v.at[0])
    plsc.subcore_barrier()

    def idx_wait(k, slot):
        pltpu.make_async_copy(srcp.at[s, k], src_v.at[slot], sem_i).wait()
        pltpu.make_async_copy(dstp.at[s, k], dst_v.at[slot], sem_i).wait()

    def run(table):
        for k in (1, 2, 3):
            pltpu.async_copy(srcp.at[s, k], src_v.at[k], sem_i)
            pltpu.async_copy(dstp.at[s, k], dst_v.at[k], sem_i)
        pltpu.async_copy(table.at[src_v.at[0]], rows_v.at[0], sem)
        for k in (1, 2):
            idx_wait(k, k)
            pltpu.async_copy(table.at[src_v.at[k]], rows_v.at[k], sem)

        def chunk(j, carry):
            p3 = lax.rem(j, 3)
            p4 = lax.rem(j, 4)
            pltpu.make_async_copy(table.at[src_v.at[p4]],
                                  rows_v.at[p3], sem).wait()
            pltpu.sync_copy(rows_v.at[p3], accum.at[dst_v.at[p4]], add=True)

            @pl.when(j + 3 < NCH)
            def _():
                s4 = lax.rem(j + 3, 4)
                idx_wait(j + 3, s4)
                pltpu.async_copy(table.at[src_v.at[s4]], rows_v.at[p3], sem)

            @pl.when(j + 4 < NCH)
            def _():
                pltpu.async_copy(srcp.at[s, j + 4], src_v.at[p4], sem_i)
                pltpu.async_copy(dstp.at[s, j + 4], dst_v.at[p4], sem_i)
            return carry

        lax.fori_loop(0, NCH, chunk, 0)

    pl.when(c == 0)(lambda: run(h_lo))
    pl.when(c == 1)(lambda: run(h_hi))
    plsc.subcore_barrier()
    sl = pl.ds(s * CPR, CPR)

    @pl.when(s < NCOPY)
    def _():
        pl.when(c == 0)(lambda: pltpu.sync_copy(accum.at[sl], c_lo.at[sl]))
        pl.when(c == 1)(lambda: pltpu.sync_copy(accum.at[sl], c_hi.at[sl]))


@functools.partial(
    pl.kernel,
    out_type=(jax.ShapeDtypeStruct((E, HH), jnp.float32),
              jax.ShapeDtypeStruct((E, HH), jnp.float32)),
    mesh=_sc_mesh,
    scratch_types=[
        pltpu.VMEM((NCH, CW), jnp.int32),
        pltpu.VMEM((4, CW, HH), jnp.float32),
        pltpu.SemaphoreType.DMA,
    ],
)
def _edge_gather_kernel(a_t, b_t, srcp, dstp, sa, sb, idx_v, rows_v, sem):
    c = lax.axis_index("c")
    s = lax.axis_index("s")

    def run(table, idxs, out):
        pltpu.sync_copy(idxs.at[s], idx_v)
        for k in range(3):
            pltpu.async_copy(table.at[idx_v.at[k]], rows_v.at[k], sem)

        def chunk(j, carry):
            p = lax.rem(j, 4)
            pltpu.make_async_copy(table.at[idx_v.at[j]],
                                  rows_v.at[p], sem).wait()

            @pl.when(j + 3 < NCH)
            def _():
                pltpu.async_copy(table.at[idx_v.at[j + 3]],
                                 rows_v.at[lax.rem(j + 3, 4)], sem)
            pltpu.sync_copy(rows_v.at[p], out.at[pl.ds(s * ES + j * CW, CW)])
            return carry

        lax.fori_loop(0, NCH - 1, chunk, 0)
        p_last = (NCH - 1) % 4
        pltpu.make_async_copy(table.at[idx_v.at[NCH - 1]],
                              rows_v.at[p_last], sem).wait()
        pltpu.sync_copy(rows_v.at[p_last].at[pl.ds(0, TAIL)],
                        out.at[pl.ds(s * ES + (NCH - 1) * CW, TAIL)])

    pl.when(c == 0)(lambda: run(a_t, srcp, sa))
    pl.when(c == 1)(lambda: run(b_t, dstp, sb))



def _embed_body(x_ref, wlo_ref, whi_ref, blo_ref, bhi_ref, olo_ref, ohi_ref):
    x = x_ref[...]
    olo_ref[...] = jnp.dot(x, wlo_ref[...],
                           preferred_element_type=jnp.float32, precision=_PREC) + blo_ref[...]
    ohi_ref[...] = jnp.dot(x, whi_ref[...],
                           preferred_element_type=jnp.float32, precision=_PREC) + bhi_ref[...]


def _embed(x, W, b):
    R = 2000
    return pl.pallas_call(
        _embed_body,
        grid=(N // R,),
        in_specs=[
            pl.BlockSpec((R, DIN), lambda i: (i, 0)),
            pl.BlockSpec((DIN, HH), lambda i: (0, 0)),
            pl.BlockSpec((DIN, HH), lambda i: (0, 0)),
            pl.BlockSpec((1, HH), lambda i: (0, 0)),
            pl.BlockSpec((1, HH), lambda i: (0, 0)),
        ],
        out_specs=(pl.BlockSpec((R, HH), lambda i: (i, 0)),
                   pl.BlockSpec((R, HH), lambda i: (i, 0))),
        out_shape=(jax.ShapeDtypeStruct((N, HH), jnp.float32),
                   jax.ShapeDtypeStruct((N, HH), jnp.float32)),
    )(x, W[:, :HH], W[:, HH:], b[:HH].reshape(1, HH), b[HH:].reshape(1, HH))


def _layer_body(hlo_ref, hhi_ref, clo_ref, chi_ref, deg_ref,
                wtlo_ref, wthi_ref, wblo_ref, wbhi_ref,
                b_ref, bnsc_ref, bnsh_ref, olo_ref, ohi_ref):
    r = 1.0 / jnp.maximum(deg_ref[...][:, 0:1], 1.0)
    f32 = jnp.float32
    bundle = (jnp.dot(hlo_ref[...], wtlo_ref[...], preferred_element_type=f32, precision=_PREC)
              + jnp.dot(hhi_ref[...], wthi_ref[...], preferred_element_type=f32, precision=_PREC)
              + jnp.dot(clo_ref[...] * r, wblo_ref[...], preferred_element_type=f32, precision=_PREC)
              + jnp.dot(chi_ref[...] * r, wbhi_ref[...], preferred_element_type=f32, precision=_PREC)
              + b_ref[...])
    inv = 1.0 / jnp.maximum(
        jnp.sqrt(jnp.sum(bundle * bundle, axis=1, keepdims=True)), 1e-12)
    t = jnp.maximum(bundle * inv, 0.0) * bnsc_ref[...] + bnsh_ref[...]
    olo_ref[...] = hlo_ref[...] + t[:, :HH]
    ohi_ref[...] = hhi_ref[...] + t[:, HH:]


def _layer(h_lo, h_hi, c_lo, c_hi, deg16, Wt, Wb, b, bnsc, bnsh):
    R = 2000
    full = lambda i: (0, 0)
    blk = lambda i: (i, 0)
    return pl.pallas_call(
        _layer_body,
        grid=(N // R,),
        in_specs=[
            pl.BlockSpec((R, HH), blk), pl.BlockSpec((R, HH), blk),
            pl.BlockSpec((R, HH), blk), pl.BlockSpec((R, HH), blk),
            pl.BlockSpec((R, HH), blk),
            pl.BlockSpec((HH, H), full), pl.BlockSpec((HH, H), full),
            pl.BlockSpec((HH, H), full), pl.BlockSpec((HH, H), full),
            pl.BlockSpec((1, H), full), pl.BlockSpec((1, H), full),
            pl.BlockSpec((1, H), full),
        ],
        out_specs=(pl.BlockSpec((R, HH), blk), pl.BlockSpec((R, HH), blk)),
        out_shape=(jax.ShapeDtypeStruct((N, HH), jnp.float32),
                   jax.ShapeDtypeStruct((N, HH), jnp.float32)),
    )(h_lo, h_hi, c_lo, c_hi, deg16,
      Wt[:HH], Wt[HH:], Wb[:HH], Wb[HH:],
      b.reshape(1, H), bnsc.reshape(1, H), bnsh.reshape(1, H))


def _pack_bf16(v):
    vb = v.astype(jnp.bfloat16)
    lo = lax.bitcast_convert_type(vb[:, :HH], jnp.uint16).astype(jnp.uint32)
    hi = lax.bitcast_convert_type(vb[:, HH:], jnp.uint16).astype(jnp.uint32)
    return lax.bitcast_convert_type(lo | (hi << 16), jnp.float32)


def _unpack_bf16(w):
    u = lax.bitcast_convert_type(w, jnp.uint32)
    lo = lax.bitcast_convert_type((u & 0xFFFF).astype(jnp.uint16),
                                  jnp.bfloat16)
    hi = lax.bitcast_convert_type((u >> 16).astype(jnp.uint16),
                                  jnp.bfloat16)
    return lo, hi


def _ab_body(hlo_ref, hhi_ref, walo_ref, wahi_ref, wblo_ref, wbhi_ref,
             a_ref, b_ref):
    f32 = jnp.float32
    hlo = hlo_ref[...]
    hhi = hhi_ref[...]
    a = (jnp.dot(hlo, walo_ref[...], preferred_element_type=f32, precision=_PREC)
         + jnp.dot(hhi, wahi_ref[...], preferred_element_type=f32, precision=_PREC))
    b = (jnp.dot(hlo, wblo_ref[...], preferred_element_type=f32, precision=_PREC)
         + jnp.dot(hhi, wbhi_ref[...], preferred_element_type=f32, precision=_PREC))
    a_ref[...] = _pack_bf16(a)
    b_ref[...] = _pack_bf16(b)


def _ab(h_lo, h_hi, Wa, Wb):
    R = 2000
    full = lambda i: (0, 0)
    blk = lambda i: (i, 0)
    return pl.pallas_call(
        _ab_body,
        grid=(N // R,),
        in_specs=[
            pl.BlockSpec((R, HH), blk), pl.BlockSpec((R, HH), blk),
            pl.BlockSpec((HH, H), full), pl.BlockSpec((HH, H), full),
            pl.BlockSpec((HH, H), full), pl.BlockSpec((HH, H), full),
        ],
        out_specs=(pl.BlockSpec((R, HH), blk), pl.BlockSpec((R, HH), blk)),
        out_shape=(jax.ShapeDtypeStruct((N, HH), jnp.float32),
                   jax.ShapeDtypeStruct((N, HH), jnp.float32)),
    )(h_lo, h_hi, Wa[:HH], Wa[HH:], Wb[:HH], Wb[HH:])


def _mlp_body(sa_ref, sb_ref, b0lo_ref, b0hi_ref,
              w1lo_ref, w1hi_ref, b1_ref, w2_ref, b2_ref, o_ref):
    f32 = jnp.float32
    sa_lo, sa_hi = _unpack_bf16(sa_ref[...])
    sb_lo, sb_hi = _unpack_bf16(sb_ref[...])
    zero = jnp.bfloat16(0)
    y0_lo = jnp.maximum(sa_lo + sb_lo + b0lo_ref[...], zero)
    y0_hi = jnp.maximum(sa_hi + sb_hi + b0hi_ref[...], zero)
    y1 = jnp.maximum(
        jnp.dot(y0_lo, w1lo_ref[...], preferred_element_type=f32)
        + jnp.dot(y0_hi, w1hi_ref[...], preferred_element_type=f32)
        + b1_ref[...], 0.0)
    o_ref[...] = jnp.dot(y1, w2_ref[...], preferred_element_type=f32,
                         precision=_PREC) + b2_ref[...]


def _mlp(sa, sb, b0, W1, b1, W2, b2):
    R = 4000
    full = lambda i: (0, 0)
    blk = lambda i: (i, 0)
    bf = jnp.bfloat16
    return pl.pallas_call(
        _mlp_body,
        grid=(E // R,),
        in_specs=[
            pl.BlockSpec((R, HH), blk), pl.BlockSpec((R, HH), blk),
            pl.BlockSpec((1, HH), full), pl.BlockSpec((1, HH), full),
            pl.BlockSpec((HH, HH), full), pl.BlockSpec((HH, HH), full),
            pl.BlockSpec((1, HH), full),
            pl.BlockSpec((HH, 2), full), pl.BlockSpec((1, 2), full),
        ],
        out_specs=pl.BlockSpec((R, 2), blk),
        out_shape=jax.ShapeDtypeStruct((E, 2), jnp.float32),
    )(sa, sb, b0[:HH].reshape(1, HH).astype(bf), b0[HH:].reshape(1, HH).astype(bf),
      W1[:HH].astype(bf), W1[HH:].astype(bf), b1.reshape(1, HH),
      W2, b2.reshape(1, 2))



def kernel(x, edge_index, W_embed, b_embed,
           W_sage0, b_sage0, bn_g0, bn_b0, bn_m0, bn_v0,
           W_sage1, b_sage1, bn_g1, bn_b1, bn_m1, bn_v1,
           W_sage2, b_sage2, bn_g2, bn_b2, bn_m2, bn_v2,
           W_mlp0, b_mlp0, W_mlp1, b_mlp1, W_mlp2, b_mlp2):
    src = edge_index[0]
    dst = edge_index[1]
    srcp = jnp.pad(src.reshape(NSUB, ES),
                   ((0, 0), (0, PADE - ES))).reshape(NSUB, NCH, CW)
    dstp = jnp.pad(dst.reshape(NSUB, ES), ((0, 0), (0, PADE - ES)),
                   constant_values=N).reshape(NSUB, NCH, CW)
    zeros = jnp.zeros((CPR, HH), jnp.float32)
    ones_cw = jnp.ones((CW, HH), jnp.float32)

    deg16 = _deg_kernel(dstp, ones_cw, zeros)
    h_lo, h_hi = _embed(x, W_embed, b_embed)

    sages = ((W_sage0, b_sage0, bn_g0, bn_b0, bn_m0, bn_v0),
             (W_sage1, b_sage1, bn_g1, bn_b1, bn_m1, bn_v1),
             (W_sage2, b_sage2, bn_g2, bn_b2, bn_m2, bn_v2))
    for W, b, g, bb, m, v in sages:
        c_lo, c_hi = _seg_kernel(h_lo, h_hi, srcp, dstp, zeros)
        bnsc = g * jax.lax.rsqrt(v + BN_EPS)
        bnsh = bb - m * bnsc
        h_lo, h_hi = _layer(h_lo, h_hi, c_lo, c_hi, deg16,
                            W[:H], W[H:], b, bnsc, bnsh)

    a_t, b_t = _ab(h_lo, h_hi, W_mlp0[:H], W_mlp0[H:])
    sa, sb = _edge_gather_kernel(a_t, b_t, srcp, dstp)
    return _mlp(sa, sb, b_mlp0, W_mlp1, b_mlp1, W_mlp2, b_mlp2)

# --- scband reference (transcript-rebuilt; emitter-appended) ---
"""Pipeline reference for scband-edge-predict-51127290691946 (READ-ONLY COPY).

The authoritative reference and input builder live on the scoring server;
editing this copy changes nothing except your own understanding.
"""

import jax, jax.numpy as jnp
import numpy as np

N_NODES = 10000
N_EDGES = 160000
IN_DIM = 1024
HIDDEN = 256
OUT_DIM = 256
N_CLASSES = 2
N_LAYERS = 3
BN_EPS = 1e-5


def _glorot(key, shape):
    fan_in = shape[0]
    return (jax.random.normal(key, shape, dtype=jnp.float32) / np.sqrt(fan_in)).astype(jnp.float32)


def setup_inputs(seed=0) -> dict:
    key = jax.random.key(seed)
    ks = jax.random.split(key, 40)
    inp = {}
    inp["x"] = jax.random.normal(ks[0], (N_NODES, IN_DIM), dtype=jnp.float32)
    inp["edge_index"] = jax.random.randint(ks[1], (2, N_EDGES), 0, N_NODES, dtype=jnp.int32)
    inp["W_embed"] = _glorot(ks[2], (IN_DIM, HIDDEN))
    inp["b_embed"] = jnp.zeros((HIDDEN,), dtype=jnp.float32)
    ki = 3
    for i in range(N_LAYERS):
        out_d = HIDDEN if i < N_LAYERS - 1 else OUT_DIM
        inp[f"W_sage{i}"] = _glorot(ks[ki], (2 * HIDDEN, out_d)); ki += 1
        inp[f"b_sage{i}"] = jnp.zeros((out_d,), dtype=jnp.float32)
        inp[f"bn_g{i}"] = jnp.ones((out_d,), dtype=jnp.float32)
        inp[f"bn_b{i}"] = jnp.zeros((out_d,), dtype=jnp.float32)
        inp[f"bn_m{i}"] = jnp.zeros((out_d,), dtype=jnp.float32)
        inp[f"bn_v{i}"] = jnp.ones((out_d,), dtype=jnp.float32)
    dims = [2 * OUT_DIM, OUT_DIM, OUT_DIM // 2, N_CLASSES]
    for j in range(3):
        inp[f"W_mlp{j}"] = _glorot(ks[ki], (dims[j], dims[j + 1])); ki += 1
        inp[f"b_mlp{j}"] = jnp.zeros((dims[j + 1],), dtype=jnp.float32)
    return inp


def _forward(x, edge_index, params):
    src = edge_index[0]
    dst = edge_index[1]
    # embedding_h (nn.Linear); dropouts are identity in eval mode
    h = x @ params["W_embed"] + params["b_embed"]
    deg = jax.ops.segment_sum(jnp.ones((N_EDGES,), dtype=jnp.float32), dst, num_segments=N_NODES)
    deg = jnp.maximum(deg, 1.0)[:, None]
    for i in range(N_LAYERS):
        h_in = h
        # DGL update_all(copy_src, MeanAggregator, NodeApply)
        msg = jnp.take(h, src, axis=0)
        c = jax.ops.segment_sum(msg, dst, num_segments=N_NODES) / deg
        bundle = jnp.concatenate([h, c], axis=1) @ params[f"W_sage{i}"] + params[f"b_sage{i}"]
        # F.normalize(p=2, dim=1)
        norm = jnp.sqrt(jnp.sum(bundle * bundle, axis=1, keepdims=True))
        bundle = bundle / jnp.maximum(norm, 1e-12)
        h = jax.nn.relu(bundle)
        # BatchNorm1d in eval mode (running stats)
        h = (h - params[f"bn_m{i}"]) / jnp.sqrt(params[f"bn_v{i}"] + BN_EPS) * params[f"bn_g{i}"] + params[f"bn_b{i}"]
        # residual
        h = h_in + h
    # apply_edges: concat(src h, dst h) -> MLPReadout (L=2)
    e = jnp.concatenate([jnp.take(h, src, axis=0), jnp.take(h, dst, axis=0)], axis=1)
    y = jax.nn.relu(e @ params["W_mlp0"] + params["b_mlp0"])
    y = jax.nn.relu(y @ params["W_mlp1"] + params["b_mlp1"])
    y = y @ params["W_mlp2"] + params["b_mlp2"]
    return y


def reference(x, edge_index, W_embed, b_embed,
              W_sage0, b_sage0, bn_g0, bn_b0, bn_m0, bn_v0,
              W_sage1, b_sage1, bn_g1, bn_b1, bn_m1, bn_v1,
              W_sage2, b_sage2, bn_g2, bn_b2, bn_m2, bn_v2,
              W_mlp0, b_mlp0, W_mlp1, b_mlp1, W_mlp2, b_mlp2):
    params = {
        "W_embed": W_embed, "b_embed": b_embed,
        "W_sage0": W_sage0, "b_sage0": b_sage0,
        "bn_g0": bn_g0, "bn_b0": bn_b0, "bn_m0": bn_m0, "bn_v0": bn_v0,
        "W_sage1": W_sage1, "b_sage1": b_sage1,
        "bn_g1": bn_g1, "bn_b1": bn_b1, "bn_m1": bn_m1, "bn_v1": bn_v1,
        "W_sage2": W_sage2, "b_sage2": b_sage2,
        "bn_g2": bn_g2, "bn_b2": bn_b2, "bn_m2": bn_m2, "bn_v2": bn_v2,
        "W_mlp0": W_mlp0, "b_mlp0": b_mlp0,
        "W_mlp1": W_mlp1, "b_mlp1": b_mlp1,
        "W_mlp2": W_mlp2, "b_mlp2": b_mlp2,
    }
    return _forward(x, edge_index, params)

if __name__ == "__main__":
    import jax
    _d = setup_inputs()
    print(jax.jit(kernel)(*tuple(_d.values())))

</pallas_src>

<mosaic_0001>
#map = affine_map<(d0, d1) -> (0, 0)>
#map1 = affine_map<(d0, d1) -> (0, 0, 0)>
module attributes {stable_mosaic.version = 14 : i64} {
  func.func @_seg_kernel(%arg0: i32, %arg1: i32, %arg2: memref<10000x128xf32, #tpu.memory_space<hbm>>, %arg3: memref<10000x128xf32, #tpu.memory_space<hbm>>, %arg4: memref<16x79x128xi32, #tpu.memory_space<hbm>>, %arg5: memref<16x79x128xi32, #tpu.memory_space<hbm>>, %arg6: memref<1000x128xf32, #tpu.memory_space<hbm>>, %arg7: memref<10000x128xf32, #tpu.memory_space<hbm>>, %arg8: memref<10000x128xf32, #tpu.memory_space<hbm>>, %arg9: memref<4x128xi32, #tpu.memory_space<vmem>>, %arg10: memref<4x128xi32, #tpu.memory_space<vmem>>, %arg11: memref<3x128x128xf32, #tpu.memory_space<vmem>>, %arg12: memref<10008x128xf32, #tpu.memory_space<vmem_shared>>, %arg13: memref<!tpu.dma_semaphore, #tpu.memory_space<semaphore_mem>>, %arg14: memref<!tpu.dma_semaphore, #tpu.memory_space<semaphore_mem>>) attributes {dimension_semantics = [#tpu.dimension_semantics<core_parallel>, #tpu.dimension_semantics<subcore_parallel>], iteration_bounds = array<i64: 2, 16>, scalar_prefetch = 0 : i64, scratch_operands = 6 : i64, tpu.core_type = #tpu.core_type<sc_vector_subcore>, window_params = [{transform_indices = #map}, {transform_indices = #map}, {transform_indices = #map1}, {transform_indices = #map1}, {transform_indices = #map}, {transform_indices = #map}, {transform_indices = #map}]} {
    %lt3A = arith.constant 10 : i32
    %lt3A_0 = arith.cmpi slt, %arg1, %lt3A : i32
    %convert_element_type3A = arith.extui %lt3A_0 : i1 to i32
    %cond3A = arith.constant 0 : i32
    %cond3A_1 = arith.cmpi ne, %convert_element_type3A, %cond3A : i32
    scf.if %cond3A_1 {
      %mul3A_21 = arith.constant 1000 : i32
      %mul3A_22 = arith.muli %arg1, %mul3A_21 : i32
      "tpu.region"() ({
        %run_scoped3A_23 = tpu.sem_alloc : memref<!tpu.dma_semaphore, #tpu.memory_space<semaphore_mem>>
        %dma_start3A = arith.constant 0 : i32
        %dma_start3A_24 = tpu.memref_slice %arg12[%mul3A_22, %dma_start3A] : memref<10008x128xf32, #tpu.memory_space<vmem_shared>> -> memref<1000x128xf32, #tpu.memory_space<vmem_shared>>
        tpu.enqueue_dma source(%arg6 : memref<1000x128xf32, #tpu.memory_space<hbm>>) target(%dma_start3A_24 : memref<1000x128xf32, #tpu.memory_space<vmem_shared>>) target_semaphore(%run_scoped3A_23 : memref<!tpu.dma_semaphore, #tpu.memory_space<semaphore_mem>>)
        %dma_wait3A = arith.constant 0 : i32
        %dma_wait3A_25 = tpu.memref_slice %arg12[%mul3A_22, %dma_wait3A] : memref<10008x128xf32, #tpu.memory_space<vmem_shared>> -> memref<1000x128xf32, #tpu.memory_space<vmem_shared>>
        tpu.wait_dma2 semaphore(%run_scoped3A_23 : memref<!tpu.dma_semaphore, #tpu.memory_space<semaphore_mem>>) src(%arg6 : memref<1000x128xf32, #tpu.memory_space<hbm>>) dst(%dma_wait3A_25 : memref<1000x128xf32, #tpu.memory_space<vmem_shared>>)
        tpu.yield
      }) : () -> ()
    } else {
    }
    %run_scoped3A = arith.constant 0 : i32
    %run_scoped3A_2 = arith.constant 0 : i32
    "tpu.region"() ({
      %run_scoped3A_21 = tpu.sem_alloc : memref<!tpu.dma_semaphore, #tpu.memory_space<semaphore_mem>>
      %dma_start3A = arith.constant 0 : i32
      %dma_start3A_22 = tpu.memref_slice %arg9[%run_scoped3A_2, %dma_start3A] : memref<4x128xi32, #tpu.memory_space<vmem>> -> memref<1x128xi32, #tpu.memory_space<vmem>>
      %dma_start3A_23 = tpu.memref_squeeze %dma_start3A_22 : memref<1x128xi32, #tpu.memory_space<vmem>> -> memref<128xi32, #tpu.memory_space<vmem>>
      %dma_start3A_24 = arith.constant 0 : i32
      %dma_start3A_25 = tpu.memref_slice %arg4[%arg1, %run_scoped3A, %dma_start3A_24] : memref<16x79x128xi32, #tpu.memory_space<hbm>> -> memref<1x1x128xi32, #tpu.memory_space<hbm>>
      %dma_start3A_26 = tpu.memref_squeeze %dma_start3A_25 : memref<1x1x128xi32, #tpu.memory_space<hbm>> -> memref<128xi32, #tpu.memory_space<hbm>>
      %dma_start3A_27 = arith.constant 0 : i32
      %dma_start3A_28 = tpu.memref_slice %arg9[%run_scoped3A_2, %dma_start3A_27] : memref<4x128xi32, #tpu.memory_space<vmem>> -> memref<1x128xi32, #tpu.memory_space<vmem>>
      %dma_start3A_29 = tpu.memref_squeeze %dma_start3A_28 : memref<1x128xi32, #tpu.memory_space<vmem>> -> memref<128xi32, #tpu.memory_space<vmem>>
      %dma_start3A_30 = arith.constant 0 : i32
      %dma_start3A_31 = tpu.memref_slice %arg4[%arg1, %run_scoped3A, %dma_start3A_30] : memref<16x79x128xi32, #tpu.memory_space<hbm>> -> memref<1x1x128xi32, #tpu.memory_space<hbm>>
      %dma_start3A_32 = tpu.memref_squeeze %dma_start3A_31 : memref<1x1x128xi32, #tpu.memory_space<hbm>> -> memref<128xi32, #tpu.memory_space<hbm>>
      tpu.enqueue_dma source(%dma_start3A_32 : memref<128xi32, #tpu.memory_space<hbm>>) target(%dma_start3A_29 : memref<128xi32, #tpu.memory_space<vmem>>) target_semaphore(%run_scoped3A_21 : memref<!tpu.dma_semaphore, #tpu.memory_space<semaphore_mem>>)
      %dma_wait3A = arith.constant 0 : i32
      %dma_wait3A_33 = tpu.memref_slice %arg9[%run_scoped3A_2, %dma_wait3A] : memref<4x128xi32, #tpu.memory_space<vmem>> -> memref<1x128xi32, #tpu.memory_space<vmem>>
      %dma_wait3A_34 = tpu.memref_squeeze %dma_wait3A_33 : memref<1x128xi32, #tpu.memory_space<vmem>> -> memref<128xi32, #tpu.memory_space<vmem>>
      %dma_wait3A_35 = arith.constant 0 : i32
      %dma_wait3A_36 = tpu.memref_slice %arg4[%arg1, %run_scoped3A, %dma_wait3A_35] : memref<16x79x128xi32, #tpu.memory_space<hbm>> -> memref<1x1x128xi32, #tpu.memory_space<hbm>>
      %dma_wait3A_37 = tpu.memref_squeeze %dma_wait3A_36 : memref<1x1x128xi32, #tpu.memory_space<hbm>> -> memref<128xi32, #tpu.memory_space<hbm>>
      %dma_wait3A_38 = arith.constant 0 : i32
      %dma_wait3A_39 = tpu.memref_slice %arg9[%run_scoped3A_2, %dma_wait3A_38] : memref<4x128xi32, #tpu.memory_space<vmem>> -> memref<1x128xi32, #tpu.memory_space<vmem>>
      %dma_wait3A_40 = tpu.memref_squeeze %dma_wait3A_39 : memref<1x128xi32, #tpu.memory_space<vmem>> -> memref<128xi32, #tpu.memory_space<vmem>>
      %dma_wait3A_41 = arith.constant 0 : i32
      %dma_wait3A_42 = tpu.memref_slice %arg4[%arg1, %run_scoped3A, %dma_wait3A_41] : memref<16x79x128xi32, #tpu.memory_space<hbm>> -> memref<1x1x128xi32, #tpu.memory_space<hbm>>
      %dma_wait3A_43 = tpu.memref_squeeze %dma_wait3A_42 : memref<1x1x128xi32, #tpu.memory_space<hbm>> -> memref<128xi32, #tpu.memory_space<hbm>>
      tpu.wait_dma2 semaphore(%run_scoped3A_21 : memref<!tpu.dma_semaphore, #tpu.memory_space<semaphore_mem>>) src(%dma_wait3A_43 : memref<128xi32, #tpu.memory_space<hbm>>) dst(%dma_wait3A_40 : memref<128xi32, #tpu.memory_space<vmem>>)
      tpu.yield
    }) : () -> ()
    %run_scoped3A_3 = arith.constant 0 : i32
    %run_scoped3A_4 = arith.constant 0 : i32
    "tpu.region"() ({
      %run_scoped3A_21 = tpu.sem_alloc : memref<!tpu.dma_semaphore, #tpu.memory_space<semaphore_mem>>
      %dma_start3A = arith.constant 0 : i32
      %dma_start3A_22 = tpu.memref_slice %arg10[%run_scoped3A_4, %dma_start3A] : memref<4x128xi32, #tpu.memory_space<vmem>> -> memref<1x128xi32, #tpu.memory_space<vmem>>
      %dma_start3A_23 = tpu.memref_squeeze %dma_start3A_22 : memref<1x128xi32, #tpu.memory_space<vmem>> -> memref<128xi32, #tpu.memory_space<vmem>>
      %dma_start3A_24 = arith.constant 0 : i32
      %dma_start3A_25 = tpu.memref_slice %arg5[%arg1, %run_scoped3A_3, %dma_start3A_24] : memref<16x79x128xi32, #tpu.memory_space<hbm>> -> memref<1x1x128xi32, #tpu.memory_space<hbm>>
      %dma_start3A_26 = tpu.memref_squeeze %dma_start3A_25 : memref<1x1x128xi32, #tpu.memory_space<hbm>> -> memref<128xi32, #tpu.memory_space<hbm>>
      %dma_start3A_27 = arith.constant 0 : i32
      %dma_start3A_28 = tpu.memref_slice %arg10[%run_scoped3A_4, %dma_start3A_27] : memref<4x128xi32, #tpu.memory_space<vmem>> -> memref<1x128xi32, #tpu.memory_space<vmem>>
      %dma_start3A_29 = tpu.memref_squeeze %dma_start3A_28 : memref<1x128xi32, #tpu.memory_space<vmem>> -> memref<128xi32, #tpu.memory_space<vmem>>
      %dma_start3A_30 = arith.constant 0 : i32
      %dma_start3A_31 = tpu.memref_slice %arg5[%arg1, %run_scoped3A_3, %dma_start3A_30] : memref<16x79x128xi32, #tpu.memory_space<hbm>> -> memref<1x1x128xi32, #tpu.memory_space<hbm>>
      %dma_start3A_32 = tpu.memref_squeeze %dma_start3A_31 : memref<1x1x128xi32, #tpu.memory_space<hbm>> -> memref<128xi32, #tpu.memory_space<hbm>>
      tpu.enqueue_dma source(%dma_start3A_32 : memref<128xi32, #tpu.memory_space<hbm>>) target(%dma_start3A_29 : memref<128xi32, #tpu.memory_space<vmem>>) target_semaphore(%run_scoped3A_21 : memref<!tpu.dma_semaphore, #tpu.memory_space<semaphore_mem>>)
      %dma_wait3A = arith.constant 0 : i32
      %dma_wait3A_33 = tpu.memref_slice %arg10[%run_scoped3A_4, %dma_wait3A] : memref<4x128xi32, #tpu.memory_space<vmem>> -> memref<1x128xi32, #tpu.memory_space<vmem>>
      %dma_wait3A_34 = tpu.memref_squeeze %dma_wait3A_33 : memref<1x128xi32, #tpu.memory_space<vmem>> -> memref<128xi32, #tpu.memory_space<vmem>>
      %dma_wait3A_35 = arith.constant 0 : i32
      %dma_wait3A_36 = tpu.memref_slice %arg5[%arg1, %run_scoped3A_3, %dma_wait3A_35] : memref<16x79x128xi32, #tpu.memory_space<hbm>> -> memref<1x1x128xi32, #tpu.memory_space<hbm>>
      %dma_wait3A_37 = tpu.memref_squeeze %dma_wait3A_36 : memref<1x1x128xi32, #tpu.memory_space<hbm>> -> memref<128xi32, #tpu.memory_space<hbm>>
      %dma_wait3A_38 = arith.constant 0 : i32
      %dma_wait3A_39 = tpu.memref_slice %arg10[%run_scoped3A_4, %dma_wait3A_38] : memref<4x128xi32, #tpu.memory_space<vmem>> -> memref<1x128xi32, #tpu.memory_space<vmem>>
      %dma_wait3A_40 = tpu.memref_squeeze %dma_wait3A_39 : memref<1x128xi32, #tpu.memory_space<vmem>> -> memref<128xi32, #tpu.memory_space<vmem>>
      %dma_wait3A_41 = arith.constant 0 : i32
      %dma_wait3A_42 = tpu.memref_slice %arg5[%arg1, %run_scoped3A_3, %dma_wait3A_41] : memref<16x79x128xi32, #tpu.memory_space<hbm>> -> memref<1x1x128xi32, #tpu.memory_space<hbm>>
      %dma_wait3A_43 = tpu.memref_squeeze %dma_wait3A_42 : memref<1x1x128xi32, #tpu.memory_space<hbm>> -> memref<128xi32, #tpu.memory_space<hbm>>
      tpu.wait_dma2 semaphore(%run_scoped3A_21 : memref<!tpu.dma_semaphore, #tpu.memory_space<semaphore_mem>>) src(%dma_wait3A_43 : memref<128xi32, #tpu.memory_space<hbm>>) dst(%dma_wait3A_40 : memref<128xi32, #tpu.memory_space<vmem>>)
      tpu.yield
    }) : () -> ()
    %barrier3A = arith.constant 0 : index
    tpu.barrier barrier_id(%barrier3A)
    %eq3A = arith.constant 0 : i32
    %eq3A_5 = arith.cmpi eq, %arg0, %eq3A : i32
    %convert_element_type3A_6 = arith.extui %eq3A_5 : i1 to i32
    %cond3A_7 = arith.constant 0 : i32
    %cond3A_8 = arith.cmpi ne, %convert_element_type3A_6, %cond3A_7 : i32
    scf.if %cond3A_8 {
      %dma_start3A = arith.constant 1 : i32
      %dma_start3A_21 = arith.constant 1 : i32
      %dma_start3A_22 = arith.constant 0 : i32
      %dma_start3A_23 = tpu.memref_slice %arg9[%dma_start3A_21, %dma_start3A_22] : memref<4x128xi32, #tpu.memory_space<vmem>> -> memref<1x128xi32, #tpu.memory_space<vmem>>
      %dma_start3A_24 = tpu.memref_squeeze %dma_start3A_23 : memref<1x128xi32, #tpu.memory_space<vmem>> -> memref<128xi32, #tpu.memory_space<vmem>>
      %dma_start3A_25 = arith.constant 0 : i32
      %dma_start3A_26 = tpu.memref_slice %arg4[%arg1, %dma_start3A, %dma_start3A_25] : memref<16x79x128xi32, #tpu.memory_space<hbm>> -> memref<1x1x128xi32, #tpu.memory_space<hbm>>
      %dma_start3A_27 = tpu.memref_squeeze %dma_start3A_26 : memref<1x1x128xi32, #tpu.memory_space<hbm>> -> memref<128xi32, #tpu.memory_space<hbm>>
      %dma_start3A_28 = arith.constant 0 : i32
      %dma_start3A_29 = tpu.memref_slice %arg9[%dma_start3A_21, %dma_start3A_28] : memref<4x128xi32, #tpu.memory_space<vmem>> -> memref<1x128xi32, #tpu.memory_space<vmem>>
      %dma_start3A_30 = tpu.memref_squeeze %dma_start3A_29 : memref<1x128xi32, #tpu.memory_space<vmem>> -> memref<128xi32, #tpu.memory_space<vmem>>
      %dma_start3A_31 = arith.constant 0 : i32
      %dma_start3A_32 = tpu.memref_slice %arg4[%arg1, %dma_start3A, %dma_start3A_31] : memref<16x79x128xi32, #tpu.memory_space<hbm>> -> memref<1x1x128xi32, #tpu.memory_space<hbm>>
      %dma_start3A_33 = tpu.memref_squeeze %dma_start3A_32 : memref<1x1x128xi32, #tpu.memory_space<hbm>> -> memref<128xi32, #tpu.memory_space<hbm>>
      tpu.enqueue_dma source(%dma_start3A_33 : memref<128xi32, #tpu.memory_space<hbm>>) target(%dma_start3A_30 : memref<128xi32, #tpu.memory_space<vmem>>) target_semaphore(%arg14 : memref<!tpu.dma_semaphore, #tpu.memory_space<semaphore_mem>>)
      %dma_start3A_34 = arith.constant 1 : i32
      %dma_start3A_35 = arith.constant 1 : i32
      %dma_start3A_36 = arith.constant 0 : i32
      %dma_start3A_37 = tpu.memref_slice %arg10[%dma_start3A_35, %dma_start3A_36] : memref<4x128xi32, #tpu.memory_space<vmem>> -> memref<1x128xi32, #tpu.memory_space<vmem>>
      %dma_start3A_38 = tpu.memref_squeeze %dma_start3A_37 : memref<1x128xi32, #tpu.memory_space<vmem>> -> memref<128xi32, #tpu.memory_space<vmem>>
      %dma_start3A_39 = arith.constant 0 : i32
      %dma_start3A_40 = tpu.memref_slice %arg5[%arg1, %dma_start3A_34, %dma_start3A_39] : memref<16x79x128xi32, #tpu.memory_space<hbm>> -> memref<1x1x128xi32, #tpu.memory_space<hbm>>
      %dma_start3A_41 = tpu.memref_squeeze %dma_start3A_40 : memref<1x1x128xi32, #tpu.memory_space<hbm>> -> memref<128xi32, #tpu.memory_space<hbm>>
      %dma_start3A_42 = arith.constant 0 : i32
      %dma_start3A_43 = tpu.memref_slice %arg10[%dma_start3A_35, %dma_start3A_42] : memref<4x128xi32, #tpu.memory_space<vmem>> -> memref<1x128xi32, #tpu.memory_space<vmem>>
      %dma_start3A_44 = tpu.memref_squeeze %dma_start3A_43 : memref<1x128xi32, #tpu.memory_space<vmem>> -> memref<128xi32, #tpu.memory_space<vmem>>
      %dma_start3A_45 = arith.constant 0 : i32
      %dma_start3A_46 = tpu.memref_slice %arg5[%arg1, %dma_start3A_34, %dma_start3A_45] : memref<16x79x128xi32, #tpu.memory_space<hbm>> -> memref<1x1x128xi32, #tpu.memory_space<hbm>>
      %dma_start3A_47 = tpu.memref_squeeze %dma_start3A_46 : memref<1x1x128xi32, #tpu.memory_space<hbm>> -> memref<128xi32, #tpu.memory_space<hbm>>
      tpu.enqueue_dma source(%dma_start3A_47 : memref<128xi32, #tpu.memory_space<hbm>>) target(%dma_start3A_44 : memref<128xi32, #tpu.memory_space<vmem>>) target_semaphore(%arg14 : memref<!tpu.dma_semaphore, #tpu.memory_space<semaphore_mem>>)
      %dma_start3A_48 = arith.constant 2 : i32
      %dma_start3A_49 = arith.constant 2 : i32
      %dma_start3A_50 = arith.constant 0 : i32
      %dma_start3A_51 = tpu.memref_slice %arg9[%dma_start3A_49, %dma_start3A_50] : memref<4x128xi32, #tpu.memory_space<vmem>> -> memref<1x128xi32, #tpu.memory_space<vmem>>
      %dma_start3A_52 = tpu.memref_squeeze %dma_start3A_51 : memref<1x128xi32, #tpu.memory_space<vmem>> -> memref<128xi32, #tpu.memory_space<vmem>>
      %dma_start3A_53 = arith.constant 0 : i32
      %dma_start3A_54 = tpu.memref_slice %arg4[%arg1, %dma_start3A_48, %dma_start3A_53] : memref<16x79x128xi32, #tpu.memory_space<hbm>> -> memref<1x1x128xi32, #tpu.memory_space<hbm>>
      %dma_start3A_55 = tpu.memref_squeeze %dma_start3A_54 : memref<1x1x128xi32, #tpu.memory_space<hbm>> -> memref<128xi32, #tpu.memory_space<hbm>>
      %dma_start3A_56 = arith.constant 0 : i32
      %dma_start3A_57 = tpu.memref_slice %arg9[%dma_start3A_49, %dma_start3A_56] : memref<4x128xi32, #tpu.memory_space<vmem>> -> memref<1x128xi32, #tpu.memory_space<vmem>>
      %dma_start3A_58 = tpu.memref_squeeze %dma_start3A_57 : memref<1x128xi32, #tpu.memory_space<vmem>> -> memref<128xi32, #tpu.memory_space<vmem>>
      %dma_start3A_59 = arith.constant 0 : i32
      %dma_start3A_60 = tpu.memref_slice %arg4[%arg1, %dma_start3A_48, %dma_start3A_59] : memref<16x79x128xi32, #tpu.memory_space<hbm>> -> memref<1x1x128xi32, #tpu.memory_space<hbm>>
      %dma_start3A_61 = tpu.memref_squeeze %dma_start3A_60 : memref<1x1x128xi32, #tpu.memory_space<hbm>> -> memref<128xi32, #tpu.memory_space<hbm>>
      tpu.enqueue_dma source(%dma_start3A_61 : memref<128xi32, #tpu.memory_space<hbm>>) target(%dma_start3A_58 : memref<128xi32, #tpu.memory_space<vmem>>) target_semaphore(%arg14 : memref<!tpu.dma_semaphore, #tpu.memory_space<semaphore_mem>>)
      %dma_start3A_62 = arith.constant 2 : i32
      %dma_start3A_63 = arith.constant 2 : i32
      %dma_start3A_64 = arith.constant 0 : i32
      %dma_start3A_65 = tpu.memref_slice %arg10[%dma_start3A_63, %dma_start3A_64] : memref<4x128xi32, #tpu.memory_space<vmem>> -> memref<1x128xi32, #tpu.memory_space<vmem>>
      %dma_start3A_66 = tpu.memref_squeeze %dma_start3A_65 : memref<1x128xi32, #tpu.memory_space<vmem>> -> memref<128xi32, #tpu.memory_space<vmem>>
      %dma_start3A_67 = arith.constant 0 : i32
      %dma_start3A_68 = tpu.memref_slice %arg5[%arg1, %dma_start3A_62, %dma_start3A_67] : memref<16x79x128xi32, #tpu.memory_space<hbm>> -> memref<1x1x128xi32, #tpu.memory_space<hbm>>
      %dma_start3A_69 = tpu.memref_squeeze %dma_start3A_68 : memref<1x1x128xi32, #tpu.memory_space<hbm>> -> memref<128xi32, #tpu.memory_space<hbm>>
      %dma_start3A_70 = arith.constant 0 : i32
      %dma_start3A_71 = tpu.memref_slice %arg10[%dma_start3A_63, %dma_start3A_70] : memref<4x128xi32, #tpu.memory_space<vmem>> -> memref<1x128xi32, #tpu.memory_space<vmem>>
      %dma_start3A_72 = tpu.memref_squeeze %dma_start3A_71 : memref<1x128xi32, #tpu.memory_space<vmem>> -> memref<128xi32, #tpu.memory_space<vmem>>
      %dma_start3A_73 = arith.constant 0 : i32
      %dma_start3A_74 = tpu.memref_slice %arg5[%arg1, %dma_start3A_62, %dma_start3A_73] : memref<16x79x128xi32, #tpu.memory_space<hbm>> -> memref<1x1x128xi32, #tpu.memory_space<hbm>>
      %dma_start3A_75 = tpu.memref_squeeze %dma_start3A_74 : memref<1x1x128xi32, #tpu.memory_space<hbm>> -> memref<128xi32, #tpu.memory_space<hbm>>
      tpu.enqueue_dma source(%dma_start3A_75 : memref<128xi32, #tpu.memory_space<hbm>>) target(%dma_start3A_72 : memref<128xi32, #tpu.memory_space<vmem>>) target_semaphore(%arg14 : memref<!tpu.dma_semaphore, #tpu.memory_space<semaphore_mem>>)
      %dma_start3A_76 = arith.constant 3 : i32
      %dma_start3A_77 = arith.constant 3 : i32
      %dma_start3A_78 = arith.constant 0 : i32
      %dma_start3A_79 = tpu.memref_slice %arg9[%dma_start3A_77, %dma_start3A_78] : memref<4x128xi32, #tpu.memory_space<vmem>> -> memref<1x128xi32, #tpu.memory_space<vmem>>
      %dma_start3A_80 = tpu.memref_squeeze %dma_start3A_79 : memref<1x128xi32, #tpu.memory_space<vmem>> -> memref<128xi32, #tpu.memory_space<vmem>>
      %dma_start3A_81 = arith.constant 0 : i32
      %dma_start3A_82 = tpu.memref_slice %arg4[%arg1, %dma_start3A_76, %dma_start3A_81] : memref<16x79x128xi32, #tpu.memory_space<hbm>> -> memref<1x1x128xi32, #tpu.memory_space<hbm>>
      %dma_start3A_83 = tpu.memref_squeeze %dma_start3A_82 : memref<1x1x128xi32, #tpu.memory_space<hbm>> -> memref<128xi32, #tpu.memory_space<hbm>>
      %dma_start3A_84 = arith.constant 0 : i32
      %dma_start3A_85 = tpu.memref_slice %arg9[%dma_start3A_77, %dma_start3A_84] : memref<4x128xi32, #tpu.memory_space<vmem>> -> memref<1x128xi32, #tpu.memory_space<vmem>>
      %dma_start3A_86 = tpu.memref_squeeze %dma_start3A_85 : memref<1x128xi32, #tpu.memory_space<vmem>> -> memref<128xi32, #tpu.memory_space<vmem>>
      %dma_start3A_87 = arith.constant 0 : i32
      %dma_start3A_88 = tpu.memref_slice %arg4[%arg1, %dma_start3A_76, %dma_start3A_87] : memref<16x79x128xi32, #tpu.memory_space<hbm>> -> memref<1x1x128xi32, #tpu.memory_space<hbm>>
      %dma_start3A_89 = tpu.memref_squeeze %dma_start3A_88 : memref<1x1x128xi32, #tpu.memory_space<hbm>> -> memref<128xi32, #tpu.memory_space<hbm>>
      tpu.enqueue_dma source(%dma_start3A_89 : memref<128xi32, #tpu.memory_space<hbm>>) target(%dma_start3A_86 : memref<128xi32, #tpu.memory_space<vmem>>) target_semaphore(%arg14 : memref<!tpu.dma_semaphore, #tpu.memory_space<semaphore_mem>>)
      %dma_start3A_90 = arith.constant 3 : i32
      %dma_start3A_91 = arith.constant 3 : i32
      %dma_start3A_92 = arith.constant 0 : i32
      %dma_start3A_93 = tpu.memref_slice %arg10[%dma_start3A_91, %dma_start3A_92] : memref<4x128xi32, #tpu.memory_space<vmem>> -> memref<1x128xi32, #tpu.memory_space<vmem>>
      %dma_start3A_94 = tpu.memref_squeeze %dma_start3A_93 : memref<1x128xi32, #tpu.memory_space<vmem>> -> memref<128xi32, #tpu.memory_space<vmem>>
      %dma_start3A_95 = arith.constant 0 : i32
      %dma_start3A_96 = tpu.memref_slice %arg5[%arg1, %dma_start3A_90, %dma_start3A_95] : memref<16x79x128xi32, #tpu.memory_space<hbm>> -> memref<1x1x128xi32, #tpu.memory_space<hbm>>
      %dma_start3A_97 = tpu.memref_squeeze %dma_start3A_96 : memref<1x1x128xi32, #tpu.memory_space<hbm>> -> memref<128xi32, #tpu.memory_space<hbm>>
      %dma_start3A_98 = arith.constant 0 : i32
      %dma_start3A_99 = tpu.memref_slice %arg10[%dma_start3A_91, %dma_start3A_98] : memref<4x128xi32, #tpu.memory_space<vmem>> -> memref<1x128xi32, #tpu.memory_space<vmem>>
      %dma_start3A_100 = tpu.memref_squeeze %dma_start3A_99 : memref<1x128xi32, #tpu.memory_space<vmem>> -> memref<128xi32, #tpu.memory_space<vmem>>
      %dma_start3A_101 = arith.constant 0 : i32
      %dma_start3A_102 = tpu.memref_slice %arg5[%arg1, %dma_start3A_90, %dma_start3A_101] : memref<16x79x128xi32, #tpu.memory_space<hbm>> -> memref<1x1x128xi32, #tpu.memory_space<hbm>>
      %dma_start3A_103 = tpu.memref_squeeze %dma_start3A_102 : memref<1x1x128xi32, #tpu.memory_space<hbm>> -> memref<128xi32, #tpu.memory_space<hbm>>
      tpu.enqueue_dma source(%dma_start3A_103 : memref<128xi32, #tpu.memory_space<hbm>>) target(%dma_start3A_100 : memref<128xi32, #tpu.memory_space<vmem>>) target_semaphore(%arg14 : memref<!tpu.dma_semaphore, #tpu.memory_space<semaphore_mem>>)
      %dma_start3A_104 = arith.constant 0 : i32
      %dma_start3A_105 = arith.constant 0 : i32
      %dma_start3A_106 = arith.constant 0 : i32
      %dma_start3A_107 = arith.constant 0 : i32
      %dma_start3A_108 = tpu.memref_slice %arg11[%dma_start3A_105, %dma_start3A_106, %dma_start3A_107] : memref<3x128x128xf32, #tpu.memory_space<vmem>> -> memref<1x128x128xf32, #tpu.memory_space<vmem>>
      %dma_start3A_109 = tpu.memref_squeeze %dma_start3A_108 : memref<1x128x128xf32, #tpu.memory_space<vmem>> -> memref<128x128xf32, #tpu.memory_space<vmem>>
      %dma_start3A_110 = arith.constant 0 : i32
      %dma_start3A_111 = tpu.memref_slice %arg9[%dma_start3A_104, %dma_start3A_110] : memref<4x128xi32, #tpu.memory_space<vmem>> -> memref<1x128xi32, #tpu.memory_space<vmem>>
      %dma_start3A_112 = tpu.memref_squeeze %dma_start3A_111 : memref<1x128xi32, #tpu.memory_space<vmem>> -> memref<128xi32, #tpu.memory_space<vmem>>
      %dma_start3A_113 = arith.constant 0 : i32
      %dma_start3A_114 = arith.constant 0 : i32
      %dma_start3A_115 = tpu.memref_slice %arg2[%dma_start3A_113, %dma_start3A_114] : memref<10000x128xf32, #tpu.memory_space<hbm>> -> memref<10000x128xf32, #tpu.memory_space<hbm>>
      tpu.enqueue_indirect_dma source(%dma_start3A_115 : memref<10000x128xf32, #tpu.memory_space<hbm>>) target(%dma_start3A_109 : memref<128x128xf32, #tpu.memory_space<vmem>>) offsets(%dma_start3A_112 : memref<128xi32, #tpu.memory_space<vmem>>) semaphore(%arg13 : memref<!tpu.dma_semaphore, #tpu.memory_space<semaphore_mem>>)
      %dma_wait3A = arith.constant 1 : i32
      %dma_wait3A_116 = arith.constant 1 : i32
      %dma_wait3A_117 = arith.constant 0 : i32
      %dma_wait3A_118 = tpu.memref_slice %arg9[%dma_wait3A_116, %dma_wait3A_117] : memref<4x128xi32, #tpu.memory_space<vmem>> -> memref<1x128xi32, #tpu.memory_space<vmem>>
      %dma_wait3A_119 = tpu.memref_squeeze %dma_wait3A_118 : memref<1x128xi32, #tpu.memory_space<vmem>> -> memref<128xi32, #tpu.memory_space<vmem>>
      %dma_wait3A_120 = arith.constant 0 : i32
      %dma_wait3A_121 = tpu.memref_slice %arg4[%arg1, %dma_wait3A, %dma_wait3A_120] : memref<16x79x128xi32, #tpu.memory_space<hbm>> -> memref<1x1x128xi32, #tpu.memory_space<hbm>>
      %dma_wait3A_122 = tpu.memref_squeeze %dma_wait3A_121 : memref<1x1x128xi32, #tpu.memory_space<hbm>> -> memref<128xi32, #tpu.memory_space<hbm>>
      %dma_wait3A_123 = arith.constant 0 : i32
      %dma_wait3A_124 = tpu.memref_slice %arg9[%dma_wait3A_116, %dma_wait3A_123] : memref<4x128xi32, #tpu.memory_space<vmem>> -> memref<1x128xi32, #tpu.memory_space<vmem>>
      %dma_wait3A_125 = tpu.memref_squeeze %dma_wait3A_124 : memref<1x128xi32, #tpu.memory_space<vmem>> -> memref<128xi32, #tpu.memory_space<vmem>>
      %dma_wait3A_126 = arith.constant 0 : i32
      %dma_wait3A_127 = tpu.memref_slice %arg4[%arg1, %dma_wait3A, %dma_wait3A_126] : memref<16x79x128xi32, #tpu.memory_space<hbm>> -> memref<1x1x128xi32, #tpu.memory_space<hbm>>
      %dma_wait3A_128 = tpu.memref_squeeze %dma_wait3A_127 : memref<1x1x128xi32, #tpu.memory_space<hbm>> -> memref<128xi32, #tpu.memory_space<hbm>>
      tpu.wait_dma2 semaphore(%arg14 : memref<!tpu.dma_semaphore, #tpu.memory_space<semaphore_mem>>) src(%dma_wait3A_128 : memref<128xi32, #tpu.memory_space<hbm>>) dst(%dma_wait3A_125 : memref<128xi32, #tpu.memory_space<vmem>>)
      %dma_wait3A_129 = arith.constant 1 : i32
      %dma_wait3A_130 = arith.constant 1 : i32
      %dma_wait3A_131 = arith.constant 0 : i32
      %dma_wait3A_132 = tpu.memref_slice %arg10[%dma_wait3A_130, %dma_wait3A_131] : memref<4x128xi32, #tpu.memory_space<vmem>> -> memref<1x128xi32, #tpu.memory_space<vmem>>
      %dma_wait3A_133 = tpu.memref_squeeze %dma_wait3A_132 : memref<1x128xi32, #tpu.memory_space<vmem>> -> memref<128xi32, #tpu.memory_space<vmem>>
      %dma_wait3A_134 = arith.constant 0 : i32
      %dma_wait3A_135 = tpu.memref_slice %arg5[%arg1, %dma_wait3A_129, %dma_wait3A_134] : memref<16x79x128xi32, #tpu.memory_space<hbm>> -> memref<1x1x128xi32, #tpu.memory_space<hbm>>
      %dma_wait3A_136 = tpu.memref_squeeze %dma_wait3A_135 : memref<1x1x128xi32, #tpu.memory_space<hbm>> -> memref<128xi32, #tpu.memory_space<hbm>>
      %dma_wait3A_137 = arith.constant 0 : i32
      %dma_wait3A_138 = tpu.memref_slice %arg10[%dma_wait3A_130, %dma_wait3A_137] : memref<4x128xi32, #tpu.memory_space<vmem>> -> memref<1x128xi32, #tpu.memory_space<vmem>>
      %dma_wait3A_139 = tpu.memref_squeeze %dma_wait3A_138 : memref<1x128xi32, #tpu.memory_space<vmem>> -> memref<128xi32, #tpu.memory_space<vmem>>
      %dma_wait3A_140 = arith.constant 0 : i32
      %dma_wait3A_141 = tpu.memref_slice %arg5[%arg1, %dma_wait3A_129, %dma_wait3A_140] : memref<16x79x128xi32, #tpu.memory_space<hbm>> -> memref<1x1x128xi32, #tpu.memory_space<hbm>>
      %dma_wait3A_142 = tpu.memref_squeeze %dma_wait3A_141 : memref<1x1x128xi32, #tpu.memory_space<hbm>> -> memref<128xi32, #tpu.memory_space<hbm>>
      tpu.wait_dma2 semaphore(%arg14 : memref<!tpu.dma_semaphore, #tpu.memory_space<semaphore_mem>>) src(%dma_wait3A_142 : memref<128xi32, #tpu.memory_space<hbm>>) dst(%dma_wait3A_139 : memref<128xi32, #tpu.memory_space<vmem>>)
      %dma_start3A_143 = arith.constant 1 : i32
      %dma_start3A_144 = arith.constant 1 : i32
      %dma_start3A_145 = arith.constant 0 : i32
      %dma_start3A_146 = arith.constant 0 : i32
      %dma_start3A_147 = tpu.memref_slice %arg11[%dma_start3A_144, %dma_start3A_145, %dma_start3A_146] : memref<3x128x128xf32, #tpu.memory_space<vmem>> -> memref<1x128x128xf32, #tpu.memory_space<vmem>>
      %dma_start3A_148 = tpu.memref_squeeze %dma_start3A_147 : memref<1x128x128xf32, #tpu.memory_space<vmem>> -> memref<128x128xf32, #tpu.memory_space<vmem>>
      %dma_start3A_149 = arith.constant 0 : i32
      %dma_start3A_150 = tpu.memref_slice %arg9[%dma_start3A_143, %dma_start3A_149] : memref<4x128xi32, #tpu.memory_space<vmem>> -> memref<1x128xi32, #tpu.memory_space<vmem>>
      %dma_start3A_151 = tpu.memref_squeeze %dma_start3A_150 : memref<1x128xi32, #tpu.memory_space<vmem>> -> memref<128xi32, #tpu.memory_space<vmem>>
      %dma_start3A_152 = arith.constant 0 : i32
      %dma_start3A_153 = arith.constant 0 : i32
      %dma_start3A_154 = tpu.memref_slice %arg2[%dma_start3A_152, %dma_start3A_153] : memref<10000x128xf32, #tpu.memory_space<hbm>> -> memref<10000x128xf32, #tpu.memory_space<hbm>>
      tpu.enqueue_indirect_dma source(%dma_start3A_154 : memref<10000x128xf32, #tpu.memory_space<hbm>>) target(%dma_start3A_148 : memref<128x128xf32, #tpu.memory_space<vmem>>) offsets(%dma_start3A_151 : memref<128xi32, #tpu.memory_space<vmem>>) semaphore(%arg13 : memref<!tpu.dma_semaphore, #tpu.memory_space<semaphore_mem>>)
      %dma_wait3A_155 = arith.constant 2 : i32
      %dma_wait3A_156 = arith.constant 2 : i32
      %dma_wait3A_157 = arith.constant 0 : i32
      %dma_wait3A_158 = tpu.memref_slice %arg9[%dma_wait3A_156, %dma_wait3A_157] : memref<4x128xi32, #tpu.memory_space<vmem>> -> memref<1x128xi32, #tpu.memory_space<vmem>>
      %dma_wait3A_159 = tpu.memref_squeeze %dma_wait3A_158 : memref<1x128xi32, #tpu.memory_space<vmem>> -> memref<128xi32, #tpu.memory_space<vmem>>
      %dma_wait3A_160 = arith.constant 0 : i32
      %dma_wait3A_161 = tpu.memref_slice %arg4[%arg1, %dma_wait3A_155, %dma_wait3A_160] : memref<16x79x128xi32, #tpu.memory_space<hbm>> -> memref<1x1x128xi32, #tpu.memory_space<hbm>>
      %dma_wait3A_162 = tpu.memref_squeeze %dma_wait3A_161 : memref<1x1x128xi32, #tpu.memory_space<hbm>> -> memref<128xi32, #tpu.memory_space<hbm>>
      %dma_wait3A_163 = arith.constant 0 : i32
      %dma_wait3A_164 = tpu.memref_slice %arg9[%dma_wait3A_156, %dma_wait3A_163] : memref<4x128xi32, #tpu.memory_space<vmem>> -> memref<1x128xi32, #tpu.memory_space<vmem>>
      %dma_wait3A_165 = tpu.memref_squeeze %dma_wait3A_164 : memref<1x128xi32, #tpu.memory_space<vmem>> -> memref<128xi32, #tpu.memory_space<vmem>>
      %dma_wait3A_166 = arith.constant 0 : i32
      %dma_wait3A_167 = tpu.memref_slice %arg4[%arg1, %dma_wait3A_155, %dma_wait3A_166] : memref<16x79x128xi32, #tpu.memory_space<hbm>> -> memref<1x1x128xi32, #tpu.memory_space<hbm>>
      %dma_wait3A_168 = tpu.memref_squeeze %dma_wait3A_167 : memref<1x1x128xi32, #tpu.memory_space<hbm>> -> memref<128xi32, #tpu.memory_space<hbm>>
      tpu.wait_dma2 semaphore(%arg14 : memref<!tpu.dma_semaphore, #tpu.memory_space<semaphore_mem>>) src(%dma_wait3A_168 : memref<128xi32, #tpu.memory_space<hbm>>) dst(%dma_wait3A_165 : memref<128xi32, #tpu.memory_space<vmem>>)
      %dma_wait3A_169 = arith.constant 2 : i32
      %dma_wait3A_170 = arith.constant 2 : i32
      %dma_wait3A_171 = arith.constant 0 : i32
      %dma_wait3A_172 = tpu.memref_slice %arg10[%dma_wait3A_170, %dma_wait3A_171] : memref<4x128xi32, #tpu.memory_space<vmem>> -> memref<1x128xi32, #tpu.memory_space<vmem>>
      %dma_wait3A_173 = tpu.memref_squeeze %dma_wait3A_172 : memref<1x128xi32, #tpu.memory_space<vmem>> -> memref<128xi32, #tpu.memory_space<vmem>>
      %dma_wait3A_174 = arith.constant 0 : i32
      %dma_wait3A_175 = tpu.memref_slice %arg5[%arg1, %dma_wait3A_169, %dma_wait3A_174] : memref<16x79x128xi32, #tpu.memory_space<hbm>> -> memref<1x1x128xi32, #tpu.memory_space<hbm>>
      %dma_wait3A_176 = tpu.memref_squeeze %dma_wait3A_175 : memref<1x1x128xi32, #tpu.memory_space<hbm>> -> memref<128xi32, #tpu.memory_space<hbm>>
      %dma_wait3A_177 = arith.constant 0 : i32
      %dma_wait3A_178 = tpu.memref_slice %arg10[%dma_wait3A_170, %dma_wait3A_177] : memref<4x128xi32, #tpu.memory_space<vmem>> -> memref<1x128xi32, #tpu.memory_space<vmem>>
      %dma_wait3A_179 = tpu.memref_squeeze %dma_wait3A_178 : memref<1x128xi32, #tpu.memory_space<vmem>> -> memref<128xi32, #tpu.memory_space<vmem>>
      %dma_wait3A_180 = arith.constant 0 : i32
      %dma_wait3A_181 = tpu.memref_slice %arg5[%arg1, %dma_wait3A_169, %dma_wait3A_180] : memref<16x79x128xi32, #tpu.memory_space<hbm>> -> memref<1x1x128xi32, #tpu.memory_space<hbm>>
      %dma_wait3A_182 = tpu.memref_squeeze %dma_wait3A_181 : memref<1x1x128xi32, #tpu.memory_space<hbm>> -> memref<128xi32, #tpu.memory_space<hbm>>
      tpu.wait_dma2 semaphore(%arg14 : memref<!tpu.dma_semaphore, #tpu.memory_space<semaphore_mem>>) src(%dma_wait3A_182 : memref<128xi32, #tpu.memory_space<hbm>>) dst(%dma_wait3A_179 : memref<128xi32, #tpu.memory_space<vmem>>)
      %dma_start3A_183 = arith.constant 2 : i32
      %dma_start3A_184 = arith.constant 2 : i32
      %dma_start3A_185 = arith.constant 0 : i32
      %dma_start3A_186 = arith.constant 0 : i32
      %dma_start3A_187 = tpu.memref_slice %arg11[%dma_start3A_184, %dma_start3A_185, %dma_start3A_186] : memref<3x128x128xf32, #tpu.memory_space<vmem>> -> memref<1x128x128xf32, #tpu.memory_space<vmem>>
      %dma_start3A_188 = tpu.memref_squeeze %dma_start3A_187 : memref<1x128x128xf32, #tpu.memory_space<vmem>> -> memref<128x128xf32, #tpu.memory_space<vmem>>
      %dma_start3A_189 = arith.constant 0 : i32
      %dma_start3A_190 = tpu.memref_slice %arg9[%dma_start3A_183, %dma_start3A_189] : memref<4x128xi32, #tpu.memory_space<vmem>> -> memref<1x128xi32, #tpu.memory_space<vmem>>
      %dma_start3A_191 = tpu.memref_squeeze %dma_start3A_190 : memref<1x128xi32, #tpu.memory_space<vmem>> -> memref<128xi32, #tpu.memory_space<vmem>>
      %dma_start3A_192 = arith.constant 0 : i32
      %dma_start3A_193 = arith.constant 0 : i32
      %dma_start3A_194 = tpu.memref_slice %arg2[%dma_start3A_192, %dma_start3A_193] : memref<10000x128xf32, #tpu.memory_space<hbm>> -> memref<10000x128xf32, #tpu.memory_space<hbm>>
      tpu.enqueue_indirect_dma source(%dma_start3A_194 : memref<10000x128xf32, #tpu.memory_space<hbm>>) target(%dma_start3A_188 : memref<128x128xf32, #tpu.memory_space<vmem>>) offsets(%dma_start3A_191 : memref<128xi32, #tpu.memory_space<vmem>>) semaphore(%arg13 : memref<!tpu.dma_semaphore, #tpu.memory_space<semaphore_mem>>)
      %scan3A = arith.constant 0 : i32
      %scan3A_195 = arith.constant 0 : i32
      %scan3A_196 = arith.constant 79 : i32
      %scan3A_197 = arith.addi %scan3A_195, %scan3A_196 : i32
      %scan3A_198 = arith.constant 1 : i32
      scf.for %scan3A_200 = %scan3A_195 to %scan3A_197 step %scan3A_198  : i32 {
        %rem3A = arith.constant 3 : i32
        %rem3A_201 = arith.remsi %scan3A_200, %rem3A : i32
        %rem3A_202 = arith.constant 4 : i32
        %rem3A_203 = arith.remsi %scan3A_200, %rem3A_202 : i32
        %dma_wait3A_204 = arith.constant 0 : i32
        %dma_wait3A_205 = arith.constant 0 : i32
        %dma_wait3A_206 = tpu.memref_slice %arg11[%rem3A_201, %dma_wait3A_204, %dma_wait3A_205] : memref<3x128x128xf32, #tpu.memory_space<vmem>> -> memref<1x128x128xf32, #tpu.memory_space<vmem>>
        %dma_wait3A_207 = tpu.memref_squeeze %dma_wait3A_206 : memref<1x128x128xf32, #tpu.memory_space<vmem>> -> memref<128x128xf32, #tpu.memory_space<vmem>>
        %dma_wait3A_208 = arith.constant 0 : i32
        %dma_wait3A_209 = tpu.memref_slice %arg9[%rem3A_203, %dma_wait3A_208] : memref<4x128xi32, #tpu.memory_space<vmem>> -> memref<1x128xi32, #tpu.memory_space<vmem>>
        %dma_wait3A_210 = tpu.memref_squeeze %dma_wait3A_209 : memref<1x128xi32, #tpu.memory_space<vmem>> -> memref<128xi32, #tpu.memory_space<vmem>>
        %dma_wait3A_211 = arith.constant 0 : i32
        %dma_wait3A_212 = arith.constant 0 : i32
        %dma_wait3A_213 = tpu.memref_slice %arg2[%dma_wait3A_211, %dma_wait3A_212] : memref<10000x128xf32, #tpu.memory_space<hbm>> -> memref<10000x128xf32, #tpu.memory_space<hbm>>
        tpu.wait_indirect_dma semaphore(%arg13 : memref<!tpu.dma_semaphore, #tpu.memory_space<semaphore_mem>>) src(%dma_wait3A_213 : memref<10000x128xf32, #tpu.memory_space<hbm>>) dst(%dma_wait3A_207 : memref<128x128xf32, #tpu.memory_space<vmem>>)
        "tpu.region"() ({
          %run_scoped3A_227 = tpu.sem_alloc : memref<!tpu.dma_semaphore, #tpu.memory_space<semaphore_mem>>
          %dma_start3A_228 = arith.constant 0 : i32
          %dma_start3A_229 = arith.constant 0 : i32
          %dma_start3A_230 = tpu.memref_slice %arg11[%rem3A_201, %dma_start3A_228, %dma_start3A_229] : memref<3x128x128xf32, #tpu.memory_space<vmem>> -> memref<1x128x128xf32, #tpu.memory_space<vmem>>
          %dma_start3A_231 = tpu.memref_squeeze %dma_start3A_230 : memref<1x128x128xf32, #tpu.memory_space<vmem>> -> memref<128x128xf32, #tpu.memory_space<vmem>>
          %dma_start3A_232 = arith.constant 0 : i32
          %dma_start3A_233 = tpu.memref_slice %arg10[%rem3A_203, %dma_start3A_232] : memref<4x128xi32, #tpu.memory_space<vmem>> -> memref<1x128xi32, #tpu.memory_space<vmem>>
          %dma_start3A_234 = tpu.memref_squeeze %dma_start3A_233 : memref<1x128xi32, #tpu.memory_space<vmem>> -> memref<128xi32, #tpu.memory_space<vmem>>
          %dma_start3A_235 = arith.constant 0 : i32
          %dma_start3A_236 = arith.constant 0 : i32
          %dma_start3A_237 = tpu.memref_slice %arg12[%dma_start3A_235, %dma_start3A_236] : memref<10008x128xf32, #tpu.memory_space<vmem_shared>> -> memref<10008x128xf32, #tpu.memory_space<vmem_shared>>
          tpu.enqueue_indirect_dma source(%dma_start3A_231 : memref<128x128xf32, #tpu.memory_space<vmem>>) target(%dma_start3A_237 : memref<10008x128xf32, #tpu.memory_space<vmem_shared>>) offsets(%dma_start3A_234 : memref<128xi32, #tpu.memory_space<vmem>>) semaphore(%run_scoped3A_227 : memref<!tpu.dma_semaphore, #tpu.memory_space<semaphore_mem>>) {add = true}
          %dma_wait3A_238 = arith.constant 0 : i32
          %dma_wait3A_239 = arith.constant 0 : i32
          %dma_wait3A_240 = tpu.memref_slice %arg11[%rem3A_201, %dma_wait3A_238, %dma_wait3A_239] : memref<3x128x128xf32, #tpu.memory_space<vmem>> -> memref<1x128x128xf32, #tpu.memory_space<vmem>>
          %dma_wait3A_241 = tpu.memref_squeeze %dma_wait3A_240 : memref<1x128x128xf32, #tpu.memory_space<vmem>> -> memref<128x128xf32, #tpu.memory_space<vmem>>
          %dma_wait3A_242 = arith.constant 0 : i32
          %dma_wait3A_243 = tpu.memref_slice %arg10[%rem3A_203, %dma_wait3A_242] : memref<4x128xi32, #tpu.memory_space<vmem>> -> memref<1x128xi32, #tpu.memory_space<vmem>>
          %dma_wait3A_244 = tpu.memref_squeeze %dma_wait3A_243 : memref<1x128xi32, #tpu.memory_space<vmem>> -> memref<128xi32, #tpu.memory_space<vmem>>
          %dma_wait3A_245 = arith.constant 0 : i32
          %dma_wait3A_246 = arith.constant 0 : i32
          %dma_wait3A_247 = tpu.memref_slice %arg12[%dma_wait3A_245, %dma_wait3A_246] : memref<10008x128xf32, #tpu.memory_space<vmem_shared>> -> memref<10008x128xf32, #tpu.memory_space<vmem_shared>>
          tpu.wait_indirect_dma semaphore(%run_scoped3A_227 : memref<!tpu.dma_semaphore, #tpu.memory_space<semaphore_mem>>) src(%dma_wait3A_241 : memref<128x128xf32, #tpu.memory_space<vmem>>) dst(%dma_wait3A_247 : memref<10008x128xf32, #tpu.memory_space<vmem_shared>>)
          tpu.yield
        }) : () -> ()
        %add3A = arith.constant 3 : i32
        %add3A_214 = arith.addi %scan3A_200, %add3A : i32
        %lt3A_215 = arith.constant 79 : i32
        %lt3A_216 = arith.cmpi slt, %add3A_214, %lt3A_215 : i32
        %convert_element_type3A_217 = arith.extui %lt3A_216 : i1 to i32
        %cond3A_218 = arith.constant 0 : i32
        %cond3A_219 = arith.cmpi ne, %convert_element_type3A_217, %cond3A_218 : i32
        scf.if %cond3A_219 {
          %add3A_227 = arith.constant 3 : i32
          %add3A_228 = arith.addi %scan3A_200, %add3A_227 : i32
          %rem3A_229 = arith.constant 4 : i32
          %rem3A_230 = arith.remsi %add3A_228, %rem3A_229 : i32
          %add3A_231 = arith.constant 3 : i32
          %add3A_232 = arith.addi %scan3A_200, %add3A_231 : i32
          %dma_wait3A_233 = arith.constant 0 : i32
          %dma_wait3A_234 = tpu.memref_slice %arg9[%rem3A_230, %dma_wait3A_233] : memref<4x128xi32, #tpu.memory_space<vmem>> -> memref<1x128xi32, #tpu.memory_space<vmem>>
          %dma_wait3A_235 = tpu.memref_squeeze %dma_wait3A_234 : memref<1x128xi32, #tpu.memory_space<vmem>> -> memref<128xi32, #tpu.memory_space<vmem>>
          %dma_wait3A_236 = arith.constant 0 : i32
          %dma_wait3A_237 = tpu.memref_slice %arg4[%arg1, %add3A_232, %dma_wait3A_236] : memref<16x79x128xi32, #tpu.memory_space<hbm>> -> memref<1x1x128xi32, #tpu.memory_space<hbm>>
          %dma_wait3A_238 = tpu.memref_squeeze %dma_wait3A_237 : memref<1x1x128xi32, #tpu.memory_space<hbm>> -> memref<128xi32, #tpu.memory_space<hbm>>
          %dma_wait3A_239 = arith.constant 0 : i32
          %dma_wait3A_240 = tpu.memref_slice %arg9[%rem3A_230, %dma_wait3A_239] : memref<4x128xi32, #tpu.memory_space<vmem>> -> memref<1x128xi32, #tpu.memory_space<vmem>>
          %dma_wait3A_241 = tpu.memref_squeeze %dma_wait3A_240 : memref<1x128xi32, #tpu.memory_space<vmem>> -> memref<128xi32, #tpu.memory_space<vmem>>
          %dma_wait3A_242 = arith.constant 0 : i32
          %dma_wait3A_243 = tpu.memref_slice %arg4[%arg1, %add3A_232, %dma_wait3A_242] : memref<16x79x128xi32, #tpu.memory_space<hbm>> -> memref<1x1x128xi32, #tpu.memory_space<hbm>>
          %dma_wait3A_244 = tpu.memref_squeeze %dma_wait3A_243 : memref<1x1x128xi32, #tpu.memory_space<hbm>> -> memref<128xi32, #tpu.memory_space<hbm>>
          tpu.wait_dma2 semaphore(%arg14 : memref<!tpu.dma_semaphore, #tpu.memory_space<semaphore_mem>>) src(%dma_wait3A_244 : memref<128xi32, #tpu.memory_space<hbm>>) dst(%dma_wait3A_241 : memref<128xi32, #tpu.memory_space<vmem>>)
          %dma_wait3A_245 = arith.constant 0 : i32
          %dma_wait3A_246 = tpu.memref_slice %arg10[%rem3A_230, %dma_wait3A_245] : memref<4x128xi32, #tpu.memory_space<vmem>> -> memref<1x128xi32, #tpu.memory_space<vmem>>
          %dma_wait3A_247 = tpu.memref_squeeze %dma_wait3A_246 : memref<1x128xi32, #tpu.memory_space<vmem>> -> memref<128xi32, #tpu.memory_space<vmem>>
          %dma_wait3A_248 = arith.constant 0 : i32
          %dma_wait3A_249 = tpu.memref_slice %arg5[%arg1, %add3A_232, %dma_wait3A_248] : memref<16x79x128xi32, #tpu.memory_space<hbm>> -> memref<1x1x128xi32, #tpu.memory_space<hbm>>
          %dma_wait3A_250 = tpu.memref_squeeze %dma_wait3A_249 : memref<1x1x128xi32, #tpu.memory_space<hbm>> -> memref<128xi32, #tpu.memory_space<hbm>>
          %dma_wait3A_251 = arith.constant 0 : i32
          %dma_wait3A_252 = tpu.memref_slice %arg10[%rem3A_230, %dma_wait3A_251] : memref<4x128xi32, #tpu.memory_space<vmem>> -> memref<1x128xi32, #tpu.memory_space<vmem>>
          %dma_wait3A_253 = tpu.memref_squeeze %dma_wait3A_252 : memref<1x128xi32, #tpu.memory_space<vmem>> -> memref<128xi32, #tpu.memory_space<vmem>>
          %dma_wait3A_254 = arith.constant 0 : i32
          %dma_wait3A_255 = tpu.memref_slice %arg5[%arg1, %add3A_232, %dma_wait3A_254] : memref<16x79x128xi32, #tpu.memory_space<hbm>> -> memref<1x1x128xi32, #tpu.memory_space<hbm>>
          %dma_wait3A_256 = tpu.memref_squeeze %dma_wait3A_255 : memref<1x1x128xi32, #tpu.memory_space<hbm>> -> memref<128xi32, #tpu.memory_space<hbm>>
          tpu.wait_dma2 semaphore(%arg14 : memref<!tpu.dma_semaphore, #tpu.memory_space<semaphore_mem>>) src(%dma_wait3A_256 : memref<128xi32, #tpu.memory_space<hbm>>) dst(%dma_wait3A_253 : memref<128xi32, #tpu.memory_space<vmem>>)
          %dma_start3A_257 = arith.constant 0 : i32
          %dma_start3A_258 = arith.constant 0 : i32
          %dma_start3A_259 = tpu.memref_slice %arg11[%rem3A_201, %dma_start3A_257, %dma_start3A_258] : memref<3x128x128xf32, #tpu.memory_space<vmem>> -> memref<1x128x128xf32, #tpu.memory_space<vmem>>
          %dma_start3A_260 = tpu.memref_squeeze %dma_start3A_259 : memref<1x128x128xf32, #tpu.memory_space<vmem>> -> memref<128x128xf32, #tpu.memory_space<vmem>>
          %dma_start3A_261 = arith.constant 0 : i32
          %dma_start3A_262 = tpu.memref_slice %arg9[%rem3A_230, %dma_start3A_261] : memref<4x128xi32, #tpu.memory_space<vmem>> -> memref<1x128xi32, #tpu.memory_space<vmem>>
          %dma_start3A_263 = tpu.memref_squeeze %dma_start3A_262 : memref<1x128xi32, #tpu.memory_space<vmem>> -> memref<128xi32, #tpu.memory_space<vmem>>
          %dma_start3A_264 = arith.constant 0 : i32
          %dma_start3A_265 = arith.constant 0 : i32
          %dma_start3A_266 = tpu.memref_slice %arg2[%dma_start3A_264, %dma_start3A_265] : memref<10000x128xf32, #tpu.memory_space<hbm>> -> memref<10000x128xf32, #tpu.memory_space<hbm>>
          tpu.enqueue_indirect_dma source(%dma_start3A_266 : memref<10000x128xf32, #tpu.memory_space<hbm>>) target(%dma_start3A_260 : memref<128x128xf32, #tpu.memory_space<vmem>>) offsets(%dma_start3A_263 : memref<128xi32, #tpu.memory_space<vmem>>) semaphore(%arg13 : memref<!tpu.dma_semaphore, #tpu.memory_space<semaphore_mem>>)
        } else {
        }
        %add3A_220 = arith.constant 4 : i32
        %add3A_221 = arith.addi %scan3A_200, %add3A_220 : i32
        %lt3A_222 = arith.constant 79 : i32
        %lt3A_223 = arith.cmpi slt, %add3A_221, %lt3A_222 : i32
        %convert_element_type3A_224 = arith.extui %lt3A_223 : i1 to i32
        %cond3A_225 = arith.constant 0 : i32
        %cond3A_226 = arith.cmpi ne, %convert_element_type3A_224, %cond3A_225 : i32
        scf.if %cond3A_226 {
          %add3A_227 = arith.constant 4 : i32
          %add3A_228 = arith.addi %scan3A_200, %add3A_227 : i32
          %dma_start3A_229 = arith.constant 0 : i32
          %dma_start3A_230 = tpu.memref_slice %arg9[%rem3A_203, %dma_start3A_229] : memref<4x128xi32, #tpu.memory_space<vmem>> -> memref<1x128xi32, #tpu.memory_space<vmem>>
          %dma_start3A_231 = tpu.memref_squeeze %dma_start3A_230 : memref<1x128xi32, #tpu.memory_space<vmem>> -> memref<128xi32, #tpu.memory_space<vmem>>
          %dma_start3A_232 = arith.constant 0 : i32
          %dma_start3A_233 = tpu.memref_slice %arg4[%arg1, %add3A_228, %dma_start3A_232] : memref<16x79x128xi32, #tpu.memory_space<hbm>> -> memref<1x1x128xi32, #tpu.memory_space<hbm>>
          %dma_start3A_234 = tpu.memref_squeeze %dma_start3A_233 : memref<1x1x128xi32, #tpu.memory_space<hbm>> -> memref<128xi32, #tpu.memory_space<hbm>>
          %dma_start3A_235 = arith.constant 0 : i32
          %dma_start3A_236 = tpu.memref_slice %arg9[%rem3A_203, %dma_start3A_235] : memref<4x128xi32, #tpu.memory_space<vmem>> -> memref<1x128xi32, #tpu.memory_space<vmem>>
          %dma_start3A_237 = tpu.memref_squeeze %dma_start3A_236 : memref<1x128xi32, #tpu.memory_space<vmem>> -> memref<128xi32, #tpu.memory_space<vmem>>
          %dma_start3A_238 = arith.constant 0 : i32
          %dma_start3A_239 = tpu.memref_slice %arg4[%arg1, %add3A_228, %dma_start3A_238] : memref<16x79x128xi32, #tpu.memory_space<hbm>> -> memref<1x1x128xi32, #tpu.memory_space<hbm>>
          %dma_start3A_240 = tpu.memref_squeeze %dma_start3A_239 : memref<1x1x128xi32, #tpu.memory_space<hbm>> -> memref<128xi32, #tpu.memory_space<hbm>>
          tpu.enqueue_dma source(%dma_start3A_240 : memref<128xi32, #tpu.memory_space<hbm>>) target(%dma_start3A_237 : memref<128xi32, #tpu.memory_space<vmem>>) target_semaphore(%arg14 : memref<!tpu.dma_semaphore, #tpu.memory_space<semaphore_mem>>)
          %add3A_241 = arith.constant 4 : i32
          %add3A_242 = arith.addi %scan3A_200, %add3A_241 : i32
          %dma_start3A_243 = arith.constant 0 : i32
          %dma_start3A_244 = tpu.memref_slice %arg10[%rem3A_203, %dma_start3A_243] : memref<4x128xi32, #tpu.memory_space<vmem>> -> memref<1x128xi32, #tpu.memory_space<vmem>>
          %dma_start3A_245 = tpu.memref_squeeze %dma_start3A_244 : memref<1x128xi32, #tpu.memory_space<vmem>> -> memref<128xi32, #tpu.memory_space<vmem>>
          %dma_start3A_246 = arith.constant 0 : i32
          %dma_start3A_247 = tpu.memref_slice %arg5[%arg1, %add3A_242, %dma_start3A_246] : memref<16x79x128xi32, #tpu.memory_space<hbm>> -> memref<1x1x128xi32, #tpu.memory_space<hbm>>
          %dma_start3A_248 = tpu.memref_squeeze %dma_start3A_247 : memref<1x1x128xi32, #tpu.memory_space<hbm>> -> memref<128xi32, #tpu.memory_space<hbm>>
          %dma_start3A_249 = arith.constant 0 : i32
          %dma_start3A_250 = tpu.memref_slice %arg10[%rem3A_203, %dma_start3A_249] : memref<4x128xi32, #tpu.memory_space<vmem>> -> memref<1x128xi32, #tpu.memory_space<vmem>>
          %dma_start3A_251 = tpu.memref_squeeze %dma_start3A_250 : memref<1x128xi32, #tpu.memory_space<vmem>> -> memref<128xi32, #tpu.memory_space<vmem>>
          %dma_start3A_252 = arith.constant 0 : i32
          %dma_start3A_253 = tpu.memref_slice %arg5[%arg1, %add3A_242, %dma_start3A_252] : memref<16x79x128xi32, #tpu.memory_space<hbm>> -> memref<1x1x128xi32, #tpu.memory_space<hbm>>
          %dma_start3A_254 = tpu.memref_squeeze %dma_start3A_253 : memref<1x1x128xi32, #tpu.memory_space<hbm>> -> memref<128xi32, #tpu.memory_space<hbm>>
          tpu.enqueue_dma source(%dma_start3A_254 : memref<128xi32, #tpu.memory_space<hbm>>) target(%dma_start3A_251 : memref<128xi32, #tpu.memory_space<vmem>>) target_semaphore(%arg14 : memref<!tpu.dma_semaphore, #tpu.memory_space<semaphore_mem>>)
        } else {
        }
      }
      %scan3A_199 = arith.constant 79 : i32
    } else {
    }
    %eq3A_9 = arith.constant 1 : i32
    %eq3A_10 = arith.cmpi eq, %arg0, %eq3A_9 : i32
    %convert_element_type3A_11 = arith.extui %eq3A_10 : i1 to i32
    %cond3A_12 = arith.constant 0 : i32
    %cond3A_13 = arith.cmpi ne, %convert_element_type3A_11, %cond3A_12 : i32
    scf.if %cond3A_13 {
      %dma_start3A = arith.constant 1 : i32
      %dma_start3A_21 = arith.constant 1 : i32
      %dma_start3A_22 = arith.constant 0 : i32
      %dma_start3A_23 = tpu.memref_slice %arg9[%dma_start3A_21, %dma_start3A_22] : memref<4x128xi32, #tpu.memory_space<vmem>> -> memref<1x128xi32, #tpu.memory_space<vmem>>
      %dma_start3A_24 = tpu.memref_squeeze %dma_start3A_23 : memref<1x128xi32, #tpu.memory_space<vmem>> -> memref<128xi32, #tpu.memory_space<vmem>>
      %dma_start3A_25 = arith.constant 0 : i32
      %dma_start3A_26 = tpu.memref_slice %arg4[%arg1, %dma_start3A, %dma_start3A_25] : memref<16x79x128xi32, #tpu.memory_space<hbm>> -> memref<1x1x128xi32, #tpu.memory_space<hbm>>
      %dma_start3A_27 = tpu.memref_squeeze %dma_start3A_26 : memref<1x1x128xi32, #tpu.memory_space<hbm>> -> memref<128xi32, #tpu.memory_space<hbm>>
      %dma_start3A_28 = arith.constant 0 : i32
      %dma_start3A_29 = tpu.memref_slice %arg9[%dma_start3A_21, %dma_start3A_28] : memref<4x128xi32, #tpu.memory_space<vmem>> -> memref<1x128xi32, #tpu.memory_space<vmem>>
      %dma_start3A_30 = tpu.memref_squeeze %dma_start3A_29 : memref<1x128xi32, #tpu.memory_space<vmem>> -> memref<128xi32, #tpu.memory_space<vmem>>
      %dma_start3A_31 = arith.constant 0 : i32
      %dma_start3A_32 = tpu.memref_slice %arg4[%arg1, %dma_start3A, %dma_start3A_31] : memref<16x79x128xi32, #tpu.memory_space<hbm>> -> memref<1x1x128xi32, #tpu.memory_space<hbm>>
      %dma_start3A_33 = tpu.memref_squeeze %dma_start3A_32 : memref<1x1x128xi32, #tpu.memory_space<hbm>> -> memref<128xi32, #tpu.memory_space<hbm>>
      tpu.enqueue_dma source(%dma_start3A_33 : memref<128xi32, #tpu.memory_space<hbm>>) target(%dma_start3A_30 : memref<128xi32, #tpu.memory_space<vmem>>) target_semaphore(%arg14 : memref<!tpu.dma_semaphore, #tpu.memory_space<semaphore_mem>>)
      %dma_start3A_34 = arith.constant 1 : i32
      %dma_start3A_35 = arith.constant 1 : i32
      %dma_start3A_36 = arith.constant 0 : i32
      %dma_start3A_37 = tpu.memref_slice %arg10[%dma_start3A_35, %dma_start3A_36] : memref<4x128xi32, #tpu.memory_space<vmem>> -> memref<1x128xi32, #tpu.memory_space<vmem>>
      %dma_start3A_38 = tpu.memref_squeeze %dma_start3A_37 : memref<1x128xi32, #tpu.memory_space<vmem>> -> memref<128xi32, #tpu.memory_space<vmem>>
      %dma_start3A_39 = arith.constant 0 : i32
      %dma_start3A_40 = tpu.memref_slice %arg5[%arg1, %dma_start3A_34, %dma_start3A_39] : memref<16x79x128xi32, #tpu.memory_space<hbm>> -> memref<1x1x128xi32, #tpu.memory_space<hbm>>
      %dma_start3A_41 = tpu.memref_squeeze %dma_start3A_40 : memref<1x1x128xi32, #tpu.memory_space<hbm>> -> memref<128xi32, #tpu.memory_space<hbm>>
      %dma_start3A_42 = arith.constant 0 : i32
      %dma_start3A_43 = tpu.memref_slice %arg10[%dma_start3A_35, %dma_start3A_42] : memref<4x128xi32, #tpu.memory_space<vmem>> -> memref<1x128xi32, #tpu.memory_space<vmem>>
      %dma_start3A_44 = tpu.memref_squeeze %dma_start3A_43 : memref<1x128xi32, #tpu.memory_space<vmem>> -> memref<128xi32, #tpu.memory_space<vmem>>
      %dma_start3A_45 = arith.constant 0 : i32
      %dma_start3A_46 = tpu.memref_slice %arg5[%arg1, %dma_start3A_34, %dma_start3A_45] : memref<16x79x128xi32, #tpu.memory_space<hbm>> -> memref<1x1x128xi32, #tpu.memory_space<hbm>>
      %dma_start3A_47 = tpu.memref_squeeze %dma_start3A_46 : memref<1x1x128xi32, #tpu.memory_space<hbm>> -> memref<128xi32, #tpu.memory_space<hbm>>
      tpu.enqueue_dma source(%dma_start3A_47 : memref<128xi32, #tpu.memory_space<hbm>>) target(%dma_start3A_44 : memref<128xi32, #tpu.memory_space<vmem>>) target_semaphore(%arg14 : memref<!tpu.dma_semaphore, #tpu.memory_space<semaphore_mem>>)
      %dma_start3A_48 = arith.constant 2 : i32
      %dma_start3A_49 = arith.constant 2 : i32
      %dma_start3A_50 = arith.constant 0 : i32
      %dma_start3A_51 = tpu.memref_slice %arg9[%dma_start3A_49, %dma_start3A_50] : memref<4x128xi32, #tpu.memory_space<vmem>> -> memref<1x128xi32, #tpu.memory_space<vmem>>
      %dma_start3A_52 = tpu.memref_squeeze %dma_start3A_51 : memref<1x128xi32, #tpu.memory_space<vmem>> -> memref<128xi32, #tpu.memory_space<vmem>>
      %dma_start3A_53 = arith.constant 0 : i32
      %dma_start3A_54 = tpu.memref_slice %arg4[%arg1, %dma_start3A_48, %dma_start3A_53] : memref<16x79x128xi32, #tpu.memory_space<hbm>> -> memref<1x1x128xi32, #tpu.memory_space<hbm>>
      %dma_start3A_55 = tpu.memref_squeeze %dma_start3A_54 : memref<1x1x128xi32, #tpu.memory_space<hbm>> -> memref<128xi32, #tpu.memory_space<hbm>>
      %dma_start3A_56 = arith.constant 0 : i32
      %dma_start3A_57 = tpu.memref_slice %arg9[%dma_start3A_49, %dma_start3A_56] : memref<4x128xi32, #tpu.memory_space<vmem>> -> memref<1x128xi32, #tpu.memory_space<vmem>>
      %dma_start3A_58 = tpu.memref_squeeze %dma_start3A_57 : memref<1x128xi32, #tpu.memory_space<vmem>> -> memref<128xi32, #tpu.memory_space<vmem>>
      %dma_start3A_59 = arith.constant 0 : i32
      %dma_start3A_60 = tpu.memref_slice %arg4[%arg1, %dma_start3A_48, %dma_start3A_59] : memref<16x79x128xi32, #tpu.memory_space<hbm>> -> memref<1x1x128xi32, #tpu.memory_space<hbm>>
      %dma_start3A_61 = tpu.memref_squeeze %dma_start3A_60 : memref<1x1x128xi32, #tpu.memory_space<hbm>> -> memref<128xi32, #tpu.memory_space<hbm>>
      tpu.enqueue_dma source(%dma_start3A_61 : memref<128xi32, #tpu.memory_space<hbm>>) target(%dma_start3A_58 : memref<128xi32, #tpu.memory_space<vmem>>) target_semaphore(%arg14 : memref<!tpu.dma_semaphore, #tpu.memory_space<semaphore_mem>>)
      %dma_start3A_62 = arith.constant 2 : i32
      %dma_start3A_63 = arith.constant 2 : i32
      %dma_start3A_64 = arith.constant 0 : i32
      %dma_start3A_65 = tpu.memref_slice %arg10[%dma_start3A_63, %dma_start3A_64] : memref<4x128xi32, #tpu.memory_space<vmem>> -> memref<1x128xi32, #tpu.memory_space<vmem>>
      %dma_start3A_66 = tpu.memref_squeeze %dma_start3A_65 : memref<1x128xi32, #tpu.memory_space<vmem>> -> memref<128xi32, #tpu.memory_space<vmem>>
      %dma_start3A_67 = arith.constant 0 : i32
      %dma_start3A_68 = tpu.memref_slice %arg5[%arg1, %dma_start3A_62, %dma_start3A_67] : memref<16x79x128xi32, #tpu.memory_space<hbm>> -> memref<1x1x128xi32, #tpu.memory_space<hbm>>
      %dma_start3A_69 = tpu.memref_squeeze %dma_start3A_68 : memref<1x1x128xi32, #tpu.memory_space<hbm>> -> memref<128xi32, #tpu.memory_space<hbm>>
      %dma_start3A_70 = arith.constant 0 : i32
      %dma_start3A_71 = tpu.memref_slice %arg10[%dma_start3A_63, %dma_start3A_70] : memref<4x128xi32, #tpu.memory_space<vmem>> -> memref<1x128xi32, #tpu.memory_space<vmem>>
      %dma_start3A_72 = tpu.memref_squeeze %dma_start3A_71 : memref<1x128xi32, #tpu.memory_space<vmem>> -> memref<128xi32, #tpu.memory_space<vmem>>
      %dma_start3A_73 = arith.constant 0 : i32
      %dma_start3A_74 = tpu.memref_slice %arg5[%arg1, %dma_start3A_62, %dma_start3A_73] : memref<16x79x128xi32, #tpu.memory_space<hbm>> -> memref<1x1x128xi32, #tpu.memory_space<hbm>>
      %dma_start3A_75 = tpu.memref_squeeze %dma_start3A_74 : memref<1x1x128xi32, #tpu.memory_space<hbm>> -> memref<128xi32, #tpu.memory_space<hbm>>
      tpu.enqueue_dma source(%dma_start3A_75 : memref<128xi32, #tpu.memory_space<hbm>>) target(%dma_start3A_72 : memref<128xi32, #tpu.memory_space<vmem>>) target_semaphore(%arg14 : memref<!tpu.dma_semaphore, #tpu.memory_space<semaphore_mem>>)
      %dma_start3A_76 = arith.constant 3 : i32
      %dma_start3A_77 = arith.constant 3 : i32
      %dma_start3A_78 = arith.constant 0 : i32
      %dma_start3A_79 = tpu.memref_slice %arg9[%dma_start3A_77, %dma_start3A_78] : memref<4x128xi32, #tpu.memory_space<vmem>> -> memref<1x128xi32, #tpu.memory_space<vmem>>
      %dma_start3A_80 = tpu.memref_squeeze %dma_start3A_79 : memref<1x128xi32, #tpu.memory_space<vmem>> -> memref<128xi32, #tpu.memory_space<vmem>>
      %dma_start3A_81 = arith.constant 0 : i32
      %dma_start3A_82 = tpu.memref_slice %arg4[%arg1, %dma_start3A_76, %dma_start3A_81] : memref<16x79x128xi32, #tpu.memory_space<hbm>> -> memref<1x1x128xi32, #tpu.memory_space<hbm>>
      %dma_start3A_83 = tpu.memref_squeeze %dma_start3A_82 : memref<1x1x128xi32, #tpu.memory_space<hbm>> -> memref<128xi32, #tpu.memory_space<hbm>>
      %dma_start3A_84 = arith.constant 0 : i32
      %dma_start3A_85 = tpu.memref_slice %arg9[%dma_start3A_77, %dma_start3A_84] : memref<4x128xi32, #tpu.memory_space<vmem>> -> memref<1x128xi32, #tpu.memory_space<vmem>>
      %dma_start3A_86 = tpu.memref_squeeze %dma_start3A_85 : memref<1x128xi32, #tpu.memory_space<vmem>> -> memref<128xi32, #tpu.memory_space<vmem>>
      %dma_start3A_87 = arith.constant 0 : i32
      %dma_start3A_88 = tpu.memref_slice %arg4[%arg1, %dma_start3A_76, %dma_start3A_87] : memref<16x79x128xi32, #tpu.memory_space<hbm>> -> memref<1x1x128xi32, #tpu.memory_space<hbm>>
      %dma_start3A_89 = tpu.memref_squeeze %dma_start3A_88 : memref<1x1x128xi32, #tpu.memory_space<hbm>> -> memref<128xi32, #tpu.memory_space<hbm>>
      tpu.enqueue_dma source(%dma_start3A_89 : memref<128xi32, #tpu.memory_space<hbm>>) target(%dma_start3A_86 : memref<128xi32, #tpu.memory_space<vmem>>) target_semaphore(%arg14 : memref<!tpu.dma_semaphore, #tpu.memory_space<semaphore_mem>>)
      %dma_start3A_90 = arith.constant 3 : i32
      %dma_start3A_91 = arith.constant 3 : i32
      %dma_start3A_92 = arith.constant 0 : i32
      %dma_start3A_93 = tpu.memref_slice %arg10[%dma_start3A_91, %dma_start3A_92] : memref<4x128xi32, #tpu.memory_space<vmem>> -> memref<1x128xi32, #tpu.memory_space<vmem>>
      %dma_start3A_94 = tpu.memref_squeeze %dma_start3A_93 : memref<1x128xi32, #tpu.memory_space<vmem>> -> memref<128xi32, #tpu.memory_space<vmem>>
      %dma_start3A_95 = arith.constant 0 : i32
      %dma_start3A_96 = tpu.memref_slice %arg5[%arg1, %dma_start3A_90, %dma_start3A_95] : memref<16x79x128xi32, #tpu.memory_space<hbm>> -> memref<1x1x128xi32, #tpu.memory_space<hbm>>
      %dma_start3A_97 = tpu.memref_squeeze %dma_start3A_96 : memref<1x1x128xi32, #tpu.memory_space<hbm>> -> memref<128xi32, #tpu.memory_space<hbm>>
      %dma_start3A_98 = arith.constant 0 : i32
      %dma_start3A_99 = tpu.memref_slice %arg10[%dma_start3A_91, %dma_start3A_98] : memref<4x128xi32, #tpu.memory_space<vmem>> -> memref<1x128xi32, #tpu.memory_space<vmem>>
      %dma_start3A_100 = tpu.memref_squeeze %dma_start3A_99 : memref<1x128xi32, #tpu.memory_space<vmem>> -> memref<128xi32, #tpu.memory_space<vmem>>
      %dma_start3A_101 = arith.constant 0 : i32
      %dma_start3A_102 = tpu.memref_slice %arg5[%arg1, %dma_start3A_90, %dma_start3A_101] : memref<16x79x128xi32, #tpu.memory_space<hbm>> -> memref<1x1x128xi32, #tpu.memory_space<hbm>>
      %dma_start3A_103 = tpu.memref_squeeze %dma_start3A_102 : memref<1x1x128xi32, #tpu.memory_space<hbm>> -> memref<128xi32, #tpu.memory_space<hbm>>
      tpu.enqueue_dma source(%dma_start3A_103 : memref<128xi32, #tpu.memory_space<hbm>>) target(%dma_start3A_100 : memref<128xi32, #tpu.memory_space<vmem>>) target_semaphore(%arg14 : memref<!tpu.dma_semaphore, #tpu.memory_space<semaphore_mem>>)
      %dma_start3A_104 = arith.constant 0 : i32
      %dma_start3A_105 = arith.constant 0 : i32
      %dma_start3A_106 = arith.constant 0 : i32
      %dma_start3A_107 = arith.constant 0 : i32
      %dma_start3A_108 = tpu.memref_slice %arg11[%dma_start3A_105, %dma_start3A_106, %dma_start3A_107] : memref<3x128x128xf32, #tpu.memory_space<vmem>> -> memref<1x128x128xf32, #tpu.memory_space<vmem>>
      %dma_start3A_109 = tpu.memref_squeeze %dma_start3A_108 : memref<1x128x128xf32, #tpu.memory_space<vmem>> -> memref<128x128xf32, #tpu.memory_space<vmem>>
      %dma_start3A_110 = arith.constant 0 : i32
      %dma_start3A_111 = tpu.memref_slice %arg9[%dma_start3A_104, %dma_start3A_110] : memref<4x128xi32, #tpu.memory_space<vmem>> -> memref<1x128xi32, #tpu.memory_space<vmem>>
      %dma_start3A_112 = tpu.memref_squeeze %dma_start3A_111 : memref<1x128xi32, #tpu.memory_space<vmem>> -> memref<128xi32, #tpu.memory_space<vmem>>
      %dma_start3A_113 = arith.constant 0 : i32
      %dma_start3A_114 = arith.constant 0 : i32
      %dma_start3A_115 = tpu.memref_slice %arg3[%dma_start3A_113, %dma_start3A_114] : memref<10000x128xf32, #tpu.memory_space<hbm>> -> memref<10000x128xf32, #tpu.memory_space<hbm>>
      tpu.enqueue_indirect_dma source(%dma_start3A_115 : memref<10000x128xf32, #tpu.memory_space<hbm>>) target(%dma_start3A_109 : memref<128x128xf32, #tpu.memory_space<vmem>>) offsets(%dma_start3A_112 : memref<128xi32, #tpu.memory_space<vmem>>) semaphore(%arg13 : memref<!tpu.dma_semaphore, #tpu.memory_space<semaphore_mem>>)
      %dma_wait3A = arith.constant 1 : i32
      %dma_wait3A_116 = arith.constant 1 : i32
      %dma_wait3A_117 = arith.constant 0 : i32
      %dma_wait3A_118 = tpu.memref_slice %arg9[%dma_wait3A_116, %dma_wait3A_117] : memref<4x128xi32, #tpu.memory_space<vmem>> -> memref<1x128xi32, #tpu.memory_space<vmem>>
      %dma_wait3A_119 = tpu.memref_squeeze %dma_wait3A_118 : memref<1x128xi32, #tpu.memory_space<vmem>> -> memref<128xi32, #tpu.memory_space<vmem>>
      %dma_wait3A_120 = arith.constant 0 : i32
      %dma_wait3A_121 = tpu.memref_slice %arg4[%arg1, %dma_wait3A, %dma_wait3A_120] : memref<16x79x128xi32, #tpu.memory_space<hbm>> -> memref<1x1x128xi32, #tpu.memory_space<hbm>>
      %dma_wait3A_122 = tpu.memref_squeeze %dma_wait3A_121 : memref<1x1x128xi32, #tpu.memory_space<hbm>> -> memref<128xi32, #tpu.memory_space<hbm>>
      %dma_wait3A_123 = arith.constant 0 : i32
      %dma_wait3A_124 = tpu.memref_slice %arg9[%dma_wait3A_116, %dma_wait3A_123] : memref<4x128xi32, #tpu.memory_space<vmem>> -> memref<1x128xi32, #tpu.memory_space<vmem>>
      %dma_wait3A_125 = tpu.memref_squeeze %dma_wait3A_124 : memref<1x128xi32, #tpu.memory_space<vmem>> -> memref<128xi32, #tpu.memory_space<vmem>>
      %dma_wait3A_126 = arith.constant 0 : i32
      %dma_wait3A_127 = tpu.memref_slice %arg4[%arg1, %dma_wait3A, %dma_wait3A_126] : memref<16x79x128xi32, #tpu.memory_space<hbm>> -> memref<1x1x128xi32, #tpu.memory_space<hbm>>
      %dma_wait3A_128 = tpu.memref_squeeze %dma_wait3A_127 : memref<1x1x128xi32, #tpu.memory_space<hbm>> -> memref<128xi32, #tpu.memory_space<hbm>>
      tpu.wait_dma2 semaphore(%arg14 : memref<!tpu.dma_semaphore, #tpu.memory_space<semaphore_mem>>) src(%dma_wait3A_128 : memref<128xi32, #tpu.memory_space<hbm>>) dst(%dma_wait3A_125 : memref<128xi32, #tpu.memory_space<vmem>>)
      %dma_wait3A_129 = arith.constant 1 : i32
      %dma_wait3A_130 = arith.constant 1 : i32
      %dma_wait3A_131 = arith.constant 0 : i32
      %dma_wait3A_132 = tpu.memref_slice %arg10[%dma_wait3A_130, %dma_wait3A_131] : memref<4x128xi32, #tpu.memory_space<vmem>> -> memref<1x128xi32, #tpu.memory_space<vmem>>
      %dma_wait3A_133 = tpu.memref_squeeze %dma_wait3A_132 : memref<1x128xi32, #tpu.memory_space<vmem>> -> memref<128xi32, #tpu.memory_space<vmem>>
      %dma_wait3A_134 = arith.constant 0 : i32
      %dma_wait3A_135 = tpu.memref_slice %arg5[%arg1, %dma_wait3A_129, %dma_wait3A_134] : memref<16x79x128xi32, #tpu.memory_space<hbm>> -> memref<1x1x128xi32, #tpu.memory_space<hbm>>
      %dma_wait3A_136 = tpu.memref_squeeze %dma_wait3A_135 : memref<1x1x128xi32, #tpu.memory_space<hbm>> -> memref<128xi32, #tpu.memory_space<hbm>>
      %dma_wait3A_137 = arith.constant 0 : i32
      %dma_wait3A_138 = tpu.memref_slice %arg10[%dma_wait3A_130, %dma_wait3A_137] : memref<4x128xi32, #tpu.memory_space<vmem>> -> memref<1x128xi32, #tpu.memory_space<vmem>>
      %dma_wait3A_139 = tpu.memref_squeeze %dma_wait3A_138 : memref<1x128xi32, #tpu.memory_space<vmem>> -> memref<128xi32, #tpu.memory_space<vmem>>
      %dma_wait3A_140 = arith.constant 0 : i32
      %dma_wait3A_141 = tpu.memref_slice %arg5[%arg1, %dma_wait3A_129, %dma_wait3A_140] : memref<16x79x128xi32, #tpu.memory_space<hbm>> -> memref<1x1x128xi32, #tpu.memory_space<hbm>>
      %dma_wait3A_142 = tpu.memref_squeeze %dma_wait3A_141 : memref<1x1x128xi32, #tpu.memory_space<hbm>> -> memref<128xi32, #tpu.memory_space<hbm>>
      tpu.wait_dma2 semaphore(%arg14 : memref<!tpu.dma_semaphore, #tpu.memory_space<semaphore_mem>>) src(%dma_wait3A_142 : memref<128xi32, #tpu.memory_space<hbm>>) dst(%dma_wait3A_139 : memref<128xi32, #tpu.memory_space<vmem>>)
      %dma_start3A_143 = arith.constant 1 : i32
      %dma_start3A_144 = arith.constant 1 : i32
      %dma_start3A_145 = arith.constant 0 : i32
      %dma_start3A_146 = arith.constant 0 : i32
      %dma_start3A_147 = tpu.memref_slice %arg11[%dma_start3A_144, %dma_start3A_145, %dma_start3A_146] : memref<3x128x128xf32, #tpu.memory_space<vmem>> -> memref<1x128x128xf32, #tpu.memory_space<vmem>>
      %dma_start3A_148 = tpu.memref_squeeze %dma_start3A_147 : memref<1x128x128xf32, #tpu.memory_space<vmem>> -> memref<128x128xf32, #tpu.memory_space<vmem>>
      %dma_start3A_149 = arith.constant 0 : i32
      %dma_start3A_150 = tpu.memref_slice %arg9[%dma_start3A_143, %dma_start3A_149] : memref<4x128xi32, #tpu.memory_space<vmem>> -> memref<1x128xi32, #tpu.memory_space<vmem>>
      %dma_start3A_151 = tpu.memref_squeeze %dma_start3A_150 : memref<1x128xi32, #tpu.memory_space<vmem>> -> memref<128xi32, #tpu.memory_space<vmem>>
      %dma_start3A_152 = arith.constant 0 : i32
      %dma_start3A_153 = arith.constant 0 : i32
      %dma_start3A_154 = tpu.memref_slice %arg3[%dma_start3A_152, %dma_start3A_153] : memref<10000x128xf32, #tpu.memory_space<hbm>> -> memref<10000x128xf32, #tpu.memory_space<hbm>>
      tpu.enqueue_indirect_dma source(%dma_start3A_154 : memref<10000x128xf32, #tpu.memory_space<hbm>>) target(%dma_start3A_148 : memref<128x128xf32, #tpu.memory_space<vmem>>) offsets(%dma_start3A_151 : memref<128xi32, #tpu.memory_space<vmem>>) semaphore(%arg13 : memref<!tpu.dma_semaphore, #tpu.memory_space<semaphore_mem>>)
      %dma_wait3A_155 = arith.constant 2 : i32
      %dma_wait3A_156 = arith.constant 2 : i32
      %dma_wait3A_157 = arith.constant 0 : i32
      %dma_wait3A_158 = tpu.memref_slice %arg9[%dma_wait3A_156, %dma_wait3A_157] : memref<4x128xi32, #tpu.memory_space<vmem>> -> memref<1x128xi32, #tpu.memory_space<vmem>>
      %dma_wait3A_159 = tpu.memref_squeeze %dma_wait3A_158 : memref<1x128xi32, #tpu.memory_space<vmem>> -> memref<128xi32, #tpu.memory_space<vmem>>
      %dma_wait3A_160 = arith.constant 0 : i32
      %dma_wait3A_161 = tpu.memref_slice %arg4[%arg1, %dma_wait3A_155, %dma_wait3A_160] : memref<16x79x128xi32, #tpu.memory_space<hbm>> -> memref<1x1x128xi32, #tpu.memory_space<hbm>>
      %dma_wait3A_162 = tpu.memref_squeeze %dma_wait3A_161 : memref<1x1x128xi32, #tpu.memory_space<hbm>> -> memref<128xi32, #tpu.memory_space<hbm>>
      %dma_wait3A_163 = arith.constant 0 : i32
      %dma_wait3A_164 = tpu.memref_slice %arg9[%dma_wait3A_156, %dma_wait3A_163] : memref<4x128xi32, #tpu.memory_space<vmem>> -> memref<1x128xi32, #tpu.memory_space<vmem>>
      %dma_wait3A_165 = tpu.memref_squeeze %dma_wait3A_164 : memref<1x128xi32, #tpu.memory_space<vmem>> -> memref<128xi32, #tpu.memory_space<vmem>>
      %dma_wait3A_166 = arith.constant 0 : i32
      %dma_wait3A_167 = tpu.memref_slice %arg4[%arg1, %dma_wait3A_155, %dma_wait3A_166] : memref<16x79x128xi32, #tpu.memory_space<hbm>> -> memref<1x1x128xi32, #tpu.memory_space<hbm>>
      %dma_wait3A_168 = tpu.memref_squeeze %dma_wait3A_167 : memref<1x1x128xi32, #tpu.memory_space<hbm>> -> memref<128xi32, #tpu.memory_space<hbm>>
      tpu.wait_dma2 semaphore(%arg14 : memref<!tpu.dma_semaphore, #tpu.memory_space<semaphore_mem>>) src(%dma_wait3A_168 : memref<128xi32, #tpu.memory_space<hbm>>) dst(%dma_wait3A_165 : memref<128xi32, #tpu.memory_space<vmem>>)
      %dma_wait3A_169 = arith.constant 2 : i32
      %dma_wait3A_170 = arith.constant 2 : i32
      %dma_wait3A_171 = arith.constant 0 : i32
      %dma_wait3A_172 = tpu.memref_slice %arg10[%dma_wait3A_170, %dma_wait3A_171] : memref<4x128xi32, #tpu.memory_space<vmem>> -> memref<1x128xi32, #tpu.memory_space<vmem>>
      %dma_wait3A_173 = tpu.memref_squeeze %dma_wait3A_172 : memref<1x128xi32, #tpu.memory_space<vmem>> -> memref<128xi32, #tpu.memory_space<vmem>>
      %dma_wait3A_174 = arith.constant 0 : i32
      %dma_wait3A_175 = tpu.memref_slice %arg5[%arg1, %dma_wait3A_169, %dma_wait3A_174] : memref<16x79x128xi32, #tpu.memory_space<hbm>> -> memref<1x1x128xi32, #tpu.memory_space<hbm>>
      %dma_wait3A_176 = tpu.memref_squeeze %dma_wait3A_175 : memref<1x1x128xi32, #tpu.memory_space<hbm>> -> memref<128xi32, #tpu.memory_space<hbm>>
      %dma_wait3A_177 = arith.constant 0 : i32
      %dma_wait3A_178 = tpu.memref_slice %arg10[%dma_wait3A_170, %dma_wait3A_177] : memref<4x128xi32, #tpu.memory_space<vmem>> -> memref<1x128xi32, #tpu.memory_space<vmem>>
      %dma_wait3A_179 = tpu.memref_squeeze %dma_wait3A_178 : memref<1x128xi32, #tpu.memory_space<vmem>> -> memref<128xi32, #tpu.memory_space<vmem>>
      %dma_wait3A_180 = arith.constant 0 : i32
      %dma_wait3A_181 = tpu.memref_slice %arg5[%arg1, %dma_wait3A_169, %dma_wait3A_180] : memref<16x79x128xi32, #tpu.memory_space<hbm>> -> memref<1x1x128xi32, #tpu.memory_space<hbm>>
      %dma_wait3A_182 = tpu.memref_squeeze %dma_wait3A_181 : memref<1x1x128xi32, #tpu.memory_space<hbm>> -> memref<128xi32, #tpu.memory_space<hbm>>
      tpu.wait_dma2 semaphore(%arg14 : memref<!tpu.dma_semaphore, #tpu.memory_space<semaphore_mem>>) src(%dma_wait3A_182 : memref<128xi32, #tpu.memory_space<hbm>>) dst(%dma_wait3A_179 : memref<128xi32, #tpu.memory_space<vmem>>)
      %dma_start3A_183 = arith.constant 2 : i32
      %dma_start3A_184 = arith.constant 2 : i32
      %dma_start3A_185 = arith.constant 0 : i32
      %dma_start3A_186 = arith.constant 0 : i32
      %dma_start3A_187 = tpu.memref_slice %arg11[%dma_start3A_184, %dma_start3A_185, %dma_start3A_186] : memref<3x128x128xf32, #tpu.memory_space<vmem>> -> memref<1x128x128xf32, #tpu.memory_space<vmem>>
      %dma_start3A_188 = tpu.memref_squeeze %dma_start3A_187 : memref<1x128x128xf32, #tpu.memory_space<vmem>> -> memref<128x128xf32, #tpu.memory_space<vmem>>
      %dma_start3A_189 = arith.constant 0 : i32
      %dma_start3A_190 = tpu.memref_slice %arg9[%dma_start3A_183, %dma_start3A_189] : memref<4x128xi32, #tpu.memory_space<vmem>> -> memref<1x128xi32, #tpu.memory_space<vmem>>
      %dma_start3A_191 = tpu.memref_squeeze %dma_start3A_190 : memref<1x128xi32, #tpu.memory_space<vmem>> -> memref<128xi32, #tpu.memory_space<vmem>>
      %dma_start3A_192 = arith.constant 0 : i32
      %dma_start3A_193 = arith.constant 0 : i32
      %dma_start3A_194 = tpu.memref_slice %arg3[%dma_start3A_192, %dma_start3A_193] : memref<10000x128xf32, #tpu.memory_space<hbm>> -> memref<10000x128xf32, #tpu.memory_space<hbm>>
      tpu.enqueue_indirect_dma source(%dma_start3A_194 : memref<10000x128xf32, #tpu.memory_space<hbm>>) target(%dma_start3A_188 : memref<128x128xf32, #tpu.memory_space<vmem>>) offsets(%dma_start3A_191 : memref<128xi32, #tpu.memory_space<vmem>>) semaphore(%arg13 : memref<!tpu.dma_semaphore, #tpu.memory_space<semaphore_mem>>)
      %scan3A = arith.constant 0 : i32
      %scan3A_195 = arith.constant 0 : i32
      %scan3A_196 = arith.constant 79 : i32
      %scan3A_197 = arith.addi %scan3A_195, %scan3A_196 : i32
      %scan3A_198 = arith.constant 1 : i32
      scf.for %scan3A_200 = %scan3A_195 to %scan3A_197 step %scan3A_198  : i32 {
        %rem3A = arith.constant 3 : i32
        %rem3A_201 = arith.remsi %scan3A_200, %rem3A : i32
        %rem3A_202 = arith.constant 4 : i32
        %rem3A_203 = arith.remsi %scan3A_200, %rem3A_202 : i32
        %dma_wait3A_204 = arith.constant 0 : i32
        %dma_wait3A_205 = arith.constant 0 : i32
        %dma_wait3A_206 = tpu.memref_slice %arg11[%rem3A_201, %dma_wait3A_204, %dma_wait3A_205] : memref<3x128x128xf32, #tpu.memory_space<vmem>> -> memref<1x128x128xf32, #tpu.memory_space<vmem>>
        %dma_wait3A_207 = tpu.memref_squeeze %dma_wait3A_206 : memref<1x128x128xf32, #tpu.memory_space<vmem>> -> memref<128x128xf32, #tpu.memory_space<vmem>>
        %dma_wait3A_208 = arith.constant 0 : i32
        %dma_wait3A_209 = tpu.memref_slice %arg9[%rem3A_203, %dma_wait3A_208] : memref<4x128xi32, #tpu.memory_space<vmem>> -> memref<1x128xi32, #tpu.memory_space<vmem>>
        %dma_wait3A_210 = tpu.memref_squeeze %dma_wait3A_209 : memref<1x128xi32, #tpu.memory_space<vmem>> -> memref<128xi32, #tpu.memory_space<vmem>>
        %dma_wait3A_211 = arith.constant 0 : i32
        %dma_wait3A_212 = arith.constant 0 : i32
        %dma_wait3A_213 = tpu.memref_slice %arg3[%dma_wait3A_211, %dma_wait3A_212] : memref<10000x128xf32, #tpu.memory_space<hbm>> -> memref<10000x128xf32, #tpu.memory_space<hbm>>
        tpu.wait_indirect_dma semaphore(%arg13 : memref<!tpu.dma_semaphore, #tpu.memory_space<semaphore_mem>>) src(%dma_wait3A_213 : memref<10000x128xf32, #tpu.memory_space<hbm>>) dst(%dma_wait3A_207 : memref<128x128xf32, #tpu.memory_space<vmem>>)
        "tpu.region"() ({
          %run_scoped3A_227 = tpu.sem_alloc : memref<!tpu.dma_semaphore, #tpu.memory_space<semaphore_mem>>
          %dma_start3A_228 = arith.constant 0 : i32
          %dma_start3A_229 = arith.constant 0 : i32
          %dma_start3A_230 = tpu.memref_slice %arg11[%rem3A_201, %dma_start3A_228, %dma_start3A_229] : memref<3x128x128xf32, #tpu.memory_space<vmem>> -> memref<1x128x128xf32, #tpu.memory_space<vmem>>
          %dma_start3A_231 = tpu.memref_squeeze %dma_start3A_230 : memref<1x128x128xf32, #tpu.memory_space<vmem>> -> memref<128x128xf32, #tpu.memory_space<vmem>>
          %dma_start3A_232 = arith.constant 0 : i32
          %dma_start3A_233 = tpu.memref_slice %arg10[%rem3A_203, %dma_start3A_232] : memref<4x128xi32, #tpu.memory_space<vmem>> -> memref<1x128xi32, #tpu.memory_space<vmem>>
          %dma_start3A_234 = tpu.memref_squeeze %dma_start3A_233 : memref<1x128xi32, #tpu.memory_space<vmem>> -> memref<128xi32, #tpu.memory_space<vmem>>
          %dma_start3A_235 = arith.constant 0 : i32
          %dma_start3A_236 = arith.constant 0 : i32
          %dma_start3A_237 = tpu.memref_slice %arg12[%dma_start3A_235, %dma_start3A_236] : memref<10008x128xf32, #tpu.memory_space<vmem_shared>> -> memref<10008x128xf32, #tpu.memory_space<vmem_shared>>
          tpu.enqueue_indirect_dma source(%dma_start3A_231 : memref<128x128xf32, #tpu.memory_space<vmem>>) target(%dma_start3A_237 : memref<10008x128xf32, #tpu.memory_space<vmem_shared>>) offsets(%dma_start3A_234 : memref<128xi32, #tpu.memory_space<vmem>>) semaphore(%run_scoped3A_227 : memref<!tpu.dma_semaphore, #tpu.memory_space<semaphore_mem>>) {add = true}
          %dma_wait3A_238 = arith.constant 0 : i32
          %dma_wait3A_239 = arith.constant 0 : i32
          %dma_wait3A_240 = tpu.memref_slice %arg11[%rem3A_201, %dma_wait3A_238, %dma_wait3A_239] : memref<3x128x128xf32, #tpu.memory_space<vmem>> -> memref<1x128x128xf32, #tpu.memory_space<vmem>>
          %dma_wait3A_241 = tpu.memref_squeeze %dma_wait3A_240 : memref<1x128x128xf32, #tpu.memory_space<vmem>> -> memref<128x128xf32, #tpu.memory_space<vmem>>
          %dma_wait3A_242 = arith.constant 0 : i32
          %dma_wait3A_243 = tpu.memref_slice %arg10[%rem3A_203, %dma_wait3A_242] : memref<4x128xi32, #tpu.memory_space<vmem>> -> memref<1x128xi32, #tpu.memory_space<vmem>>
          %dma_wait3A_244 = tpu.memref_squeeze %dma_wait3A_243 : memref<1x128xi32, #tpu.memory_space<vmem>> -> memref<128xi32, #tpu.memory_space<vmem>>
          %dma_wait3A_245 = arith.constant 0 : i32
          %dma_wait3A_246 = arith.constant 0 : i32
          %dma_wait3A_247 = tpu.memref_slice %arg12[%dma_wait3A_245, %dma_wait3A_246] : memref<10008x128xf32, #tpu.memory_space<vmem_shared>> -> memref<10008x128xf32, #tpu.memory_space<vmem_shared>>
          tpu.wait_indirect_dma semaphore(%run_scoped3A_227 : memref<!tpu.dma_semaphore, #tpu.memory_space<semaphore_mem>>) src(%dma_wait3A_241 : memref<128x128xf32, #tpu.memory_space<vmem>>) dst(%dma_wait3A_247 : memref<10008x128xf32, #tpu.memory_space<vmem_shared>>)
          tpu.yield
        }) : () -> ()
        %add3A = arith.constant 3 : i32
        %add3A_214 = arith.addi %scan3A_200, %add3A : i32
        %lt3A_215 = arith.constant 79 : i32
        %lt3A_216 = arith.cmpi slt, %add3A_214, %lt3A_215 : i32
        %convert_element_type3A_217 = arith.extui %lt3A_216 : i1 to i32
        %cond3A_218 = arith.constant 0 : i32
        %cond3A_219 = arith.cmpi ne, %convert_element_type3A_217, %cond3A_218 : i32
        scf.if %cond3A_219 {
          %add3A_227 = arith.constant 3 : i32
          %add3A_228 = arith.addi %scan3A_200, %add3A_227 : i32
          %rem3A_229 = arith.constant 4 : i32
          %rem3A_230 = arith.remsi %add3A_228, %rem3A_229 : i32
          %add3A_231 = arith.constant 3 : i32
          %add3A_232 = arith.addi %scan3A_200, %add3A_231 : i32
          %dma_wait3A_233 = arith.constant 0 : i32
          %dma_wait3A_234 = tpu.memref_slice %arg9[%rem3A_230, %dma_wait3A_233] : memref<4x128xi32, #tpu.memory_space<vmem>> -> memref<1x128xi32, #tpu.memory_space<vmem>>
          %dma_wait3A_235 = tpu.memref_squeeze %dma_wait3A_234 : memref<1x128xi32, #tpu.memory_space<vmem>> -> memref<128xi32, #tpu.memory_space<vmem>>
          %dma_wait3A_236 = arith.constant 0 : i32
          %dma_wait3A_237 = tpu.memref_slice %arg4[%arg1, %add3A_232, %dma_wait3A_236] : memref<16x79x128xi32, #tpu.memory_space<hbm>> -> memref<1x1x128xi32, #tpu.memory_space<hbm>>
          %dma_wait3A_238 = tpu.memref_squeeze %dma_wait3A_237 : memref<1x1x128xi32, #tpu.memory_space<hbm>> -> memref<128xi32, #tpu.memory_space<hbm>>
          %dma_wait3A_239 = arith.constant 0 : i32
          %dma_wait3A_240 = tpu.memref_slice %arg9[%rem3A_230, %dma_wait3A_239] : memref<4x128xi32, #tpu.memory_space<vmem>> -> memref<1x128xi32, #tpu.memory_space<vmem>>
          %dma_wait3A_241 = tpu.memref_squeeze %dma_wait3A_240 : memref<1x128xi32, #tpu.memory_space<vmem>> -> memref<128xi32, #tpu.memory_space<vmem>>
          %dma_wait3A_242 = arith.constant 0 : i32
          %dma_wait3A_243 = tpu.memref_slice %arg4[%arg1, %add3A_232, %dma_wait3A_242] : memref<16x79x128xi32, #tpu.memory_space<hbm>> -> memref<1x1x128xi32, #tpu.memory_space<hbm>>
          %dma_wait3A_244 = tpu.memref_squeeze %dma_wait3A_243 : memref<1x1x128xi32, #tpu.memory_space<hbm>> -> memref<128xi32, #tpu.memory_space<hbm>>
          tpu.wait_dma2 semaphore(%arg14 : memref<!tpu.dma_semaphore, #tpu.memory_space<semaphore_mem>>) src(%dma_wait3A_244 : memref<128xi32, #tpu.memory_space<hbm>>) dst(%dma_wait3A_241 : memref<128xi32, #tpu.memory_space<vmem>>)
          %dma_wait3A_245 = arith.constant 0 : i32
          %dma_wait3A_246 = tpu.memref_slice %arg10[%rem3A_230, %dma_wait3A_245] : memref<4x128xi32, #tpu.memory_space<vmem>> -> memref<1x128xi32, #tpu.memory_space<vmem>>
          %dma_wait3A_247 = tpu.memref_squeeze %dma_wait3A_246 : memref<1x128xi32, #tpu.memory_space<vmem>> -> memref<128xi32, #tpu.memory_space<vmem>>
          %dma_wait3A_248 = arith.constant 0 : i32
          %dma_wait3A_249 = tpu.memref_slice %arg5[%arg1, %add3A_232, %dma_wait3A_248] : memref<16x79x128xi32, #tpu.memory_space<hbm>> -> memref<1x1x128xi32, #tpu.memory_space<hbm>>
          %dma_wait3A_250 = tpu.memref_squeeze %dma_wait3A_249 : memref<1x1x128xi32, #tpu.memory_space<hbm>> -> memref<128xi32, #tpu.memory_space<hbm>>
          %dma_wait3A_251 = arith.constant 0 : i32
          %dma_wait3A_252 = tpu.memref_slice %arg10[%rem3A_230, %dma_wait3A_251] : memref<4x128xi32, #tpu.memory_space<vmem>> -> memref<1x128xi32, #tpu.memory_space<vmem>>
          %dma_wait3A_253 = tpu.memref_squeeze %dma_wait3A_252 : memref<1x128xi32, #tpu.memory_space<vmem>> -> memref<128xi32, #tpu.memory_space<vmem>>
          %dma_wait3A_254 = arith.constant 0 : i32
          %dma_wait3A_255 = tpu.memref_slice %arg5[%arg1, %add3A_232, %dma_wait3A_254] : memref<16x79x128xi32, #tpu.memory_space<hbm>> -> memref<1x1x128xi32, #tpu.memory_space<hbm>>
          %dma_wait3A_256 = tpu.memref_squeeze %dma_wait3A_255 : memref<1x1x128xi32, #tpu.memory_space<hbm>> -> memref<128xi32, #tpu.memory_space<hbm>>
          tpu.wait_dma2 semaphore(%arg14 : memref<!tpu.dma_semaphore, #tpu.memory_space<semaphore_mem>>) src(%dma_wait3A_256 : memref<128xi32, #tpu.memory_space<hbm>>) dst(%dma_wait3A_253 : memref<128xi32, #tpu.memory_space<vmem>>)
          %dma_start3A_257 = arith.constant 0 : i32
          %dma_start3A_258 = arith.constant 0 : i32
          %dma_start3A_259 = tpu.memref_slice %arg11[%rem3A_201, %dma_start3A_257, %dma_start3A_258] : memref<3x128x128xf32, #tpu.memory_space<vmem>> -> memref<1x128x128xf32, #tpu.memory_space<vmem>>
          %dma_start3A_260 = tpu.memref_squeeze %dma_start3A_259 : memref<1x128x128xf32, #tpu.memory_space<vmem>> -> memref<128x128xf32, #tpu.memory_space<vmem>>
          %dma_start3A_261 = arith.constant 0 : i32
          %dma_start3A_262 = tpu.memref_slice %arg9[%rem3A_230, %dma_start3A_261] : memref<4x128xi32, #tpu.memory_space<vmem>> -> memref<1x128xi32, #tpu.memory_space<vmem>>
          %dma_start3A_263 = tpu.memref_squeeze %dma_start3A_262 : memref<1x128xi32, #tpu.memory_space<vmem>> -> memref<128xi32, #tpu.memory_space<vmem>>
          %dma_start3A_264 = arith.constant 0 : i32
          %dma_start3A_265 = arith.constant 0 : i32
          %dma_start3A_266 = tpu.memref_slice %arg3[%dma_start3A_264, %dma_start3A_265] : memref<10000x128xf32, #tpu.memory_space<hbm>> -> memref<10000x128xf32, #tpu.memory_space<hbm>>
          tpu.enqueue_indirect_dma source(%dma_start3A_266 : memref<10000x128xf32, #tpu.memory_space<hbm>>) target(%dma_start3A_260 : memref<128x128xf32, #tpu.memory_space<vmem>>) offsets(%dma_start3A_263 : memref<128xi32, #tpu.memory_space<vmem>>) semaphore(%arg13 : memref<!tpu.dma_semaphore, #tpu.memory_space<semaphore_mem>>)
        } else {
        }
        %add3A_220 = arith.constant 4 : i32
        %add3A_221 = arith.addi %scan3A_200, %add3A_220 : i32
        %lt3A_222 = arith.constant 79 : i32
        %lt3A_223 = arith.cmpi slt, %add3A_221, %lt3A_222 : i32
        %convert_element_type3A_224 = arith.extui %lt3A_223 : i1 to i32
        %cond3A_225 = arith.constant 0 : i32
        %cond3A_226 = arith.cmpi ne, %convert_element_type3A_224, %cond3A_225 : i32
        scf.if %cond3A_226 {
          %add3A_227 = arith.constant 4 : i32
          %add3A_228 = arith.addi %scan3A_200, %add3A_227 : i32
          %dma_start3A_229 = arith.constant 0 : i32
          %dma_start3A_230 = tpu.memref_slice %arg9[%rem3A_203, %dma_start3A_229] : memref<4x128xi32, #tpu.memory_space<vmem>> -> memref<1x128xi32, #tpu.memory_space<vmem>>
          %dma_start3A_231 = tpu.memref_squeeze %dma_start3A_230 : memref<1x128xi32, #tpu.memory_space<vmem>> -> memref<128xi32, #tpu.memory_space<vmem>>
          %dma_start3A_232 = arith.constant 0 : i32
          %dma_start3A_233 = tpu.memref_slice %arg4[%arg1, %add3A_228, %dma_start3A_232] : memref<16x79x128xi32, #tpu.memory_space<hbm>> -> memref<1x1x128xi32, #tpu.memory_space<hbm>>
          %dma_start3A_234 = tpu.memref_squeeze %dma_start3A_233 : memref<1x1x128xi32, #tpu.memory_space<hbm>> -> memref<128xi32, #tpu.memory_space<hbm>>
          %dma_start3A_235 = arith.constant 0 : i32
          %dma_start3A_236 = tpu.memref_slice %arg9[%rem3A_203, %dma_start3A_235] : memref<4x128xi32, #tpu.memory_space<vmem>> -> memref<1x128xi32, #tpu.memory_space<vmem>>
          %dma_start3A_237 = tpu.memref_squeeze %dma_start3A_236 : memref<1x128xi32, #tpu.memory_space<vmem>> -> memref<128xi32, #tpu.memory_space<vmem>>
          %dma_start3A_238 = arith.constant 0 : i32
          %dma_start3A_239 = tpu.memref_slice %arg4[%arg1, %add3A_228, %dma_start3A_238] : memref<16x79x128xi32, #tpu.memory_space<hbm>> -> memref<1x1x128xi32, #tpu.memory_space<hbm>>
          %dma_start3A_240 = tpu.memref_squeeze %dma_start3A_239 : memref<1x1x128xi32, #tpu.memory_space<hbm>> -> memref<128xi32, #tpu.memory_space<hbm>>
          tpu.enqueue_dma source(%dma_start3A_240 : memref<128xi32, #tpu.memory_space<hbm>>) target(%dma_start3A_237 : memref<128xi32, #tpu.memory_space<vmem>>) target_semaphore(%arg14 : memref<!tpu.dma_semaphore, #tpu.memory_space<semaphore_mem>>)
          %add3A_241 = arith.constant 4 : i32
          %add3A_242 = arith.addi %scan3A_200, %add3A_241 : i32
          %dma_start3A_243 = arith.constant 0 : i32
          %dma_start3A_244 = tpu.memref_slice %arg10[%rem3A_203, %dma_start3A_243] : memref<4x128xi32, #tpu.memory_space<vmem>> -> memref<1x128xi32, #tpu.memory_space<vmem>>
          %dma_start3A_245 = tpu.memref_squeeze %dma_start3A_244 : memref<1x128xi32, #tpu.memory_space<vmem>> -> memref<128xi32, #tpu.memory_space<vmem>>
          %dma_start3A_246 = arith.constant 0 : i32
          %dma_start3A_247 = tpu.memref_slice %arg5[%arg1, %add3A_242, %dma_start3A_246] : memref<16x79x128xi32, #tpu.memory_space<hbm>> -> memref<1x1x128xi32, #tpu.memory_space<hbm>>
          %dma_start3A_248 = tpu.memref_squeeze %dma_start3A_247 : memref<1x1x128xi32, #tpu.memory_space<hbm>> -> memref<128xi32, #tpu.memory_space<hbm>>
          %dma_start3A_249 = arith.constant 0 : i32
          %dma_start3A_250 = tpu.memref_slice %arg10[%rem3A_203, %dma_start3A_249] : memref<4x128xi32, #tpu.memory_space<vmem>> -> memref<1x128xi32, #tpu.memory_space<vmem>>
          %dma_start3A_251 = tpu.memref_squeeze %dma_start3A_250 : memref<1x128xi32, #tpu.memory_space<vmem>> -> memref<128xi32, #tpu.memory_space<vmem>>
          %dma_start3A_252 = arith.constant 0 : i32
          %dma_start3A_253 = tpu.memref_slice %arg5[%arg1, %add3A_242, %dma_start3A_252] : memref<16x79x128xi32, #tpu.memory_space<hbm>> -> memref<1x1x128xi32, #tpu.memory_space<hbm>>
          %dma_start3A_254 = tpu.memref_squeeze %dma_start3A_253 : memref<1x1x128xi32, #tpu.memory_space<hbm>> -> memref<128xi32, #tpu.memory_space<hbm>>
          tpu.enqueue_dma source(%dma_start3A_254 : memref<128xi32, #tpu.memory_space<hbm>>) target(%dma_start3A_251 : memref<128xi32, #tpu.memory_space<vmem>>) target_semaphore(%arg14 : memref<!tpu.dma_semaphore, #tpu.memory_space<semaphore_mem>>)
        } else {
        }
      }
      %scan3A_199 = arith.constant 79 : i32
    } else {
    }
    %barrier3A_14 = arith.constant 0 : index
    tpu.barrier barrier_id(%barrier3A_14)
    %mul3A = arith.constant 1000 : i32
    %mul3A_15 = arith.muli %arg1, %mul3A : i32
    %lt3A_16 = arith.constant 10 : i32
    %lt3A_17 = arith.cmpi slt, %arg1, %lt3A_16 : i32
    %convert_element_type3A_18 = arith.extui %lt3A_17 : i1 to i32
    %cond3A_19 = arith.constant 0 : i32
    %cond3A_20 = arith.cmpi ne, %convert_element_type3A_18, %cond3A_19 : i32
    scf.if %cond3A_20 {
      %eq3A_21 = arith.constant 0 : i32
      %eq3A_22 = arith.cmpi eq, %arg0, %eq3A_21 : i32
      %convert_element_type3A_23 = arith.extui %eq3A_22 : i1 to i32
      %cond3A_24 = arith.constant 0 : i32
      %cond3A_25 = arith.cmpi ne, %convert_element_type3A_23, %cond3A_24 : i32
      scf.if %cond3A_25 {
        "tpu.region"() ({
          %run_scoped3A_31 = tpu.sem_alloc : memref<!tpu.dma_semaphore, #tpu.memory_space<semaphore_mem>>
          %dma_start3A = arith.constant 0 : i32
          %dma_start3A_32 = tpu.memref_slice %arg7[%mul3A_15, %dma_start3A] : memref<10000x128xf32, #tpu.memory_space<hbm>> -> memref<1000x128xf32, #tpu.memory_space<hbm>>
          %dma_start3A_33 = arith.constant 0 : i32
          %dma_start3A_34 = tpu.memref_slice %arg12[%mul3A_15, %dma_start3A_33] : memref<10008x128xf32, #tpu.memory_space<vmem_shared>> -> memref<1000x128xf32, #tpu.memory_space<vmem_shared>>
          tpu.enqueue_dma source(%dma_start3A_34 : memref<1000x128xf32, #tpu.memory_space<vmem_shared>>) target(%dma_start3A_32 : memref<1000x128xf32, #tpu.memory_space<hbm>>) target_semaphore(%run_scoped3A_31 : memref<!tpu.dma_semaphore, #tpu.memory_space<semaphore_mem>>)
          %dma_wait3A = arith.constant 0 : i32
          %dma_wait3A_35 = tpu.memref_slice %arg7[%mul3A_15, %dma_wait3A] : memref<10000x128xf32, #tpu.memory_space<hbm>> -> memref<1000x128xf32, #tpu.memory_space<hbm>>
          %dma_wait3A_36 = arith.constant 0 : i32
          %dma_wait3A_37 = tpu.memref_slice %arg12[%mul3A_15, %dma_wait3A_36] : memref<10008x128xf32, #tpu.memory_space<vmem_shared>> -> memref<1000x128xf32, #tpu.memory_space<vmem_shared>>
          tpu.wait_dma2 semaphore(%run_scoped3A_31 : memref<!tpu.dma_semaphore, #tpu.memory_space<semaphore_mem>>) src(%dma_wait3A_37 : memref<1000x128xf32, #tpu.memory_space<vmem_shared>>) dst(%dma_wait3A_35 : memref<1000x128xf32, #tpu.memory_space<hbm>>)
          tpu.yield
        }) : () -> ()
      } else {
      }
      %eq3A_26 = arith.constant 1 : i32
      %eq3A_27 = arith.cmpi eq, %arg0, %eq3A_26 : i32
      %convert_element_type3A_28 = arith.extui %eq3A_27 : i1 to i32
      %cond3A_29 = arith.constant 0 : i32
      %cond3A_30 = arith.cmpi ne, %convert_element_type3A_28, %cond3A_29 : i32
      scf.if %cond3A_30 {
        "tpu.region"() ({
          %run_scoped3A_31 = tpu.sem_alloc : memref<!tpu.dma_semaphore, #tpu.memory_space<semaphore_mem>>
          %dma_start3A = arith.constant 0 : i32
          %dma_start3A_32 = tpu.memref_slice %arg8[%mul3A_15, %dma_start3A] : memref<10000x128xf32, #tpu.memory_space<hbm>> -> memref<1000x128xf32, #tpu.memory_space<hbm>>
          %dma_start3A_33 = arith.constant 0 : i32
          %dma_start3A_34 = tpu.memref_slice %arg12[%mul3A_15, %dma_start3A_33] : memref<10008x128xf32, #tpu.memory_space<vmem_shared>> -> memref<1000x128xf32, #tpu.memory_space<vmem_shared>>
          tpu.enqueue_dma source(%dma_start3A_34 : memref<1000x128xf32, #tpu.memory_space<vmem_shared>>) target(%dma_start3A_32 : memref<1000x128xf32, #tpu.memory_space<hbm>>) target_semaphore(%run_scoped3A_31 : memref<!tpu.dma_semaphore, #tpu.memory_space<semaphore_mem>>)
          %dma_wait3A = arith.constant 0 : i32
          %dma_wait3A_35 = tpu.memref_slice %arg8[%mul3A_15, %dma_wait3A] : memref<10000x128xf32, #tpu.memory_space<hbm>> -> memref<1000x128xf32, #tpu.memory_space<hbm>>
          %dma_wait3A_36 = arith.constant 0 : i32
          %dma_wait3A_37 = tpu.memref_slice %arg12[%mul3A_15, %dma_wait3A_36] : memref<10008x128xf32, #tpu.memory_space<vmem_shared>> -> memref<1000x128xf32, #tpu.memory_space<vmem_shared>>
          tpu.wait_dma2 semaphore(%run_scoped3A_31 : memref<!tpu.dma_semaphore, #tpu.memory_space<semaphore_mem>>) src(%dma_wait3A_37 : memref<1000x128xf32, #tpu.memory_space<vmem_shared>>) dst(%dma_wait3A_35 : memref<1000x128xf32, #tpu.memory_space<hbm>>)
          tpu.yield
        }) : () -> ()
      } else {
      }
    } else {
    }
    return
  }
}

#map = affine_map<(d0, d1) -> (0, 0)>
#map1 = affine_map<(d0, d1) -> (0, 0, 0)>
module attributes {stable_mosaic.version = 14 : i64} {
  func.func @_seg_kernel(%arg0: i32, %arg1: i32, %arg2: memref<10000x128xf32, #tpu.memory_space<hbm>>, %arg3: memref<10000x128xf32, #tpu.memory_space<hbm>>, %arg4: memref<16x79x128xi32, #tpu.memory_space<hbm>>, %arg5: memref<16x79x128xi32, #tpu.memory_space<hbm>>, %arg6: memref<1000x128xf32, #tpu.memory_space<hbm>>, %arg7: memref<10000x128xf32, #tpu.memory_space<hbm>>, %arg8: memref<10000x128xf32, #tpu.memory_space<hbm>>, %arg9: memref<4x128xi32, #tpu.memory_space<vmem>>, %arg10: memref<4x128xi32, #tpu.memory_space<vmem>>, %arg11: memref<3x128x128xf32, #tpu.memory_space<vmem>>, %arg12: memref<10008x128xf32, #tpu.memory_space<vmem_shared>>, %arg13: memref<!tpu.dma_semaphore, #tpu.memory_space<semaphore_mem>>, %arg14: memref<!tpu.dma_semaphore, #tpu.memory_space<semaphore_mem>>) attributes {dimension_semantics = [#tpu.dimension_semantics<core_parallel>, #tpu.dimension_semantics<subcore_parallel>], iteration_bounds = array<i64: 2, 16>, scalar_prefetch = 0 : i64, scratch_operands = 6 : i64, tpu.core_type = #tpu.core_type<sc_vector_subcore>, window_params = [{transform_indices = #map}, {transform_indices = #map}, {transform_indices = #map1}, {transform_indices = #map1}, {transform_indices = #map}, {transform_indices = #map}, {transform_indices = #map}]} {
    %lt3A = arith.constant 10 : i32
    %lt3A_0 = arith.cmpi slt, %arg1, %lt3A : i32
    %convert_element_type3A = arith.extui %lt3A_0 : i1 to i32
    %cond3A = arith.constant 0 : i32
    %cond3A_1 = arith.cmpi ne, %convert_element_type3A, %cond3A : i32
    scf.if %cond3A_1 {
      %mul3A_21 = arith.constant 1000 : i32
      %mul3A_22 = arith.muli %arg1, %mul3A_21 : i32
      "tpu.region"() ({
        %run_scoped3A_23 = tpu.sem_alloc : memref<!tpu.dma_semaphore, #tpu.memory_space<semaphore_mem>>
        %dma_start3A = arith.constant 0 : i32
        %dma_start3A_24 = tpu.memref_slice %arg12[%mul3A_22, %dma_start3A] : memref<10008x128xf32, #tpu.memory_space<vmem_shared>> -> memref<1000x128xf32, #tpu.memory_space<vmem_shared>>
        tpu.enqueue_dma source(%arg6 : memref<1000x128xf32, #tpu.memory_space<hbm>>) target(%dma_start3A_24 : memref<1000x128xf32, #tpu.memory_space<vmem_shared>>) target_semaphore(%run_scoped3A_23 : memref<!tpu.dma_semaphore, #tpu.memory_space<semaphore_mem>>)
        %dma_wait3A = arith.constant 0 : i32
        %dma_wait3A_25 = tpu.memref_slice %arg12[%mul3A_22, %dma_wait3A] : memref<10008x128xf32, #tpu.memory_space<vmem_shared>> -> memref<1000x128xf32, #tpu.memory_space<vmem_shared>>
        tpu.wait_dma2 semaphore(%run_scoped3A_23 : memref<!tpu.dma_semaphore, #tpu.memory_space<semaphore_mem>>) src(%arg6 : memref<1000x128xf32, #tpu.memory_space<hbm>>) dst(%dma_wait3A_25 : memref<1000x128xf32, #tpu.memory_space<vmem_shared>>)
        tpu.yield
      }) : () -> ()
    } else {
    }
    %run_scoped3A = arith.constant 0 : i32
    %run_scoped3A_2 = arith.constant 0 : i32
    "tpu.region"() ({
      %run_scoped3A_21 = tpu.sem_alloc : memref<!tpu.dma_semaphore, #tpu.memory_space<semaphore_mem>>
      %dma_start3A = arith.constant 0 : i32
      %dma_start3A_22 = tpu.memref_slice %arg9[%run_scoped3A_2, %dma_start3A] : memref<4x128xi32, #tpu.memory_space<vmem>> -> memref<1x128xi32, #tpu.memory_space<vmem>>
      %dma_start3A_23 = tpu.memref_squeeze %dma_start3A_22 : memref<1x128xi32, #tpu.memory_space<vmem>> -> memref<128xi32, #tpu.memory_space<vmem>>
      %dma_start3A_24 = arith.constant 0 : i32
      %dma_start3A_25 = tpu.memref_slice %arg4[%arg1, %run_scoped3A, %dma_start3A_24] : memref<16x79x128xi32, #tpu.memory_space<hbm>> -> memref<1x1x128xi32, #tpu.memory_space<hbm>>
      %dma_start3A_26 = tpu.memref_squeeze %dma_start3A_25 : memref<1x1x128xi32, #tpu.memory_space<hbm>> -> memref<128xi32, #tpu.memory_space<hbm>>
      %dma_start3A_27 = arith.constant 0 : i32
      %dma_start3A_28 = tpu.memref_slice %arg9[%run_scoped3A_2, %dma_start3A_27] : memref<4x128xi32, #tpu.memory_space<vmem>> -> memref<1x128xi32, #tpu.memory_space<vmem>>
      %dma_start3A_29 = tpu.memref_squeeze %dma_start3A_28 : memref<1x128xi32, #tpu.memory_space<vmem>> -> memref<128xi32, #tpu.memory_space<vmem>>
      %dma_start3A_30 = arith.constant 0 : i32
      %dma_start3A_31 = tpu.memref_slice %arg4[%arg1, %run_scoped3A, %dma_start3A_30] : memref<16x79x128xi32, #tpu.memory_space<hbm>> -> memref<1x1x128xi32, #tpu.memory_space<hbm>>
      %dma_start3A_32 = tpu.memref_squeeze %dma_start3A_31 : memref<1x1x128xi32, #tpu.memory_space<hbm>> -> memref<128xi32, #tpu.memory_space<hbm>>
      tpu.enqueue_dma source(%dma_start3A_32 : memref<128xi32, #tpu.memory_space<hbm>>) target(%dma_start3A_29 : memref<128xi32, #tpu.memory_space<vmem>>) target_semaphore(%run_scoped3A_21 : memref<!tpu.dma_semaphore, #tpu.memory_space<semaphore_mem>>)
      %dma_wait3A = arith.constant 0 : i32
      %dma_wait3A_33 = tpu.memref_slice %arg9[%run_scoped3A_2, %dma_wait3A] : memref<4x128xi32, #tpu.memory_space<vmem>> -> memref<1x128xi32, #tpu.memory_space<vmem>>
      %dma_wait3A_34 = tpu.memref_squeeze %dma_wait3A_33 : memref<1x128xi32, #tpu.memory_space<vmem>> -> memref<128xi32, #tpu.memory_space<vmem>>
      %dma_wait3A_35 = arith.constant 0 : i32
      %dma_wait3A_36 = tpu.memref_slice %arg4[%arg1, %run_scoped3A, %dma_wait3A_35] : memref<16x79x128xi32, #tpu.memory_space<hbm>> -> memref<1x1x128xi32, #tpu.memory_space<hbm>>
      %dma_wait3A_37 = tpu.memref_squeeze %dma_wait3A_36 : memref<1x1x128xi32, #tpu.memory_space<hbm>> -> memref<128xi32, #tpu.memory_space<hbm>>
      %dma_wait3A_38 = arith.constant 0 : i32
      %dma_wait3A_39 = tpu.memref_slice %arg9[%run_scoped3A_2, %dma_wait3A_38] : memref<4x128xi32, #tpu.memory_space<vmem>> -> memref<1x128xi32, #tpu.memory_space<vmem>>
      %dma_wait3A_40 = tpu.memref_squeeze %dma_wait3A_39 : memref<1x128xi32, #tpu.memory_space<vmem>> -> memref<128xi32, #tpu.memory_space<vmem>>
      %dma_wait3A_41 = arith.constant 0 : i32
      %dma_wait3A_42 = tpu.memref_slice %arg4[%arg1, %run_scoped3A, %dma_wait3A_41] : memref<16x79x128xi32, #tpu.memory_space<hbm>> -> memref<1x1x128xi32, #tpu.memory_space<hbm>>
      %dma_wait3A_43 = tpu.memref_squeeze %dma_wait3A_42 : memref<1x1x128xi32, #tpu.memory_space<hbm>> -> memref<128xi32, #tpu.memory_space<hbm>>
      tpu.wait_dma2 semaphore(%run_scoped3A_21 : memref<!tpu.dma_semaphore, #tpu.memory_space<semaphore_mem>>) src(%dma_wait3A_43 : memref<128xi32, #tpu.memory_space<hbm>>) dst(%dma_wait3A_40 : memref<128xi32, #tpu.memory_space<vmem>>)
      tpu.yield
    }) : () -> ()
    %run_scoped3A_3 = arith.constant 0 : i32
    %run_scoped3A_4 = arith.constant 0 : i32
    "tpu.region"() ({
      %run_scoped3A_21 = tpu.sem_alloc : memref<!tpu.dma_semaphore, #tpu.memory_space<semaphore_mem>>
      %dma_start3A = arith.constant 0 : i32
      %dma_start3A_22 = tpu.memref_slice %arg10[%run_scoped3A_4, %dma_start3A] : memref<4x128xi32, #tpu.memory_space<vmem>> -> memref<1x128xi32, #tpu.memory_space<vmem>>
      %dma_start3A_23 = tpu.memref_squeeze %dma_start3A_22 : memref<1x128xi32, #tpu.memory_space<vmem>> -> memref<128xi32, #tpu.memory_space<vmem>>
      %dma_start3A_24 = arith.constant 0 : i32
      %dma_start3A_25 = tpu.memref_slice %arg5[%arg1, %run_scoped3A_3, %dma_start3A_24] : memref<16x79x128xi32, #tpu.memory_space<hbm>> -> memref<1x1x128xi32, #tpu.memory_space<hbm>>
      %dma_start3A_26 = tpu.memref_squeeze %dma_start3A_25 : memref<1x1x128xi32, #tpu.memory_space<hbm>> -> memref<128xi32, #tpu.memory_space<hbm>>
      %dma_start3A_27 = arith.constant 0 : i32
      %dma_start3A_28 = tpu.memref_slice %arg10[%run_scoped3A_4, %dma_start3A_27] : memref<4x128xi32, #tpu.memory_space<vmem>> -> memref<1x128xi32, #tpu.memory_space<vmem>>
      %dma_start3A_29 = tpu.memref_squeeze %dma_start3A_28 : memref<1x128xi32, #tpu.memory_space<vmem>> -> memref<128xi32, #tpu.memory_space<vmem>>
      %dma_start3A_30 = arith.constant 0 : i32
      %dma_start3A_31 = tpu.memref_slice %arg5[%arg1, %run_scoped3A_3, %dma_start3A_30] : memref<16x79x128xi32, #tpu.memory_space<hbm>> -> memref<1x1x128xi32, #tpu.memory_space<hbm>>
      %dma_start3A_32 = tpu.memref_squeeze %dma_start3A_31 : memref<1x1x128xi32, #tpu.memory_space<hbm>> -> memref<128xi32, #tpu.memory_space<hbm>>
      tpu.enqueue_dma source(%dma_start3A_32 : memref<128xi32, #tpu.memory_space<hbm>>) target(%dma_start3A_29 : memref<128xi32, #tpu.memory_space<vmem>>) target_semaphore(%run_scoped3A_21 : memref<!tpu.dma_semaphore, #tpu.memory_space<semaphore_mem>>)
      %dma_wait3A = arith.constant 0 : i32
      %dma_wait3A_33 = tpu.memref_slice %arg10[%run_scoped3A_4, %dma_wait3A] : memref<4x128xi32, #tpu.memory_space<vmem>> -> memref<1x128xi32, #tpu.memory_space<vmem>>
      %dma_wait3A_34 = tpu.memref_squeeze %dma_wait3A_33 : memref<1x128xi32, #tpu.memory_space<vmem>> -> memref<128xi32, #tpu.memory_space<vmem>>
      %dma_wait3A_35 = arith.constant 0 : i32
      %dma_wait3A_36 = tpu.memref_slice %arg5[%arg1, %run_scoped3A_3, %dma_wait3A_35] : memref<16x79x128xi32, #tpu.memory_space<hbm>> -> memref<1x1x128xi32, #tpu.memory_space<hbm>>
      %dma_wait3A_37 = tpu.memref_squeeze %dma_wait3A_36 : memref<1x1x128xi32, #tpu.memory_space<hbm>> -> memref<128xi32, #tpu.memory_space<hbm>>
      %dma_wait3A_38 = arith.constant 0 : i32
      %dma_wait3A_39 = tpu.memref_slice %arg10[%run_scoped3A_4, %dma_wait3A_38] : memref<4x128xi32, #tpu.memory_space<vmem>> -> memref<1x128xi32, #tpu.memory_space<vmem>>
      %dma_wait3A_40 = tpu.memref_squeeze %dma_wait3A_39 : memref<1x128xi32, #tpu.memory_space<vmem>> -> memref<128xi32, #tpu.memory_space<vmem>>
      %dma_wait3A_41 = arith.constant 0 : i32
      %dma_wait3A_42 = tpu.memref_slice %arg5[%arg1, %run_scoped3A_3, %dma_wait3A_41] : memref<16x79x128xi32, #tpu.memory_space<hbm>> -> memref<1x1x128xi32, #tpu.memory_space<hbm>>
      %dma_wait3A_43 = tpu.memref_squeeze %dma_wait3A_42 : memref<1x1x128xi32, #tpu.memory_space<hbm>> -> memref<128xi32, #tpu.memory_space<hbm>>
      tpu.wait_dma2 semaphore(%run_scoped3A_21 : memref<!tpu.dma_semaphore, #tpu.memory_space<semaphore_mem>>) src(%dma_wait3A_43 : memref<128xi32, #tpu.memory_space<hbm>>) dst(%dma_wait3A_40 : memref<128xi32, #tpu.memory_space<vmem>>)
      tpu.yield
    }) : () -> ()
    %barrier3A = arith.constant 0 : index
    tpu.barrier barrier_id(%barrier3A)
    %eq3A = arith.constant 0 : i32
    %eq3A_5 = arith.cmpi eq, %arg0, %eq3A : i32
    %convert_element_type3A_6 = arith.extui %eq3A_5 : i1 to i32
    %cond3A_7 = arith.constant 0 : i32
    %cond3A_8 = arith.cmpi ne, %convert_element_type3A_6, %cond3A_7 : i32
    scf.if %cond3A_8 {
      %dma_start3A = arith.constant 1 : i32
      %dma_start3A_21 = arith.constant 1 : i32
      %dma_start3A_22 = arith.constant 0 : i32
      %dma_start3A_23 = tpu.memref_slice %arg9[%dma_start3A_21, %dma_start3A_22] : memref<4x128xi32, #tpu.memory_space<vmem>> -> memref<1x128xi32, #tpu.memory_space<vmem>>
      %dma_start3A_24 = tpu.memref_squeeze %dma_start3A_23 : memref<1x128xi32, #tpu.memory_space<vmem>> -> memref<128xi32, #tpu.memory_space<vmem>>
      %dma_start3A_25 = arith.constant 0 : i32
      %dma_start3A_26 = tpu.memref_slice %arg4[%arg1, %dma_start3A, %dma_start3A_25] : memref<16x79x128xi32, #tpu.memory_space<hbm>> -> memref<1x1x128xi32, #tpu.memory_space<hbm>>
      %dma_start3A_27 = tpu.memref_squeeze %dma_start3A_26 : memref<1x1x128xi32, #tpu.memory_space<hbm>> -> memref<128xi32, #tpu.memory_space<hbm>>
      %dma_start3A_28 = arith.constant 0 : i32
      %dma_start3A_29 = tpu.memref_slice %arg9[%dma_start3A_21, %dma_start3A_28] : memref<4x128xi32, #tpu.memory_space<vmem>> -> memref<1x128xi32, #tpu.memory_space<vmem>>
      %dma_start3A_30 = tpu.memref_squeeze %dma_start3A_29 : memref<1x128xi32, #tpu.memory_space<vmem>> -> memref<128xi32, #tpu.memory_space<vmem>>
      %dma_start3A_31 = arith.constant 0 : i32
      %dma_start3A_32 = tpu.memref_slice %arg4[%arg1, %dma_start3A, %dma_start3A_31] : memref<16x79x128xi32, #tpu.memory_space<hbm>> -> memref<1x1x128xi32, #tpu.memory_space<hbm>>
      %dma_start3A_33 = tpu.memref_squeeze %dma_start3A_32 : memref<1x1x128xi32, #tpu.memory_space<hbm>> -> memref<128xi32, #tpu.memory_space<hbm>>
      tpu.enqueue_dma source(%dma_start3A_33 : memref<128xi32, #tpu.memory_space<hbm>>) target(%dma_start3A_30 : memref<128xi32, #tpu.memory_space<vmem>>) target_semaphore(%arg14 : memref<!tpu.dma_semaphore, #tpu.memory_space<semaphore_mem>>)
      %dma_start3A_34 = arith.constant 1 : i32
      %dma_start3A_35 = arith.constant 1 : i32
      %dma_start3A_36 = arith.constant 0 : i32
      %dma_start3A_37 = tpu.memref_slice %arg10[%dma_start3A_35, %dma_start3A_36] : memref<4x128xi32, #tpu.memory_space<vmem>> -> memref<1x128xi32, #tpu.memory_space<vmem>>
      %dma_start3A_38 = tpu.memref_squeeze %dma_start3A_37 : memref<1x128xi32, #tpu.memory_space<vmem>> -> memref<128xi32, #tpu.memory_space<vmem>>
      %dma_start3A_39 = arith.constant 0 : i32
      %dma_start3A_40 = tpu.memref_slice %arg5[%arg1, %dma_start3A_34, %dma_start3A_39] : memref<16x79x128xi32, #tpu.memory_space<hbm>> -> memref<1x1x128xi32, #tpu.memory_space<hbm>>
      %dma_start3A_41 = tpu.memref_squeeze %dma_start3A_40 : memref<1x1x128xi32, #tpu.memory_space<hbm>> -> memref<128xi32, #tpu.memory_space<hbm>>
      %dma_start3A_42 = arith.constant 0 : i32
      %dma_start3A_43 = tpu.memref_slice %arg10[%dma_start3A_35, %dma_start3A_42] : memref<4x128xi32, #tpu.memory_space<vmem>> -> memref<1x128xi32, #tpu.memory_space<vmem>>
      %dma_start3A_44 = tpu.memref_squeeze %dma_start3A_43 : memref<1x128xi32, #tpu.memory_space<vmem>> -> memref<128xi32, #tpu.memory_space<vmem>>
      %dma_start3A_45 = arith.constant 0 : i32
      %dma_start3A_46 = tpu.memref_slice %arg5[%arg1, %dma_start3A_34, %dma_start3A_45] : memref<16x79x128xi32, #tpu.memory_space<hbm>> -> memref<1x1x128xi32, #tpu.memory_space<hbm>>
      %dma_start3A_47 = tpu.memref_squeeze %dma_start3A_46 : memref<1x1x128xi32, #tpu.memory_space<hbm>> -> memref<128xi32, #tpu.memory_space<hbm>>
      tpu.enqueue_dma source(%dma_start3A_47 : memref<128xi32, #tpu.memory_space<hbm>>) target(%dma_start3A_44 : memref<128xi32, #tpu.memory_space<vmem>>) target_semaphore(%arg14 : memref<!tpu.dma_semaphore, #tpu.memory_space<semaphore_mem>>)
      %dma_start3A_48 = arith.constant 2 : i32
      %dma_start3A_49 = arith.constant 2 : i32
      %dma_start3A_50 = arith.constant 0 : i32
      %dma_start3A_51 = tpu.memref_slice %arg9[%dma_start3A_49, %dma_start3A_50] : memref<4x128xi32, #tpu.memory_space<vmem>> -> memref<1x128xi32, #tpu.memory_space<vmem>>
      %dma_start3A_52 = tpu.memref_squeeze %dma_start3A_51 : memref<1x128xi32, #tpu.memory_space<vmem>> -> memref<128xi32, #tpu.memory_space<vmem>>
      %dma_start3A_53 = arith.constant 0 : i32
      %dma_start3A_54 = tpu.memref_slice %arg4[%arg1, %dma_start3A_48, %dma_start3A_53] : memref<16x79x128xi32, #tpu.memory_space<hbm>> -> memref<1x1x128xi32, #tpu.memory_space<hbm>>
      %dma_start3A_55 = tpu.memref_squeeze %dma_start3A_54 : memref<1x1x128xi32, #tpu.memory_space<hbm>> -> memref<128xi32, #tpu.memory_space<hbm>>
      %dma_start3A_56 = arith.constant 0 : i32
      %dma_start3A_57 = tpu.memref_slice %arg9[%dma_start3A_49, %dma_start3A_56] : memref<4x128xi32, #tpu.memory_space<vmem>> -> memref<1x128xi32, #tpu.memory_space<vmem>>
      %dma_start3A_58 = tpu.memref_squeeze %dma_start3A_57 : memref<1x128xi32, #tpu.memory_space<vmem>> -> memref<128xi32, #tpu.memory_space<vmem>>
      %dma_start3A_59 = arith.constant 0 : i32
      %dma_start3A_60 = tpu.memref_slice %arg4[%arg1, %dma_start3A_48, %dma_start3A_59] : memref<16x79x128xi32, #tpu.memory_space<hbm>> -> memref<1x1x128xi32, #tpu.memory_space<hbm>>
      %dma_start3A_61 = tpu.memref_squeeze %dma_start3A_60 : memref<1x1x128xi32, #tpu.memory_space<hbm>> -> memref<128xi32, #tpu.memory_space<hbm>>
      tpu.enqueue_dma source(%dma_start3A_61 : memref<128xi32, #tpu.memory_space<hbm>>) target(%dma_start3A_58 : memref<128xi32, #tpu.memory_space<vmem>>) target_semaphore(%arg14 : memref<!tpu.dma_semaphore, #tpu.memory_space<semaphore_mem>>)
      %dma_start3A_62 = arith.constant 2 : i32
      %dma_start3A_63 = arith.constant 2 : i32
      %dma_start3A_64 = arith.constant 0 : i32
      %dma_start3A_65 = tpu.memref_slice %arg10[%dma_start3A_63, %dma_start3A_64] : memref<4x128xi32, #tpu.memory_space<vmem>> -> memref<1x128xi32, #tpu.memory_space<vmem>>
      %dma_start3A_66 = tpu.memref_squeeze %dma_start3A_65 : memref<1x128xi32, #tpu.memory_space<vmem>> -> memref<128xi32, #tpu.memory_space<vmem>>
      %dma_start3A_67 = arith.constant 0 : i32
      %dma_start3A_68 = tpu.memref_slice %arg5[%arg1, %dma_start3A_62, %dma_start3A_67] : memref<16x79x128xi32, #tpu.memory_space<hbm>> -> memref<1x1x128xi32, #tpu.memory_space<hbm>>
      %dma_start3A_69 = tpu.memref_squeeze %dma_start3A_68 : memref<1x1x128xi32, #tpu.memory_space<hbm>> -> memref<128xi32, #tpu.memory_space<hbm>>
      %dma_start3A_70 = arith.constant 0 : i32
      %dma_start3A_71 = tpu.memref_slice %arg10[%dma_start3A_63, %dma_start3A_70] : memref<4x128xi32, #tpu.memory_space<vmem>> -> memref<1x128xi32, #tpu.memory_space<vmem>>
      %dma_start3A_72 = tpu.memref_squeeze %dma_start3A_71 : memref<1x128xi32, #tpu.memory_space<vmem>> -> memref<128xi32, #tpu.memory_space<vmem>>
      %dma_start3A_73 = arith.constant 0 : i32
      %dma_start3A_74 = tpu.memref_slice %arg5[%arg1, %dma_start3A_62, %dma_start3A_73] : memref<16x79x128xi32, #tpu.memory_space<hbm>> -> memref<1x1x128xi32, #tpu.memory_space<hbm>>
      %dma_start3A_75 = tpu.memref_squeeze %dma_start3A_74 : memref<1x1x128xi32, #tpu.memory_space<hbm>> -> memref<128xi32, #tpu.memory_space<hbm>>
      tpu.enqueue_dma source(%dma_start3A_75 : memref<128xi32, #tpu.memory_space<hbm>>) target(%dma_start3A_72 : memref<128xi32, #tpu.memory_space<vmem>>) target_semaphore(%arg14 : memref<!tpu.dma_semaphore, #tpu.memory_space<semaphore_mem>>)
      %dma_start3A_76 = arith.constant 3 : i32
      %dma_start3A_77 = arith.constant 3 : i32
      %dma_start3A_78 = arith.constant 0 : i32
      %dma_start3A_79 = tpu.memref_slice %arg9[%dma_start3A_77, %dma_start3A_78] : memref<4x128xi32, #tpu.memory_space<vmem>> -> memref<1x128xi32, #tpu.memory_space<vmem>>
      %dma_start3A_80 = tpu.memref_squeeze %dma_start3A_79 : memref<1x128xi32, #tpu.memory_space<vmem>> -> memref<128xi32, #tpu.memory_space<vmem>>
      %dma_start3A_81 = arith.constant 0 : i32
      %dma_start3A_82 = tpu.memref_slice %arg4[%arg1, %dma_start3A_76, %dma_start3A_81] : memref<16x79x128xi32, #tpu.memory_space<hbm>> -> memref<1x1x128xi32, #tpu.memory_space<hbm>>
      %dma_start3A_83 = tpu.memref_squeeze %dma_start3A_82 : memref<1x1x128xi32, #tpu.memory_space<hbm>> -> memref<128xi32, #tpu.memory_space<hbm>>
      %dma_start3A_84 = arith.constant 0 : i32
      %dma_start3A_85 = tpu.memref_slice %arg9[%dma_start3A_77, %dma_start3A_84] : memref<4x128xi32, #tpu.memory_space<vmem>> -> memref<1x128xi32, #tpu.memory_space<vmem>>
      %dma_start3A_86 = tpu.memref_squeeze %dma_start3A_85 : memref<1x128xi32, #tpu.memory_space<vmem>> -> memref<128xi32, #tpu.memory_space<vmem>>
      %dma_start3A_87 = arith.constant 0 : i32
      %dma_start3A_88 = tpu.memref_slice %arg4[%arg1, %dma_start3A_76, %dma_start3A_87] : memref<16x79x128xi32, #tpu.memory_space<hbm>> -> memref<1x1x128xi32, #tpu.memory_space<hbm>>
      %dma_start3A_89 = tpu.memref_squeeze %dma_start3A_88 : memref<1x1x128xi32, #tpu.memory_space<hbm>> -> memref<128xi32, #tpu.memory_space<hbm>>
      tpu.enqueue_dma source(%dma_start3A_89 : memref<128xi32, #tpu.memory_space<hbm>>) target(%dma_start3A_86 : memref<128xi32, #tpu.memory_space<vmem>>) target_semaphore(%arg14 : memref<!tpu.dma_semaphore, #tpu.memory_space<semaphore_mem>>)
      %dma_start3A_90 = arith.constant 3 : i32
      %dma_start3A_91 = arith.constant 3 : i32
      %dma_start3A_92 = arith.constant 0 : i32
      %dma_start3A_93 = tpu.memref_slice %arg10[%dma_start3A_91, %dma_start3A_92] : memref<4x128xi32, #tpu.memory_space<vmem>> -> memref<1x128xi32, #tpu.memory_space<vmem>>
      %dma_start3A_94 = tpu.memref_squeeze %dma_start3A_93 : memref<1x128xi32, #tpu.memory_space<vmem>> -> memref<128xi32, #tpu.memory_space<vmem>>
      %dma_start3A_95 = arith.constant 0 : i32
      %dma_start3A_96 = tpu.memref_slice %arg5[%arg1, %dma_start3A_90, %dma_start3A_95] : memref<16x79x128xi32, #tpu.memory_space<hbm>> -> memref<1x1x128xi32, #tpu.memory_space<hbm>>
      %dma_start3A_97 = tpu.memref_squeeze %dma_start3A_96 : memref<1x1x128xi32, #tpu.memory_space<hbm>> -> memref<128xi32, #tpu.memory_space<hbm>>
      %dma_start3A_98 = arith.constant 0 : i32
      %dma_start3A_99 = tpu.memref_slice %arg10[%dma_start3A_91, %dma_start3A_98] : memref<4x128xi32, #tpu.memory_space<vmem>> -> memref<1x128xi32, #tpu.memory_space<vmem>>
      %dma_start3A_100 = tpu.memref_squeeze %dma_start3A_99 : memref<1x128xi32, #tpu.memory_space<vmem>> -> memref<128xi32, #tpu.memory_space<vmem>>
      %dma_start3A_101 = arith.constant 0 : i32
      %dma_start3A_102 = tpu.memref_slice %arg5[%arg1, %dma_start3A_90, %dma_start3A_101] : memref<16x79x128xi32, #tpu.memory_space<hbm>> -> memref<1x1x128xi32, #tpu.memory_space<hbm>>
      %dma_start3A_103 = tpu.memref_squeeze %dma_start3A_102 : memref<1x1x128xi32, #tpu.memory_space<hbm>> -> memref<128xi32, #tpu.memory_space<hbm>>
      tpu.enqueue_dma source(%dma_start3A_103 : memref<128xi32, #tpu.memory_space<hbm>>) target(%dma_start3A_100 : memref<128xi32, #tpu.memory_space<vmem>>) target_semaphore(%arg14 : memref<!tpu.dma_semaphore, #tpu.memory_space<semaphore_mem>>)
      %dma_start3A_104 = arith.constant 0 : i32
      %dma_start3A_105 = arith.constant 0 : i32
      %dma_start3A_106 = arith.constant 0 : i32
      %dma_start3A_107 = arith.constant 0 : i32
      %dma_start3A_108 = tpu.memref_slice %arg11[%dma_start3A_105, %dma_start3A_106, %dma_start3A_107] : memref<3x128x128xf32, #tpu.memory_space<vmem>> -> memref<1x128x128xf32, #tpu.memory_space<vmem>>
      %dma_start3A_109 = tpu.memref_squeeze %dma_start3A_108 : memref<1x128x128xf32, #tpu.memory_space<vmem>> -> memref<128x128xf32, #tpu.memory_space<vmem>>
      %dma_start3A_110 = arith.constant 0 : i32
      %dma_start3A_111 = tpu.memref_slice %arg9[%dma_start3A_104, %dma_start3A_110] : memref<4x128xi32, #tpu.memory_space<vmem>> -> memref<1x128xi32, #tpu.memory_space<vmem>>
      %dma_start3A_112 = tpu.memref_squeeze %dma_start3A_111 : memref<1x128xi32, #tpu.memory_space<vmem>> -> memref<128xi32, #tpu.memory_space<vmem>>
      %dma_start3A_113 = arith.constant 0 : i32
      %dma_start3A_114 = arith.constant 0 : i32
      %dma_start3A_115 = tpu.memref_slice %arg2[%dma_start3A_113, %dma_start3A_114] : memref<10000x128xf32, #tpu.memory_space<hbm>> -> memref<10000x128xf32, #tpu.memory_space<hbm>>
      tpu.enqueue_indirect_dma source(%dma_start3A_115 : memref<10000x128xf32, #tpu.memory_space<hbm>>) target(%dma_start3A_109 : memref<128x128xf32, #tpu.memory_space<vmem>>) offsets(%dma_start3A_112 : memref<128xi32, #tpu.memory_space<vmem>>) semaphore(%arg13 : memref<!tpu.dma_semaphore, #tpu.memory_space<semaphore_mem>>)
      %dma_wait3A = arith.constant 1 : i32
      %dma_wait3A_116 = arith.constant 1 : i32
      %dma_wait3A_117 = arith.constant 0 : i32
      %dma_wait3A_118 = tpu.memref_slice %arg9[%dma_wait3A_116, %dma_wait3A_117] : memref<4x128xi32, #tpu.memory_space<vmem>> -> memref<1x128xi32, #tpu.memory_space<vmem>>
      %dma_wait3A_119 = tpu.memref_squeeze %dma_wait3A_118 : memref<1x128xi32, #tpu.memory_space<vmem>> -> memref<128xi32, #tpu.memory_space<vmem>>
      %dma_wait3A_120 = arith.constant 0 : i32
      %dma_wait3A_121 = tpu.memref_slice %arg4[%arg1, %dma_wait3A, %dma_wait3A_120] : memref<16x79x128xi32, #tpu.memory_space<hbm>> -> memref<1x1x128xi32, #tpu.memory_space<hbm>>
      %dma_wait3A_122 = tpu.memref_squeeze %dma_wait3A_121 : memref<1x1x128xi32, #tpu.memory_space<hbm>> -> memref<128xi32, #tpu.memory_space<hbm>>
      %dma_wait3A_123 = arith.constant 0 : i32
      %dma_wait3A_124 = tpu.memref_slice %arg9[%dma_wait3A_116, %dma_wait3A_123] : memref<4x128xi32, #tpu.memory_space<vmem>> -> memref<1x128xi32, #tpu.memory_space<vmem>>
      %dma_wait3A_125 = tpu.memref_squeeze %dma_wait3A_124 : memref<1x128xi32, #tpu.memory_space<vmem>> -> memref<128xi32, #tpu.memory_space<vmem>>
      %dma_wait3A_126 = arith.constant 0 : i32
      %dma_wait3A_127 = tpu.memref_slice %arg4[%arg1, %dma_wait3A, %dma_wait3A_126] : memref<16x79x128xi32, #tpu.memory_space<hbm>> -> memref<1x1x128xi32, #tpu.memory_space<hbm>>
      %dma_wait3A_128 = tpu.memref_squeeze %dma_wait3A_127 : memref<1x1x128xi32, #tpu.memory_space<hbm>> -> memref<128xi32, #tpu.memory_space<hbm>>
      tpu.wait_dma2 semaphore(%arg14 : memref<!tpu.dma_semaphore, #tpu.memory_space<semaphore_mem>>) src(%dma_wait3A_128 : memref<128xi32, #tpu.memory_space<hbm>>) dst(%dma_wait3A_125 : memref<128xi32, #tpu.memory_space<vmem>>)
      %dma_wait3A_129 = arith.constant 1 : i32
      %dma_wait3A_130 = arith.constant 1 : i32
      %dma_wait3A_131 = arith.constant 0 : i32
      %dma_wait3A_132 = tpu.memref_slice %arg10[%dma_wait3A_130, %dma_wait3A_131] : memref<4x128xi32, #tpu.memory_space<vmem>> -> memref<1x128xi32, #tpu.memory_space<vmem>>
      %dma_wait3A_133 = tpu.memref_squeeze %dma_wait3A_132 : memref<1x128xi32, #tpu.memory_space<vmem>> -> memref<128xi32, #tpu.memory_space<vmem>>
      %dma_wait3A_134 = arith.constant 0 : i32
      %dma_wait3A_135 = tpu.memref_slice %arg5[%arg1, %dma_wait3A_129, %dma_wait3A_134] : memref<16x79x128xi32, #tpu.memory_space<hbm>> -> memref<1x1x128xi32, #tpu.memory_space<hbm>>
      %dma_wait3A_136 = tpu.memref_squeeze %dma_wait3A_135 : memref<1x1x128xi32, #tpu.memory_space<hbm>> -> memref<128xi32, #tpu.memory_space<hbm>>
      %dma_wait3A_137 = arith.constant 0 : i32
      %dma_wait3A_138 = tpu.memref_slice %arg10[%dma_wait3A_130, %dma_wait3A_137] : memref<4x128xi32, #tpu.memory_space<vmem>> -> memref<1x128xi32, #tpu.memory_space<vmem>>
      %dma_wait3A_139 = tpu.memref_squeeze %dma_wait3A_138 : memref<1x128xi32, #tpu.memory_space<vmem>> -> memref<128xi32, #tpu.memory_space<vmem>>
      %dma_wait3A_140 = arith.constant 0 : i32
      %dma_wait3A_141 = tpu.memref_slice %arg5[%arg1, %dma_wait3A_129, %dma_wait3A_140] : memref<16x79x128xi32, #tpu.memory_space<hbm>> -> memref<1x1x128xi32, #tpu.memory_space<hbm>>
      %dma_wait3A_142 = tpu.memref_squeeze %dma_wait3A_141 : memref<1x1x128xi32, #tpu.memory_space<hbm>> -> memref<128xi32, #tpu.memory_space<hbm>>
      tpu.wait_dma2 semaphore(%arg14 : memref<!tpu.dma_semaphore, #tpu.memory_space<semaphore_mem>>) src(%dma_wait3A_142 : memref<128xi32, #tpu.memory_space<hbm>>) dst(%dma_wait3A_139 : memref<128xi32, #tpu.memory_space<vmem>>)
      %dma_start3A_143 = arith.constant 1 : i32
      %dma_start3A_144 = arith.constant 1 : i32
      %dma_start3A_145 = arith.constant 0 : i32
      %dma_start3A_146 = arith.constant 0 : i32
      %dma_start3A_147 = tpu.memref_slice %arg11[%dma_start3A_144, %dma_start3A_145, %dma_start3A_146] : memref<3x128x128xf32, #tpu.memory_space<vmem>> -> memref<1x128x128xf32, #tpu.memory_space<vmem>>
      %dma_start3A_148 = tpu.memref_squeeze %dma_start3A_147 : memref<1x128x128xf32, #tpu.memory_space<vmem>> -> memref<128x128xf32, #tpu.memory_space<vmem>>
      %dma_start3A_149 = arith.constant 0 : i32
      %dma_start3A_150 = tpu.memref_slice %arg9[%dma_start3A_143, %dma_start3A_149] : memref<4x128xi32, #tpu.memory_space<vmem>> -> memref<1x128xi32, #tpu.memory_space<vmem>>
      %dma_start3A_151 = tpu.memref_squeeze %dma_start3A_150 : memref<1x128xi32, #tpu.memory_space<vmem>> -> memref<128xi32, #tpu.memory_space<vmem>>
      %dma_start3A_152 = arith.constant 0 : i32
      %dma_start3A_153 = arith.constant 0 : i32
      %dma_start3A_154 = tpu.memref_slice %arg2[%dma_start3A_152, %dma_start3A_153] : memref<10000x128xf32, #tpu.memory_space<hbm>> -> memref<10000x128xf32, #tpu.memory_space<hbm>>
      tpu.enqueue_indirect_dma source(%dma_start3A_154 : memref<10000x128xf32, #tpu.memory_space<hbm>>) target(%dma_start3A_148 : memref<128x128xf32, #tpu.memory_space<vmem>>) offsets(%dma_start3A_151 : memref<128xi32, #tpu.memory_space<vmem>>) semaphore(%arg13 : memref<!tpu.dma_semaphore, #tpu.memory_space<semaphore_mem>>)
      %dma_wait3A_155 = arith.constant 2 : i32
      %dma_wait3A_156 = arith.constant 2 : i32
      %dma_wait3A_157 = arith.constant 0 : i32
      %dma_wait3A_158 = tpu.memref_slice %arg9[%dma_wait3A_156, %dma_wait3A_157] : memref<4x128xi32, #tpu.memory_space<vmem>> -> memref<1x128xi32, #tpu.memory_space<vmem>>
      %dma_wait3A_159 = tpu.memref_squeeze %dma_wait3A_158 : memref<1x128xi32, #tpu.memory_space<vmem>> -> memref<128xi32, #tpu.memory_space<vmem>>
      %dma_wait3A_160 = arith.constant 0 : i32
      %dma_wait3A_161 = tpu.memref_slice %arg4[%arg1, %dma_wait3A_155, %dma_wait3A_160] : memref<16x79x128xi32, #tpu.memory_space<hbm>> -> memref<1x1x128xi32, #tpu.memory_space<hbm>>
      %dma_wait3A_162 = tpu.memref_squeeze %dma_wait3A_161 : memref<1x1x128xi32, #tpu.memory_space<hbm>> -> memref<128xi32, #tpu.memory_space<hbm>>
      %dma_wait3A_163 = arith.constant 0 : i32
      %dma_wait3A_164 = tpu.memref_slice %arg9[%dma_wait3A_156, %dma_wait3A_163] : memref<4x128xi32, #tpu.memory_space<vmem>> -> memref<1x128xi32, #tpu.memory_space<vmem>>
      %dma_wait3A_165 = tpu.memref_squeeze %dma_wait3A_164 : memref<1x128xi32, #tpu.memory_space<vmem>> -> memref<128xi32, #tpu.memory_space<vmem>>
      %dma_wait3A_166 = arith.constant 0 : i32
      %dma_wait3A_167 = tpu.memref_slice %arg4[%arg1, %dma_wait3A_155, %dma_wait3A_166] : memref<16x79x128xi32, #tpu.memory_space<hbm>> -> memref<1x1x128xi32, #tpu.memory_space<hbm>>
      %dma_wait3A_168 = tpu.memref_squeeze %dma_wait3A_167 : memref<1x1x128xi32, #tpu.memory_space<hbm>> -> memref<128xi32, #tpu.memory_space<hbm>>
      tpu.wait_dma2 semaphore(%arg14 : memref<!tpu.dma_semaphore, #tpu.memory_space<semaphore_mem>>) src(%dma_wait3A_168 : memref<128xi32, #tpu.memory_space<hbm>>) dst(%dma_wait3A_165 : memref<128xi32, #tpu.memory_space<vmem>>)
      %dma_wait3A_169 = arith.constant 2 : i32
      %dma_wait3A_170 = arith.constant 2 : i32
      %dma_wait3A_171 = arith.constant 0 : i32
      %dma_wait3A_172 = tpu.memref_slice %arg10[%dma_wait3A_170, %dma_wait3A_171] : memref<4x128xi32, #tpu.memory_space<vmem>> -> memref<1x128xi32, #tpu.memory_space<vmem>>
      %dma_wait3A_173 = tpu.memref_squeeze %dma_wait3A_172 : memref<1x128xi32, #tpu.memory_space<vmem>> -> memref<128xi32, #tpu.memory_space<vmem>>
      %dma_wait3A_174 = arith.constant 0 : i32
      %dma_wait3A_175 = tpu.memref_slice %arg5[%arg1, %dma_wait3A_169, %dma_wait3A_174] : memref<16x79x128xi32, #tpu.memory_space<hbm>> -> memref<1x1x128xi32, #tpu.memory_space<hbm>>
      %dma_wait3A_176 = tpu.memref_squeeze %dma_wait3A_175 : memref<1x1x128xi32, #tpu.memory_space<hbm>> -> memref<128xi32, #tpu.memory_space<hbm>>
      %dma_wait3A_177 = arith.constant 0 : i32
      %dma_wait3A_178 = tpu.memref_slice %arg10[%dma_wait3A_170, %dma_wait3A_177] : memref<4x128xi32, #tpu.memory_space<vmem>> -> memref<1x128xi32, #tpu.memory_space<vmem>>
      %dma_wait3A_179 = tpu.memref_squeeze %dma_wait3A_178 : memref<1x128xi32, #tpu.memory_space<vmem>> -> memref<128xi32, #tpu.memory_space<vmem>>
      %dma_wait3A_180 = arith.constant 0 : i32
      %dma_wait3A_181 = tpu.memref_slice %arg5[%arg1, %dma_wait3A_169, %dma_wait3A_180] : memref<16x79x128xi32, #tpu.memory_space<hbm>> -> memref<1x1x128xi32, #tpu.memory_space<hbm>>
      %dma_wait3A_182 = tpu.memref_squeeze %dma_wait3A_181 : memref<1x1x128xi32, #tpu.memory_space<hbm>> -> memref<128xi32, #tpu.memory_space<hbm>>
      tpu.wait_dma2 semaphore(%arg14 : memref<!tpu.dma_semaphore, #tpu.memory_space<semaphore_mem>>) src(%dma_wait3A_182 : memref<128xi32, #tpu.memory_space<hbm>>) dst(%dma_wait3A_179 : memref<128xi32, #tpu.memory_space<vmem>>)
      %dma_start3A_183 = arith.constant 2 : i32
      %dma_start3A_184 = arith.constant 2 : i32
      %dma_start3A_185 = arith.constant 0 : i32
      %dma_start3A_186 = arith.constant 0 : i32
      %dma_start3A_187 = tpu.memref_slice %arg11[%dma_start3A_184, %dma_start3A_185, %dma_start3A_186] : memref<3x128x128xf32, #tpu.memory_space<vmem>> -> memref<1x128x128xf32, #tpu.memory_space<vmem>>
      %dma_start3A_188 = tpu.memref_squeeze %dma_start3A_187 : memref<1x128x128xf32, #tpu.memory_space<vmem>> -> memref<128x128xf32, #tpu.memory_space<vmem>>
      %dma_start3A_189 = arith.constant 0 : i32
      %dma_start3A_190 = tpu.memref_slice %arg9[%dma_start3A_183, %dma_start3A_189] : memref<4x128xi32, #tpu.memory_space<vmem>> -> memref<1x128xi32, #tpu.memory_space<vmem>>
      %dma_start3A_191 = tpu.memref_squeeze %dma_start3A_190 : memref<1x128xi32, #tpu.memory_space<vmem>> -> memref<128xi32, #tpu.memory_space<vmem>>
      %dma_start3A_192 = arith.constant 0 : i32
      %dma_start3A_193 = arith.constant 0 : i32
      %dma_start3A_194 = tpu.memref_slice %arg2[%dma_start3A_192, %dma_start3A_193] : memref<10000x128xf32, #tpu.memory_space<hbm>> -> memref<10000x128xf32, #tpu.memory_space<hbm>>
      tpu.enqueue_indirect_dma source(%dma_start3A_194 : memref<10000x128xf32, #tpu.memory_space<hbm>>) target(%dma_start3A_188 : memref<128x128xf32, #tpu.memory_space<vmem>>) offsets(%dma_start3A_191 : memref<128xi32, #tpu.memory_space<vmem>>) semaphore(%arg13 : memref<!tpu.dma_semaphore, #tpu.memory_space<semaphore_mem>>)
      %scan3A = arith.constant 0 : i32
      %scan3A_195 = arith.constant 0 : i32
      %scan3A_196 = arith.constant 79 : i32
      %scan3A_197 = arith.addi %scan3A_195, %scan3A_196 : i32
      %scan3A_198 = arith.constant 1 : i32
      scf.for %scan3A_200 = %scan3A_195 to %scan3A_197 step %scan3A_198  : i32 {
        %rem3A = arith.constant 3 : i32
        %rem3A_201 = arith.remsi %scan3A_200, %rem3A : i32
        %rem3A_202 = arith.constant 4 : i32
        %rem3A_203 = arith.remsi %scan3A_200, %rem3A_202 : i32
        %dma_wait3A_204 = arith.constant 0 : i32
        %dma_wait3A_205 = arith.constant 0 : i32
        %dma_wait3A_206 = tpu.memref_slice %arg11[%rem3A_201, %dma_wait3A_204, %dma_wait3A_205] : memref<3x128x128xf32, #tpu.memory_space<vmem>> -> memref<1x128x128xf32, #tpu.memory_space<vmem>>
        %dma_wait3A_207 = tpu.memref_squeeze %dma_wait3A_206 : memref<1x128x128xf32, #tpu.memory_space<vmem>> -> memref<128x128xf32, #tpu.memory_space<vmem>>
        %dma_wait3A_208 = arith.constant 0 : i32
        %dma_wait3A_209 = tpu.memref_slice %arg9[%rem3A_203, %dma_wait3A_208] : memref<4x128xi32, #tpu.memory_space<vmem>> -> memref<1x128xi32, #tpu.memory_space<vmem>>
        %dma_wait3A_210 = tpu.memref_squeeze %dma_wait3A_209 : memref<1x128xi32, #tpu.memory_space<vmem>> -> memref<128xi32, #tpu.memory_space<vmem>>
        %dma_wait3A_211 = arith.constant 0 : i32
        %dma_wait3A_212 = arith.constant 0 : i32
        %dma_wait3A_213 = tpu.memref_slice %arg2[%dma_wait3A_211, %dma_wait3A_212] : memref<10000x128xf32, #tpu.memory_space<hbm>> -> memref<10000x128xf32, #tpu.memory_space<hbm>>
        tpu.wait_indirect_dma semaphore(%arg13 : memref<!tpu.dma_semaphore, #tpu.memory_space<semaphore_mem>>) src(%dma_wait3A_213 : memref<10000x128xf32, #tpu.memory_space<hbm>>) dst(%dma_wait3A_207 : memref<128x128xf32, #tpu.memory_space<vmem>>)
        "tpu.region"() ({
          %run_scoped3A_227 = tpu.sem_alloc : memref<!tpu.dma_semaphore, #tpu.memory_space<semaphore_mem>>
          %dma_start3A_228 = arith.constant 0 : i32
          %dma_start3A_229 = arith.constant 0 : i32
          %dma_start3A_230 = tpu.memref_slice %arg11[%rem3A_201, %dma_start3A_228, %dma_start3A_229] : memref<3x128x128xf32, #tpu.memory_space<vmem>> -> memref<1x128x128xf32, #tpu.memory_space<vmem>>
          %dma_start3A_231 = tpu.memref_squeeze %dma_start3A_230 : memref<1x128x128xf32, #tpu.memory_space<vmem>> -> memref<128x128xf32, #tpu.memory_space<vmem>>
          %dma_start3A_232 = arith.constant 0 : i32
          %dma_start3A_233 = tpu.memref_slice %arg10[%rem3A_203, %dma_start3A_232] : memref<4x128xi32, #tpu.memory_space<vmem>> -> memref<1x128xi32, #tpu.memory_space<vmem>>
          %dma_start3A_234 = tpu.memref_squeeze %dma_start3A_233 : memref<1x128xi32, #tpu.memory_space<vmem>> -> memref<128xi32, #tpu.memory_space<vmem>>
          %dma_start3A_235 = arith.constant 0 : i32
          %dma_start3A_236 = arith.constant 0 : i32
          %dma_start3A_237 = tpu.memref_slice %arg12[%dma_start3A_235, %dma_start3A_236] : memref<10008x128xf32, #tpu.memory_space<vmem_shared>> -> memref<10008x128xf32, #tpu.memory_space<vmem_shared>>
          tpu.enqueue_indirect_dma source(%dma_start3A_231 : memref<128x128xf32, #tpu.memory_space<vmem>>) target(%dma_start3A_237 : memref<10008x128xf32, #tpu.memory_space<vmem_shared>>) offsets(%dma_start3A_234 : memref<128xi32, #tpu.memory_space<vmem>>) semaphore(%run_scoped3A_227 : memref<!tpu.dma_semaphore, #tpu.memory_space<semaphore_mem>>) {add = true}
          %dma_wait3A_238 = arith.constant 0 : i32
          %dma_wait3A_239 = arith.constant 0 : i32
          %dma_wait3A_240 = tpu.memref_slice %arg11[%rem3A_201, %dma_wait3A_238, %dma_wait3A_239] : memref<3x128x128xf32, #tpu.memory_space<vmem>> -> memref<1x128x128xf32, #tpu.memory_space<vmem>>
          %dma_wait3A_241 = tpu.memref_squeeze %dma_wait3A_240 : memref<1x128x128xf32, #tpu.memory_space<vmem>> -> memref<128x128xf32, #tpu.memory_space<vmem>>
          %dma_wait3A_242 = arith.constant 0 : i32
          %dma_wait3A_243 = tpu.memref_slice %arg10[%rem3A_203, %dma_wait3A_242] : memref<4x128xi32, #tpu.memory_space<vmem>> -> memref<1x128xi32, #tpu.memory_space<vmem>>
          %dma_wait3A_244 = tpu.memref_squeeze %dma_wait3A_243 : memref<1x128xi32, #tpu.memory_space<vmem>> -> memref<128xi32, #tpu.memory_space<vmem>>
          %dma_wait3A_245 = arith.constant 0 : i32
          %dma_wait3A_246 = arith.constant 0 : i32
          %dma_wait3A_247 = tpu.memref_slice %arg12[%dma_wait3A_245, %dma_wait3A_246] : memref<10008x128xf32, #tpu.memory_space<vmem_shared>> -> memref<10008x128xf32, #tpu.memory_space<vmem_shared>>
          tpu.wait_indirect_dma semaphore(%run_scoped3A_227 : memref<!tpu.dma_semaphore, #tpu.memory_space<semaphore_mem>>) src(%dma_wait3A_241 : memref<128x128xf32, #tpu.memory_space<vmem>>) dst(%dma_wait3A_247 : memref<10008x128xf32, #tpu.memory_space<vmem_shared>>)
          tpu.yield
        }) : () -> ()
        %add3A = arith.constant 3 : i32
        %add3A_214 = arith.addi %scan3A_200, %add3A : i32
        %lt3A_215 = arith.constant 79 : i32
        %lt3A_216 = arith.cmpi slt, %add3A_214, %lt3A_215 : i32
        %convert_element_type3A_217 = arith.extui %lt3A_216 : i1 to i32
        %cond3A_218 = arith.constant 0 : i32
        %cond3A_219 = arith.cmpi ne, %convert_element_type3A_217, %cond3A_218 : i32
        scf.if %cond3A_219 {
          %add3A_227 = arith.constant 3 : i32
          %add3A_228 = arith.addi %scan3A_200, %add3A_227 : i32
          %rem3A_229 = arith.constant 4 : i32
          %rem3A_230 = arith.remsi %add3A_228, %rem3A_229 : i32
          %add3A_231 = arith.constant 3 : i32
          %add3A_232 = arith.addi %scan3A_200, %add3A_231 : i32
          %dma_wait3A_233 = arith.constant 0 : i32
          %dma_wait3A_234 = tpu.memref_slice %arg9[%rem3A_230, %dma_wait3A_233] : memref<4x128xi32, #tpu.memory_space<vmem>> -> memref<1x128xi32, #tpu.memory_space<vmem>>
          %dma_wait3A_235 = tpu.memref_squeeze %dma_wait3A_234 : memref<1x128xi32, #tpu.memory_space<vmem>> -> memref<128xi32, #tpu.memory_space<vmem>>
          %dma_wait3A_236 = arith.constant 0 : i32
          %dma_wait3A_237 = tpu.memref_slice %arg4[%arg1, %add3A_232, %dma_wait3A_236] : memref<16x79x128xi32, #tpu.memory_space<hbm>> -> memref<1x1x128xi32, #tpu.memory_space<hbm>>
          %dma_wait3A_238 = tpu.memref_squeeze %dma_wait3A_237 : memref<1x1x128xi32, #tpu.memory_space<hbm>> -> memref<128xi32, #tpu.memory_space<hbm>>
          %dma_wait3A_239 = arith.constant 0 : i32
          %dma_wait3A_240 = tpu.memref_slice %arg9[%rem3A_230, %dma_wait3A_239] : memref<4x128xi32, #tpu.memory_space<vmem>> -> memref<1x128xi32, #tpu.memory_space<vmem>>
          %dma_wait3A_241 = tpu.memref_squeeze %dma_wait3A_240 : memref<1x128xi32, #tpu.memory_space<vmem>> -> memref<128xi32, #tpu.memory_space<vmem>>
          %dma_wait3A_242 = arith.constant 0 : i32
          %dma_wait3A_243 = tpu.memref_slice %arg4[%arg1, %add3A_232, %dma_wait3A_242] : memref<16x79x128xi32, #tpu.memory_space<hbm>> -> memref<1x1x128xi32, #tpu.memory_space<hbm>>
          %dma_wait3A_244 = tpu.memref_squeeze %dma_wait3A_243 : memref<1x1x128xi32, #tpu.memory_space<hbm>> -> memref<128xi32, #tpu.memory_space<hbm>>
          tpu.wait_dma2 semaphore(%arg14 : memref<!tpu.dma_semaphore, #tpu.memory_space<semaphore_mem>>) src(%dma_wait3A_244 : memref<128xi32, #tpu.memory_space<hbm>>) dst(%dma_wait3A_241 : memref<128xi32, #tpu.memory_space<vmem>>)
          %dma_wait3A_245 = arith.constant 0 : i32
          %dma_wait3A_246 = tpu.memref_slice %arg10[%rem3A_230, %dma_wait3A_245] : memref<4x128xi32, #tpu.memory_space<vmem>> -> memref<1x128xi32, #tpu.memory_space<vmem>>
          %dma_wait3A_247 = tpu.memref_squeeze %dma_wait3A_246 : memref<1x128xi32, #tpu.memory_space<vmem>> -> memref<128xi32, #tpu.memory_space<vmem>>
          %dma_wait3A_248 = arith.constant 0 : i32
          %dma_wait3A_249 = tpu.memref_slice %arg5[%arg1, %add3A_232, %dma_wait3A_248] : memref<16x79x128xi32, #tpu.memory_space<hbm>> -> memref<1x1x128xi32, #tpu.memory_space<hbm>>
          %dma_wait3A_250 = tpu.memref_squeeze %dma_wait3A_249 : memref<1x1x128xi32, #tpu.memory_space<hbm>> -> memref<128xi32, #tpu.memory_space<hbm>>
          %dma_wait3A_251 = arith.constant 0 : i32
          %dma_wait3A_252 = tpu.memref_slice %arg10[%rem3A_230, %dma_wait3A_251] : memref<4x128xi32, #tpu.memory_space<vmem>> -> memref<1x128xi32, #tpu.memory_space<vmem>>
          %dma_wait3A_253 = tpu.memref_squeeze %dma_wait3A_252 : memref<1x128xi32, #tpu.memory_space<vmem>> -> memref<128xi32, #tpu.memory_space<vmem>>
          %dma_wait3A_254 = arith.constant 0 : i32
          %dma_wait3A_255 = tpu.memref_slice %arg5[%arg1, %add3A_232, %dma_wait3A_254] : memref<16x79x128xi32, #tpu.memory_space<hbm>> -> memref<1x1x128xi32, #tpu.memory_space<hbm>>
          %dma_wait3A_256 = tpu.memref_squeeze %dma_wait3A_255 : memref<1x1x128xi32, #tpu.memory_space<hbm>> -> memref<128xi32, #tpu.memory_space<hbm>>
          tpu.wait_dma2 semaphore(%arg14 : memref<!tpu.dma_semaphore, #tpu.memory_space<semaphore_mem>>) src(%dma_wait3A_256 : memref<128xi32, #tpu.memory_space<hbm>>) dst(%dma_wait3A_253 : memref<128xi32, #tpu.memory_space<vmem>>)
          %dma_start3A_257 = arith.constant 0 : i32
          %dma_start3A_258 = arith.constant 0 : i32
          %dma_start3A_259 = tpu.memref_slice %arg11[%rem3A_201, %dma_start3A_257, %dma_start3A_258] : memref<3x128x128xf32, #tpu.memory_space<vmem>> -> memref<1x128x128xf32, #tpu.memory_space<vmem>>
          %dma_start3A_260 = tpu.memref_squeeze %dma_start3A_259 : memref<1x128x128xf32, #tpu.memory_space<vmem>> -> memref<128x128xf32, #tpu.memory_space<vmem>>
          %dma_start3A_261 = arith.constant 0 : i32
          %dma_start3A_262 = tpu.memref_slice %arg9[%rem3A_230, %dma_start3A_261] : memref<4x128xi32, #tpu.memory_space<vmem>> -> memref<1x128xi32, #tpu.memory_space<vmem>>
          %dma_start3A_263 = tpu.memref_squeeze %dma_start3A_262 : memref<1x128xi32, #tpu.memory_space<vmem>> -> memref<128xi32, #tpu.memory_space<vmem>>
          %dma_start3A_264 = arith.constant 0 : i32
          %dma_start3A_265 = arith.constant 0 : i32
          %dma_start3A_266 = tpu.memref_slice %arg2[%dma_start3A_264, %dma_start3A_265] : memref<10000x128xf32, #tpu.memory_space<hbm>> -> memref<10000x128xf32, #tpu.memory_space<hbm>>
          tpu.enqueue_indirect_dma source(%dma_start3A_266 : memref<10000x128xf32, #tpu.memory_space<hbm>>) target(%dma_start3A_260 : memref<128x128xf32, #tpu.memory_space<vmem>>) offsets(%dma_start3A_263 : memref<128xi32, #tpu.memory_space<vmem>>) semaphore(%arg13 : memref<!tpu.dma_semaphore, #tpu.memory_space<semaphore_mem>>)
        } else {
        }
        %add3A_220 = arith.constant 4 : i32
        %add3A_221 = arith.addi %scan3A_200, %add3A_220 : i32
        %lt3A_222 = arith.constant 79 : i32
        %lt3A_223 = arith.cmpi slt, %add3A_221, %lt3A_222 : i32
        %convert_element_type3A_224 = arith.extui %lt3A_223 : i1 to i32
        %cond3A_225 = arith.constant 0 : i32
        %cond3A_226 = arith.cmpi ne, %convert_element_type3A_224, %cond3A_225 : i32
        scf.if %cond3A_226 {
          %add3A_227 = arith.constant 4 : i32
          %add3A_228 = arith.addi %scan3A_200, %add3A_227 : i32
          %dma_start3A_229 = arith.constant 0 : i32
          %dma_start3A_230 = tpu.memref_slice %arg9[%rem3A_203, %dma_start3A_229] : memref<4x128xi32, #tpu.memory_space<vmem>> -> memref<1x128xi32, #tpu.memory_space<vmem>>
          %dma_start3A_231 = tpu.memref_squeeze %dma_start3A_230 : memref<1x128xi32, #tpu.memory_space<vmem>> -> memref<128xi32, #tpu.memory_space<vmem>>
          %dma_start3A_232 = arith.constant 0 : i32
          %dma_start3A_233 = tpu.memref_slice %arg4[%arg1, %add3A_228, %dma_start3A_232] : memref<16x79x128xi32, #tpu.memory_space<hbm>> -> memref<1x1x128xi32, #tpu.memory_space<hbm>>
          %dma_start3A_234 = tpu.memref_squeeze %dma_start3A_233 : memref<1x1x128xi32, #tpu.memory_space<hbm>> -> memref<128xi32, #tpu.memory_space<hbm>>
          %dma_start3A_235 = arith.constant 0 : i32
          %dma_start3A_236 = tpu.memref_slice %arg9[%rem3A_203, %dma_start3A_235] : memref<4x128xi32, #tpu.memory_space<vmem>> -> memref<1x128xi32, #tpu.memory_space<vmem>>
          %dma_start3A_237 = tpu.memref_squeeze %dma_start3A_236 : memref<1x128xi32, #tpu.memory_space<vmem>> -> memref<128xi32, #tpu.memory_space<vmem>>
          %dma_start3A_238 = arith.constant 0 : i32
          %dma_start3A_239 = tpu.memref_slice %arg4[%arg1, %add3A_228, %dma_start3A_238] : memref<16x79x128xi32, #tpu.memory_space<hbm>> -> memref<1x1x128xi32, #tpu.memory_space<hbm>>
          %dma_start3A_240 = tpu.memref_squeeze %dma_start3A_239 : memref<1x1x128xi32, #tpu.memory_space<hbm>> -> memref<128xi32, #tpu.memory_space<hbm>>
          tpu.enqueue_dma source(%dma_start3A_240 : memref<128xi32, #tpu.memory_space<hbm>>) target(%dma_start3A_237 : memref<128xi32, #tpu.memory_space<vmem>>) target_semaphore(%arg14 : memref<!tpu.dma_semaphore, #tpu.memory_space<semaphore_mem>>)
          %add3A_241 = arith.constant 4 : i32
          %add3A_242 = arith.addi %scan3A_200, %add3A_241 : i32
          %dma_start3A_243 = arith.constant 0 : i32
          %dma_start3A_244 = tpu.memref_slice %arg10[%rem3A_203, %dma_start3A_243] : memref<4x128xi32, #tpu.memory_space<vmem>> -> memref<1x128xi32, #tpu.memory_space<vmem>>
          %dma_start3A_245 = tpu.memref_squeeze %dma_start3A_244 : memref<1x128xi32, #tpu.memory_space<vmem>> -> memref<128xi32, #tpu.memory_space<vmem>>
          %dma_start3A_246 = arith.constant 0 : i32
          %dma_start3A_247 = tpu.memref_slice %arg5[%arg1, %add3A_242, %dma_start3A_246] : memref<16x79x128xi32, #tpu.memory_space<hbm>> -> memref<1x1x128xi32, #tpu.memory_space<hbm>>
          %dma_start3A_248 = tpu.memref_squeeze %dma_start3A_247 : memref<1x1x128xi32, #tpu.memory_space<hbm>> -> memref<128xi32, #tpu.memory_space<hbm>>
          %dma_start3A_249 = arith.constant 0 : i32
          %dma_start3A_250 = tpu.memref_slice %arg10[%rem3A_203, %dma_start3A_249] : memref<4x128xi32, #tpu.memory_space<vmem>> -> memref<1x128xi32, #tpu.memory_space<vmem>>
          %dma_start3A_251 = tpu.memref_squeeze %dma_start3A_250 : memref<1x128xi32, #tpu.memory_space<vmem>> -> memref<128xi32, #tpu.memory_space<vmem>>
          %dma_start3A_252 = arith.constant 0 : i32
          %dma_start3A_253 = tpu.memref_slice %arg5[%arg1, %add3A_242, %dma_start3A_252] : memref<16x79x128xi32, #tpu.memory_space<hbm>> -> memref<1x1x128xi32, #tpu.memory_space<hbm>>
          %dma_start3A_254 = tpu.memref_squeeze %dma_start3A_253 : memref<1x1x128xi32, #tpu.memory_space<hbm>> -> memref<128xi32, #tpu.memory_space<hbm>>
          tpu.enqueue_dma source(%dma_start3A_254 : memref<128xi32, #tpu.memory_space<hbm>>) target(%dma_start3A_251 : memref<128xi32, #tpu.memory_space<vmem>>) target_semaphore(%arg14 : memref<!tpu.dma_semaphore, #tpu.memory_space<semaphore_mem>>)
        } else {
        }
      }
      %scan3A_199 = arith.constant 79 : i32
    } else {
    }
    %eq3A_9 = arith.constant 1 : i32
    %eq3A_10 = arith.cmpi eq, %arg0, %eq3A_9 : i32
    %convert_element_type3A_11 = arith.extui %eq3A_10 : i1 to i32
    %cond3A_12 = arith.constant 0 : i32
    %cond3A_13 = arith.cmpi ne, %convert_element_type3A_11, %cond3A_12 : i32
    scf.if %cond3A_13 {
      %dma_start3A = arith.constant 1 : i32
      %dma_start3A_21 = arith.constant 1 : i32
      %dma_start3A_22 = arith.constant 0 : i32
      %dma_start3A_23 = tpu.memref_slice %arg9[%dma_start3A_21, %dma_start3A_22] : memref<4x128xi32, #tpu.memory_space<vmem>> -> memref<1x128xi32, #tpu.memory_space<vmem>>
      %dma_start3A_24 = tpu.memref_squeeze %dma_start3A_23 : memref<1x128xi32, #tpu.memory_space<vmem>> -> memref<128xi32, #tpu.memory_space<vmem>>
      %dma_start3A_25 = arith.constant 0 : i32
      %dma_start3A_26 = tpu.memref_slice %arg4[%arg1, %dma_start3A, %dma_start3A_25] : memref<16x79x128xi32, #tpu.memory_space<hbm>> -> memref<1x1x128xi32, #tpu.memory_space<hbm>>
      %dma_start3A_27 = tpu.memref_squeeze %dma_start3A_26 : memref<1x1x128xi32, #tpu.memory_space<hbm>> -> memref<128xi32, #tpu.memory_space<hbm>>
      %dma_start3A_28 = arith.constant 0 : i32
      %dma_start3A_29 = tpu.memref_slice %arg9[%dma_start3A_21, %dma_start3A_28] : memref<4x128xi32, #tpu.memory_space<vmem>> -> memref<1x128xi32, #tpu.memory_space<vmem>>
      %dma_start3A_30 = tpu.memref_squeeze %dma_start3A_29 : memref<1x128xi32, #tpu.memory_space<vmem>> -> memref<128xi32, #tpu.memory_space<vmem>>
      %dma_start3A_31 = arith.constant 0 : i32
      %dma_start3A_32 = tpu.memref_slice %arg4[%arg1, %dma_start3A, %dma_start3A_31] : memref<16x79x128xi32, #tpu.memory_space<hbm>> -> memref<1x1x128xi32, #tpu.memory_space<hbm>>
      %dma_start3A_33 = tpu.memref_squeeze %dma_start3A_32 : memref<1x1x128xi32, #tpu.memory_space<hbm>> -> memref<128xi32, #tpu.memory_space<hbm>>
      tpu.enqueue_dma source(%dma_start3A_33 : memref<128xi32, #tpu.memory_space<hbm>>) target(%dma_start3A_30 : memref<128xi32, #tpu.memory_space<vmem>>) target_semaphore(%arg14 : memref<!tpu.dma_semaphore, #tpu.memory_space<semaphore_mem>>)
      %dma_start3A_34 = arith.constant 1 : i32
      %dma_start3A_35 = arith.constant 1 : i32
      %dma_start3A_36 = arith.constant 0 : i32
      %dma_start3A_37 = tpu.memref_slice %arg10[%dma_start3A_35, %dma_start3A_36] : memref<4x128xi32, #tpu.memory_space<vmem>> -> memref<1x128xi32, #tpu.memory_space<vmem>>
      %dma_start3A_38 = tpu.memref_squeeze %dma_start3A_37 : memref<1x128xi32, #tpu.memory_space<vmem>> -> memref<128xi32, #tpu.memory_space<vmem>>
      %dma_start3A_39 = arith.constant 0 : i32
      %dma_start3A_40 = tpu.memref_slice %arg5[%arg1, %dma_start3A_34, %dma_start3A_39] : memref<16x79x128xi32, #tpu.memory_space<hbm>> -> memref<1x1x128xi32, #tpu.memory_space<hbm>>
      %dma_start3A_41 = tpu.memref_squeeze %dma_start3A_40 : memref<1x1x128xi32, #tpu.memory_space<hbm>> -> memref<128xi32, #tpu.memory_space<hbm>>
      %dma_start3A_42 = arith.constant 0 : i32
      %dma_start3A_43 = tpu.memref_slice %arg10[%dma_start3A_35, %dma_start3A_42] : memref<4x128xi32, #tpu.memory_space<vmem>> -> memref<1x128xi32, #tpu.memory_space<vmem>>
      %dma_start3A_44 = tpu.memref_squeeze %dma_start3A_43 : memref<1x128xi32, #tpu.memory_space<vmem>> -> memref<128xi32, #tpu.memory_space<vmem>>
      %dma_start3A_45 = arith.constant 0 : i32
      %dma_start3A_46 = tpu.memref_slice %arg5[%arg1, %dma_start3A_34, %dma_start3A_45] : memref<16x79x128xi32, #tpu.memory_space<hbm>> -> memref<1x1x128xi32, #tpu.memory_space<hbm>>
      %dma_start3A_47 = tpu.memref_squeeze %dma_start3A_46 : memref<1x1x128xi32, #tpu.memory_space<hbm>> -> memref<128xi32, #tpu.memory_space<hbm>>
      tpu.enqueue_dma source(%dma_start3A_47 : memref<128xi32, #tpu.memory_space<hbm>>) target(%dma_start3A_44 : memref<128xi32, #tpu.memory_space<vmem>>) target_semaphore(%arg14 : memref<!tpu.dma_semaphore, #tpu.memory_space<semaphore_mem>>)
      %dma_start3A_48 = arith.constant 2 : i32
      %dma_start3A_49 = arith.constant 2 : i32
      %dma_start3A_50 = arith.constant 0 : i32
      %dma_start3A_51 = tpu.memref_slice %arg9[%dma_start3A_49, %dma_start3A_50] : memref<4x128xi32, #tpu.memory_space<vmem>> -> memref<1x128xi32, #tpu.memory_space<vmem>>
      %dma_start3A_52 = tpu.memref_squeeze %dma_start3A_51 : memref<1x128xi32, #tpu.memory_space<vmem>> -> memref<128xi32, #tpu.memory_space<vmem>>
      %dma_start3A_53 = arith.constant 0 : i32
      %dma_start3A_54 = tpu.memref_slice %arg4[%arg1, %dma_start3A_48, %dma_start3A_53] : memref<16x79x128xi32, #tpu.memory_space<hbm>> -> memref<1x1x128xi32, #tpu.memory_space<hbm>>
      %dma_start3A_55 = tpu.memref_squeeze %dma_start3A_54 : memref<1x1x128xi32, #tpu.memory_space<hbm>> -> memref<128xi32, #tpu.memory_space<hbm>>
      %dma_start3A_56 = arith.constant 0 : i32
      %dma_start3A_57 = tpu.memref_slice %arg9[%dma_start3A_49, %dma_start3A_56] : memref<4x128xi32, #tpu.memory_space<vmem>> -> memref<1x128xi32, #tpu.memory_space<vmem>>
      %dma_start3A_58 = tpu.memref_squeeze %dma_start3A_57 : memref<1x128xi32, #tpu.memory_space<vmem>> -> memref<128xi32, #tpu.memory_space<vmem>>
      %dma_start3A_59 = arith.constant 0 : i32
      %dma_start3A_60 = tpu.memref_slice %arg4[%arg1, %dma_start3A_48, %dma_start3A_59] : memref<16x79x128xi32, #tpu.memory_space<hbm>> -> memref<1x1x128xi32, #tpu.memory_space<hbm>>
      %dma_start3A_61 = tpu.memref_squeeze %dma_start3A_60 : memref<1x1x128xi32, #tpu.memory_space<hbm>> -> memref<128xi32, #tpu.memory_space<hbm>>
      tpu.enqueue_dma source(%dma_start3A_61 : memref<128xi32, #tpu.memory_space<hbm>>) target(%dma_start3A_58 : memref<128xi32, #tpu.memory_space<vmem>>) target_semaphore(%arg14 : memref<!tpu.dma_semaphore, #tpu.memory_space<semaphore_mem>>)
      %dma_start3A_62 = arith.constant 2 : i32
      %dma_start3A_63 = arith.constant 2 : i32
      %dma_start3A_64 = arith.constant 0 : i32
      %dma_start3A_65 = tpu.memref_slice %arg10[%dma_start3A_63, %dma_start3A_64] : memref<4x128xi32, #tpu.memory_space<vmem>> -> memref<1x128xi32, #tpu.memory_space<vmem>>
      %dma_start3A_66 = tpu.memref_squeeze %dma_start3A_65 : memref<1x128xi32, #tpu.memory_space<vmem>> -> memref<128xi32, #tpu.memory_space<vmem>>
      %dma_start3A_67 = arith.constant 0 : i32
      %dma_start3A_68 = tpu.memref_slice %arg5[%arg1, %dma_start3A_62, %dma_start3A_67] : memref<16x79x128xi32, #tpu.memory_space<hbm>> -> memref<1x1x128xi32, #tpu.memory_space<hbm>>
      %dma_start3A_69 = tpu.memref_squeeze %dma_start3A_68 : memref<1x1x128xi32, #tpu.memory_space<hbm>> -> memref<128xi32, #tpu.memory_space<hbm>>
      %dma_start3A_70 = arith.constant 0 : i32
      %dma_start3A_71 = tpu.memref_slice %arg10[%dma_start3A_63, %dma_start3A_70] : memref<4x128xi32, #tpu.memory_space<vmem>> -> memref<1x128xi32, #tpu.memory_space<vmem>>
      %dma_start3A_72 = tpu.memref_squeeze %dma_start3A_71 : memref<1x128xi32, #tpu.memory_space<vmem>> -> memref<128xi32, #tpu.memory_space<vmem>>
      %dma_start3A_73 = arith.constant 0 : i32
      %dma_start3A_74 = tpu.memref_slice %arg5[%arg1, %dma_start3A_62, %dma_start3A_73] : memref<16x79x128xi32, #tpu.memory_space<hbm>> -> memref<1x1x128xi32, #tpu.memory_space<hbm>>
      %dma_start3A_75 = tpu.memref_squeeze %dma_start3A_74 : memref<1x1x128xi32, #tpu.memory_space<hbm>> -> memref<128xi32, #tpu.memory_space<hbm>>
      tpu.enqueue_dma source(%dma_start3A_75 : memref<128xi32, #tpu.memory_space<hbm>>) target(%dma_start3A_72 : memref<128xi32, #tpu.memory_space<vmem>>) target_semaphore(%arg14 : memref<!tpu.dma_semaphore, #tpu.memory_space<semaphore_mem>>)
      %dma_start3A_76 = arith.constant 3 : i32
      %dma_start3A_77 = arith.constant 3 : i32
      %dma_start3A_78 = arith.constant 0 : i32
      %dma_start3A_79 = tpu.memref_slice %arg9[%dma_start3A_77, %dma_start3A_78] : memref<4x128xi32, #tpu.memory_space<vmem>> -> memref<1x128xi32, #tpu.memory_space<vmem>>
      %dma_start3A_80 = tpu.memref_squeeze %dma_start3A_79 : memref<1x128xi32, #tpu.memory_space<vmem>> -> memref<128xi32, #tpu.memory_space<vmem>>
      %dma_start3A_81 = arith.constant 0 : i32
      %dma_start3A_82 = tpu.memref_slice %arg4[%arg1, %dma_start3A_76, %dma_start3A_81] : memref<16x79x128xi32, #tpu.memory_space<hbm>> -> memref<1x1x128xi32, #tpu.memory_space<hbm>>
      %dma_start3A_83 = tpu.memref_squeeze %dma_start3A_82 : memref<1x1x128xi32, #tpu.memory_space<hbm>> -> memref<128xi32, #tpu.memory_space<hbm>>
      %dma_start3A_84 = arith.constant 0 : i32
      %dma_start3A_85 = tpu.memref_slice %arg9[%dma_start3A_77, %dma_start3A_84] : memref<4x128xi32, #tpu.memory_space<vmem>> -> memref<1x128xi32, #tpu.memory_space<vmem>>
      %dma_start3A_86 = tpu.memref_squeeze %dma_start3A_85 : memref<1x128xi32, #tpu.memory_space<vmem>> -> memref<128xi32, #tpu.memory_space<vmem>>
      %dma_start3A_87 = arith.constant 0 : i32
      %dma_start3A_88 = tpu.memref_slice %arg4[%arg1, %dma_start3A_76, %dma_start3A_87] : memref<16x79x128xi32, #tpu.memory_space<hbm>> -> memref<1x1x128xi32, #tpu.memory_space<hbm>>
      %dma_start3A_89 = tpu.memref_squeeze %dma_start3A_88 : memref<1x1x128xi32, #tpu.memory_space<hbm>> -> memref<128xi32, #tpu.memory_space<hbm>>
      tpu.enqueue_dma source(%dma_start3A_89 : memref<128xi32, #tpu.memory_space<hbm>>) target(%dma_start3A_86 : memref<128xi32, #tpu.memory_space<vmem>>) target_semaphore(%arg14 : memref<!tpu.dma_semaphore, #tpu.memory_space<semaphore_mem>>)
      %dma_start3A_90 = arith.constant 3 : i32
      %dma_start3A_91 = arith.constant 3 : i32
      %dma_start3A_92 = arith.constant 0 : i32
      %dma_start3A_93 = tpu.memref_slice %arg10[%dma_start3A_91, %dma_start3A_92] : memref<4x128xi32, #tpu.memory_space<vmem>> -> memref<1x128xi32, #tpu.memory_space<vmem>>
      %dma_start3A_94 = tpu.memref_squeeze %dma_start3A_93 : memref<1x128xi32, #tpu.memory_space<vmem>> -> memref<128xi32, #tpu.memory_space<vmem>>
      %dma_start3A_95 = arith.constant 0 : i32
      %dma_start3A_96 = tpu.memref_slice %arg5[%arg1, %dma_start3A_90, %dma_start3A_95] : memref<16x79x128xi32, #tpu.memory_space<hbm>> -> memref<1x1x128xi32, #tpu.memory_space<hbm>>
      %dma_start3A_97 = tpu.memref_squeeze %dma_start3A_96 : memref<1x1x128xi32, #tpu.memory_space<hbm>> -> memref<128xi32, #tpu.memory_space<hbm>>
      %dma_start3A_98 = arith.constant 0 : i32
      %dma_start3A_99 = tpu.memref_slice %arg10[%dma_start3A_91, %dma_start3A_98] : memref<4x128xi32, #tpu.memory_space<vmem>> -> memref<1x128xi32, #tpu.memory_space<vmem>>
      %dma_start3A_100 = tpu.memref_squeeze %dma_start3A_99 : memref<1x128xi32, #tpu.memory_space<vmem>> -> memref<128xi32, #tpu.memory_space<vmem>>
      %dma_start3A_101 = arith.constant 0 : i32
      %dma_start3A_102 = tpu.memref_slice %arg5[%arg1, %dma_start3A_90, %dma_start3A_101] : memref<16x79x128xi32, #tpu.memory_space<hbm>> -> memref<1x1x128xi32, #tpu.memory_space<hbm>>
      %dma_start3A_103 = tpu.memref_squeeze %dma_start3A_102 : memref<1x1x128xi32, #tpu.memory_space<hbm>> -> memref<128xi32, #tpu.memory_space<hbm>>
      tpu.enqueue_dma source(%dma_start3A_103 : memref<128xi32, #tpu.memory_space<hbm>>) target(%dma_start3A_100 : memref<128xi32, #tpu.memory_space<vmem>>) target_semaphore(%arg14 : memref<!tpu.dma_semaphore, #tpu.memory_space<semaphore_mem>>)
      %dma_start3A_104 = arith.constant 0 : i32
      %dma_start3A_105 = arith.constant 0 : i32
      %dma_start3A_106 = arith.constant 0 : i32
      %dma_start3A_107 = arith.constant 0 : i32
      %dma_start3A_108 = tpu.memref_slice %arg11[%dma_start3A_105, %dma_start3A_106, %dma_start3A_107] : memref<3x128x128xf32, #tpu.memory_space<vmem>> -> memref<1x128x128xf32, #tpu.memory_space<vmem>>
      %dma_start3A_109 = tpu.memref_squeeze %dma_start3A_108 : memref<1x128x128xf32, #tpu.memory_space<vmem>> -> memref<128x128xf32, #tpu.memory_space<vmem>>
      %dma_start3A_110 = arith.constant 0 : i32
      %dma_start3A_111 = tpu.memref_slice %arg9[%dma_start3A_104, %dma_start3A_110] : memref<4x128xi32, #tpu.memory_space<vmem>> -> memref<1x128xi32, #tpu.memory_space<vmem>>
      %dma_start3A_112 = tpu.memref_squeeze %dma_start3A_111 : memref<1x128xi32, #tpu.memory_space<vmem>> -> memref<128xi32, #tpu.memory_space<vmem>>
      %dma_start3A_113 = arith.constant 0 : i32
      %dma_start3A_114 = arith.constant 0 : i32
      %dma_start3A_115 = tpu.memref_slice %arg3[%dma_start3A_113, %dma_start3A_114] : memref<10000x128xf32, #tpu.memory_space<hbm>> -> memref<10000x128xf32, #tpu.memory_space<hbm>>
      tpu.enqueue_indirect_dma source(%dma_start3A_115 : memref<10000x128xf32, #tpu.memory_space<hbm>>) target(%dma_start3A_109 : memref<128x128xf32, #tpu.memory_space<vmem>>) offsets(%dma_start3A_112 : memref<128xi32, #tpu.memory_space<vmem>>) semaphore(%arg13 : memref<!tpu.dma_semaphore, #tpu.memory_space<semaphore_mem>>)
      %dma_wait3A = arith.constant 1 : i32
      %dma_wait3A_116 = arith.constant 1 : i32
      %dma_wait3A_117 = arith.constant 0 : i32
      %dma_wait3A_118 = tpu.memref_slice %arg9[%dma_wait3A_116, %dma_wait3A_117] : memref<4x128xi32, #tpu.memory_space<vmem>> -> memref<1x128xi32, #tpu.memory_space<vmem>>
      %dma_wait3A_119 = tpu.memref_squeeze %dma_wait3A_118 : memref<1x128xi32, #tpu.memory_space<vmem>> -> memref<128xi32, #tpu.memory_space<vmem>>
      %dma_wait3A_120 = arith.constant 0 : i32
      %dma_wait3A_121 = tpu.memref_slice %arg4[%arg1, %dma_wait3A, %dma_wait3A_120] : memref<16x79x128xi32, #tpu.memory_space<hbm>> -> memref<1x1x128xi32, #tpu.memory_space<hbm>>
      %dma_wait3A_122 = tpu.memref_squeeze %dma_wait3A_121 : memref<1x1x128xi32, #tpu.memory_space<hbm>> -> memref<128xi32, #tpu.memory_space<hbm>>
      %dma_wait3A_123 = arith.constant 0 : i32
      %dma_wait3A_124 = tpu.memref_slice %arg9[%dma_wait3A_116, %dma_wait3A_123] : memref<4x128xi32, #tpu.memory_space<vmem>> -> memref<1x128xi32, #tpu.memory_space<vmem>>
      %dma_wait3A_125 = tpu.memref_squeeze %dma_wait3A_124 : memref<1x128xi32, #tpu.memory_space<vmem>> -> memref<128xi32, #tpu.memory_space<vmem>>
      %dma_wait3A_126 = arith.constant 0 : i32
      %dma_wait3A_127 = tpu.memref_slice %arg4[%arg1, %dma_wait3A, %dma_wait3A_126] : memref<16x79x128xi32, #tpu.memory_space<hbm>> -> memref<1x1x128xi32, #tpu.memory_space<hbm>>
      %dma_wait3A_128 = tpu.memref_squeeze %dma_wait3A_127 : memref<1x1x128xi32, #tpu.memory_space<hbm>> -> memref<128xi32, #tpu.memory_space<hbm>>
      tpu.wait_dma2 semaphore(%arg14 : memref<!tpu.dma_semaphore, #tpu.memory_space<semaphore_mem>>) src(%dma_wait3A_128 : memref<128xi32, #tpu.memory_space<hbm>>) dst(%dma_wait3A_125 : memref<128xi32, #tpu.memory_space<vmem>>)
      %dma_wait3A_129 = arith.constant 1 : i32
      %dma_wait3A_130 = arith.constant 1 : i32
      %dma_wait3A_131 = arith.constant 0 : i32
      %dma_wait3A_132 = tpu.memref_slice %arg10[%dma_wait3A_130, %dma_wait3A_131] : memref<4x128xi32, #tpu.memory_space<vmem>> -> memref<1x128xi32, #tpu.memory_space<vmem>>
      %dma_wait3A_133 = tpu.memref_squeeze %dma_wait3A_132 : memref<1x128xi32, #tpu.memory_space<vmem>> -> memref<128xi32, #tpu.memory_space<vmem>>
      %dma_wait3A_134 = arith.constant 0 : i32
      %dma_wait3A_135 = tpu.memref_slice %arg5[%arg1, %dma_wait3A_129, %dma_wait3A_134] : memref<16x79x128xi32, #tpu.memory_space<hbm>> -> memref<1x1x128xi32, #tpu.memory_space<hbm>>
      %dma_wait3A_136 = tpu.memref_squeeze %dma_wait3A_135 : memref<1x1x128xi32, #tpu.memory_space<hbm>> -> memref<128xi32, #tpu.memory_space<hbm>>
      %dma_wait3A_137 = arith.constant 0 : i32
      %dma_wait3A_138 = tpu.memref_slice %arg10[%dma_wait3A_130, %dma_wait3A_137] : memref<4x128xi32, #tpu.memory_space<vmem>> -> memref<1x128xi32, #tpu.memory_space<vmem>>
      %dma_wait3A_139 = tpu.memref_squeeze %dma_wait3A_138 : memref<1x128xi32, #tpu.memory_space<vmem>> -> memref<128xi32, #tpu.memory_space<vmem>>
      %dma_wait3A_140 = arith.constant 0 : i32
      %dma_wait3A_141 = tpu.memref_slice %arg5[%arg1, %dma_wait3A_129, %dma_wait3A_140] : memref<16x79x128xi32, #tpu.memory_space<hbm>> -> memref<1x1x128xi32, #tpu.memory_space<hbm>>
      %dma_wait3A_142 = tpu.memref_squeeze %dma_wait3A_141 : memref<1x1x128xi32, #tpu.memory_space<hbm>> -> memref<128xi32, #tpu.memory_space<hbm>>
      tpu.wait_dma2 semaphore(%arg14 : memref<!tpu.dma_semaphore, #tpu.memory_space<semaphore_mem>>) src(%dma_wait3A_142 : memref<128xi32, #tpu.memory_space<hbm>>) dst(%dma_wait3A_139 : memref<128xi32, #tpu.memory_space<vmem>>)
      %dma_start3A_143 = arith.constant 1 : i32
      %dma_start3A_144 = arith.constant 1 : i32
      %dma_start3A_145 = arith.constant 0 : i32
      %dma_start3A_146 = arith.constant 0 : i32
      %dma_start3A_147 = tpu.memref_slice %arg11[%dma_start3A_144, %dma_start3A_145, %dma_start3A_146] : memref<3x128x128xf32, #tpu.memory_space<vmem>> -> memref<1x128x128xf32, #tpu.memory_space<vmem>>
      %dma_start3A_148 = tpu.memref_squeeze %dma_start3A_147 : memref<1x128x128xf32, #tpu.memory_space<vmem>> -> memref<128x128xf32, #tpu.memory_space<vmem>>
      %dma_start3A_149 = arith.constant 0 : i32
      %dma_start3A_150 = tpu.memref_slice %arg9[%dma_start3A_143, %dma_start3A_149] : memref<4x128xi32, #tpu.memory_space<vmem>> -> memref<1x128xi32, #tpu.memory_space<vmem>>
      %dma_start3A_151 = tpu.memref_squeeze %dma_start3A_150 : memref<1x128xi32, #tpu.memory_space<vmem>> -> memref<128xi32, #tpu.memory_space<vmem>>
      %dma_start3A_152 = arith.constant 0 : i32
      %dma_start3A_153 = arith.constant 0 : i32
      %dma_start3A_154 = tpu.memref_slice %arg3[%dma_start3A_152, %dma_start3A_153] : memref<10000x128xf32, #tpu.memory_space<hbm>> -> memref<10000x128xf32, #tpu.memory_space<hbm>>
      tpu.enqueue_indirect_dma source(%dma_start3A_154 : memref<10000x128xf32, #tpu.memory_space<hbm>>) target(%dma_start3A_148 : memref<128x128xf32, #tpu.memory_space<vmem>>) offsets(%dma_start3A_151 : memref<128xi32, #tpu.memory_space<vmem>>) semaphore(%arg13 : memref<!tpu.dma_semaphore, #tpu.memory_space<semaphore_mem>>)
      %dma_wait3A_155 = arith.constant 2 : i32
      %dma_wait3A_156 = arith.constant 2 : i32
      %dma_wait3A_157 = arith.constant 0 : i32
      %dma_wait3A_158 = tpu.memref_slice %arg9[%dma_wait3A_156, %dma_wait3A_157] : memref<4x128xi32, #tpu.memory_space<vmem>> -> memref<1x128xi32, #tpu.memory_space<vmem>>
      %dma_wait3A_159 = tpu.memref_squeeze %dma_wait3A_158 : memref<1x128xi32, #tpu.memory_space<vmem>> -> memref<128xi32, #tpu.memory_space<vmem>>
      %dma_wait3A_160 = arith.constant 0 : i32
      %dma_wait3A_161 = tpu.memref_slice %arg4[%arg1, %dma_wait3A_155, %dma_wait3A_160] : memref<16x79x128xi32, #tpu.memory_space<hbm>> -> memref<1x1x128xi32, #tpu.memory_space<hbm>>
      %dma_wait3A_162 = tpu.memref_squeeze %dma_wait3A_161 : memref<1x1x128xi32, #tpu.memory_space<hbm>> -> memref<128xi32, #tpu.memory_space<hbm>>
      %dma_wait3A_163 = arith.constant 0 : i32
      %dma_wait3A_164 = tpu.memref_slice %arg9[%dma_wait3A_156, %dma_wait3A_163] : memref<4x128xi32, #tpu.memory_space<vmem>> -> memref<1x128xi32, #tpu.memory_space<vmem>>
      %dma_wait3A_165 = tpu.memref_squeeze %dma_wait3A_164 : memref<1x128xi32, #tpu.memory_space<vmem>> -> memref<128xi32, #tpu.memory_space<vmem>>
      %dma_wait3A_166 = arith.constant 0 : i32
      %dma_wait3A_167 = tpu.memref_slice %arg4[%arg1, %dma_wait3A_155, %dma_wait3A_166] : memref<16x79x128xi32, #tpu.memory_space<hbm>> -> memref<1x1x128xi32, #tpu.memory_space<hbm>>
      %dma_wait3A_168 = tpu.memref_squeeze %dma_wait3A_167 : memref<1x1x128xi32, #tpu.memory_space<hbm>> -> memref<128xi32, #tpu.memory_space<hbm>>
      tpu.wait_dma2 semaphore(%arg14 : memref<!tpu.dma_semaphore, #tpu.memory_space<semaphore_mem>>) src(%dma_wait3A_168 : memref<128xi32, #tpu.memory_space<hbm>>) dst(%dma_wait3A_165 : memref<128xi32, #tpu.memory_space<vmem>>)
      %dma_wait3A_169 = arith.constant 2 : i32
      %dma_wait3A_170 = arith.constant 2 : i32
      %dma_wait3A_171 = arith.constant 0 : i32
      %dma_wait3A_172 = tpu.memref_slice %arg10[%dma_wait3A_170, %dma_wait3A_171] : memref<4x128xi32, #tpu.memory_space<vmem>> -> memref<1x128xi32, #tpu.memory_space<vmem>>
      %dma_wait3A_173 = tpu.memref_squeeze %dma_wait3A_172 : memref<1x128xi32, #tpu.memory_space<vmem>> -> memref<128xi32, #tpu.memory_space<vmem>>
      %dma_wait3A_174 = arith.constant 0 : i32
      %dma_wait3A_175 = tpu.memref_slice %arg5[%arg1, %dma_wait3A_169, %dma_wait3A_174] : memref<16x79x128xi32, #tpu.memory_space<hbm>> -> memref<1x1x128xi32, #tpu.memory_space<hbm>>
      %dma_wait3A_176 = tpu.memref_squeeze %dma_wait3A_175 : memref<1x1x128xi32, #tpu.memory_space<hbm>> -> memref<128xi32, #tpu.memory_space<hbm>>
      %dma_wait3A_177 = arith.constant 0 : i32
      %dma_wait3A_178 = tpu.memref_slice %arg10[%dma_wait3A_170, %dma_wait3A_177] : memref<4x128xi32, #tpu.memory_space<vmem>> -> memref<1x128xi32, #tpu.memory_space<vmem>>
      %dma_wait3A_179 = tpu.memref_squeeze %dma_wait3A_178 : memref<1x128xi32, #tpu.memory_space<vmem>> -> memref<128xi32, #tpu.memory_space<vmem>>
      %dma_wait3A_180 = arith.constant 0 : i32
      %dma_wait3A_181 = tpu.memref_slice %arg5[%arg1, %dma_wait3A_169, %dma_wait3A_180] : memref<16x79x128xi32, #tpu.memory_space<hbm>> -> memref<1x1x128xi32, #tpu.memory_space<hbm>>
      %dma_wait3A_182 = tpu.memref_squeeze %dma_wait3A_181 : memref<1x1x128xi32, #tpu.memory_space<hbm>> -> memref<128xi32, #tpu.memory_space<hbm>>
      tpu.wait_dma2 semaphore(%arg14 : memref<!tpu.dma_semaphore, #tpu.memory_space<semaphore_mem>>) src(%dma_wait3A_182 : memref<128xi32, #tpu.memory_space<hbm>>) dst(%dma_wait3A_179 : memref<128xi32, #tpu.memory_space<vmem>>)
      %dma_start3A_183 = arith.constant 2 : i32
      %dma_start3A_184 = arith.constant 2 : i32
      %dma_start3A_185 = arith.constant 0 : i32
      %dma_start3A_186 = arith.constant 0 : i32
      %dma_start3A_187 = tpu.memref_slice %arg11[%dma_start3A_184, %dma_start3A_185, %dma_start3A_186] : memref<3x128x128xf32, #tpu.memory_space<vmem>> -> memref<1x128x128xf32, #tpu.memory_space<vmem>>
      %dma_start3A_188 = tpu.memref_squeeze %dma_start3A_187 : memref<1x128x128xf32, #tpu.memory_space<vmem>> -> memref<128x128xf32, #tpu.memory_space<vmem>>
      %dma_start3A_189 = arith.constant 0 : i32
      %dma_start3A_190 = tpu.memref_slice %arg9[%dma_start3A_183, %dma_start3A_189] : memref<4x128xi32, #tpu.memory_space<vmem>> -> memref<1x128xi32, #tpu.memory_space<vmem>>
      %dma_start3A_191 = tpu.memref_squeeze %dma_start3A_190 : memref<1x128xi32, #tpu.memory_space<vmem>> -> memref<128xi32, #tpu.memory_space<vmem>>
      %dma_start3A_192 = arith.constant 0 : i32
      %dma_start3A_193 = arith.constant 0 : i32
      %dma_start3A_194 = tpu.memref_slice %arg3[%dma_start3A_192, %dma_start3A_193] : memref<10000x128xf32, #tpu.memory_space<hbm>> -> memref<10000x128xf32, #tpu.memory_space<hbm>>
      tpu.enqueue_indirect_dma source(%dma_start3A_194 : memref<10000x128xf32, #tpu.memory_space<hbm>>) target(%dma_start3A_188 : memref<128x128xf32, #tpu.memory_space<vmem>>) offsets(%dma_start3A_191 : memref<128xi32, #tpu.memory_space<vmem>>) semaphore(%arg13 : memref<!tpu.dma_semaphore, #tpu.memory_space<semaphore_mem>>)
      %scan3A = arith.constant 0 : i32
      %scan3A_195 = arith.constant 0 : i32
      %scan3A_196 = arith.constant 79 : i32
      %scan3A_197 = arith.addi %scan3A_195, %scan3A_196 : i32
      %scan3A_198 = arith.constant 1 : i32
      scf.for %scan3A_200 = %scan3A_195 to %scan3A_197 step %scan3A_198  : i32 {
        %rem3A = arith.constant 3 : i32
        %rem3A_201 = arith.remsi %scan3A_200, %rem3A : i32
        %rem3A_202 = arith.constant 4 : i32
        %rem3A_203 = arith.remsi %scan3A_200, %rem3A_202 : i32
        %dma_wait3A_204 = arith.constant 0 : i32
        %dma_wait3A_205 = arith.constant 0 : i32
        %dma_wait3A_206 = tpu.memref_slice %arg11[%rem3A_201, %dma_wait3A_204, %dma_wait3A_205] : memref<3x128x128xf32, #tpu.memory_space<vmem>> -> memref<1x128x128xf32, #tpu.memory_space<vmem>>
        %dma_wait3A_207 = tpu.memref_squeeze %dma_wait3A_206 : memref<1x128x128xf32, #tpu.memory_space<vmem>> -> memref<128x128xf32, #tpu.memory_space<vmem>>
        %dma_wait3A_208 = arith.constant 0 : i32
        %dma_wait3A_209 = tpu.memref_slice %arg9[%rem3A_203, %dma_wait3A_208] : memref<4x128xi32, #tpu.memory_space<vmem>> -> memref<1x128xi32, #tpu.memory_space<vmem>>
        %dma_wait3A_210 = tpu.memref_squeeze %dma_wait3A_209 : memref<1x128xi32, #tpu.memory_space<vmem>> -> memref<128xi32, #tpu.memory_space<vmem>>
        %dma_wait3A_211 = arith.constant 0 : i32
        %dma_wait3A_212 = arith.constant 0 : i32
        %dma_wait3A_213 = tpu.memref_slice %arg3[%dma_wait3A_211, %dma_wait3A_212] : memref<10000x128xf32, #tpu.memory_space<hbm>> -> memref<10000x128xf32, #tpu.memory_space<hbm>>
        tpu.wait_indirect_dma semaphore(%arg13 : memref<!tpu.dma_semaphore, #tpu.memory_space<semaphore_mem>>) src(%dma_wait3A_213 : memref<10000x128xf32, #tpu.memory_space<hbm>>) dst(%dma_wait3A_207 : memref<128x128xf32, #tpu.memory_space<vmem>>)
        "tpu.region"() ({
          %run_scoped3A_227 = tpu.sem_alloc : memref<!tpu.dma_semaphore, #tpu.memory_space<semaphore_mem>>
          %dma_start3A_228 = arith.constant 0 : i32
          %dma_start3A_229 = arith.constant 0 : i32
          %dma_start3A_230 = tpu.memref_slice %arg11[%rem3A_201, %dma_start3A_228, %dma_start3A_229] : memref<3x128x128xf32, #tpu.memory_space<vmem>> -> memref<1x128x128xf32, #tpu.memory_space<vmem>>
          %dma_start3A_231 = tpu.memref_squeeze %dma_start3A_230 : memref<1x128x128xf32, #tpu.memory_space<vmem>> -> memref<128x128xf32, #tpu.memory_space<vmem>>
          %dma_start3A_232 = arith.constant 0 : i32
          %dma_start3A_233 = tpu.memref_slice %arg10[%rem3A_203, %dma_start3A_232] : memref<4x128xi32, #tpu.memory_space<vmem>> -> memref<1x128xi32, #tpu.memory_space<vmem>>
          %dma_start3A_234 = tpu.memref_squeeze %dma_start3A_233 : memref<1x128xi32, #tpu.memory_space<vmem>> -> memref<128xi32, #tpu.memory_space<vmem>>
          %dma_start3A_235 = arith.constant 0 : i32
          %dma_start3A_236 = arith.constant 0 : i32
          %dma_start3A_237 = tpu.memref_slice %arg12[%dma_start3A_235, %dma_start3A_236] : memref<10008x128xf32, #tpu.memory_space<vmem_shared>> -> memref<10008x128xf32, #tpu.memory_space<vmem_shared>>
          tpu.enqueue_indirect_dma source(%dma_start3A_231 : memref<128x128xf32, #tpu.memory_space<vmem>>) target(%dma_start3A_237 : memref<10008x128xf32, #tpu.memory_space<vmem_shared>>) offsets(%dma_start3A_234 : memref<128xi32, #tpu.memory_space<vmem>>) semaphore(%run_scoped3A_227 : memref<!tpu.dma_semaphore, #tpu.memory_space<semaphore_mem>>) {add = true}
          %dma_wait3A_238 = arith.constant 0 : i32
          %dma_wait3A_239 = arith.constant 0 : i32
          %dma_wait3A_240 = tpu.memref_slice %arg11[%rem3A_201, %dma_wait3A_238, %dma_wait3A_239] : memref<3x128x128xf32, #tpu.memory_space<vmem>> -> memref<1x128x128xf32, #tpu.memory_space<vmem>>
          %dma_wait3A_241 = tpu.memref_squeeze %dma_wait3A_240 : memref<1x128x128xf32, #tpu.memory_space<vmem>> -> memref<128x128xf32, #tpu.memory_space<vmem>>
          %dma_wait3A_242 = arith.constant 0 : i32
          %dma_wait3A_243 = tpu.memref_slice %arg10[%rem3A_203, %dma_wait3A_242] : memref<4x128xi32, #tpu.memory_space<vmem>> -> memref<1x128xi32, #tpu.memory_space<vmem>>
          %dma_wait3A_244 = tpu.memref_squeeze %dma_wait3A_243 : memref<1x128xi32, #tpu.memory_space<vmem>> -> memref<128xi32, #tpu.memory_space<vmem>>
          %dma_wait3A_245 = arith.constant 0 : i32
          %dma_wait3A_246 = arith.constant 0 : i32
          %dma_wait3A_247 = tpu.memref_slice %arg12[%dma_wait3A_245, %dma_wait3A_246] : memref<10008x128xf32, #tpu.memory_space<vmem_shared>> -> memref<10008x128xf32, #tpu.memory_space<vmem_shared>>
          tpu.wait_indirect_dma semaphore(%run_scoped3A_227 : memref<!tpu.dma_semaphore, #tpu.memory_space<semaphore_mem>>) src(%dma_wait3A_241 : memref<128x128xf32, #tpu.memory_space<vmem>>) dst(%dma_wait3A_247 : memref<10008x128xf32, #tpu.memory_space<vmem_shared>>)
          tpu.yield
        }) : () -> ()
        %add3A = arith.constant 3 : i32
        %add3A_214 = arith.addi %scan3A_200, %add3A : i32
        %lt3A_215 = arith.constant 79 : i32
        %lt3A_216 = arith.cmpi slt, %add3A_214, %lt3A_215 : i32
        %convert_element_type3A_217 = arith.extui %lt3A_216 : i1 to i32
        %cond3A_218 = arith.constant 0 : i32
        %cond3A_219 = arith.cmpi ne, %convert_element_type3A_217, %cond3A_218 : i32
        scf.if %cond3A_219 {
          %add3A_227 = arith.constant 3 : i32
          %add3A_228 = arith.addi %scan3A_200, %add3A_227 : i32
          %rem3A_229 = arith.constant 4 : i32
          %rem3A_230 = arith.remsi %add3A_228, %rem3A_229 : i32
          %add3A_231 = arith.constant 3 : i32
          %add3A_232 = arith.addi %scan3A_200, %add3A_231 : i32
          %dma_wait3A_233 = arith.constant 0 : i32
          %dma_wait3A_234 = tpu.memref_slice %arg9[%rem3A_230, %dma_wait3A_233] : memref<4x128xi32, #tpu.memory_space<vmem>> -> memref<1x128xi32, #tpu.memory_space<vmem>>
          %dma_wait3A_235 = tpu.memref_squeeze %dma_wait3A_234 : memref<1x128xi32, #tpu.memory_space<vmem>> -> memref<128xi32, #tpu.memory_space<vmem>>
          %dma_wait3A_236 = arith.constant 0 : i32
          %dma_wait3A_237 = tpu.memref_slice %arg4[%arg1, %add3A_232, %dma_wait3A_236] : memref<16x79x128xi32, #tpu.memory_space<hbm>> -> memref<1x1x128xi32, #tpu.memory_space<hbm>>
          %dma_wait3A_238 = tpu.memref_squeeze %dma_wait3A_237 : memref<1x1x128xi32, #tpu.memory_space<hbm>> -> memref<128xi32, #tpu.memory_space<hbm>>
          %dma_wait3A_239 = arith.constant 0 : i32
          %dma_wait3A_240 = tpu.memref_slice %arg9[%rem3A_230, %dma_wait3A_239] : memref<4x128xi32, #tpu.memory_space<vmem>> -> memref<1x128xi32, #tpu.memory_space<vmem>>
          %dma_wait3A_241 = tpu.memref_squeeze %dma_wait3A_240 : memref<1x128xi32, #tpu.memory_space<vmem>> -> memref<128xi32, #tpu.memory_space<vmem>>
          %dma_wait3A_242 = arith.constant 0 : i32
          %dma_wait3A_243 = tpu.memref_slice %arg4[%arg1, %add3A_232, %dma_wait3A_242] : memref<16x79x128xi32, #tpu.memory_space<hbm>> -> memref<1x1x128xi32, #tpu.memory_space<hbm>>
          %dma_wait3A_244 = tpu.memref_squeeze %dma_wait3A_243 : memref<1x1x128xi32, #tpu.memory_space<hbm>> -> memref<128xi32, #tpu.memory_space<hbm>>
          tpu.wait_dma2 semaphore(%arg14 : memref<!tpu.dma_semaphore, #tpu.memory_space<semaphore_mem>>) src(%dma_wait3A_244 : memref<128xi32, #tpu.memory_space<hbm>>) dst(%dma_wait3A_241 : memref<128xi32, #tpu.memory_space<vmem>>)
          %dma_wait3A_245 = arith.constant 0 : i32
          %dma_wait3A_246 = tpu.memref_slice %arg10[%rem3A_230, %dma_wait3A_245] : memref<4x128xi32, #tpu.memory_space<vmem>> -> memref<1x128xi32, #tpu.memory_space<vmem>>
          %dma_wait3A_247 = tpu.memref_squeeze %dma_wait3A_246 : memref<1x128xi32, #tpu.memory_space<vmem>> -> memref<128xi32, #tpu.memory_space<vmem>>
          %dma_wait3A_248 = arith.constant 0 : i32
          %dma_wait3A_249 = tpu.memref_slice %arg5[%arg1, %add3A_232, %dma_wait3A_248] : memref<16x79x128xi32, #tpu.memory_space<hbm>> -> memref<1x1x128xi32, #tpu.memory_space<hbm>>
          %dma_wait3A_250 = tpu.memref_squeeze %dma_wait3A_249 : memref<1x1x128xi32, #tpu.memory_space<hbm>> -> memref<128xi32, #tpu.memory_space<hbm>>
          %dma_wait3A_251 = arith.constant 0 : i32
          %dma_wait3A_252 = tpu.memref_slice %arg10[%rem3A_230, %dma_wait3A_251] : memref<4x128xi32, #tpu.memory_space<vmem>> -> memref<1x128xi32, #tpu.memory_space<vmem>>
          %dma_wait3A_253 = tpu.memref_squeeze %dma_wait3A_252 : memref<1x128xi32, #tpu.memory_space<vmem>> -> memref<128xi32, #tpu.memory_space<vmem>>
          %dma_wait3A_254 = arith.constant 0 : i32
          %dma_wait3A_255 = tpu.memref_slice %arg5[%arg1, %add3A_232, %dma_wait3A_254] : memref<16x79x128xi32, #tpu.memory_space<hbm>> -> memref<1x1x128xi32, #tpu.memory_space<hbm>>
          %dma_wait3A_256 = tpu.memref_squeeze %dma_wait3A_255 : memref<1x1x128xi32, #tpu.memory_space<hbm>> -> memref<128xi32, #tpu.memory_space<hbm>>
          tpu.wait_dma2 semaphore(%arg14 : memref<!tpu.dma_semaphore, #tpu.memory_space<semaphore_mem>>) src(%dma_wait3A_256 : memref<128xi32, #tpu.memory_space<hbm>>) dst(%dma_wait3A_253 : memref<128xi32, #tpu.memory_space<vmem>>)
          %dma_start3A_257 = arith.constant 0 : i32
          %dma_start3A_258 = arith.constant 0 : i32
          %dma_start3A_259 = tpu.memref_slice %arg11[%rem3A_201, %dma_start3A_257, %dma_start3A_258] : memref<3x128x128xf32, #tpu.memory_space<vmem>> -> memref<1x128x128xf32, #tpu.memory_space<vmem>>
          %dma_start3A_260 = tpu.memref_squeeze %dma_start3A_259 : memref<1x128x128xf32, #tpu.memory_space<vmem>> -> memref<128x128xf32, #tpu.memory_space<vmem>>
          %dma_start3A_261 = arith.constant 0 : i32
          %dma_start3A_262 = tpu.memref_slice %arg9[%rem3A_230, %dma_start3A_261] : memref<4x128xi32, #tpu.memory_space<vmem>> -> memref<1x128xi32, #tpu.memory_space<vmem>>
          %dma_start3A_263 = tpu.memref_squeeze %dma_start3A_262 : memref<1x128xi32, #tpu.memory_space<vmem>> -> memref<128xi32, #tpu.memory_space<vmem>>
          %dma_start3A_264 = arith.constant 0 : i32
          %dma_start3A_265 = arith.constant 0 : i32
          %dma_start3A_266 = tpu.memref_slice %arg3[%dma_start3A_264, %dma_start3A_265] : memref<10000x128xf32, #tpu.memory_space<hbm>> -> memref<10000x128xf32, #tpu.memory_space<hbm>>
          tpu.enqueue_indirect_dma source(%dma_start3A_266 : memref<10000x128xf32, #tpu.memory_space<hbm>>) target(%dma_start3A_260 : memref<128x128xf32, #tpu.memory_space<vmem>>) offsets(%dma_start3A_263 : memref<128xi32, #tpu.memory_space<vmem>>) semaphore(%arg13 : memref<!tpu.dma_semaphore, #tpu.memory_space<semaphore_mem>>)
        } else {
        }
        %add3A_220 = arith.constant 4 : i32
        %add3A_221 = arith.addi %scan3A_200, %add3A_220 : i32
        %lt3A_222 = arith.constant 79 : i32
        %lt3A_223 = arith.cmpi slt, %add3A_221, %lt3A_222 : i32
        %convert_element_type3A_224 = arith.extui %lt3A_223 : i1 to i32
        %cond3A_225 = arith.constant 0 : i32
        %cond3A_226 = arith.cmpi ne, %convert_element_type3A_224, %cond3A_225 : i32
        scf.if %cond3A_226 {
          %add3A_227 = arith.constant 4 : i32
          %add3A_228 = arith.addi %scan3A_200, %add3A_227 : i32
          %dma_start3A_229 = arith.constant 0 : i32
          %dma_start3A_230 = tpu.memref_slice %arg9[%rem3A_203, %dma_start3A_229] : memref<4x128xi32, #tpu.memory_space<vmem>> -> memref<1x128xi32, #tpu.memory_space<vmem>>
          %dma_start3A_231 = tpu.memref_squeeze %dma_start3A_230 : memref<1x128xi32, #tpu.memory_space<vmem>> -> memref<128xi32, #tpu.memory_space<vmem>>
          %dma_start3A_232 = arith.constant 0 : i32
          %dma_start3A_233 = tpu.memref_slice %arg4[%arg1, %add3A_228, %dma_start3A_232] : memref<16x79x128xi32, #tpu.memory_space<hbm>> -> memref<1x1x128xi32, #tpu.memory_space<hbm>>
          %dma_start3A_234 = tpu.memref_squeeze %dma_start3A_233 : memref<1x1x128xi32, #tpu.memory_space<hbm>> -> memref<128xi32, #tpu.memory_space<hbm>>
          %dma_start3A_235 = arith.constant 0 : i32
          %dma_start3A_236 = tpu.memref_slice %arg9[%rem3A_203, %dma_start3A_235] : memref<4x128xi32, #tpu.memory_space<vmem>> -> memref<1x128xi32, #tpu.memory_space<vmem>>
          %dma_start3A_237 = tpu.memref_squeeze %dma_start3A_236 : memref<1x128xi32, #tpu.memory_space<vmem>> -> memref<128xi32, #tpu.memory_space<vmem>>
          %dma_start3A_238 = arith.constant 0 : i32
          %dma_start3A_239 = tpu.memref_slice %arg4[%arg1, %add3A_228, %dma_start3A_238] : memref<16x79x128xi32, #tpu.memory_space<hbm>> -> memref<1x1x128xi32, #tpu.memory_space<hbm>>
          %dma_start3A_240 = tpu.memref_squeeze %dma_start3A_239 : memref<1x1x128xi32, #tpu.memory_space<hbm>> -> memref<128xi32, #tpu.memory_space<hbm>>
          tpu.enqueue_dma source(%dma_start3A_240 : memref<128xi32, #tpu.memory_space<hbm>>) target(%dma_start3A_237 : memref<128xi32, #tpu.memory_space<vmem>>) target_semaphore(%arg14 : memref<!tpu.dma_semaphore, #tpu.memory_space<semaphore_mem>>)
          %add3A_241 = arith.constant 4 : i32
          %add3A_242 = arith.addi %scan3A_200, %add3A_241 : i32
          %dma_start3A_243 = arith.constant 0 : i32
          %dma_start3A_244 = tpu.memref_slice %arg10[%rem3A_203, %dma_start3A_243] : memref<4x128xi32, #tpu.memory_space<vmem>> -> memref<1x128xi32, #tpu.memory_space<vmem>>
          %dma_start3A_245 = tpu.memref_squeeze %dma_start3A_244 : memref<1x128xi32, #tpu.memory_space<vmem>> -> memref<128xi32, #tpu.memory_space<vmem>>
          %dma_start3A_246 = arith.constant 0 : i32
          %dma_start3A_247 = tpu.memref_slice %arg5[%arg1, %add3A_242, %dma_start3A_246] : memref<16x79x128xi32, #tpu.memory_space<hbm>> -> memref<1x1x128xi32, #tpu.memory_space<hbm>>
          %dma_start3A_248 = tpu.memref_squeeze %dma_start3A_247 : memref<1x1x128xi32, #tpu.memory_space<hbm>> -> memref<128xi32, #tpu.memory_space<hbm>>
          %dma_start3A_249 = arith.constant 0 : i32
          %dma_start3A_250 = tpu.memref_slice %arg10[%rem3A_203, %dma_start3A_249] : memref<4x128xi32, #tpu.memory_space<vmem>> -> memref<1x128xi32, #tpu.memory_space<vmem>>
          %dma_start3A_251 = tpu.memref_squeeze %dma_start3A_250 : memref<1x128xi32, #tpu.memory_space<vmem>> -> memref<128xi32, #tpu.memory_space<vmem>>
          %dma_start3A_252 = arith.constant 0 : i32
          %dma_start3A_253 = tpu.memref_slice %arg5[%arg1, %add3A_242, %dma_start3A_252] : memref<16x79x128xi32, #tpu.memory_space<hbm>> -> memref<1x1x128xi32, #tpu.memory_space<hbm>>
          %dma_start3A_254 = tpu.memref_squeeze %dma_start3A_253 : memref<1x1x128xi32, #tpu.memory_space<hbm>> -> memref<128xi32, #tpu.memory_space<hbm>>
          tpu.enqueue_dma source(%dma_start3A_254 : memref<128xi32, #tpu.memory_space<hbm>>) target(%dma_start3A_251 : memref<128xi32, #tpu.memory_space<vmem>>) target_semaphore(%arg14 : memref<!tpu.dma_semaphore, #tpu.memory_space<semaphore_mem>>)
        } else {
        }
      }
      %scan3A_199 = arith.constant 79 : i32
    } else {
    }
    %barrier3A_14 = arith.constant 0 : index
    tpu.barrier barrier_id(%barrier3A_14)
    %mul3A = arith.constant 1000 : i32
    %mul3A_15 = arith.muli %arg1, %mul3A : i32
    %lt3A_16 = arith.constant 10 : i32
    %lt3A_17 = arith.cmpi slt, %arg1, %lt3A_16 : i32
    %convert_element_type3A_18 = arith.extui %lt3A_17 : i1 to i32
    %cond3A_19 = arith.constant 0 : i32
    %cond3A_20 = arith.cmpi ne, %convert_element_type3A_18, %cond3A_19 : i32
    scf.if %cond3A_20 {
      %eq3A_21 = arith.constant 0 : i32
      %eq3A_22 = arith.cmpi eq, %arg0, %eq3A_21 : i32
      %convert_element_type3A_23 = arith.extui %eq3A_22 : i1 to i32
      %cond3A_24 = arith.constant 0 : i32
      %cond3A_25 = arith.cmpi ne, %convert_element_type3A_23, %cond3A_24 : i32
      scf.if %cond3A_25 {
        "tpu.region"() ({
          %run_scoped3A_31 = tpu.sem_alloc : memref<!tpu.dma_semaphore, #tpu.memory_space<semaphore_mem>>
          %dma_start3A = arith.constant 0 : i32
          %dma_start3A_32 = tpu.memref_slice %arg7[%mul3A_15, %dma_start3A] : memref<10000x128xf32, #tpu.memory_space<hbm>> -> memref<1000x128xf32, #tpu.memory_space<hbm>>
          %dma_start3A_33 = arith.constant 0 : i32
          %dma_start3A_34 = tpu.memref_slice %arg12[%mul3A_15, %dma_start3A_33] : memref<10008x128xf32, #tpu.memory_space<vmem_shared>> -> memref<1000x128xf32, #tpu.memory_space<vmem_shared>>
          tpu.enqueue_dma source(%dma_start3A_34 : memref<1000x128xf32, #tpu.memory_space<vmem_shared>>) target(%dma_start3A_32 : memref<1000x128xf32, #tpu.memory_space<hbm>>) target_semaphore(%run_scoped3A_31 : memref<!tpu.dma_semaphore, #tpu.memory_space<semaphore_mem>>)
          %dma_wait3A = arith.constant 0 : i32
          %dma_wait3A_35 = tpu.memref_slice %arg7[%mul3A_15, %dma_wait3A] : memref<10000x128xf32, #tpu.memory_space<hbm>> -> memref<1000x128xf32, #tpu.memory_space<hbm>>
          %dma_wait3A_36 = arith.constant 0 : i32
          %dma_wait3A_37 = tpu.memref_slice %arg12[%mul3A_15, %dma_wait3A_36] : memref<10008x128xf32, #tpu.memory_space<vmem_shared>> -> memref<1000x128xf32, #tpu.memory_space<vmem_shared>>
          tpu.wait_dma2 semaphore(%run_scoped3A_31 : memref<!tpu.dma_semaphore, #tpu.memory_space<semaphore_mem>>) src(%dma_wait3A_37 : memref<1000x128xf32, #tpu.memory_space<vmem_shared>>) dst(%dma_wait3A_35 : memref<1000x128xf32, #tpu.memory_space<hbm>>)
          tpu.yield
        }) : () -> ()
      } else {
      }
      %eq3A_26 = arith.constant 1 : i32
      %eq3A_27 = arith.cmpi eq, %arg0, %eq3A_26 : i32
      %convert_element_type3A_28 = arith.extui %eq3A_27 : i1 to i32
      %cond3A_29 = arith.constant 0 : i32
      %cond3A_30 = arith.cmpi ne, %convert_element_type3A_28, %cond3A_29 : i32
      scf.if %cond3A_30 {
        "tpu.region"() ({
          %run_scoped3A_31 = tpu.sem_alloc : memref<!tpu.dma_semaphore, #tpu.memory_space<semaphore_mem>>
          %dma_start3A = arith.constant 0 : i32
          %dma_start3A_32 = tpu.memref_slice %arg8[%mul3A_15, %dma_start3A] : memref<10000x128xf32, #tpu.memory_space<hbm>> -> memref<1000x128xf32, #tpu.memory_space<hbm>>
          %dma_start3A_33 = arith.constant 0 : i32
          %dma_start3A_34 = tpu.memref_slice %arg12[%mul3A_15, %dma_start3A_33] : memref<10008x128xf32, #tpu.memory_space<vmem_shared>> -> memref<1000x128xf32, #tpu.memory_space<vmem_shared>>
          tpu.enqueue_dma source(%dma_start3A_34 : memref<1000x128xf32, #tpu.memory_space<vmem_shared>>) target(%dma_start3A_32 : memref<1000x128xf32, #tpu.memory_space<hbm>>) target_semaphore(%run_scoped3A_31 : memref<!tpu.dma_semaphore, #tpu.memory_space<semaphore_mem>>)
          %dma_wait3A = arith.constant 0 : i32
          %dma_wait3A_35 = tpu.memref_slice %arg8[%mul3A_15, %dma_wait3A] : memref<10000x128xf32, #tpu.memory_space<hbm>> -> memref<1000x128xf32, #tpu.memory_space<hbm>>
          %dma_wait3A_36 = arith.constant 0 : i32
          %dma_wait3A_37 = tpu.memref_slice %arg12[%mul3A_15, %dma_wait3A_36] : memref<10008x128xf32, #tpu.memory_space<vmem_shared>> -> memref<1000x128xf32, #tpu.memory_space<vmem_shared>>
          tpu.wait_dma2 semaphore(%run_scoped3A_31 : memref<!tpu.dma_semaphore, #tpu.memory_space<semaphore_mem>>) src(%dma_wait3A_37 : memref<1000x128xf32, #tpu.memory_space<vmem_shared>>) dst(%dma_wait3A_35 : memref<1000x128xf32, #tpu.memory_space<hbm>>)
          tpu.yield
        }) : () -> ()
      } else {
      }
    } else {
    }
    return
  }
}

#map = affine_map<(d0, d1) -> (0, 0)>
#map1 = affine_map<(d0, d1) -> (0, 0, 0)>
module attributes {stable_mosaic.version = 14 : i64} {
  func.func @_seg_kernel(%arg0: i32, %arg1: i32, %arg2: memref<10000x128xf32, #tpu.memory_space<hbm>>, %arg3: memref<10000x128xf32, #tpu.memory_space<hbm>>, %arg4: memref<16x79x128xi32, #tpu.memory_space<hbm>>, %arg5: memref<16x79x128xi32, #tpu.memory_space<hbm>>, %arg6: memref<1000x128xf32, #tpu.memory_space<hbm>>, %arg7: memref<10000x128xf32, #tpu.memory_space<hbm>>, %arg8: memref<10000x128xf32, #tpu.memory_space<hbm>>, %arg9: memref<4x128xi32, #tpu.memory_space<vmem>>, %arg10: memref<4x128xi32, #tpu.memory_space<vmem>>, %arg11: memref<3x128x128xf32, #tpu.memory_space<vmem>>, %arg12: memref<10008x128xf32, #tpu.memory_space<vmem_shared>>, %arg13: memref<!tpu.dma_semaphore, #tpu.memory_space<semaphore_mem>>, %arg14: memref<!tpu.dma_semaphore, #tpu.memory_space<semaphore_mem>>) attributes {dimension_semantics = [#tpu.dimension_semantics<core_parallel>, #tpu.dimension_semantics<subcore_parallel>], iteration_bounds = array<i64: 2, 16>, scalar_prefetch = 0 : i64, scratch_operands = 6 : i64, tpu.core_type = #tpu.core_type<sc_vector_subcore>, window_params = [{transform_indices = #map}, {transform_indices = #map}, {transform_indices = #map1}, {transform_indices = #map1}, {transform_indices = #map}, {transform_indices = #map}, {transform_indices = #map}]} {
    %lt3A = arith.constant 10 : i32
    %lt3A_0 = arith.cmpi slt, %arg1, %lt3A : i32
    %convert_element_type3A = arith.extui %lt3A_0 : i1 to i32
    %cond3A = arith.constant 0 : i32
    %cond3A_1 = arith.cmpi ne, %convert_element_type3A, %cond3A : i32
    scf.if %cond3A_1 {
      %mul3A_21 = arith.constant 1000 : i32
      %mul3A_22 = arith.muli %arg1, %mul3A_21 : i32
      "tpu.region"() ({
        %run_scoped3A_23 = tpu.sem_alloc : memref<!tpu.dma_semaphore, #tpu.memory_space<semaphore_mem>>
        %dma_start3A = arith.constant 0 : i32
        %dma_start3A_24 = tpu.memref_slice %arg12[%mul3A_22, %dma_start3A] : memref<10008x128xf32, #tpu.memory_space<vmem_shared>> -> memref<1000x128xf32, #tpu.memory_space<vmem_shared>>
        tpu.enqueue_dma source(%arg6 : memref<1000x128xf32, #tpu.memory_space<hbm>>) target(%dma_start3A_24 : memref<1000x128xf32, #tpu.memory_space<vmem_shared>>) target_semaphore(%run_scoped3A_23 : memref<!tpu.dma_semaphore, #tpu.memory_space<semaphore_mem>>)
        %dma_wait3A = arith.constant 0 : i32
        %dma_wait3A_25 = tpu.memref_slice %arg12[%mul3A_22, %dma_wait3A] : memref<10008x128xf32, #tpu.memory_space<vmem_shared>> -> memref<1000x128xf32, #tpu.memory_space<vmem_shared>>
        tpu.wait_dma2 semaphore(%run_scoped3A_23 : memref<!tpu.dma_semaphore, #tpu.memory_space<semaphore_mem>>) src(%arg6 : memref<1000x128xf32, #tpu.memory_space<hbm>>) dst(%dma_wait3A_25 : memref<1000x128xf32, #tpu.memory_space<vmem_shared>>)
        tpu.yield
      }) : () -> ()
    } else {
    }
    %run_scoped3A = arith.constant 0 : i32
    %run_scoped3A_2 = arith.constant 0 : i32
    "tpu.region"() ({
      %run_scoped3A_21 = tpu.sem_alloc : memref<!tpu.dma_semaphore, #tpu.memory_space<semaphore_mem>>
      %dma_start3A = arith.constant 0 : i32
      %dma_start3A_22 = tpu.memref_slice %arg9[%run_scoped3A_2, %dma_start3A] : memref<4x128xi32, #tpu.memory_space<vmem>> -> memref<1x128xi32, #tpu.memory_space<vmem>>
      %dma_start3A_23 = tpu.memref_squeeze %dma_start3A_22 : memref<1x128xi32, #tpu.memory_space<vmem>> -> memref<128xi32, #tpu.memory_space<vmem>>
      %dma_start3A_24 = arith.constant 0 : i32
      %dma_start3A_25 = tpu.memref_slice %arg4[%arg1, %run_scoped3A, %dma_start3A_24] : memref<16x79x128xi32, #tpu.memory_space<hbm>> -> memref<1x1x128xi32, #tpu.memory_space<hbm>>
      %dma_start3A_26 = tpu.memref_squeeze %dma_start3A_25 : memref<1x1x128xi32, #tpu.memory_space<hbm>> -> memref<128xi32, #tpu.memory_space<hbm>>
      %dma_start3A_27 = arith.constant 0 : i32
      %dma_start3A_28 = tpu.memref_slice %arg9[%run_scoped3A_2, %dma_start3A_27] : memref<4x128xi32, #tpu.memory_space<vmem>> -> memref<1x128xi32, #tpu.memory_space<vmem>>
      %dma_start3A_29 = tpu.memref_squeeze %dma_start3A_28 : memref<1x128xi32, #tpu.memory_space<vmem>> -> memref<128xi32, #tpu.memory_space<vmem>>
      %dma_start3A_30 = arith.constant 0 : i32
      %dma_start3A_31 = tpu.memref_slice %arg4[%arg1, %run_scoped3A, %dma_start3A_30] : memref<16x79x128xi32, #tpu.memory_space<hbm>> -> memref<1x1x128xi32, #tpu.memory_space<hbm>>
      %dma_start3A_32 = tpu.memref_squeeze %dma_start3A_31 : memref<1x1x128xi32, #tpu.memory_space<hbm>> -> memref<128xi32, #tpu.memory_space<hbm>>
      tpu.enqueue_dma source(%dma_start3A_32 : memref<128xi32, #tpu.memory_space<hbm>>) target(%dma_start3A_29 : memref<128xi32, #tpu.memory_space<vmem>>) target_semaphore(%run_scoped3A_21 : memref<!tpu.dma_semaphore, #tpu.memory_space<semaphore_mem>>)
      %dma_wait3A = arith.constant 0 : i32
      %dma_wait3A_33 = tpu.memref_slice %arg9[%run_scoped3A_2, %dma_wait3A] : memref<4x128xi32, #tpu.memory_space<vmem>> -> memref<1x128xi32, #tpu.memory_space<vmem>>
      %dma_wait3A_34 = tpu.memref_squeeze %dma_wait3A_33 : memref<1x128xi32, #tpu.memory_space<vmem>> -> memref<128xi32, #tpu.memory_space<vmem>>
      %dma_wait3A_35 = arith.constant 0 : i32
      %dma_wait3A_36 = tpu.memref_slice %arg4[%arg1, %run_scoped3A, %dma_wait3A_35] : memref<16x79x128xi32, #tpu.memory_space<hbm>> -> memref<1x1x128xi32, #tpu.memory_space<hbm>>
      %dma_wait3A_37 = tpu.memref_squeeze %dma_wait3A_36 : memref<1x1x128xi32, #tpu.memory_space<hbm>> -> memref<128xi32, #tpu.memory_space<hbm>>
      %dma_wait3A_38 = arith.constant 0 : i32
      %dma_wait3A_39 = tpu.memref_slice %arg9[%run_scoped3A_2, %dma_wait3A_38] : memref<4x128xi32, #tpu.memory_space<vmem>> -> memref<1x128xi32, #tpu.memory_space<vmem>>
      %dma_wait3A_40 = tpu.memref_squeeze %dma_wait3A_39 : memref<1x128xi32, #tpu.memory_space<vmem>> -> memref<128xi32, #tpu.memory_space<vmem>>
      %dma_wait3A_41 = arith.constant 0 : i32
      %dma_wait3A_42 = tpu.memref_slice %arg4[%arg1, %run_scoped3A, %dma_wait3A_41] : memref<16x79x128xi32, #tpu.memory_space<hbm>> -> memref<1x1x128xi32, #tpu.memory_space<hbm>>
      %dma_wait3A_43 = tpu.memref_squeeze %dma_wait3A_42 : memref<1x1x128xi32, #tpu.memory_space<hbm>> -> memref<128xi32, #tpu.memory_space<hbm>>
      tpu.wait_dma2 semaphore(%run_scoped3A_21 : memref<!tpu.dma_semaphore, #tpu.memory_space<semaphore_mem>>) src(%dma_wait3A_43 : memref<128xi32, #tpu.memory_space<hbm>>) dst(%dma_wait3A_40 : memref<128xi32, #tpu.memory_space<vmem>>)
      tpu.yield
    }) : () -> ()
    %run_scoped3A_3 = arith.constant 0 : i32
    %run_scoped3A_4 = arith.constant 0 : i32
    "tpu.region"() ({
      %run_scoped3A_21 = tpu.sem_alloc : memref<!tpu.dma_semaphore, #tpu.memory_space<semaphore_mem>>
      %dma_start3A = arith.constant 0 : i32
      %dma_start3A_22 = tpu.memref_slice %arg10[%run_scoped3A_4, %dma_start3A] : memref<4x128xi32, #tpu.memory_space<vmem>> -> memref<1x128xi32, #tpu.memory_space<vmem>>
      %dma_start3A_23 = tpu.memref_squeeze %dma_start3A_22 : memref<1x128xi32, #tpu.memory_space<vmem>> -> memref<128xi32, #tpu.memory_space<vmem>>
      %dma_start3A_24 = arith.constant 0 : i32
      %dma_start3A_25 = tpu.memref_slice %arg5[%arg1, %run_scoped3A_3, %dma_start3A_24] : memref<16x79x128xi32, #tpu.memory_space<hbm>> -> memref<1x1x128xi32, #tpu.memory_space<hbm>>
      %dma_start3A_26 = tpu.memref_squeeze %dma_start3A_25 : memref<1x1x128xi32, #tpu.memory_space<hbm>> -> memref<128xi32, #tpu.memory_space<hbm>>
      %dma_start3A_27 = arith.constant 0 : i32
      %dma_start3A_28 = tpu.memref_slice %arg10[%run_scoped3A_4, %dma_start3A_27] : memref<4x128xi32, #tpu.memory_space<vmem>> -> memref<1x128xi32, #tpu.memory_space<vmem>>
      %dma_start3A_29 = tpu.memref_squeeze %dma_start3A_28 : memref<1x128xi32, #tpu.memory_space<vmem>> -> memref<128xi32, #tpu.memory_space<vmem>>
      %dma_start3A_30 = arith.constant 0 : i32
      %dma_start3A_31 = tpu.memref_slice %arg5[%arg1, %run_scoped3A_3, %dma_start3A_30] : memref<16x79x128xi32, #tpu.memory_space<hbm>> -> memref<1x1x128xi32, #tpu.memory_space<hbm>>
      %dma_start3A_32 = tpu.memref_squeeze %dma_start3A_31 : memref<1x1x128xi32, #tpu.memory_space<hbm>> -> memref<128xi32, #tpu.memory_space<hbm>>
      tpu.enqueue_dma source(%dma_start3A_32 : memref<128xi32, #tpu.memory_space<hbm>>) target(%dma_start3A_29 : memref<128xi32, #tpu.memory_space<vmem>>) target_semaphore(%run_scoped3A_21 : memref<!tpu.dma_semaphore, #tpu.memory_space<semaphore_mem>>)
      %dma_wait3A = arith.constant 0 : i32
      %dma_wait3A_33 = tpu.memref_slice %arg10[%run_scoped3A_4, %dma_wait3A] : memref<4x128xi32, #tpu.memory_space<vmem>> -> memref<1x128xi32, #tpu.memory_space<vmem>>
      %dma_wait3A_34 = tpu.memref_squeeze %dma_wait3A_33 : memref<1x128xi32, #tpu.memory_space<vmem>> -> memref<128xi32, #tpu.memory_space<vmem>>
      %dma_wait3A_35 = arith.constant 0 : i32
      %dma_wait3A_36 = tpu.memref_slice %arg5[%arg1, %run_scoped3A_3, %dma_wait3A_35] : memref<16x79x128xi32, #tpu.memory_space<hbm>> -> memref<1x1x128xi32, #tpu.memory_space<hbm>>
      %dma_wait3A_37 = tpu.memref_squeeze %dma_wait3A_36 : memref<1x1x128xi32, #tpu.memory_space<hbm>> -> memref<128xi32, #tpu.memory_space<hbm>>
      %dma_wait3A_38 = arith.constant 0 : i32
      %dma_wait3A_39 = tpu.memref_slice %arg10[%run_scoped3A_4, %dma_wait3A_38] : memref<4x128xi32, #tpu.memory_space<vmem>> -> memref<1x128xi32, #tpu.memory_space<vmem>>
      %dma_wait3A_40 = tpu.memref_squeeze %dma_wait3A_39 : memref<1x128xi32, #tpu.memory_space<vmem>> -> memref<128xi32, #tpu.memory_space<vmem>>
      %dma_wait3A_41 = arith.constant 0 : i32
      %dma_wait3A_42 = tpu.memref_slice %arg5[%arg1, %run_scoped3A_3, %dma_wait3A_41] : memref<16x79x128xi32, #tpu.memory_space<hbm>> -> memref<1x1x128xi32, #tpu.memory_space<hbm>>
      %dma_wait3A_43 = tpu.memref_squeeze %dma_wait3A_42 : memref<1x1x128xi32, #tpu.memory_space<hbm>> -> memref<128xi32, #tpu.memory_space<hbm>>
      tpu.wait_dma2 semaphore(%run_scoped3A_21 : memref<!tpu.dma_semaphore, #tpu.memory_space<semaphore_mem>>) src(%dma_wait3A_43 : memref<128xi32, #tpu.memory_space<hbm>>) dst(%dma_wait3A_40 : memref<128xi32, #tpu.memory_space<vmem>>)
      tpu.yield
    }) : () -> ()
    %barrier3A = arith.constant 0 : index
    tpu.barrier barrier_id(%barrier3A)
    %eq3A = arith.constant 0 : i32
    %eq3A_5 = arith.cmpi eq, %arg0, %eq3A : i32
    %convert_element_type3A_6 = arith.extui %eq3A_5 : i1 to i32
    %cond3A_7 = arith.constant 0 : i32
    %cond3A_8 = arith.cmpi ne, %convert_element_type3A_6, %cond3A_7 : i32
    scf.if %cond3A_8 {
      %dma_start3A = arith.constant 1 : i32
      %dma_start3A_21 = arith.constant 1 : i32
      %dma_start3A_22 = arith.constant 0 : i32
      %dma_start3A_23 = tpu.memref_slice %arg9[%dma_start3A_21, %dma_start3A_22] : memref<4x128xi32, #tpu.memory_space<vmem>> -> memref<1x128xi32, #tpu.memory_space<vmem>>
      %dma_start3A_24 = tpu.memref_squeeze %dma_start3A_23 : memref<1x128xi32, #tpu.memory_space<vmem>> -> memref<128xi32, #tpu.memory_space<vmem>>
      %dma_start3A_25 = arith.constant 0 : i32
      %dma_start3A_26 = tpu.memref_slice %arg4[%arg1, %dma_start3A, %dma_start3A_25] : memref<16x79x128xi32, #tpu.memory_space<hbm>> -> memref<1x1x128xi32, #tpu.memory_space<hbm>>
      %dma_start3A_27 = tpu.memref_squeeze %dma_start3A_26 : memref<1x1x128xi32, #tpu.memory_space<hbm>> -> memref<128xi32, #tpu.memory_space<hbm>>
      %dma_start3A_28 = arith.constant 0 : i32
      %dma_start3A_29 = tpu.memref_slice %arg9[%dma_start3A_21, %dma_start3A_28] : memref<4x128xi32, #tpu.memory_space<vmem>> -> memref<1x128xi32, #tpu.memory_space<vmem>>
      %dma_start3A_30 = tpu.memref_squeeze %dma_start3A_29 : memref<1x128xi32, #tpu.memory_space<vmem>> -> memref<128xi32, #tpu.memory_space<vmem>>
      %dma_start3A_31 = arith.constant 0 : i32
      %dma_start3A_32 = tpu.memref_slice %arg4[%arg1, %dma_start3A, %dma_start3A_31] : memref<16x79x128xi32, #tpu.memory_space<hbm>> -> memref<1x1x128xi32, #tpu.memory_space<hbm>>
      %dma_start3A_33 = tpu.memref_squeeze %dma_start3A_32 : memref<1x1x128xi32, #tpu.memory_space<hbm>> -> memref<128xi32, #tpu.memory_space<hbm>>
      tpu.enqueue_dma source(%dma_start3A_33 : memref<128xi32, #tpu.memory_space<hbm>>) target(%dma_start3A_30 : memref<128xi32, #tpu.memory_space<vmem>>) target_semaphore(%arg14 : memref<!tpu.dma_semaphore, #tpu.memory_space<semaphore_mem>>)
      %dma_start3A_34 = arith.constant 1 : i32
      %dma_start3A_35 = arith.constant 1 : i32
      %dma_start3A_36 = arith.constant 0 : i32
      %dma_start3A_37 = tpu.memref_slice %arg10[%dma_start3A_35, %dma_start3A_36] : memref<4x128xi32, #tpu.memory_space<vmem>> -> memref<1x128xi32, #tpu.memory_space<vmem>>
      %dma_start3A_38 = tpu.memref_squeeze %dma_start3A_37 : memref<1x128xi32, #tpu.memory_space<vmem>> -> memref<128xi32, #tpu.memory_space<vmem>>
      %dma_start3A_39 = arith.constant 0 : i32
      %dma_start3A_40 = tpu.memref_slice %arg5[%arg1, %dma_start3A_34, %dma_start3A_39] : memref<16x79x128xi32, #tpu.memory_space<hbm>> -> memref<1x1x128xi32, #tpu.memory_space<hbm>>
      %dma_start3A_41 = tpu.memref_squeeze %dma_start3A_40 : memref<1x1x128xi32, #tpu.memory_space<hbm>> -> memref<128xi32, #tpu.memory_space<hbm>>
      %dma_start3A_42 = arith.constant 0 : i32
      %dma_start3A_43 = tpu.memref_slice %arg10[%dma_start3A_35, %dma_start3A_42] : memref<4x128xi32, #tpu.memory_space<vmem>> -> memref<1x128xi32, #tpu.memory_space<vmem>>
      %dma_start3A_44 = tpu.memref_squeeze %dma_start3A_43 : memref<1x128xi32, #tpu.memory_space<vmem>> -> memref<128xi32, #tpu.memory_space<vmem>>
      %dma_start3A_45 = arith.constant 0 : i32
      %dma_start3A_46 = tpu.memref_slice %arg5[%arg1, %dma_start3A_34, %dma_start3A_45] : memref<16x79x128xi32, #tpu.memory_space<hbm>> -> memref<1x1x128xi32, #tpu.memory_space<hbm>>
      %dma_start3A_47 = tpu.memref_squeeze %dma_start3A_46 : memref<1x1x128xi32, #tpu.memory_space<hbm>> -> memref<128xi32, #tpu.memory_space<hbm>>
      tpu.enqueue_dma source(%dma_start3A_47 : memref<128xi32, #tpu.memory_space<hbm>>) target(%dma_start3A_44 : memref<128xi32, #tpu.memory_space<vmem>>) target_semaphore(%arg14 : memref<!tpu.dma_semaphore, #tpu.memory_space<semaphore_mem>>)
      %dma_start3A_48 = arith.constant 2 : i32
      %dma_start3A_49 = arith.constant 2 : i32
      %dma_start3A_50 = arith.constant 0 : i32
      %dma_start3A_51 = tpu.memref_slice %arg9[%dma_start3A_49, %dma_start3A_50] : memref<4x128xi32, #tpu.memory_space<vmem>> -> memref<1x128xi32, #tpu.memory_space<vmem>>
      %dma_start3A_52 = tpu.memref_squeeze %dma_start3A_51 : memref<1x128xi32, #tpu.memory_space<vmem>> -> memref<128xi32, #tpu.memory_space<vmem>>
      %dma_start3A_53 = arith.constant 0 : i32
      %dma_start3A_54 = tpu.memref_slice %arg4[%arg1, %dma_start3A_48, %dma_start3A_53] : memref<16x79x128xi32, #tpu.memory_space<hbm>> -> memref<1x1x128xi32, #tpu.memory_space<hbm>>
      %dma_start3A_55 = tpu.memref_squeeze %dma_start3A_54 : memref<1x1x128xi32, #tpu.memory_space<hbm>> -> memref<128xi32, #tpu.memory_space<hbm>>
      %dma_start3A_56 = arith.constant 0 : i32
      %dma_start3A_57 = tpu.memref_slice %arg9[%dma_start3A_49, %dma_start3A_56] : memref<4x128xi32, #tpu.memory_space<vmem>> -> memref<1x128xi32, #tpu.memory_space<vmem>>
      %dma_start3A_58 = tpu.memref_squeeze %dma_start3A_57 : memref<1x128xi32, #tpu.memory_space<vmem>> -> memref<128xi32, #tpu.memory_space<vmem>>
      %dma_start3A_59 = arith.constant 0 : i32
      %dma_start3A_60 = tpu.memref_slice %arg4[%arg1, %dma_start3A_48, %dma_start3A_59] : memref<16x79x128xi32, #tpu.memory_space<hbm>> -> memref<1x1x128xi32, #tpu.memory_space<hbm>>
      %dma_start3A_61 = tpu.memref_squeeze %dma_start3A_60 : memref<1x1x128xi32, #tpu.memory_space<hbm>> -> memref<128xi32, #tpu.memory_space<hbm>>
      tpu.enqueue_dma source(%dma_start3A_61 : memref<128xi32, #tpu.memory_space<hbm>>) target(%dma_start3A_58 : memref<128xi32, #tpu.memory_space<vmem>>) target_semaphore(%arg14 : memref<!tpu.dma_semaphore, #tpu.memory_space<semaphore_mem>>)
      %dma_start3A_62 = arith.constant 2 : i32
      %dma_start3A_63 = arith.constant 2 : i32
      %dma_start3A_64 = arith.constant 0 : i32
      %dma_start3A_65 = tpu.memref_slice %arg10[%dma_start3A_63, %dma_start3A_64] : memref<4x128xi32, #tpu.memory_space<vmem>> -> memref<1x128xi32, #tpu.memory_space<vmem>>
      %dma_start3A_66 = tpu.memref_squeeze %dma_start3A_65 : memref<1x128xi32, #tpu.memory_space<vmem>> -> memref<128xi32, #tpu.memory_space<vmem>>
      %dma_start3A_67 = arith.constant 0 : i32
      %dma_start3A_68 = tpu.memref_slice %arg5[%arg1, %dma_start3A_62, %dma_start3A_67] : memref<16x79x128xi32, #tpu.memory_space<hbm>> -> memref<1x1x128xi32, #tpu.memory_space<hbm>>
      %dma_start3A_69 = tpu.memref_squeeze %dma_start3A_68 : memref<1x1x128xi32, #tpu.memory_space<hbm>> -> memref<128xi32, #tpu.memory_space<hbm>>
      %dma_start3A_70 = arith.constant 0 : i32
      %dma_start3A_71 = tpu.memref_slice %arg10[%dma_start3A_63, %dma_start3A_70] : memref<4x128xi32, #tpu.memory_space<vmem>> -> memref<1x128xi32, #tpu.memory_space<vmem>>
      %dma_start3A_72 = tpu.memref_squeeze %dma_start3A_71 : memref<1x128xi32, #tpu.memory_space<vmem>> -> memref<128xi32, #tpu.memory_space<vmem>>
      %dma_start3A_73 = arith.constant 0 : i32
      %dma_start3A_74 = tpu.memref_slice %arg5[%arg1, %dma_start3A_62, %dma_start3A_73] : memref<16x79x128xi32, #tpu.memory_space<hbm>> -> memref<1x1x128xi32, #tpu.memory_space<hbm>>
      %dma_start3A_75 = tpu.memref_squeeze %dma_start3A_74 : memref<1x1x128xi32, #tpu.memory_space<hbm>> -> memref<128xi32, #tpu.memory_space<hbm>>
      tpu.enqueue_dma source(%dma_start3A_75 : memref<128xi32, #tpu.memory_space<hbm>>) target(%dma_start3A_72 : memref<128xi32, #tpu.memory_space<vmem>>) target_semaphore(%arg14 : memref<!tpu.dma_semaphore, #tpu.memory_space<semaphore_mem>>)
      %dma_start3A_76 = arith.constant 3 : i32
      %dma_start3A_77 = arith.constant 3 : i32
      %dma_start3A_78 = arith.constant 0 : i32
      %dma_start3A_79 = tpu.memref_slice %arg9[%dma_start3A_77, %dma_start3A_78] : memref<4x128xi32, #tpu.memory_space<vmem>> -> memref<1x128xi32, #tpu.memory_space<vmem>>
      %dma_start3A_80 = tpu.memref_squeeze %dma_start3A_79 : memref<1x128xi32, #tpu.memory_space<vmem>> -> memref<128xi32, #tpu.memory_space<vmem>>
      %dma_start3A_81 = arith.constant 0 : i32
      %dma_start3A_82 = tpu.memref_slice %arg4[%arg1, %dma_start3A_76, %dma_start3A_81] : memref<16x79x128xi32, #tpu.memory_space<hbm>> -> memref<1x1x128xi32, #tpu.memory_space<hbm>>
      %dma_start3A_83 = tpu.memref_squeeze %dma_start3A_82 : memref<1x1x128xi32, #tpu.memory_space<hbm>> -> memref<128xi32, #tpu.memory_space<hbm>>
      %dma_start3A_84 = arith.constant 0 : i32
      %dma_start3A_85 = tpu.memref_slice %arg9[%dma_start3A_77, %dma_start3A_84] : memref<4x128xi32, #tpu.memory_space<vmem>> -> memref<1x128xi32, #tpu.memory_space<vmem>>
      %dma_start3A_86 = tpu.memref_squeeze %dma_start3A_85 : memref<1x128xi32, #tpu.memory_space<vmem>> -> memref<128xi32, #tpu.memory_space<vmem>>
      %dma_start3A_87 = arith.constant 0 : i32
      %dma_start3A_88 = tpu.memref_slice %arg4[%arg1, %dma_start3A_76, %dma_start3A_87] : memref<16x79x128xi32, #tpu.memory_space<hbm>> -> memref<1x1x128xi32, #tpu.memory_space<hbm>>
      %dma_start3A_89 = tpu.memref_squeeze %dma_start3A_88 : memref<1x1x128xi32, #tpu.memory_space<hbm>> -> memref<128xi32, #tpu.memory_space<hbm>>
      tpu.enqueue_dma source(%dma_start3A_89 : memref<128xi32, #tpu.memory_space<hbm>>) target(%dma_start3A_86 : memref<128xi32, #tpu.memory_space<vmem>>) target_semaphore(%arg14 : memref<!tpu.dma_semaphore, #tpu.memory_space<semaphore_mem>>)
      %dma_start3A_90 = arith.constant 3 : i32
      %dma_start3A_91 = arith.constant 3 : i32
      %dma_start3A_92 = arith.constant 0 : i32
      %dma_start3A_93 = tpu.memref_slice %arg10[%dma_start3A_91, %dma_start3A_92] : memref<4x128xi32, #tpu.memory_space<vmem>> -> memref<1x128xi32, #tpu.memory_space<vmem>>
      %dma_start3A_94 = tpu.memref_squeeze %dma_start3A_93 : memref<1x128xi32, #tpu.memory_space<vmem>> -> memref<128xi32, #tpu.memory_space<vmem>>
      %dma_start3A_95 = arith.constant 0 : i32
      %dma_start3A_96 = tpu.memref_slice %arg5[%arg1, %dma_start3A_90, %dma_start3A_95] : memref<16x79x128xi32, #tpu.memory_space<hbm>> -> memref<1x1x128xi32, #tpu.memory_space<hbm>>
      %dma_start3A_97 = tpu.memref_squeeze %dma_start3A_96 : memref<1x1x128xi32, #tpu.memory_space<hbm>> -> memref<128xi32, #tpu.memory_space<hbm>>
      %dma_start3A_98 = arith.constant 0 : i32
      %dma_start3A_99 = tpu.memref_slice %arg10[%dma_start3A_91, %dma_start3A_98] : memref<4x128xi32, #tpu.memory_space<vmem>> -> memref<1x128xi32, #tpu.memory_space<vmem>>
      %dma_start3A_100 = tpu.memref_squeeze %dma_start3A_99 : memref<1x128xi32, #tpu.memory_space<vmem>> -> memref<128xi32, #tpu.memory_space<vmem>>
      %dma_start3A_101 = arith.constant 0 : i32
      %dma_start3A_102 = tpu.memref_slice %arg5[%arg1, %dma_start3A_90, %dma_start3A_101] : memref<16x79x128xi32, #tpu.memory_space<hbm>> -> memref<1x1x128xi32, #tpu.memory_space<hbm>>
      %dma_start3A_103 = tpu.memref_squeeze %dma_start3A_102 : memref<1x1x128xi32, #tpu.memory_space<hbm>> -> memref<128xi32, #tpu.memory_space<hbm>>
      tpu.enqueue_dma source(%dma_start3A_103 : memref<128xi32, #tpu.memory_space<hbm>>) target(%dma_start3A_100 : memref<128xi32, #tpu.memory_space<vmem>>) target_semaphore(%arg14 : memref<!tpu.dma_semaphore, #tpu.memory_space<semaphore_mem>>)
      %dma_start3A_104 = arith.constant 0 : i32
      %dma_start3A_105 = arith.constant 0 : i32
      %dma_start3A_106 = arith.constant 0 : i32
      %dma_start3A_107 = arith.constant 0 : i32
      %dma_start3A_108 = tpu.memref_slice %arg11[%dma_start3A_105, %dma_start3A_106, %dma_start3A_107] : memref<3x128x128xf32, #tpu.memory_space<vmem>> -> memref<1x128x128xf32, #tpu.memory_space<vmem>>
      %dma_start3A_109 = tpu.memref_squeeze %dma_start3A_108 : memref<1x128x128xf32, #tpu.memory_space<vmem>> -> memref<128x128xf32, #tpu.memory_space<vmem>>
      %dma_start3A_110 = arith.constant 0 : i32
      %dma_start3A_111 = tpu.memref_slice %arg9[%dma_start3A_104, %dma_start3A_110] : memref<4x128xi32, #tpu.memory_space<vmem>> -> memref<1x128xi32, #tpu.memory_space<vmem>>
      %dma_start3A_112 = tpu.memref_squeeze %dma_start3A_111 : memref<1x128xi32, #tpu.memory_space<vmem>> -> memref<128xi32, #tpu.memory_space<vmem>>
      %dma_start3A_113 = arith.constant 0 : i32
      %dma_start3A_114 = arith.constant 0 : i32
      %dma_start3A_115 = tpu.memref_slice %arg2[%dma_start3A_113, %dma_start3A_114] : memref<10000x128xf32, #tpu.memory_space<hbm>> -> memref<10000x128xf32, #tpu.memory_space<hbm>>
      tpu.enqueue_indirect_dma source(%dma_start3A_115 : memref<10000x128xf32, #tpu.memory_space<hbm>>) target(%dma_start3A_109 : memref<128x128xf32, #tpu.memory_space<vmem>>) offsets(%dma_start3A_112 : memref<128xi32, #tpu.memory_space<vmem>>) semaphore(%arg13 : memref<!tpu.dma_semaphore, #tpu.memory_space<semaphore_mem>>)
      %dma_wait3A = arith.constant 1 : i32
      %dma_wait3A_116 = arith.constant 1 : i32
      %dma_wait3A_117 = arith.constant 0 : i32
      %dma_wait3A_118 = tpu.memref_slice %arg9[%dma_wait3A_116, %dma_wait3A_117] : memref<4x128xi32, #tpu.memory_space<vmem>> -> memref<1x128xi32, #tpu.memory_space<vmem>>
      %dma_wait3A_119 = tpu.memref_squeeze %dma_wait3A_118 : memref<1x128xi32, #tpu.memory_space<vmem>> -> memref<128xi32, #tpu.memory_space<vmem>>
      %dma_wait3A_120 = arith.constant 0 : i32
      %dma_wait3A_121 = tpu.memref_slice %arg4[%arg1, %dma_wait3A, %dma_wait3A_120] : memref<16x79x128xi32, #tpu.memory_space<hbm>> -> memref<1x1x128xi32, #tpu.memory_space<hbm>>
      %dma_wait3A_122 = tpu.memref_squeeze %dma_wait3A_121 : memref<1x1x128xi32, #tpu.memory_space<hbm>> -> memref<128xi32, #tpu.memory_space<hbm>>
      %dma_wait3A_123 = arith.constant 0 : i32
      %dma_wait3A_124 = tpu.memref_slice %arg9[%dma_wait3A_116, %dma_wait3A_123] : memref<4x128xi32, #tpu.memory_space<vmem>> -> memref<1x128xi32, #tpu.memory_space<vmem>>
      %dma_wait3A_125 = tpu.memref_squeeze %dma_wait3A_124 : memref<1x128xi32, #tpu.memory_space<vmem>> -> memref<128xi32, #tpu.memory_space<vmem>>
      %dma_wait3A_126 = arith.constant 0 : i32
      %dma_wait3A_127 = tpu.memref_slice %arg4[%arg1, %dma_wait3A, %dma_wait3A_126] : memref<16x79x128xi32, #tpu.memory_space<hbm>> -> memref<1x1x128xi32, #tpu.memory_space<hbm>>
      %dma_wait3A_128 = tpu.memref_squeeze %dma_wait3A_127 : memref<1x1x128xi32, #tpu.memory_space<hbm>> -> memref<128xi32, #tpu.memory_space<hbm>>
      tpu.wait_dma2 semaphore(%arg14 : memref<!tpu.dma_semaphore, #tpu.memory_space<semaphore_mem>>) src(%dma_wait3A_128 : memref<128xi32, #tpu.memory_space<hbm>>) dst(%dma_wait3A_125 : memref<128xi32, #tpu.memory_space<vmem>>)
      %dma_wait3A_129 = arith.constant 1 : i32
      %dma_wait3A_130 = arith.constant 1 : i32
      %dma_wait3A_131 = arith.constant 0 : i32
      %dma_wait3A_132 = tpu.memref_slice %arg10[%dma_wait3A_130, %dma_wait3A_131] : memref<4x128xi32, #tpu.memory_space<vmem>> -> memref<1x128xi32, #tpu.memory_space<vmem>>
      %dma_wait3A_133 = tpu.memref_squeeze %dma_wait3A_132 : memref<1x128xi32, #tpu.memory_space<vmem>> -> memref<128xi32, #tpu.memory_space<vmem>>
      %dma_wait3A_134 = arith.constant 0 : i32
      %dma_wait3A_135 = tpu.memref_slice %arg5[%arg1, %dma_wait3A_129, %dma_wait3A_134] : memref<16x79x128xi32, #tpu.memory_space<hbm>> -> memref<1x1x128xi32, #tpu.memory_space<hbm>>
      %dma_wait3A_136 = tpu.memref_squeeze %dma_wait3A_135 : memref<1x1x128xi32, #tpu.memory_space<hbm>> -> memref<128xi32, #tpu.memory_space<hbm>>
      %dma_wait3A_137 = arith.constant 0 : i32
      %dma_wait3A_138 = tpu.memref_slice %arg10[%dma_wait3A_130, %dma_wait3A_137] : memref<4x128xi32, #tpu.memory_space<vmem>> -> memref<1x128xi32, #tpu.memory_space<vmem>>
      %dma_wait3A_139 = tpu.memref_squeeze %dma_wait3A_138 : memref<1x128xi32, #tpu.memory_space<vmem>> -> memref<128xi32, #tpu.memory_space<vmem>>
      %dma_wait3A_140 = arith.constant 0 : i32
      %dma_wait3A_141 = tpu.memref_slice %arg5[%arg1, %dma_wait3A_129, %dma_wait3A_140] : memref<16x79x128xi32, #tpu.memory_space<hbm>> -> memref<1x1x128xi32, #tpu.memory_space<hbm>>
      %dma_wait3A_142 = tpu.memref_squeeze %dma_wait3A_141 : memref<1x1x128xi32, #tpu.memory_space<hbm>> -> memref<128xi32, #tpu.memory_space<hbm>>
      tpu.wait_dma2 semaphore(%arg14 : memref<!tpu.dma_semaphore, #tpu.memory_space<semaphore_mem>>) src(%dma_wait3A_142 : memref<128xi32, #tpu.memory_space<hbm>>) dst(%dma_wait3A_139 : memref<128xi32, #tpu.memory_space<vmem>>)
      %dma_start3A_143 = arith.constant 1 : i32
      %dma_start3A_144 = arith.constant 1 : i32
      %dma_start3A_145 = arith.constant 0 : i32
      %dma_start3A_146 = arith.constant 0 : i32
      %dma_start3A_147 = tpu.memref_slice %arg11[%dma_start3A_144, %dma_start3A_145, %dma_start3A_146] : memref<3x128x128xf32, #tpu.memory_space<vmem>> -> memref<1x128x128xf32, #tpu.memory_space<vmem>>
      %dma_start3A_148 = tpu.memref_squeeze %dma_start3A_147 : memref<1x128x128xf32, #tpu.memory_space<vmem>> -> memref<128x128xf32, #tpu.memory_space<vmem>>
      %dma_start3A_149 = arith.constant 0 : i32
      %dma_start3A_150 = tpu.memref_slice %arg9[%dma_start3A_143, %dma_start3A_149] : memref<4x128xi32, #tpu.memory_space<vmem>> -> memref<1x128xi32, #tpu.memory_space<vmem>>
      %dma_start3A_151 = tpu.memref_squeeze %dma_start3A_150 : memref<1x128xi32, #tpu.memory_space<vmem>> -> memref<128xi32, #tpu.memory_space<vmem>>
      %dma_start3A_152 = arith.constant 0 : i32
      %dma_start3A_153 = arith.constant 0 : i32
      %dma_start3A_154 = tpu.memref_slice %arg2[%dma_start3A_152, %dma_start3A_153] : memref<10000x128xf32, #tpu.memory_space<hbm>> -> memref<10000x128xf32, #tpu.memory_space<hbm>>
      tpu.enqueue_indirect_dma source(%dma_start3A_154 : memref<10000x128xf32, #tpu.memory_space<hbm>>) target(%dma_start3A_148 : memref<128x128xf32, #tpu.memory_space<vmem>>) offsets(%dma_start3A_151 : memref<128xi32, #tpu.memory_space<vmem>>) semaphore(%arg13 : memref<!tpu.dma_semaphore, #tpu.memory_space<semaphore_mem>>)
      %dma_wait3A_155 = arith.constant 2 : i32
      %dma_wait3A_156 = arith.constant 2 : i32
      %dma_wait3A_157 = arith.constant 0 : i32
      %dma_wait3A_158 = tpu.memref_slice %arg9[%dma_wait3A_156, %dma_wait3A_157] : memref<4x128xi32, #tpu.memory_space<vmem>> -> memref<1x128xi32, #tpu.memory_space<vmem>>
      %dma_wait3A_159 = tpu.memref_squeeze %dma_wait3A_158 : memref<1x128xi32, #tpu.memory_space<vmem>> -> memref<128xi32, #tpu.memory_space<vmem>>
      %dma_wait3A_160 = arith.constant 0 : i32
      %dma_wait3A_161 = tpu.memref_slice %arg4[%arg1, %dma_wait3A_155, %dma_wait3A_160] : memref<16x79x128xi32, #tpu.memory_space<hbm>> -> memref<1x1x128xi32, #tpu.memory_space<hbm>>
      %dma_wait3A_162 = tpu.memref_squeeze %dma_wait3A_161 : memref<1x1x128xi32, #tpu.memory_space<hbm>> -> memref<128xi32, #tpu.memory_space<hbm>>
      %dma_wait3A_163 = arith.constant 0 : i32
      %dma_wait3A_164 = tpu.memref_slice %arg9[%dma_wait3A_156, %dma_wait3A_163] : memref<4x128xi32, #tpu.memory_space<vmem>> -> memref<1x128xi32, #tpu.memory_space<vmem>>
      %dma_wait3A_165 = tpu.memref_squeeze %dma_wait3A_164 : memref<1x128xi32, #tpu.memory_space<vmem>> -> memref<128xi32, #tpu.memory_space<vmem>>
      %dma_wait3A_166 = arith.constant 0 : i32
      %dma_wait3A_167 = tpu.memref_slice %arg4[%arg1, %dma_wait3A_155, %dma_wait3A_166] : memref<16x79x128xi32, #tpu.memory_space<hbm>> -> memref<1x1x128xi32, #tpu.memory_space<hbm>>
      %dma_wait3A_168 = tpu.memref_squeeze %dma_wait3A_167 : memref<1x1x128xi32, #tpu.memory_space<hbm>> -> memref<128xi32, #tpu.memory_space<hbm>>
      tpu.wait_dma2 semaphore(%arg14 : memref<!tpu.dma_semaphore, #tpu.memory_space<semaphore_mem>>) src(%dma_wait3A_168 : memref<128xi32, #tpu.memory_space<hbm>>) dst(%dma_wait3A_165 : memref<128xi32, #tpu.memory_space<vmem>>)
      %dma_wait3A_169 = arith.constant 2 : i32
      %dma_wait3A_170 = arith.constant 2 : i32
      %dma_wait3A_171 = arith.constant 0 : i32
      %dma_wait3A_172 = tpu.memref_slice %arg10[%dma_wait3A_170, %dma_wait3A_171] : memref<4x128xi32, #tpu.memory_space<vmem>> -> memref<1x128xi32, #tpu.memory_space<vmem>>
      %dma_wait3A_173 = tpu.memref_squeeze %dma_wait3A_172 : memref<1x128xi32, #tpu.memory_space<vmem>> -> memref<128xi32, #tpu.memory_space<vmem>>
      %dma_wait3A_174 = arith.constant 0 : i32
      %dma_wait3A_175 = tpu.memref_slice %arg5[%arg1, %dma_wait3A_169, %dma_wait3A_174] : memref<16x79x128xi32, #tpu.memory_space<hbm>> -> memref<1x1x128xi32, #tpu.memory_space<hbm>>
      %dma_wait3A_176 = tpu.memref_squeeze %dma_wait3A_175 : memref<1x1x128xi32, #tpu.memory_space<hbm>> -> memref<128xi32, #tpu.memory_space<hbm>>
      %dma_wait3A_177 = arith.constant 0 : i32
      %dma_wait3A_178 = tpu.memref_slice %arg10[%dma_wait3A_170, %dma_wait3A_177] : memref<4x128xi32, #tpu.memory_space<vmem>> -> memref<1x128xi32, #tpu.memory_space<vmem>>
      %dma_wait3A_179 = tpu.memref_squeeze %dma_wait3A_178 : memref<1x128xi32, #tpu.memory_space<vmem>> -> memref<128xi32, #tpu.memory_space<vmem>>
      %dma_wait3A_180 = arith.constant 0 : i32
      %dma_wait3A_181 = tpu.memref_slice %arg5[%arg1, %dma_wait3A_169, %dma_wait3A_180] : memref<16x79x128xi32, #tpu.memory_space<hbm>> -> memref<1x1x128xi32, #tpu.memory_space<hbm>>
      %dma_wait3A_182 = tpu.memref_squeeze %dma_wait3A_181 : memref<1x1x128xi32, #tpu.memory_space<hbm>> -> memref<128xi32, #tpu.memory_space<hbm>>
      tpu.wait_dma2 semaphore(%arg14 : memref<!tpu.dma_semaphore, #tpu.memory_space<semaphore_mem>>) src(%dma_wait3A_182 : memref<128xi32, #tpu.memory_space<hbm>>) dst(%dma_wait3A_179 : memref<128xi32, #tpu.memory_space<vmem>>)
      %dma_start3A_183 = arith.constant 2 : i32
      %dma_start3A_184 = arith.constant 2 : i32
      %dma_start3A_185 = arith.constant 0 : i32
      %dma_start3A_186 = arith.constant 0 : i32
      %dma_start3A_187 = tpu.memref_slice %arg11[%dma_start3A_184, %dma_start3A_185, %dma_start3A_186] : memref<3x128x128xf32, #tpu.memory_space<vmem>> -> memref<1x128x128xf32, #tpu.memory_space<vmem>>
      %dma_start3A_188 = tpu.memref_squeeze %dma_start3A_187 : memref<1x128x128xf32, #tpu.memory_space<vmem>> -> memref<128x128xf32, #tpu.memory_space<vmem>>
      %dma_start3A_189 = arith.constant 0 : i32
      %dma_start3A_190 = tpu.memref_slice %arg9[%dma_start3A_183, %dma_start3A_189] : memref<4x128xi32, #tpu.memory_space<vmem>> -> memref<1x128xi32, #tpu.memory_space<vmem>>
      %dma_start3A_191 = tpu.memref_squeeze %dma_start3A_190 : memref<1x128xi32, #tpu.memory_space<vmem>> -> memref<128xi32, #tpu.memory_space<vmem>>
      %dma_start3A_192 = arith.constant 0 : i32
      %dma_start3A_193 = arith.constant 0 : i32
      %dma_start3A_194 = tpu.memref_slice %arg2[%dma_start3A_192, %dma_start3A_193] : memref<10000x128xf32, #tpu.memory_space<hbm>> -> memref<10000x128xf32, #tpu.memory_space<hbm>>
      tpu.enqueue_indirect_dma source(%dma_start3A_194 : memref<10000x128xf32, #tpu.memory_space<hbm>>) target(%dma_start3A_188 : memref<128x128xf32, #tpu.memory_space<vmem>>) offsets(%dma_start3A_191 : memref<128xi32, #tpu.memory_space<vmem>>) semaphore(%arg13 : memref<!tpu.dma_semaphore, #tpu.memory_space<semaphore_mem>>)
      %scan3A = arith.constant 0 : i32
      %scan3A_195 = arith.constant 0 : i32
      %scan3A_196 = arith.constant 79 : i32
      %scan3A_197 = arith.addi %scan3A_195, %scan3A_196 : i32
      %scan3A_198 = arith.constant 1 : i32
      scf.for %scan3A_200 = %scan3A_195 to %scan3A_197 step %scan3A_198  : i32 {
        %rem3A = arith.constant 3 : i32
        %rem3A_201 = arith.remsi %scan3A_200, %rem3A : i32
        %rem3A_202 = arith.constant 4 : i32
        %rem3A_203 = arith.remsi %scan3A_200, %rem3A_202 : i32
        %dma_wait3A_204 = arith.constant 0 : i32
        %dma_wait3A_205 = arith.constant 0 : i32
        %dma_wait3A_206 = tpu.memref_slice %arg11[%rem3A_201, %dma_wait3A_204, %dma_wait3A_205] : memref<3x128x128xf32, #tpu.memory_space<vmem>> -> memref<1x128x128xf32, #tpu.memory_space<vmem>>
        %dma_wait3A_207 = tpu.memref_squeeze %dma_wait3A_206 : memref<1x128x128xf32, #tpu.memory_space<vmem>> -> memref<128x128xf32, #tpu.memory_space<vmem>>
        %dma_wait3A_208 = arith.constant 0 : i32
        %dma_wait3A_209 = tpu.memref_slice %arg9[%rem3A_203, %dma_wait3A_208] : memref<4x128xi32, #tpu.memory_space<vmem>> -> memref<1x128xi32, #tpu.memory_space<vmem>>
        %dma_wait3A_210 = tpu.memref_squeeze %dma_wait3A_209 : memref<1x128xi32, #tpu.memory_space<vmem>> -> memref<128xi32, #tpu.memory_space<vmem>>
        %dma_wait3A_211 = arith.constant 0 : i32
        %dma_wait3A_212 = arith.constant 0 : i32
        %dma_wait3A_213 = tpu.memref_slice %arg2[%dma_wait3A_211, %dma_wait3A_212] : memref<10000x128xf32, #tpu.memory_space<hbm>> -> memref<10000x128xf32, #tpu.memory_space<hbm>>
        tpu.wait_indirect_dma semaphore(%arg13 : memref<!tpu.dma_semaphore, #tpu.memory_space<semaphore_mem>>) src(%dma_wait3A_213 : memref<10000x128xf32, #tpu.memory_space<hbm>>) dst(%dma_wait3A_207 : memref<128x128xf32, #tpu.memory_space<vmem>>)
        "tpu.region"() ({
          %run_scoped3A_227 = tpu.sem_alloc : memref<!tpu.dma_semaphore, #tpu.memory_space<semaphore_mem>>
          %dma_start3A_228 = arith.constant 0 : i32
          %dma_start3A_229 = arith.constant 0 : i32
          %dma_start3A_230 = tpu.memref_slice %arg11[%rem3A_201, %dma_start3A_228, %dma_start3A_229] : memref<3x128x128xf32, #tpu.memory_space<vmem>> -> memref<1x128x128xf32, #tpu.memory_space<vmem>>
          %dma_start3A_231 = tpu.memref_squeeze %dma_start3A_230 : memref<1x128x128xf32, #tpu.memory_space<vmem>> -> memref<128x128xf32, #tpu.memory_space<vmem>>
          %dma_start3A_232 = arith.constant 0 : i32
          %dma_start3A_233 = tpu.memref_slice %arg10[%rem3A_203, %dma_start3A_232] : memref<4x128xi32, #tpu.memory_space<vmem>> -> memref<1x128xi32, #tpu.memory_space<vmem>>
          %dma_start3A_234 = tpu.memref_squeeze %dma_start3A_233 : memref<1x128xi32, #tpu.memory_space<vmem>> -> memref<128xi32, #tpu.memory_space<vmem>>
          %dma_start3A_235 = arith.constant 0 : i32
          %dma_start3A_236 = arith.constant 0 : i32
          %dma_start3A_237 = tpu.memref_slice %arg12[%dma_start3A_235, %dma_start3A_236] : memref<10008x128xf32, #tpu.memory_space<vmem_shared>> -> memref<10008x128xf32, #tpu.memory_space<vmem_shared>>
          tpu.enqueue_indirect_dma source(%dma_start3A_231 : memref<128x128xf32, #tpu.memory_space<vmem>>) target(%dma_start3A_237 : memref<10008x128xf32, #tpu.memory_space<vmem_shared>>) offsets(%dma_start3A_234 : memref<128xi32, #tpu.memory_space<vmem>>) semaphore(%run_scoped3A_227 : memref<!tpu.dma_semaphore, #tpu.memory_space<semaphore_mem>>) {add = true}
          %dma_wait3A_238 = arith.constant 0 : i32
          %dma_wait3A_239 = arith.constant 0 : i32
          %dma_wait3A_240 = tpu.memref_slice %arg11[%rem3A_201, %dma_wait3A_238, %dma_wait3A_239] : memref<3x128x128xf32, #tpu.memory_space<vmem>> -> memref<1x128x128xf32, #tpu.memory_space<vmem>>
          %dma_wait3A_241 = tpu.memref_squeeze %dma_wait3A_240 : memref<1x128x128xf32, #tpu.memory_space<vmem>> -> memref<128x128xf32, #tpu.memory_space<vmem>>
          %dma_wait3A_242 = arith.constant 0 : i32
          %dma_wait3A_243 = tpu.memref_slice %arg10[%rem3A_203, %dma_wait3A_242] : memref<4x128xi32, #tpu.memory_space<vmem>> -> memref<1x128xi32, #tpu.memory_space<vmem>>
          %dma_wait3A_244 = tpu.memref_squeeze %dma_wait3A_243 : memref<1x128xi32, #tpu.memory_space<vmem>> -> memref<128xi32, #tpu.memory_space<vmem>>
          %dma_wait3A_245 = arith.constant 0 : i32
          %dma_wait3A_246 = arith.constant 0 : i32
          %dma_wait3A_247 = tpu.memref_slice %arg12[%dma_wait3A_245, %dma_wait3A_246] : memref<10008x128xf32, #tpu.memory_space<vmem_shared>> -> memref<10008x128xf32, #tpu.memory_space<vmem_shared>>
          tpu.wait_indirect_dma semaphore(%run_scoped3A_227 : memref<!tpu.dma_semaphore, #tpu.memory_space<semaphore_mem>>) src(%dma_wait3A_241 : memref<128x128xf32, #tpu.memory_space<vmem>>) dst(%dma_wait3A_247 : memref<10008x128xf32, #tpu.memory_space<vmem_shared>>)
          tpu.yield
        }) : () -> ()
        %add3A = arith.constant 3 : i32
        %add3A_214 = arith.addi %scan3A_200, %add3A : i32
        %lt3A_215 = arith.constant 79 : i32
        %lt3A_216 = arith.cmpi slt, %add3A_214, %lt3A_215 : i32
        %convert_element_type3A_217 = arith.extui %lt3A_216 : i1 to i32
        %cond3A_218 = arith.constant 0 : i32
        %cond3A_219 = arith.cmpi ne, %convert_element_type3A_217, %cond3A_218 : i32
        scf.if %cond3A_219 {
          %add3A_227 = arith.constant 3 : i32
          %add3A_228 = arith.addi %scan3A_200, %add3A_227 : i32
          %rem3A_229 = arith.constant 4 : i32
          %rem3A_230 = arith.remsi %add3A_228, %rem3A_229 : i32
          %add3A_231 = arith.constant 3 : i32
          %add3A_232 = arith.addi %scan3A_200, %add3A_231 : i32
          %dma_wait3A_233 = arith.constant 0 : i32
          %dma_wait3A_234 = tpu.memref_slice %arg9[%rem3A_230, %dma_wait3A_233] : memref<4x128xi32, #tpu.memory_space<vmem>> -> memref<1x128xi32, #tpu.memory_space<vmem>>
          %dma_wait3A_235 = tpu.memref_squeeze %dma_wait3A_234 : memref<1x128xi32, #tpu.memory_space<vmem>> -> memref<128xi32, #tpu.memory_space<vmem>>
          %dma_wait3A_236 = arith.constant 0 : i32
          %dma_wait3A_237 = tpu.memref_slice %arg4[%arg1, %add3A_232, %dma_wait3A_236] : memref<16x79x128xi32, #tpu.memory_space<hbm>> -> memref<1x1x128xi32, #tpu.memory_space<hbm>>
          %dma_wait3A_238 = tpu.memref_squeeze %dma_wait3A_237 : memref<1x1x128xi32, #tpu.memory_space<hbm>> -> memref<128xi32, #tpu.memory_space<hbm>>
          %dma_wait3A_239 = arith.constant 0 : i32
          %dma_wait3A_240 = tpu.memref_slice %arg9[%rem3A_230, %dma_wait3A_239] : memref<4x128xi32, #tpu.memory_space<vmem>> -> memref<1x128xi32, #tpu.memory_space<vmem>>
          %dma_wait3A_241 = tpu.memref_squeeze %dma_wait3A_240 : memref<1x128xi32, #tpu.memory_space<vmem>> -> memref<128xi32, #tpu.memory_space<vmem>>
          %dma_wait3A_242 = arith.constant 0 : i32
          %dma_wait3A_243 = tpu.memref_slice %arg4[%arg1, %add3A_232, %dma_wait3A_242] : memref<16x79x128xi32, #tpu.memory_space<hbm>> -> memref<1x1x128xi32, #tpu.memory_space<hbm>>
          %dma_wait3A_244 = tpu.memref_squeeze %dma_wait3A_243 : memref<1x1x128xi32, #tpu.memory_space<hbm>> -> memref<128xi32, #tpu.memory_space<hbm>>
          tpu.wait_dma2 semaphore(%arg14 : memref<!tpu.dma_semaphore, #tpu.memory_space<semaphore_mem>>) src(%dma_wait3A_244 : memref<128xi32, #tpu.memory_space<hbm>>) dst(%dma_wait3A_241 : memref<128xi32, #tpu.memory_space<vmem>>)
          %dma_wait3A_245 = arith.constant 0 : i32
          %dma_wait3A_246 = tpu.memref_slice %arg10[%rem3A_230, %dma_wait3A_245] : memref<4x128xi32, #tpu.memory_space<vmem>> -> memref<1x128xi32, #tpu.memory_space<vmem>>
          %dma_wait3A_247 = tpu.memref_squeeze %dma_wait3A_246 : memref<1x128xi32, #tpu.memory_space<vmem>> -> memref<128xi32, #tpu.memory_space<vmem>>
          %dma_wait3A_248 = arith.constant 0 : i32
          %dma_wait3A_249 = tpu.memref_slice %arg5[%arg1, %add3A_232, %dma_wait3A_248] : memref<16x79x128xi32, #tpu.memory_space<hbm>> -> memref<1x1x128xi32, #tpu.memory_space<hbm>>
          %dma_wait3A_250 = tpu.memref_squeeze %dma_wait3A_249 : memref<1x1x128xi32, #tpu.memory_space<hbm>> -> memref<128xi32, #tpu.memory_space<hbm>>
          %dma_wait3A_251 = arith.constant 0 : i32
          %dma_wait3A_252 = tpu.memref_slice %arg10[%rem3A_230, %dma_wait3A_251] : memref<4x128xi32, #tpu.memory_space<vmem>> -> memref<1x128xi32, #tpu.memory_space<vmem>>
          %dma_wait3A_253 = tpu.memref_squeeze %dma_wait3A_252 : memref<1x128xi32, #tpu.memory_space<vmem>> -> memref<128xi32, #tpu.memory_space<vmem>>
          %dma_wait3A_254 = arith.constant 0 : i32
          %dma_wait3A_255 = tpu.memref_slice %arg5[%arg1, %add3A_232, %dma_wait3A_254] : memref<16x79x128xi32, #tpu.memory_space<hbm>> -> memref<1x1x128xi32, #tpu.memory_space<hbm>>
          %dma_wait3A_256 = tpu.memref_squeeze %dma_wait3A_255 : memref<1x1x128xi32, #tpu.memory_space<hbm>> -> memref<128xi32, #tpu.memory_space<hbm>>
          tpu.wait_dma2 semaphore(%arg14 : memref<!tpu.dma_semaphore, #tpu.memory_space<semaphore_mem>>) src(%dma_wait3A_256 : memref<128xi32, #tpu.memory_space<hbm>>) dst(%dma_wait3A_253 : memref<128xi32, #tpu.memory_space<vmem>>)
          %dma_start3A_257 = arith.constant 0 : i32
          %dma_start3A_258 = arith.constant 0 : i32
          %dma_start3A_259 = tpu.memref_slice %arg11[%rem3A_201, %dma_start3A_257, %dma_start3A_258] : memref<3x128x128xf32, #tpu.memory_space<vmem>> -> memref<1x128x128xf32, #tpu.memory_space<vmem>>
          %dma_start3A_260 = tpu.memref_squeeze %dma_start3A_259 : memref<1x128x128xf32, #tpu.memory_space<vmem>> -> memref<128x128xf32, #tpu.memory_space<vmem>>
          %dma_start3A_261 = arith.constant 0 : i32
          %dma_start3A_262 = tpu.memref_slice %arg9[%rem3A_230, %dma_start3A_261] : memref<4x128xi32, #tpu.memory_space<vmem>> -> memref<1x128xi32, #tpu.memory_space<vmem>>
          %dma_start3A_263 = tpu.memref_squeeze %dma_start3A_262 : memref<1x128xi32, #tpu.memory_space<vmem>> -> memref<128xi32, #tpu.memory_space<vmem>>
          %dma_start3A_264 = arith.constant 0 : i32
          %dma_start3A_265 = arith.constant 0 : i32
          %dma_start3A_266 = tpu.memref_slice %arg2[%dma_start3A_264, %dma_start3A_265] : memref<10000x128xf32, #tpu.memory_space<hbm>> -> memref<10000x128xf32, #tpu.memory_space<hbm>>
          tpu.enqueue_indirect_dma source(%dma_start3A_266 : memref<10000x128xf32, #tpu.memory_space<hbm>>) target(%dma_start3A_260 : memref<128x128xf32, #tpu.memory_space<vmem>>) offsets(%dma_start3A_263 : memref<128xi32, #tpu.memory_space<vmem>>) semaphore(%arg13 : memref<!tpu.dma_semaphore, #tpu.memory_space<semaphore_mem>>)
        } else {
        }
        %add3A_220 = arith.constant 4 : i32
        %add3A_221 = arith.addi %scan3A_200, %add3A_220 : i32
        %lt3A_222 = arith.constant 79 : i32
        %lt3A_223 = arith.cmpi slt, %add3A_221, %lt3A_222 : i32
        %convert_element_type3A_224 = arith.extui %lt3A_223 : i1 to i32
        %cond3A_225 = arith.constant 0 : i32
        %cond3A_226 = arith.cmpi ne, %convert_element_type3A_224, %cond3A_225 : i32
        scf.if %cond3A_226 {
          %add3A_227 = arith.constant 4 : i32
          %add3A_228 = arith.addi %scan3A_200, %add3A_227 : i32
          %dma_start3A_229 = arith.constant 0 : i32
          %dma_start3A_230 = tpu.memref_slice %arg9[%rem3A_203, %dma_start3A_229] : memref<4x128xi32, #tpu.memory_space<vmem>> -> memref<1x128xi32, #tpu.memory_space<vmem>>
          %dma_start3A_231 = tpu.memref_squeeze %dma_start3A_230 : memref<1x128xi32, #tpu.memory_space<vmem>> -> memref<128xi32, #tpu.memory_space<vmem>>
          %dma_start3A_232 = arith.constant 0 : i32
          %dma_start3A_233 = tpu.memref_slice %arg4[%arg1, %add3A_228, %dma_start3A_232] : memref<16x79x128xi32, #tpu.memory_space<hbm>> -> memref<1x1x128xi32, #tpu.memory_space<hbm>>
          %dma_start3A_234 = tpu.memref_squeeze %dma_start3A_233 : memref<1x1x128xi32, #tpu.memory_space<hbm>> -> memref<128xi32, #tpu.memory_space<hbm>>
          %dma_start3A_235 = arith.constant 0 : i32
          %dma_start3A_236 = tpu.memref_slice %arg9[%rem3A_203, %dma_start3A_235] : memref<4x128xi32, #tpu.memory_space<vmem>> -> memref<1x128xi32, #tpu.memory_space<vmem>>
          %dma_start3A_237 = tpu.memref_squeeze %dma_start3A_236 : memref<1x128xi32, #tpu.memory_space<vmem>> -> memref<128xi32, #tpu.memory_space<vmem>>
          %dma_start3A_238 = arith.constant 0 : i32
          %dma_start3A_239 = tpu.memref_slice %arg4[%arg1, %add3A_228, %dma_start3A_238] : memref<16x79x128xi32, #tpu.memory_space<hbm>> -> memref<1x1x128xi32, #tpu.memory_space<hbm>>
          %dma_start3A_240 = tpu.memref_squeeze %dma_start3A_239 : memref<1x1x128xi32, #tpu.memory_space<hbm>> -> memref<128xi32, #tpu.memory_space<hbm>>
          tpu.enqueue_dma source(%dma_start3A_240 : memref<128xi32, #tpu.memory_space<hbm>>) target(%dma_start3A_237 : memref<128xi32, #tpu.memory_space<vmem>>) target_semaphore(%arg14 : memref<!tpu.dma_semaphore, #tpu.memory_space<semaphore_mem>>)
          %add3A_241 = arith.constant 4 : i32
          %add3A_242 = arith.addi %scan3A_200, %add3A_241 : i32
          %dma_start3A_243 = arith.constant 0 : i32
          %dma_start3A_244 = tpu.memref_slice %arg10[%rem3A_203, %dma_start3A_243] : memref<4x128xi32, #tpu.memory_space<vmem>> -> memref<1x128xi32, #tpu.memory_space<vmem>>
          %dma_start3A_245 = tpu.memref_squeeze %dma_start3A_244 : memref<1x128xi32, #tpu.memory_space<vmem>> -> memref<128xi32, #tpu.memory_space<vmem>>
          %dma_start3A_246 = arith.constant 0 : i32
          %dma_start3A_247 = tpu.memref_slice %arg5[%arg1, %add3A_242, %dma_start3A_246] : memref<16x79x128xi32, #tpu.memory_space<hbm>> -> memref<1x1x128xi32, #tpu.memory_space<hbm>>
          %dma_start3A_248 = tpu.memref_squeeze %dma_start3A_247 : memref<1x1x128xi32, #tpu.memory_space<hbm>> -> memref<128xi32, #tpu.memory_space<hbm>>
          %dma_start3A_249 = arith.constant 0 : i32
          %dma_start3A_250 = tpu.memref_slice %arg10[%rem3A_203, %dma_start3A_249] : memref<4x128xi32, #tpu.memory_space<vmem>> -> memref<1x128xi32, #tpu.memory_space<vmem>>
          %dma_start3A_251 = tpu.memref_squeeze %dma_start3A_250 : memref<1x128xi32, #tpu.memory_space<vmem>> -> memref<128xi32, #tpu.memory_space<vmem>>
          %dma_start3A_252 = arith.constant 0 : i32
          %dma_start3A_253 = tpu.memref_slice %arg5[%arg1, %add3A_242, %dma_start3A_252] : memref<16x79x128xi32, #tpu.memory_space<hbm>> -> memref<1x1x128xi32, #tpu.memory_space<hbm>>
          %dma_start3A_254 = tpu.memref_squeeze %dma_start3A_253 : memref<1x1x128xi32, #tpu.memory_space<hbm>> -> memref<128xi32, #tpu.memory_space<hbm>>
          tpu.enqueue_dma source(%dma_start3A_254 : memref<128xi32, #tpu.memory_space<hbm>>) target(%dma_start3A_251 : memref<128xi32, #tpu.memory_space<vmem>>) target_semaphore(%arg14 : memref<!tpu.dma_semaphore, #tpu.memory_space<semaphore_mem>>)
        } else {
        }
      }
      %scan3A_199 = arith.constant 79 : i32
    } else {
    }
    %eq3A_9 = arith.constant 1 : i32
    %eq3A_10 = arith.cmpi eq, %arg0, %eq3A_9 : i32
    %convert_element_type3A_11 = arith.extui %eq3A_10 : i1 to i32
    %cond3A_12 = arith.constant 0 : i32
    %cond3A_13 = arith.cmpi ne, %convert_element_type3A_11, %cond3A_12 : i32
    scf.if %cond3A_13 {
      %dma_start3A = arith.constant 1 : i32
      %dma_start3A_21 = arith.constant 1 : i32
      %dma_start3A_22 = arith.constant 0 : i32
      %dma_start3A_23 = tpu.memref_slice %arg9[%dma_start3A_21, %dma_start3A_22] : memref<4x128xi32, #tpu.memory_space<vmem>> -> memref<1x128xi32, #tpu.memory_space<vmem>>
      %dma_start3A_24 = tpu.memref_squeeze %dma_start3A_23 : memref<1x128xi32, #tpu.memory_space<vmem>> -> memref<128xi32, #tpu.memory_space<vmem>>
      %dma_start3A_25 = arith.constant 0 : i32
      %dma_start3A_26 = tpu.memref_slice %arg4[%arg1, %dma_start3A, %dma_start3A_25] : memref<16x79x128xi32, #tpu.memory_space<hbm>> -> memref<1x1x128xi32, #tpu.memory_space<hbm>>
      %dma_start3A_27 = tpu.memref_squeeze %dma_start3A_26 : memref<1x1x128xi32, #tpu.memory_space<hbm>> -> memref<128xi32, #tpu.memory_space<hbm>>
      %dma_start3A_28 = arith.constant 0 : i32
      %dma_start3A_29 = tpu.memref_slice %arg9[%dma_start3A_21, %dma_start3A_28] : memref<4x128xi32, #tpu.memory_space<vmem>> -> memref<1x128xi32, #tpu.memory_space<vmem>>
      %dma_start3A_30 = tpu.memref_squeeze %dma_start3A_29 : memref<1x128xi32, #tpu.memory_space<vmem>> -> memref<128xi32, #tpu.memory_space<vmem>>
      %dma_start3A_31 = arith.constant 0 : i32
      %dma_start3A_32 = tpu.memref_slice %arg4[%arg1, %dma_start3A, %dma_start3A_31] : memref<16x79x128xi32, #tpu.memory_space<hbm>> -> memref<1x1x128xi32, #tpu.memory_space<hbm>>
      %dma_start3A_33 = tpu.memref_squeeze %dma_start3A_32 : memref<1x1x128xi32, #tpu.memory_space<hbm>> -> memref<128xi32, #tpu.memory_space<hbm>>
      tpu.enqueue_dma source(%dma_start3A_33 : memref<128xi32, #tpu.memory_space<hbm>>) target(%dma_start3A_30 : memref<128xi32, #tpu.memory_space<vmem>>) target_semaphore(%arg14 : memref<!tpu.dma_semaphore, #tpu.memory_space<semaphore_mem>>)
      %dma_start3A_34 = arith.constant 1 : i32
      %dma_start3A_35 = arith.constant 1 : i32
      %dma_start3A_36 = arith.constant 0 : i32
      %dma_start3A_37 = tpu.memref_slice %arg10[%dma_start3A_35, %dma_start3A_36] : memref<4x128xi32, #tpu.memory_space<vmem>> -> memref<1x128xi32, #tpu.memory_space<vmem>>
      %dma_start3A_38 = tpu.memref_squeeze %dma_start3A_37 : memref<1x128xi32, #tpu.memory_space<vmem>> -> memref<128xi32, #tpu.memory_space<vmem>>
      %dma_start3A_39 = arith.constant 0 : i32
      %dma_start3A_40 = tpu.memref_slice %arg5[%arg1, %dma_start3A_34, %dma_start3A_39] : memref<16x79x128xi32, #tpu.memory_space<hbm>> -> memref<1x1x128xi32, #tpu.memory_space<hbm>>
      %dma_start3A_41 = tpu.memref_squeeze %dma_start3A_40 : memref<1x1x128xi32, #tpu.memory_space<hbm>> -> memref<128xi32, #tpu.memory_space<hbm>>
      %dma_start3A_42 = arith.constant 0 : i32
      %dma_start3A_43 = tpu.memref_slice %arg10[%dma_start3A_35, %dma_start3A_42] : memref<4x128xi32, #tpu.memory_space<vmem>> -> memref<1x128xi32, #tpu.memory_space<vmem>>
      %dma_start3A_44 = tpu.memref_squeeze %dma_start3A_43 : memref<1x128xi32, #tpu.memory_space<vmem>> -> memref<128xi32, #tpu.memory_space<vmem>>
      %dma_start3A_45 = arith.constant 0 : i32
      %dma_start3A_46 = tpu.memref_slice %arg5[%arg1, %dma_start3A_34, %dma_start3A_45] : memref<16x79x128xi32, #tpu.memory_space<hbm>> -> memref<1x1x128xi32, #tpu.memory_space<hbm>>
      %dma_start3A_47 = tpu.memref_squeeze %dma_start3A_46 : memref<1x1x128xi32, #tpu.memory_space<hbm>> -> memref<128xi32, #tpu.memory_space<hbm>>
      tpu.enqueue_dma source(%dma_start3A_47 : memref<128xi32, #tpu.memory_space<hbm>>) target(%dma_start3A_44 : memref<128xi32, #tpu.memory_space<vmem>>) target_semaphore(%arg14 : memref<!tpu.dma_semaphore, #tpu.memory_space<semaphore_mem>>)
      %dma_start3A_48 = arith.constant 2 : i32
      %dma_start3A_49 = arith.constant 2 : i32
      %dma_start3A_50 = arith.constant 0 : i32
      %dma_start3A_51 = tpu.memref_slice %arg9[%dma_start3A_49, %dma_start3A_50] : memref<4x128xi32, #tpu.memory_space<vmem>> -> memref<1x128xi32, #tpu.memory_space<vmem>>
      %dma_start3A_52 = tpu.memref_squeeze %dma_start3A_51 : memref<1x128xi32, #tpu.memory_space<vmem>> -> memref<128xi32, #tpu.memory_space<vmem>>
      %dma_start3A_53 = arith.constant 0 : i32
      %dma_start3A_54 = tpu.memref_slice %arg4[%arg1, %dma_start3A_48, %dma_start3A_53] : memref<16x79x128xi32, #tpu.memory_space<hbm>> -> memref<1x1x128xi32, #tpu.memory_space<hbm>>
      %dma_start3A_55 = tpu.memref_squeeze %dma_start3A_54 : memref<1x1x128xi32, #tpu.memory_space<hbm>> -> memref<128xi32, #tpu.memory_space<hbm>>
      %dma_start3A_56 = arith.constant 0 : i32
      %dma_start3A_57 = tpu.memref_slice %arg9[%dma_start3A_49, %dma_start3A_56] : memref<4x128xi32, #tpu.memory_space<vmem>> -> memref<1x128xi32, #tpu.memory_space<vmem>>
      %dma_start3A_58 = tpu.memref_squeeze %dma_start3A_57 : memref<1x128xi32, #tpu.memory_space<vmem>> -> memref<128xi32, #tpu.memory_space<vmem>>
      %dma_start3A_59 = arith.constant 0 : i32
      %dma_start3A_60 = tpu.memref_slice %arg4[%arg1, %dma_start3A_48, %dma_start3A_59] : memref<16x79x128xi32, #tpu.memory_space<hbm>> -> memref<1x1x128xi32, #tpu.memory_space<hbm>>
      %dma_start3A_61 = tpu.memref_squeeze %dma_start3A_60 : memref<1x1x128xi32, #tpu.memory_space<hbm>> -> memref<128xi32, #tpu.memory_space<hbm>>
      tpu.enqueue_dma source(%dma_start3A_61 : memref<128xi32, #tpu.memory_space<hbm>>) target(%dma_start3A_58 : memref<128xi32, #tpu.memory_space<vmem>>) target_semaphore(%arg14 : memref<!tpu.dma_semaphore, #tpu.memory_space<semaphore_mem>>)
      %dma_start3A_62 = arith.constant 2 : i32
      %dma_start3A_63 = arith.constant 2 : i32
      %dma_start3A_64 = arith.constant 0 : i32
      %dma_start3A_65 = tpu.memref_slice %arg10[%dma_start3A_63, %dma_start3A_64] : memref<4x128xi32, #tpu.memory_space<vmem>> -> memref<1x128xi32, #tpu.memory_space<vmem>>
      %dma_start3A_66 = tpu.memref_squeeze %dma_start3A_65 : memref<1x128xi32, #tpu.memory_space<vmem>> -> memref<128xi32, #tpu.memory_space<vmem>>
      %dma_start3A_67 = arith.constant 0 : i32
      %dma_start3A_68 = tpu.memref_slice %arg5[%arg1, %dma_start3A_62, %dma_start3A_67] : memref<16x79x128xi32, #tpu.memory_space<hbm>> -> memref<1x1x128xi32, #tpu.memory_space<hbm>>
      %dma_start3A_69 = tpu.memref_squeeze %dma_start3A_68 : memref<1x1x128xi32, #tpu.memory_space<hbm>> -> memref<128xi32, #tpu.memory_space<hbm>>
      %dma_start3A_70 = arith.constant 0 : i32
      %dma_start3A_71 = tpu.memref_slice %arg10[%dma_start3A_63, %dma_start3A_70] : memref<4x128xi32, #tpu.memory_space<vmem>> -> memref<1x128xi32, #tpu.memory_space<vmem>>
      %dma_start3A_72 = tpu.memref_squeeze %dma_start3A_71 : memref<1x128xi32, #tpu.memory_space<vmem>> -> memref<128xi32, #tpu.memory_space<vmem>>
      %dma_start3A_73 = arith.constant 0 : i32
      %dma_start3A_74 = tpu.memref_slice %arg5[%arg1, %dma_start3A_62, %dma_start3A_73] : memref<16x79x128xi32, #tpu.memory_space<hbm>> -> memref<1x1x128xi32, #tpu.memory_space<hbm>>
      %dma_start3A_75 = tpu.memref_squeeze %dma_start3A_74 : memref<1x1x128xi32, #tpu.memory_space<hbm>> -> memref<128xi32, #tpu.memory_space<hbm>>
      tpu.enqueue_dma source(%dma_start3A_75 : memref<128xi32, #tpu.memory_space<hbm>>) target(%dma_start3A_72 : memref<128xi32, #tpu.memory_space<vmem>>) target_semaphore(%arg14 : memref<!tpu.dma_semaphore, #tpu.memory_space<semaphore_mem>>)
      %dma_start3A_76 = arith.constant 3 : i32
      %dma_start3A_77 = arith.constant 3 : i32
      %dma_start3A_78 = arith.constant 0 : i32
      %dma_start3A_79 = tpu.memref_slice %arg9[%dma_start3A_77, %dma_start3A_78] : memref<4x128xi32, #tpu.memory_space<vmem>> -> memref<1x128xi32, #tpu.memory_space<vmem>>
      %dma_start3A_80 = tpu.memref_squeeze %dma_start3A_79 : memref<1x128xi32, #tpu.memory_space<vmem>> -> memref<128xi32, #tpu.memory_space<vmem>>
      %dma_start3A_81 = arith.constant 0 : i32
      %dma_start3A_82 = tpu.memref_slice %arg4[%arg1, %dma_start3A_76, %dma_start3A_81] : memref<16x79x128xi32, #tpu.memory_space<hbm>> -> memref<1x1x128xi32, #tpu.memory_space<hbm>>
      %dma_start3A_83 = tpu.memref_squeeze %dma_start3A_82 : memref<1x1x128xi32, #tpu.memory_space<hbm>> -> memref<128xi32, #tpu.memory_space<hbm>>
      %dma_start3A_84 = arith.constant 0 : i32
      %dma_start3A_85 = tpu.memref_slice %arg9[%dma_start3A_77, %dma_start3A_84] : memref<4x128xi32, #tpu.memory_space<vmem>> -> memref<1x128xi32, #tpu.memory_space<vmem>>
      %dma_start3A_86 = tpu.memref_squeeze %dma_start3A_85 : memref<1x128xi32, #tpu.memory_space<vmem>> -> memref<128xi32, #tpu.memory_space<vmem>>
      %dma_start3A_87 = arith.constant 0 : i32
      %dma_start3A_88 = tpu.memref_slice %arg4[%arg1, %dma_start3A_76, %dma_start3A_87] : memref<16x79x128xi32, #tpu.memory_space<hbm>> -> memref<1x1x128xi32, #tpu.memory_space<hbm>>
      %dma_start3A_89 = tpu.memref_squeeze %dma_start3A_88 : memref<1x1x128xi32, #tpu.memory_space<hbm>> -> memref<128xi32, #tpu.memory_space<hbm>>
      tpu.enqueue_dma source(%dma_start3A_89 : memref<128xi32, #tpu.memory_space<hbm>>) target(%dma_start3A_86 : memref<128xi32, #tpu.memory_space<vmem>>) target_semaphore(%arg14 : memref<!tpu.dma_semaphore, #tpu.memory_space<semaphore_mem>>)
      %dma_start3A_90 = arith.constant 3 : i32
      %dma_start3A_91 = arith.constant 3 : i32
      %dma_start3A_92 = arith.constant 0 : i32
      %dma_start3A_93 = tpu.memref_slice %arg10[%dma_start3A_91, %dma_start3A_92] : memref<4x128xi32, #tpu.memory_space<vmem>> -> memref<1x128xi32, #tpu.memory_space<vmem>>
      %dma_start3A_94 = tpu.memref_squeeze %dma_start3A_93 : memref<1x128xi32, #tpu.memory_space<vmem>> -> memref<128xi32, #tpu.memory_space<vmem>>
      %dma_start3A_95 = arith.constant 0 : i32
      %dma_start3A_96 = tpu.memref_slice %arg5[%arg1, %dma_start3A_90, %dma_start3A_95] : memref<16x79x128xi32, #tpu.memory_space<hbm>> -> memref<1x1x128xi32, #tpu.memory_space<hbm>>
      %dma_start3A_97 = tpu.memref_squeeze %dma_start3A_96 : memref<1x1x128xi32, #tpu.memory_space<hbm>> -> memref<128xi32, #tpu.memory_space<hbm>>
      %dma_start3A_98 = arith.constant 0 : i32
      %dma_start3A_99 = tpu.memref_slice %arg10[%dma_start3A_91, %dma_start3A_98] : memref<4x128xi32, #tpu.memory_space<vmem>> -> memref<1x128xi32, #tpu.memory_space<vmem>>
      %dma_start3A_100 = tpu.memref_squeeze %dma_start3A_99 : memref<1x128xi32, #tpu.memory_space<vmem>> -> memref<128xi32, #tpu.memory_space<vmem>>
      %dma_start3A_101 = arith.constant 0 : i32
      %dma_start3A_102 = tpu.memref_slice %arg5[%arg1, %dma_start3A_90, %dma_start3A_101] : memref<16x79x128xi32, #tpu.memory_space<hbm>> -> memref<1x1x128xi32, #tpu.memory_space<hbm>>
      %dma_start3A_103 = tpu.memref_squeeze %dma_start3A_102 : memref<1x1x128xi32, #tpu.memory_space<hbm>> -> memref<128xi32, #tpu.memory_space<hbm>>
      tpu.enqueue_dma source(%dma_start3A_103 : memref<128xi32, #tpu.memory_space<hbm>>) target(%dma_start3A_100 : memref<128xi32, #tpu.memory_space<vmem>>) target_semaphore(%arg14 : memref<!tpu.dma_semaphore, #tpu.memory_space<semaphore_mem>>)
      %dma_start3A_104 = arith.constant 0 : i32
      %dma_start3A_105 = arith.constant 0 : i32
      %dma_start3A_106 = arith.constant 0 : i32
      %dma_start3A_107 = arith.constant 0 : i32
      %dma_start3A_108 = tpu.memref_slice %arg11[%dma_start3A_105, %dma_start3A_106, %dma_start3A_107] : memref<3x128x128xf32, #tpu.memory_space<vmem>> -> memref<1x128x128xf32, #tpu.memory_space<vmem>>
      %dma_start3A_109 = tpu.memref_squeeze %dma_start3A_108 : memref<1x128x128xf32, #tpu.memory_space<vmem>> -> memref<128x128xf32, #tpu.memory_space<vmem>>
      %dma_start3A_110 = arith.constant 0 : i32
      %dma_start3A_111 = tpu.memref_slice %arg9[%dma_start3A_104, %dma_start3A_110] : memref<4x128xi32, #tpu.memory_space<vmem>> -> memref<1x128xi32, #tpu.memory_space<vmem>>
      %dma_start3A_112 = tpu.memref_squeeze %dma_start3A_111 : memref<1x128xi32, #tpu.memory_space<vmem>> -> memref<128xi32, #tpu.memory_space<vmem>>
      %dma_start3A_113 = arith.constant 0 : i32
      %dma_start3A_114 = arith.constant 0 : i32
      %dma_start3A_115 = tpu.memref_slice %arg3[%dma_start3A_113, %dma_start3A_114] : memref<10000x128xf32, #tpu.memory_space<hbm>> -> memref<10000x128xf32, #tpu.memory_space<hbm>>
      tpu.enqueue_indirect_dma source(%dma_start3A_115 : memref<10000x128xf32, #tpu.memory_space<hbm>>) target(%dma_start3A_109 : memref<128x128xf32, #tpu.memory_space<vmem>>) offsets(%dma_start3A_112 : memref<128xi32, #tpu.memory_space<vmem>>) semaphore(%arg13 : memref<!tpu.dma_semaphore, #tpu.memory_space<semaphore_mem>>)
      %dma_wait3A = arith.constant 1 : i32
      %dma_wait3A_116 = arith.constant 1 : i32
      %dma_wait3A_117 = arith.constant 0 : i32
      %dma_wait3A_118 = tpu.memref_slice %arg9[%dma_wait3A_116, %dma_wait3A_117] : memref<4x128xi32, #tpu.memory_space<vmem>> -> memref<1x128xi32, #tpu.memory_space<vmem>>
      %dma_wait3A_119 = tpu.memref_squeeze %dma_wait3A_118 : memref<1x128xi32, #tpu.memory_space<vmem>> -> memref<128xi32, #tpu.memory_space<vmem>>
      %dma_wait3A_120 = arith.constant 0 : i32
      %dma_wait3A_121 = tpu.memref_slice %arg4[%arg1, %dma_wait3A, %dma_wait3A_120] : memref<16x79x128xi32, #tpu.memory_space<hbm>> -> memref<1x1x128xi32, #tpu.memory_space<hbm>>
      %dma_wait3A_122 = tpu.memref_squeeze %dma_wait3A_121 : memref<1x1x128xi32, #tpu.memory_space<hbm>> -> memref<128xi32, #tpu.memory_space<hbm>>
      %dma_wait3A_123 = arith.constant 0 : i32
      %dma_wait3A_124 = tpu.memref_slice %arg9[%dma_wait3A_116, %dma_wait3A_123] : memref<4x128xi32, #tpu.memory_space<vmem>> -> memref<1x128xi32, #tpu.memory_space<vmem>>
      %dma_wait3A_125 = tpu.memref_squeeze %dma_wait3A_124 : memref<1x128xi32, #tpu.memory_space<vmem>> -> memref<128xi32, #tpu.memory_space<vmem>>
      %dma_wait3A_126 = arith.constant 0 : i32
      %dma_wait3A_127 = tpu.memref_slice %arg4[%arg1, %dma_wait3A, %dma_wait3A_126] : memref<16x79x128xi32, #tpu.memory_space<hbm>> -> memref<1x1x128xi32, #tpu.memory_space<hbm>>
      %dma_wait3A_128 = tpu.memref_squeeze %dma_wait3A_127 : memref<1x1x128xi32, #tpu.memory_space<hbm>> -> memref<128xi32, #tpu.memory_space<hbm>>
      tpu.wait_dma2 semaphore(%arg14 : memref<!tpu.dma_semaphore, #tpu.memory_space<semaphore_mem>>) src(%dma_wait3A_128 : memref<128xi32, #tpu.memory_space<hbm>>) dst(%dma_wait3A_125 : memref<128xi32, #tpu.memory_space<vmem>>)
      %dma_wait3A_129 = arith.constant 1 : i32
      %dma_wait3A_130 = arith.constant 1 : i32
      %dma_wait3A_131 = arith.constant 0 : i32
      %dma_wait3A_132 = tpu.memref_slice %arg10[%dma_wait3A_130, %dma_wait3A_131] : memref<4x128xi32, #tpu.memory_space<vmem>> -> memref<1x128xi32, #tpu.memory_space<vmem>>
      %dma_wait3A_133 = tpu.memref_squeeze %dma_wait3A_132 : memref<1x128xi32, #tpu.memory_space<vmem>> -> memref<128xi32, #tpu.memory_space<vmem>>
      %dma_wait3A_134 = arith.constant 0 : i32
      %dma_wait3A_135 = tpu.memref_slice %arg5[%arg1, %dma_wait3A_129, %dma_wait3A_134] : memref<16x79x128xi32, #tpu.memory_space<hbm>> -> memref<1x1x128xi32, #tpu.memory_space<hbm>>
      %dma_wait3A_136 = tpu.memref_squeeze %dma_wait3A_135 : memref<1x1x128xi32, #tpu.memory_space<hbm>> -> memref<128xi32, #tpu.memory_space<hbm>>
      %dma_wait3A_137 = arith.constant 0 : i32
      %dma_wait3A_138 = tpu.memref_slice %arg10[%dma_wait3A_130, %dma_wait3A_137] : memref<4x128xi32, #tpu.memory_space<vmem>> -> memref<1x128xi32, #tpu.memory_space<vmem>>
      %dma_wait3A_139 = tpu.memref_squeeze %dma_wait3A_138 : memref<1x128xi32, #tpu.memory_space<vmem>> -> memref<128xi32, #tpu.memory_space<vmem>>
      %dma_wait3A_140 = arith.constant 0 : i32
      %dma_wait3A_141 = tpu.memref_slice %arg5[%arg1, %dma_wait3A_129, %dma_wait3A_140] : memref<16x79x128xi32, #tpu.memory_space<hbm>> -> memref<1x1x128xi32, #tpu.memory_space<hbm>>
      %dma_wait3A_142 = tpu.memref_squeeze %dma_wait3A_141 : memref<1x1x128xi32, #tpu.memory_space<hbm>> -> memref<128xi32, #tpu.memory_space<hbm>>
      tpu.wait_dma2 semaphore(%arg14 : memref<!tpu.dma_semaphore, #tpu.memory_space<semaphore_mem>>) src(%dma_wait3A_142 : memref<128xi32, #tpu.memory_space<hbm>>) dst(%dma_wait3A_139 : memref<128xi32, #tpu.memory_space<vmem>>)
      %dma_start3A_143 = arith.constant 1 : i32
      %dma_start3A_144 = arith.constant 1 : i32
      %dma_start3A_145 = arith.constant 0 : i32
      %dma_start3A_146 = arith.constant 0 : i32
      %dma_start3A_147 = tpu.memref_slice %arg11[%dma_start3A_144, %dma_start3A_145, %dma_start3A_146] : memref<3x128x128xf32, #tpu.memory_space<vmem>> -> memref<1x128x128xf32, #tpu.memory_space<vmem>>
      %dma_start3A_148 = tpu.memref_squeeze %dma_start3A_147 : memref<1x128x128xf32, #tpu.memory_space<vmem>> -> memref<128x128xf32, #tpu.memory_space<vmem>>
      %dma_start3A_149 = arith.constant 0 : i32
      %dma_start3A_150 = tpu.memref_slice %arg9[%dma_start3A_143, %dma_start3A_149] : memref<4x128xi32, #tpu.memory_space<vmem>> -> memref<1x128xi32, #tpu.memory_space<vmem>>
      %dma_start3A_151 = tpu.memref_squeeze %dma_start3A_150 : memref<1x128xi32, #tpu.memory_space<vmem>> -> memref<128xi32, #tpu.memory_space<vmem>>
      %dma_start3A_152 = arith.constant 0 : i32
      %dma_start3A_153 = arith.constant 0 : i32
      %dma_start3A_154 = tpu.memref_slice %arg3[%dma_start3A_152, %dma_start3A_153] : memref<10000x128xf32, #tpu.memory_space<hbm>> -> memref<10000x128xf32, #tpu.memory_space<hbm>>
      tpu.enqueue_indirect_dma source(%dma_start3A_154 : memref<10000x128xf32, #tpu.memory_space<hbm>>) target(%dma_start3A_148 : memref<128x128xf32, #tpu.memory_space<vmem>>) offsets(%dma_start3A_151 : memref<128xi32, #tpu.memory_space<vmem>>) semaphore(%arg13 : memref<!tpu.dma_semaphore, #tpu.memory_space<semaphore_mem>>)
      %dma_wait3A_155 = arith.constant 2 : i32
      %dma_wait3A_156 = arith.constant 2 : i32
      %dma_wait3A_157 = arith.constant 0 : i32
      %dma_wait3A_158 = tpu.memref_slice %arg9[%dma_wait3A_156, %dma_wait3A_157] : memref<4x128xi32, #tpu.memory_space<vmem>> -> memref<1x128xi32, #tpu.memory_space<vmem>>
      %dma_wait3A_159 = tpu.memref_squeeze %dma_wait3A_158 : memref<1x128xi32, #tpu.memory_space<vmem>> -> memref<128xi32, #tpu.memory_space<vmem>>
      %dma_wait3A_160 = arith.constant 0 : i32
      %dma_wait3A_161 = tpu.memref_slice %arg4[%arg1, %dma_wait3A_155, %dma_wait3A_160] : memref<16x79x128xi32, #tpu.memory_space<hbm>> -> memref<1x1x128xi32, #tpu.memory_space<hbm>>
      %dma_wait3A_162 = tpu.memref_squeeze %dma_wait3A_161 : memref<1x1x128xi32, #tpu.memory_space<hbm>> -> memref<128xi32, #tpu.memory_space<hbm>>
      %dma_wait3A_163 = arith.constant 0 : i32
      %dma_wait3A_164 = tpu.memref_slice %arg9[%dma_wait3A_156, %dma_wait3A_163] : memref<4x128xi32, #tpu.memory_space<vmem>> -> memref<1x128xi32, #tpu.memory_space<vmem>>
      %dma_wait3A_165 = tpu.memref_squeeze %dma_wait3A_164 : memref<1x128xi32, #tpu.memory_space<vmem>> -> memref<128xi32, #tpu.memory_space<vmem>>
      %dma_wait3A_166 = arith.constant 0 : i32
      %dma_wait3A_167 = tpu.memref_slice %arg4[%arg1, %dma_wait3A_155, %dma_wait3A_166] : memref<16x79x128xi32, #tpu.memory_space<hbm>> -> memref<1x1x128xi32, #tpu.memory_space<hbm>>
      %dma_wait3A_168 = tpu.memref_squeeze %dma_wait3A_167 : memref<1x1x128xi32, #tpu.memory_space<hbm>> -> memref<128xi32, #tpu.memory_space<hbm>>
      tpu.wait_dma2 semaphore(%arg14 : memref<!tpu.dma_semaphore, #tpu.memory_space<semaphore_mem>>) src(%dma_wait3A_168 : memref<128xi32, #tpu.memory_space<hbm>>) dst(%dma_wait3A_165 : memref<128xi32, #tpu.memory_space<vmem>>)
      %dma_wait3A_169 = arith.constant 2 : i32
      %dma_wait3A_170 = arith.constant 2 : i32
      %dma_wait3A_171 = arith.constant 0 : i32
      %dma_wait3A_172 = tpu.memref_slice %arg10[%dma_wait3A_170, %dma_wait3A_171] : memref<4x128xi32, #tpu.memory_space<vmem>> -> memref<1x128xi32, #tpu.memory_space<vmem>>
      %dma_wait3A_173 = tpu.memref_squeeze %dma_wait3A_172 : memref<1x128xi32, #tpu.memory_space<vmem>> -> memref<128xi32, #tpu.memory_space<vmem>>
      %dma_wait3A_174 = arith.constant 0 : i32
      %dma_wait3A_175 = tpu.memref_slice %arg5[%arg1, %dma_wait3A_169, %dma_wait3A_174] : memref<16x79x128xi32, #tpu.memory_space<hbm>> -> memref<1x1x128xi32, #tpu.memory_space<hbm>>
      %dma_wait3A_176 = tpu.memref_squeeze %dma_wait3A_175 : memref<1x1x128xi32, #tpu.memory_space<hbm>> -> memref<128xi32, #tpu.memory_space<hbm>>
      %dma_wait3A_177 = arith.constant 0 : i32
      %dma_wait3A_178 = tpu.memref_slice %arg10[%dma_wait3A_170, %dma_wait3A_177] : memref<4x128xi32, #tpu.memory_space<vmem>> -> memref<1x128xi32, #tpu.memory_space<vmem>>
      %dma_wait3A_179 = tpu.memref_squeeze %dma_wait3A_178 : memref<1x128xi32, #tpu.memory_space<vmem>> -> memref<128xi32, #tpu.memory_space<vmem>>
      %dma_wait3A_180 = arith.constant 0 : i32
      %dma_wait3A_181 = tpu.memref_slice %arg5[%arg1, %dma_wait3A_169, %dma_wait3A_180] : memref<16x79x128xi32, #tpu.memory_space<hbm>> -> memref<1x1x128xi32, #tpu.memory_space<hbm>>
      %dma_wait3A_182 = tpu.memref_squeeze %dma_wait3A_181 : memref<1x1x128xi32, #tpu.memory_space<hbm>> -> memref<128xi32, #tpu.memory_space<hbm>>
      tpu.wait_dma2 semaphore(%arg14 : memref<!tpu.dma_semaphore, #tpu.memory_space<semaphore_mem>>) src(%dma_wait3A_182 : memref<128xi32, #tpu.memory_space<hbm>>) dst(%dma_wait3A_179 : memref<128xi32, #tpu.memory_space<vmem>>)
      %dma_start3A_183 = arith.constant 2 : i32
      %dma_start3A_184 = arith.constant 2 : i32
      %dma_start3A_185 = arith.constant 0 : i32
      %dma_start3A_186 = arith.constant 0 : i32
      %dma_start3A_187 = tpu.memref_slice %arg11[%dma_start3A_184, %dma_start3A_185, %dma_start3A_186] : memref<3x128x128xf32, #tpu.memory_space<vmem>> -> memref<1x128x128xf32, #tpu.memory_space<vmem>>
      %dma_start3A_188 = tpu.memref_squeeze %dma_start3A_187 : memref<1x128x128xf32, #tpu.memory_space<vmem>> -> memref<128x128xf32, #tpu.memory_space<vmem>>
      %dma_start3A_189 = arith.constant 0 : i32
      %dma_start3A_190 = tpu.memref_slice %arg9[%dma_start3A_183, %dma_start3A_189] : memref<4x128xi32, #tpu.memory_space<vmem>> -> memref<1x128xi32, #tpu.memory_space<vmem>>
      %dma_start3A_191 = tpu.memref_squeeze %dma_start3A_190 : memref<1x128xi32, #tpu.memory_space<vmem>> -> memref<128xi32, #tpu.memory_space<vmem>>
      %dma_start3A_192 = arith.constant 0 : i32
      %dma_start3A_193 = arith.constant 0 : i32
      %dma_start3A_194 = tpu.memref_slice %arg3[%dma_start3A_192, %dma_start3A_193] : memref<10000x128xf32, #tpu.memory_space<hbm>> -> memref<10000x128xf32, #tpu.memory_space<hbm>>
      tpu.enqueue_indirect_dma source(%dma_start3A_194 : memref<10000x128xf32, #tpu.memory_space<hbm>>) target(%dma_start3A_188 : memref<128x128xf32, #tpu.memory_space<vmem>>) offsets(%dma_start3A_191 : memref<128xi32, #tpu.memory_space<vmem>>) semaphore(%arg13 : memref<!tpu.dma_semaphore, #tpu.memory_space<semaphore_mem>>)
      %scan3A = arith.constant 0 : i32
      %scan3A_195 = arith.constant 0 : i32
      %scan3A_196 = arith.constant 79 : i32
      %scan3A_197 = arith.addi %scan3A_195, %scan3A_196 : i32
      %scan3A_198 = arith.constant 1 : i32
      scf.for %scan3A_200 = %scan3A_195 to %scan3A_197 step %scan3A_198  : i32 {
        %rem3A = arith.constant 3 : i32
        %rem3A_201 = arith.remsi %scan3A_200, %rem3A : i32
        %rem3A_202 = arith.constant 4 : i32
        %rem3A_203 = arith.remsi %scan3A_200, %rem3A_202 : i32
        %dma_wait3A_204 = arith.constant 0 : i32
        %dma_wait3A_205 = arith.constant 0 : i32
        %dma_wait3A_206 = tpu.memref_slice %arg11[%rem3A_201, %dma_wait3A_204, %dma_wait3A_205] : memref<3x128x128xf32, #tpu.memory_space<vmem>> -> memref<1x128x128xf32, #tpu.memory_space<vmem>>
        %dma_wait3A_207 = tpu.memref_squeeze %dma_wait3A_206 : memref<1x128x128xf32, #tpu.memory_space<vmem>> -> memref<128x128xf32, #tpu.memory_space<vmem>>
        %dma_wait3A_208 = arith.constant 0 : i32
        %dma_wait3A_209 = tpu.memref_slice %arg9[%rem3A_203, %dma_wait3A_208] : memref<4x128xi32, #tpu.memory_space<vmem>> -> memref<1x128xi32, #tpu.memory_space<vmem>>
        %dma_wait3A_210 = tpu.memref_squeeze %dma_wait3A_209 : memref<1x128xi32, #tpu.memory_space<vmem>> -> memref<128xi32, #tpu.memory_space<vmem>>
        %dma_wait3A_211 = arith.constant 0 : i32
        %dma_wait3A_212 = arith.constant 0 : i32
        %dma_wait3A_213 = tpu.memref_slice %arg3[%dma_wait3A_211, %dma_wait3A_212] : memref<10000x128xf32, #tpu.memory_space<hbm>> -> memref<10000x128xf32, #tpu.memory_space<hbm>>
        tpu.wait_indirect_dma semaphore(%arg13 : memref<!tpu.dma_semaphore, #tpu.memory_space<semaphore_mem>>) src(%dma_wait3A_213 : memref<10000x128xf32, #tpu.memory_space<hbm>>) dst(%dma_wait3A_207 : memref<128x128xf32, #tpu.memory_space<vmem>>)
        "tpu.region"() ({
          %run_scoped3A_227 = tpu.sem_alloc : memref<!tpu.dma_semaphore, #tpu.memory_space<semaphore_mem>>
          %dma_start3A_228 = arith.constant 0 : i32
          %dma_start3A_229 = arith.constant 0 : i32
          %dma_start3A_230 = tpu.memref_slice %arg11[%rem3A_201, %dma_start3A_228, %dma_start3A_229] : memref<3x128x128xf32, #tpu.memory_space<vmem>> -> memref<1x128x128xf32, #tpu.memory_space<vmem>>
          %dma_start3A_231 = tpu.memref_squeeze %dma_start3A_230 : memref<1x128x128xf32, #tpu.memory_space<vmem>> -> memref<128x128xf32, #tpu.memory_space<vmem>>
          %dma_start3A_232 = arith.constant 0 : i32
          %dma_start3A_233 = tpu.memref_slice %arg10[%rem3A_203, %dma_start3A_232] : memref<4x128xi32, #tpu.memory_space<vmem>> -> memref<1x128xi32, #tpu.memory_space<vmem>>
          %dma_start3A_234 = tpu.memref_squeeze %dma_start3A_233 : memref<1x128xi32, #tpu.memory_space<vmem>> -> memref<128xi32, #tpu.memory_space<vmem>>
          %dma_start3A_235 = arith.constant 0 : i32
          %dma_start3A_236 = arith.constant 0 : i32
          %dma_start3A_237 = tpu.memref_slice %arg12[%dma_start3A_235, %dma_start3A_236] : memref<10008x128xf32, #tpu.memory_space<vmem_shared>> -> memref<10008x128xf32, #tpu.memory_space<vmem_shared>>
          tpu.enqueue_indirect_dma source(%dma_start3A_231 : memref<128x128xf32, #tpu.memory_space<vmem>>) target(%dma_start3A_237 : memref<10008x128xf32, #tpu.memory_space<vmem_shared>>) offsets(%dma_start3A_234 : memref<128xi32, #tpu.memory_space<vmem>>) semaphore(%run_scoped3A_227 : memref<!tpu.dma_semaphore, #tpu.memory_space<semaphore_mem>>) {add = true}
          %dma_wait3A_238 = arith.constant 0 : i32
          %dma_wait3A_239 = arith.constant 0 : i32
          %dma_wait3A_240 = tpu.memref_slice %arg11[%rem3A_201, %dma_wait3A_238, %dma_wait3A_239] : memref<3x128x128xf32, #tpu.memory_space<vmem>> -> memref<1x128x128xf32, #tpu.memory_space<vmem>>
          %dma_wait3A_241 = tpu.memref_squeeze %dma_wait3A_240 : memref<1x128x128xf32, #tpu.memory_space<vmem>> -> memref<128x128xf32, #tpu.memory_space<vmem>>
          %dma_wait3A_242 = arith.constant 0 : i32
          %dma_wait3A_243 = tpu.memref_slice %arg10[%rem3A_203, %dma_wait3A_242] : memref<4x128xi32, #tpu.memory_space<vmem>> -> memref<1x128xi32, #tpu.memory_space<vmem>>
          %dma_wait3A_244 = tpu.memref_squeeze %dma_wait3A_243 : memref<1x128xi32, #tpu.memory_space<vmem>> -> memref<128xi32, #tpu.memory_space<vmem>>
          %dma_wait3A_245 = arith.constant 0 : i32
          %dma_wait3A_246 = arith.constant 0 : i32
          %dma_wait3A_247 = tpu.memref_slice %arg12[%dma_wait3A_245, %dma_wait3A_246] : memref<10008x128xf32, #tpu.memory_space<vmem_shared>> -> memref<10008x128xf32, #tpu.memory_space<vmem_shared>>
          tpu.wait_indirect_dma semaphore(%run_scoped3A_227 : memref<!tpu.dma_semaphore, #tpu.memory_space<semaphore_mem>>) src(%dma_wait3A_241 : memref<128x128xf32, #tpu.memory_space<vmem>>) dst(%dma_wait3A_247 : memref<10008x128xf32, #tpu.memory_space<vmem_shared>>)
          tpu.yield
        }) : () -> ()
        %add3A = arith.constant 3 : i32
        %add3A_214 = arith.addi %scan3A_200, %add3A : i32
        %lt3A_215 = arith.constant 79 : i32
        %lt3A_216 = arith.cmpi slt, %add3A_214, %lt3A_215 : i32
        %convert_element_type3A_217 = arith.extui %lt3A_216 : i1 to i32
        %cond3A_218 = arith.constant 0 : i32
        %cond3A_219 = arith.cmpi ne, %convert_element_type3A_217, %cond3A_218 : i32
        scf.if %cond3A_219 {
          %add3A_227 = arith.constant 3 : i32
          %add3A_228 = arith.addi %scan3A_200, %add3A_227 : i32
          %rem3A_229 = arith.constant 4 : i32
          %rem3A_230 = arith.remsi %add3A_228, %rem3A_229 : i32
          %add3A_231 = arith.constant 3 : i32
          %add3A_232 = arith.addi %scan3A_200, %add3A_231 : i32
          %dma_wait3A_233 = arith.constant 0 : i32
          %dma_wait3A_234 = tpu.memref_slice %arg9[%rem3A_230, %dma_wait3A_233] : memref<4x128xi32, #tpu.memory_space<vmem>> -> memref<1x128xi32, #tpu.memory_space<vmem>>
          %dma_wait3A_235 = tpu.memref_squeeze %dma_wait3A_234 : memref<1x128xi32, #tpu.memory_space<vmem>> -> memref<128xi32, #tpu.memory_space<vmem>>
          %dma_wait3A_236 = arith.constant 0 : i32
          %dma_wait3A_237 = tpu.memref_slice %arg4[%arg1, %add3A_232, %dma_wait3A_236] : memref<16x79x128xi32, #tpu.memory_space<hbm>> -> memref<1x1x128xi32, #tpu.memory_space<hbm>>
          %dma_wait3A_238 = tpu.memref_squeeze %dma_wait3A_237 : memref<1x1x128xi32, #tpu.memory_space<hbm>> -> memref<128xi32, #tpu.memory_space<hbm>>
          %dma_wait3A_239 = arith.constant 0 : i32
          %dma_wait3A_240 = tpu.memref_slice %arg9[%rem3A_230, %dma_wait3A_239] : memref<4x128xi32, #tpu.memory_space<vmem>> -> memref<1x128xi32, #tpu.memory_space<vmem>>
          %dma_wait3A_241 = tpu.memref_squeeze %dma_wait3A_240 : memref<1x128xi32, #tpu.memory_space<vmem>> -> memref<128xi32, #tpu.memory_space<vmem>>
          %dma_wait3A_242 = arith.constant 0 : i32
          %dma_wait3A_243 = tpu.memref_slice %arg4[%arg1, %add3A_232, %dma_wait3A_242] : memref<16x79x128xi32, #tpu.memory_space<hbm>> -> memref<1x1x128xi32, #tpu.memory_space<hbm>>
          %dma_wait3A_244 = tpu.memref_squeeze %dma_wait3A_243 : memref<1x1x128xi32, #tpu.memory_space<hbm>> -> memref<128xi32, #tpu.memory_space<hbm>>
          tpu.wait_dma2 semaphore(%arg14 : memref<!tpu.dma_semaphore, #tpu.memory_space<semaphore_mem>>) src(%dma_wait3A_244 : memref<128xi32, #tpu.memory_space<hbm>>) dst(%dma_wait3A_241 : memref<128xi32, #tpu.memory_space<vmem>>)
          %dma_wait3A_245 = arith.constant 0 : i32
          %dma_wait3A_246 = tpu.memref_slice %arg10[%rem3A_230, %dma_wait3A_245] : memref<4x128xi32, #tpu.memory_space<vmem>> -> memref<1x128xi32, #tpu.memory_space<vmem>>
          %dma_wait3A_247 = tpu.memref_squeeze %dma_wait3A_246 : memref<1x128xi32, #tpu.memory_space<vmem>> -> memref<128xi32, #tpu.memory_space<vmem>>
          %dma_wait3A_248 = arith.constant 0 : i32
          %dma_wait3A_249 = tpu.memref_slice %arg5[%arg1, %add3A_232, %dma_wait3A_248] : memref<16x79x128xi32, #tpu.memory_space<hbm>> -> memref<1x1x128xi32, #tpu.memory_space<hbm>>
          %dma_wait3A_250 = tpu.memref_squeeze %dma_wait3A_249 : memref<1x1x128xi32, #tpu.memory_space<hbm>> -> memref<128xi32, #tpu.memory_space<hbm>>
          %dma_wait3A_251 = arith.constant 0 : i32
          %dma_wait3A_252 = tpu.memref_slice %arg10[%rem3A_230, %dma_wait3A_251] : memref<4x128xi32, #tpu.memory_space<vmem>> -> memref<1x128xi32, #tpu.memory_space<vmem>>
          %dma_wait3A_253 = tpu.memref_squeeze %dma_wait3A_252 : memref<1x128xi32, #tpu.memory_space<vmem>> -> memref<128xi32, #tpu.memory_space<vmem>>
          %dma_wait3A_254 = arith.constant 0 : i32
          %dma_wait3A_255 = tpu.memref_slice %arg5[%arg1, %add3A_232, %dma_wait3A_254] : memref<16x79x128xi32, #tpu.memory_space<hbm>> -> memref<1x1x128xi32, #tpu.memory_space<hbm>>
          %dma_wait3A_256 = tpu.memref_squeeze %dma_wait3A_255 : memref<1x1x128xi32, #tpu.memory_space<hbm>> -> memref<128xi32, #tpu.memory_space<hbm>>
          tpu.wait_dma2 semaphore(%arg14 : memref<!tpu.dma_semaphore, #tpu.memory_space<semaphore_mem>>) src(%dma_wait3A_256 : memref<128xi32, #tpu.memory_space<hbm>>) dst(%dma_wait3A_253 : memref<128xi32, #tpu.memory_space<vmem>>)
          %dma_start3A_257 = arith.constant 0 : i32
          %dma_start3A_258 = arith.constant 0 : i32
          %dma_start3A_259 = tpu.memref_slice %arg11[%rem3A_201, %dma_start3A_257, %dma_start3A_258] : memref<3x128x128xf32, #tpu.memory_space<vmem>> -> memref<1x128x128xf32, #tpu.memory_space<vmem>>
          %dma_start3A_260 = tpu.memref_squeeze %dma_start3A_259 : memref<1x128x128xf32, #tpu.memory_space<vmem>> -> memref<128x128xf32, #tpu.memory_space<vmem>>
          %dma_start3A_261 = arith.constant 0 : i32
          %dma_start3A_262 = tpu.memref_slice %arg9[%rem3A_230, %dma_start3A_261] : memref<4x128xi32, #tpu.memory_space<vmem>> -> memref<1x128xi32, #tpu.memory_space<vmem>>
          %dma_start3A_263 = tpu.memref_squeeze %dma_start3A_262 : memref<1x128xi32, #tpu.memory_space<vmem>> -> memref<128xi32, #tpu.memory_space<vmem>>
          %dma_start3A_264 = arith.constant 0 : i32
          %dma_start3A_265 = arith.constant 0 : i32
          %dma_start3A_266 = tpu.memref_slice %arg3[%dma_start3A_264, %dma_start3A_265] : memref<10000x128xf32, #tpu.memory_space<hbm>> -> memref<10000x128xf32, #tpu.memory_space<hbm>>
          tpu.enqueue_indirect_dma source(%dma_start3A_266 : memref<10000x128xf32, #tpu.memory_space<hbm>>) target(%dma_start3A_260 : memref<128x128xf32, #tpu.memory_space<vmem>>) offsets(%dma_start3A_263 : memref<128xi32, #tpu.memory_space<vmem>>) semaphore(%arg13 : memref<!tpu.dma_semaphore, #tpu.memory_space<semaphore_mem>>)
        } else {
        }
        %add3A_220 = arith.constant 4 : i32
        %add3A_221 = arith.addi %scan3A_200, %add3A_220 : i32
        %lt3A_222 = arith.constant 79 : i32
        %lt3A_223 = arith.cmpi slt, %add3A_221, %lt3A_222 : i32
        %convert_element_type3A_224 = arith.extui %lt3A_223 : i1 to i32
        %cond3A_225 = arith.constant 0 : i32
        %cond3A_226 = arith.cmpi ne, %convert_element_type3A_224, %cond3A_225 : i32
        scf.if %cond3A_226 {
          %add3A_227 = arith.constant 4 : i32
          %add3A_228 = arith.addi %scan3A_200, %add3A_227 : i32
          %dma_start3A_229 = arith.constant 0 : i32
          %dma_start3A_230 = tpu.memref_slice %arg9[%rem3A_203, %dma_start3A_229] : memref<4x128xi32, #tpu.memory_space<vmem>> -> memref<1x128xi32, #tpu.memory_space<vmem>>
          %dma_start3A_231 = tpu.memref_squeeze %dma_start3A_230 : memref<1x128xi32, #tpu.memory_space<vmem>> -> memref<128xi32, #tpu.memory_space<vmem>>
          %dma_start3A_232 = arith.constant 0 : i32
          %dma_start3A_233 = tpu.memref_slice %arg4[%arg1, %add3A_228, %dma_start3A_232] : memref<16x79x128xi32, #tpu.memory_space<hbm>> -> memref<1x1x128xi32, #tpu.memory_space<hbm>>
          %dma_start3A_234 = tpu.memref_squeeze %dma_start3A_233 : memref<1x1x128xi32, #tpu.memory_space<hbm>> -> memref<128xi32, #tpu.memory_space<hbm>>
          %dma_start3A_235 = arith.constant 0 : i32
          %dma_start3A_236 = tpu.memref_slice %arg9[%rem3A_203, %dma_start3A_235] : memref<4x128xi32, #tpu.memory_space<vmem>> -> memref<1x128xi32, #tpu.memory_space<vmem>>
          %dma_start3A_237 = tpu.memref_squeeze %dma_start3A_236 : memref<1x128xi32, #tpu.memory_space<vmem>> -> memref<128xi32, #tpu.memory_space<vmem>>
          %dma_start3A_238 = arith.constant 0 : i32
          %dma_start3A_239 = tpu.memref_slice %arg4[%arg1, %add3A_228, %dma_start3A_238] : memref<16x79x128xi32, #tpu.memory_space<hbm>> -> memref<1x1x128xi32, #tpu.memory_space<hbm>>
          %dma_start3A_240 = tpu.memref_squeeze %dma_start3A_239 : memref<1x1x128xi32, #tpu.memory_space<hbm>> -> memref<128xi32, #tpu.memory_space<hbm>>
          tpu.enqueue_dma source(%dma_start3A_240 : memref<128xi32, #tpu.memory_space<hbm>>) target(%dma_start3A_237 : memref<128xi32, #tpu.memory_space<vmem>>) target_semaphore(%arg14 : memref<!tpu.dma_semaphore, #tpu.memory_space<semaphore_mem>>)
          %add3A_241 = arith.constant 4 : i32
          %add3A_242 = arith.addi %scan3A_200, %add3A_241 : i32
          %dma_start3A_243 = arith.constant 0 : i32
          %dma_start3A_244 = tpu.memref_slice %arg10[%rem3A_203, %dma_start3A_243] : memref<4x128xi32, #tpu.memory_space<vmem>> -> memref<1x128xi32, #tpu.memory_space<vmem>>
          %dma_start3A_245 = tpu.memref_squeeze %dma_start3A_244 : memref<1x128xi32, #tpu.memory_space<vmem>> -> memref<128xi32, #tpu.memory_space<vmem>>
          %dma_start3A_246 = arith.constant 0 : i32
          %dma_start3A_247 = tpu.memref_slice %arg5[%arg1, %add3A_242, %dma_start3A_246] : memref<16x79x128xi32, #tpu.memory_space<hbm>> -> memref<1x1x128xi32, #tpu.memory_space<hbm>>
          %dma_start3A_248 = tpu.memref_squeeze %dma_start3A_247 : memref<1x1x128xi32, #tpu.memory_space<hbm>> -> memref<128xi32, #tpu.memory_space<hbm>>
          %dma_start3A_249 = arith.constant 0 : i32
          %dma_start3A_250 = tpu.memref_slice %arg10[%rem3A_203, %dma_start3A_249] : memref<4x128xi32, #tpu.memory_space<vmem>> -> memref<1x128xi32, #tpu.memory_space<vmem>>
          %dma_start3A_251 = tpu.memref_squeeze %dma_start3A_250 : memref<1x128xi32, #tpu.memory_space<vmem>> -> memref<128xi32, #tpu.memory_space<vmem>>
          %dma_start3A_252 = arith.constant 0 : i32
          %dma_start3A_253 = tpu.memref_slice %arg5[%arg1, %add3A_242, %dma_start3A_252] : memref<16x79x128xi32, #tpu.memory_space<hbm>> -> memref<1x1x128xi32, #tpu.memory_space<hbm>>
          %dma_start3A_254 = tpu.memref_squeeze %dma_start3A_253 : memref<1x1x128xi32, #tpu.memory_space<hbm>> -> memref<128xi32, #tpu.memory_space<hbm>>
          tpu.enqueue_dma source(%dma_start3A_254 : memref<128xi32, #tpu.memory_space<hbm>>) target(%dma_start3A_251 : memref<128xi32, #tpu.memory_space<vmem>>) target_semaphore(%arg14 : memref<!tpu.dma_semaphore, #tpu.memory_space<semaphore_mem>>)
        } else {
        }
      }
      %scan3A_199 = arith.constant 79 : i32
    } else {
    }
    %barrier3A_14 = arith.constant 0 : index
    tpu.barrier barrier_id(%barrier3A_14)
    %mul3A = arith.constant 1000 : i32
    %mul3A_15 = arith.muli %arg1, %mul3A : i32
    %lt3A_16 = arith.constant 10 : i32
    %lt3A_17 = arith.cmpi slt, %arg1, %lt3A_16 : i32
    %convert_element_type3A_18 = arith.extui %lt3A_17 : i1 to i32
    %cond3A_19 = arith.constant 0 : i32
    %cond3A_20 = arith.cmpi ne, %convert_element_type3A_18, %cond3A_19 : i32
    scf.if %cond3A_20 {
      %eq3A_21 = arith.constant 0 : i32
      %eq3A_22 = arith.cmpi eq, %arg0, %eq3A_21 : i32
      %convert_element_type3A_23 = arith.extui %eq3A_22 : i1 to i32
      %cond3A_24 = arith.constant 0 : i32
      %cond3A_25 = arith.cmpi ne, %convert_element_type3A_23, %cond3A_24 : i32
      scf.if %cond3A_25 {
        "tpu.region"() ({
          %run_scoped3A_31 = tpu.sem_alloc : memref<!tpu.dma_semaphore, #tpu.memory_space<semaphore_mem>>
          %dma_start3A = arith.constant 0 : i32
          %dma_start3A_32 = tpu.memref_slice %arg7[%mul3A_15, %dma_start3A] : memref<10000x128xf32, #tpu.memory_space<hbm>> -> memref<1000x128xf32, #tpu.memory_space<hbm>>
          %dma_start3A_33 = arith.constant 0 : i32
          %dma_start3A_34 = tpu.memref_slice %arg12[%mul3A_15, %dma_start3A_33] : memref<10008x128xf32, #tpu.memory_space<vmem_shared>> -> memref<1000x128xf32, #tpu.memory_space<vmem_shared>>
          tpu.enqueue_dma source(%dma_start3A_34 : memref<1000x128xf32, #tpu.memory_space<vmem_shared>>) target(%dma_start3A_32 : memref<1000x128xf32, #tpu.memory_space<hbm>>) target_semaphore(%run_scoped3A_31 : memref<!tpu.dma_semaphore, #tpu.memory_space<semaphore_mem>>)
          %dma_wait3A = arith.constant 0 : i32
          %dma_wait3A_35 = tpu.memref_slice %arg7[%mul3A_15, %dma_wait3A] : memref<10000x128xf32, #tpu.memory_space<hbm>> -> memref<1000x128xf32, #tpu.memory_space<hbm>>
          %dma_wait3A_36 = arith.constant 0 : i32
          %dma_wait3A_37 = tpu.memref_slice %arg12[%mul3A_15, %dma_wait3A_36] : memref<10008x128xf32, #tpu.memory_space<vmem_shared>> -> memref<1000x128xf32, #tpu.memory_space<vmem_shared>>
          tpu.wait_dma2 semaphore(%run_scoped3A_31 : memref<!tpu.dma_semaphore, #tpu.memory_space<semaphore_mem>>) src(%dma_wait3A_37 : memref<1000x128xf32, #tpu.memory_space<vmem_shared>>) dst(%dma_wait3A_35 : memref<1000x128xf32, #tpu.memory_space<hbm>>)
          tpu.yield
        }) : () -> ()
      } else {
      }
      %eq3A_26 = arith.constant 1 : i32
      %eq3A_27 = arith.cmpi eq, %arg0, %eq3A_26 : i32
      %convert_element_type3A_28 = arith.extui %eq3A_27 : i1 to i32
      %cond3A_29 = arith.constant 0 : i32
      %cond3A_30 = arith.cmpi ne, %convert_element_type3A_28, %cond3A_29 : i32
      scf.if %cond3A_30 {
        "tpu.region"() ({
          %run_scoped3A_31 = tpu.sem_alloc : memref<!tpu.dma_semaphore, #tpu.memory_space<semaphore_mem>>
          %dma_start3A = arith.constant 0 : i32
          %dma_start3A_32 = tpu.memref_slice %arg8[%mul3A_15, %dma_start3A] : memref<10000x128xf32, #tpu.memory_space<hbm>> -> memref<1000x128xf32, #tpu.memory_space<hbm>>
          %dma_start3A_33 = arith.constant 0 : i32
          %dma_start3A_34 = tpu.memref_slice %arg12[%mul3A_15, %dma_start3A_33] : memref<10008x128xf32, #tpu.memory_space<vmem_shared>> -> memref<1000x128xf32, #tpu.memory_space<vmem_shared>>
          tpu.enqueue_dma source(%dma_start3A_34 : memref<1000x128xf32, #tpu.memory_space<vmem_shared>>) target(%dma_start3A_32 : memref<1000x128xf32, #tpu.memory_space<hbm>>) target_semaphore(%run_scoped3A_31 : memref<!tpu.dma_semaphore, #tpu.memory_space<semaphore_mem>>)
          %dma_wait3A = arith.constant 0 : i32
          %dma_wait3A_35 = tpu.memref_slice %arg8[%mul3A_15, %dma_wait3A] : memref<10000x128xf32, #tpu.memory_space<hbm>> -> memref<1000x128xf32, #tpu.memory_space<hbm>>
          %dma_wait3A_36 = arith.constant 0 : i32
          %dma_wait3A_37 = tpu.memref_slice %arg12[%mul3A_15, %dma_wait3A_36] : memref<10008x128xf32, #tpu.memory_space<vmem_shared>> -> memref<1000x128xf32, #tpu.memory_space<vmem_shared>>
          tpu.wait_dma2 semaphore(%run_scoped3A_31 : memref<!tpu.dma_semaphore, #tpu.memory_space<semaphore_mem>>) src(%dma_wait3A_37 : memref<1000x128xf32, #tpu.memory_space<vmem_shared>>) dst(%dma_wait3A_35 : memref<1000x128xf32, #tpu.memory_space<hbm>>)
          tpu.yield
        }) : () -> ()
      } else {
      }
    } else {
    }
    return
  }
}

#map = affine_map<(d0, d1) -> (0, 0, 0)>
#map1 = affine_map<(d0, d1) -> (0, 0)>
module attributes {stable_mosaic.version = 14 : i64} {
  func.func @_deg_kernel(%arg0: i32, %arg1: i32, %arg2: memref<16x79x128xi32, #tpu.memory_space<hbm>>, %arg3: memref<128x128xf32, #tpu.memory_space<hbm>>, %arg4: memref<1000x128xf32, #tpu.memory_space<hbm>>, %arg5: memref<10000x128xf32, #tpu.memory_space<hbm>>, %arg6: memref<79x128xi32, #tpu.memory_space<vmem>>, %arg7: memref<128x128xf32, #tpu.memory_space<vmem>>, %arg8: memref<10008x128xf32, #tpu.memory_space<vmem_shared>>, %arg9: memref<!tpu.dma_semaphore, #tpu.memory_space<semaphore_mem>>) attributes {dimension_semantics = [#tpu.dimension_semantics<core_parallel>, #tpu.dimension_semantics<subcore_parallel>], iteration_bounds = array<i64: 2, 16>, scalar_prefetch = 0 : i64, scratch_operands = 4 : i64, tpu.core_type = #tpu.core_type<sc_vector_subcore>, window_params = [{transform_indices = #map}, {transform_indices = #map1}, {transform_indices = #map1}, {transform_indices = #map1}]} {
    %eq3A = arith.constant 0 : i32
    %eq3A_0 = arith.cmpi eq, %arg0, %eq3A : i32
    %convert_element_type3A = arith.extui %eq3A_0 : i1 to i32
    %cond3A = arith.constant 0 : i32
    %cond3A_1 = arith.cmpi ne, %convert_element_type3A, %cond3A : i32
    scf.if %cond3A_1 {
      %lt3A = arith.constant 10 : i32
      %lt3A_2 = arith.cmpi slt, %arg1, %lt3A : i32
      %convert_element_type3A_3 = arith.extui %lt3A_2 : i1 to i32
      %cond3A_4 = arith.constant 0 : i32
      %cond3A_5 = arith.cmpi ne, %convert_element_type3A_3, %cond3A_4 : i32
      scf.if %cond3A_5 {
        %mul3A_45 = arith.constant 1000 : i32
        %mul3A_46 = arith.muli %arg1, %mul3A_45 : i32
        "tpu.region"() ({
          %run_scoped3A = tpu.sem_alloc : memref<!tpu.dma_semaphore, #tpu.memory_space<semaphore_mem>>
          %dma_start3A_47 = arith.constant 0 : i32
          %dma_start3A_48 = tpu.memref_slice %arg8[%mul3A_46, %dma_start3A_47] : memref<10008x128xf32, #tpu.memory_space<vmem_shared>> -> memref<1000x128xf32, #tpu.memory_space<vmem_shared>>
          tpu.enqueue_dma source(%arg4 : memref<1000x128xf32, #tpu.memory_space<hbm>>) target(%dma_start3A_48 : memref<1000x128xf32, #tpu.memory_space<vmem_shared>>) target_semaphore(%run_scoped3A : memref<!tpu.dma_semaphore, #tpu.memory_space<semaphore_mem>>)
          %dma_wait3A = arith.constant 0 : i32
          %dma_wait3A_49 = tpu.memref_slice %arg8[%mul3A_46, %dma_wait3A] : memref<10008x128xf32, #tpu.memory_space<vmem_shared>> -> memref<1000x128xf32, #tpu.memory_space<vmem_shared>>
          tpu.wait_dma2 semaphore(%run_scoped3A : memref<!tpu.dma_semaphore, #tpu.memory_space<semaphore_mem>>) src(%arg4 : memref<1000x128xf32, #tpu.memory_space<hbm>>) dst(%dma_wait3A_49 : memref<1000x128xf32, #tpu.memory_space<vmem_shared>>)
          tpu.yield
        }) : () -> ()
      } else {
      }
      "tpu.region"() ({
        %run_scoped3A = tpu.sem_alloc : memref<!tpu.dma_semaphore, #tpu.memory_space<semaphore_mem>>
        %dma_start3A_45 = arith.constant 0 : i32
        %dma_start3A_46 = arith.constant 0 : i32
        %dma_start3A_47 = tpu.memref_slice %arg2[%arg1, %dma_start3A_45, %dma_start3A_46] : memref<16x79x128xi32, #tpu.memory_space<hbm>> -> memref<1x79x128xi32, #tpu.memory_space<hbm>>
        %dma_start3A_48 = tpu.memref_squeeze %dma_start3A_47 : memref<1x79x128xi32, #tpu.memory_space<hbm>> -> memref<79x128xi32, #tpu.memory_space<hbm>>
        %dma_start3A_49 = arith.constant 0 : i32
        %dma_start3A_50 = arith.constant 0 : i32
        %dma_start3A_51 = tpu.memref_slice %arg2[%arg1, %dma_start3A_49, %dma_start3A_50] : memref<16x79x128xi32, #tpu.memory_space<hbm>> -> memref<1x79x128xi32, #tpu.memory_space<hbm>>
        %dma_start3A_52 = tpu.memref_squeeze %dma_start3A_51 : memref<1x79x128xi32, #tpu.memory_space<hbm>> -> memref<79x128xi32, #tpu.memory_space<hbm>>
        tpu.enqueue_dma source(%dma_start3A_52 : memref<79x128xi32, #tpu.memory_space<hbm>>) target(%arg6 : memref<79x128xi32, #tpu.memory_space<vmem>>) target_semaphore(%run_scoped3A : memref<!tpu.dma_semaphore, #tpu.memory_space<semaphore_mem>>)
        %dma_wait3A = arith.constant 0 : i32
        %dma_wait3A_53 = arith.constant 0 : i32
        %dma_wait3A_54 = tpu.memref_slice %arg2[%arg1, %dma_wait3A, %dma_wait3A_53] : memref<16x79x128xi32, #tpu.memory_space<hbm>> -> memref<1x79x128xi32, #tpu.memory_space<hbm>>
        %dma_wait3A_55 = tpu.memref_squeeze %dma_wait3A_54 : memref<1x79x128xi32, #tpu.memory_space<hbm>> -> memref<79x128xi32, #tpu.memory_space<hbm>>
        %dma_wait3A_56 = arith.constant 0 : i32
        %dma_wait3A_57 = arith.constant 0 : i32
        %dma_wait3A_58 = tpu.memref_slice %arg2[%arg1, %dma_wait3A_56, %dma_wait3A_57] : memref<16x79x128xi32, #tpu.memory_space<hbm>> -> memref<1x79x128xi32, #tpu.memory_space<hbm>>
        %dma_wait3A_59 = tpu.memref_squeeze %dma_wait3A_58 : memref<1x79x128xi32, #tpu.memory_space<hbm>> -> memref<79x128xi32, #tpu.memory_space<hbm>>
        tpu.wait_dma2 semaphore(%run_scoped3A : memref<!tpu.dma_semaphore, #tpu.memory_space<semaphore_mem>>) src(%dma_wait3A_59 : memref<79x128xi32, #tpu.memory_space<hbm>>) dst(%arg6 : memref<79x128xi32, #tpu.memory_space<vmem>>)
        tpu.yield
      }) : () -> ()
      "tpu.region"() ({
        %run_scoped3A = tpu.sem_alloc : memref<!tpu.dma_semaphore, #tpu.memory_space<semaphore_mem>>
        tpu.enqueue_dma source(%arg3 : memref<128x128xf32, #tpu.memory_space<hbm>>) target(%arg7 : memref<128x128xf32, #tpu.memory_space<vmem>>) target_semaphore(%run_scoped3A : memref<!tpu.dma_semaphore, #tpu.memory_space<semaphore_mem>>)
        tpu.wait_dma2 semaphore(%run_scoped3A : memref<!tpu.dma_semaphore, #tpu.memory_space<semaphore_mem>>) src(%arg3 : memref<128x128xf32, #tpu.memory_space<hbm>>) dst(%arg7 : memref<128x128xf32, #tpu.memory_space<vmem>>)
        tpu.yield
      }) : () -> ()
      %barrier3A = arith.constant 0 : index
      tpu.barrier barrier_id(%barrier3A)
      %dma_start3A = arith.constant 0 : i32
      %dma_start3A_6 = arith.constant 0 : i32
      %dma_start3A_7 = tpu.memref_slice %arg6[%dma_start3A, %dma_start3A_6] : memref<79x128xi32, #tpu.memory_space<vmem>> -> memref<1x128xi32, #tpu.memory_space<vmem>>
      %dma_start3A_8 = tpu.memref_squeeze %dma_start3A_7 : memref<1x128xi32, #tpu.memory_space<vmem>> -> memref<128xi32, #tpu.memory_space<vmem>>
      %dma_start3A_9 = arith.constant 0 : i32
      %dma_start3A_10 = arith.constant 0 : i32
      %dma_start3A_11 = tpu.memref_slice %arg8[%dma_start3A_9, %dma_start3A_10] : memref<10008x128xf32, #tpu.memory_space<vmem_shared>> -> memref<10008x128xf32, #tpu.memory_space<vmem_shared>>
      tpu.enqueue_indirect_dma source(%arg7 : memref<128x128xf32, #tpu.memory_space<vmem>>) target(%dma_start3A_11 : memref<10008x128xf32, #tpu.memory_space<vmem_shared>>) offsets(%dma_start3A_8 : memref<128xi32, #tpu.memory_space<vmem>>) semaphore(%arg9 : memref<!tpu.dma_semaphore, #tpu.memory_space<semaphore_mem>>) {add = true}
      %dma_start3A_12 = arith.constant 1 : i32
      %dma_start3A_13 = arith.constant 0 : i32
      %dma_start3A_14 = tpu.memref_slice %arg6[%dma_start3A_12, %dma_start3A_13] : memref<79x128xi32, #tpu.memory_space<vmem>> -> memref<1x128xi32, #tpu.memory_space<vmem>>
      %dma_start3A_15 = tpu.memref_squeeze %dma_start3A_14 : memref<1x128xi32, #tpu.memory_space<vmem>> -> memref<128xi32, #tpu.memory_space<vmem>>
      %dma_start3A_16 = arith.constant 0 : i32
      %dma_start3A_17 = arith.constant 0 : i32
      %dma_start3A_18 = tpu.memref_slice %arg8[%dma_start3A_16, %dma_start3A_17] : memref<10008x128xf32, #tpu.memory_space<vmem_shared>> -> memref<10008x128xf32, #tpu.memory_space<vmem_shared>>
      tpu.enqueue_indirect_dma source(%arg7 : memref<128x128xf32, #tpu.memory_space<vmem>>) target(%dma_start3A_18 : memref<10008x128xf32, #tpu.memory_space<vmem_shared>>) offsets(%dma_start3A_15 : memref<128xi32, #tpu.memory_space<vmem>>) semaphore(%arg9 : memref<!tpu.dma_semaphore, #tpu.memory_space<semaphore_mem>>) {add = true}
      %dma_start3A_19 = arith.constant 2 : i32
      %dma_start3A_20 = arith.constant 0 : i32
      %dma_start3A_21 = tpu.memref_slice %arg6[%dma_start3A_19, %dma_start3A_20] : memref<79x128xi32, #tpu.memory_space<vmem>> -> memref<1x128xi32, #tpu.memory_space<vmem>>
      %dma_start3A_22 = tpu.memref_squeeze %dma_start3A_21 : memref<1x128xi32, #tpu.memory_space<vmem>> -> memref<128xi32, #tpu.memory_space<vmem>>
      %dma_start3A_23 = arith.constant 0 : i32
      %dma_start3A_24 = arith.constant 0 : i32
      %dma_start3A_25 = tpu.memref_slice %arg8[%dma_start3A_23, %dma_start3A_24] : memref<10008x128xf32, #tpu.memory_space<vmem_shared>> -> memref<10008x128xf32, #tpu.memory_space<vmem_shared>>
      tpu.enqueue_indirect_dma source(%arg7 : memref<128x128xf32, #tpu.memory_space<vmem>>) target(%dma_start3A_25 : memref<10008x128xf32, #tpu.memory_space<vmem_shared>>) offsets(%dma_start3A_22 : memref<128xi32, #tpu.memory_space<vmem>>) semaphore(%arg9 : memref<!tpu.dma_semaphore, #tpu.memory_space<semaphore_mem>>) {add = true}
      %dma_start3A_26 = arith.constant 3 : i32
      %dma_start3A_27 = arith.constant 0 : i32
      %dma_start3A_28 = tpu.memref_slice %arg6[%dma_start3A_26, %dma_start3A_27] : memref<79x128xi32, #tpu.memory_space<vmem>> -> memref<1x128xi32, #tpu.memory_space<vmem>>
      %dma_start3A_29 = tpu.memref_squeeze %dma_start3A_28 : memref<1x128xi32, #tpu.memory_space<vmem>> -> memref<128xi32, #tpu.memory_space<vmem>>
      %dma_start3A_30 = arith.constant 0 : i32
      %dma_start3A_31 = arith.constant 0 : i32
      %dma_start3A_32 = tpu.memref_slice %arg8[%dma_start3A_30, %dma_start3A_31] : memref<10008x128xf32, #tpu.memory_space<vmem_shared>> -> memref<10008x128xf32, #tpu.memory_space<vmem_shared>>
      tpu.enqueue_indirect_dma source(%arg7 : memref<128x128xf32, #tpu.memory_space<vmem>>) target(%dma_start3A_32 : memref<10008x128xf32, #tpu.memory_space<vmem_shared>>) offsets(%dma_start3A_29 : memref<128xi32, #tpu.memory_space<vmem>>) semaphore(%arg9 : memref<!tpu.dma_semaphore, #tpu.memory_space<semaphore_mem>>) {add = true}
      %scan3A = arith.constant 0 : i32
      %scan3A_33 = arith.constant 0 : i32
      %scan3A_34 = arith.constant 79 : i32
      %scan3A_35 = arith.addi %scan3A_33, %scan3A_34 : i32
      %scan3A_36 = arith.constant 1 : i32
      scf.for %scan3A_45 = %scan3A_33 to %scan3A_35 step %scan3A_36  : i32 {
        %dma_wait3A = arith.constant 0 : i32
        %dma_wait3A_46 = tpu.memref_slice %arg6[%scan3A_45, %dma_wait3A] : memref<79x128xi32, #tpu.memory_space<vmem>> -> memref<1x128xi32, #tpu.memory_space<vmem>>
        %dma_wait3A_47 = tpu.memref_squeeze %dma_wait3A_46 : memref<1x128xi32, #tpu.memory_space<vmem>> -> memref<128xi32, #tpu.memory_space<vmem>>
        %dma_wait3A_48 = arith.constant 0 : i32
        %dma_wait3A_49 = arith.constant 0 : i32
        %dma_wait3A_50 = tpu.memref_slice %arg8[%dma_wait3A_48, %dma_wait3A_49] : memref<10008x128xf32, #tpu.memory_space<vmem_shared>> -> memref<10008x128xf32, #tpu.memory_space<vmem_shared>>
        tpu.wait_indirect_dma semaphore(%arg9 : memref<!tpu.dma_semaphore, #tpu.memory_space<semaphore_mem>>) src(%arg7 : memref<128x128xf32, #tpu.memory_space<vmem>>) dst(%dma_wait3A_50 : memref<10008x128xf32, #tpu.memory_space<vmem_shared>>)
        %add3A = arith.constant 4 : i32
        %add3A_51 = arith.addi %scan3A_45, %add3A : i32
        %lt3A_52 = arith.constant 79 : i32
        %lt3A_53 = arith.cmpi slt, %add3A_51, %lt3A_52 : i32
        %convert_element_type3A_54 = arith.extui %lt3A_53 : i1 to i32
        %cond3A_55 = arith.constant 0 : i32
        %cond3A_56 = arith.cmpi ne, %convert_element_type3A_54, %cond3A_55 : i32
        scf.if %cond3A_56 {
          %add3A_57 = arith.constant 4 : i32
          %add3A_58 = arith.addi %scan3A_45, %add3A_57 : i32
          %dma_start3A_59 = arith.constant 0 : i32
          %dma_start3A_60 = tpu.memref_slice %arg6[%add3A_58, %dma_start3A_59] : memref<79x128xi32, #tpu.memory_space<vmem>> -> memref<1x128xi32, #tpu.memory_space<vmem>>
          %dma_start3A_61 = tpu.memref_squeeze %dma_start3A_60 : memref<1x128xi32, #tpu.memory_space<vmem>> -> memref<128xi32, #tpu.memory_space<vmem>>
          %dma_start3A_62 = arith.constant 0 : i32
          %dma_start3A_63 = arith.constant 0 : i32
          %dma_start3A_64 = tpu.memref_slice %arg8[%dma_start3A_62, %dma_start3A_63] : memref<10008x128xf32, #tpu.memory_space<vmem_shared>> -> memref<10008x128xf32, #tpu.memory_space<vmem_shared>>
          tpu.enqueue_indirect_dma source(%arg7 : memref<128x128xf32, #tpu.memory_space<vmem>>) target(%dma_start3A_64 : memref<10008x128xf32, #tpu.memory_space<vmem_shared>>) offsets(%dma_start3A_61 : memref<128xi32, #tpu.memory_space<vmem>>) semaphore(%arg9 : memref<!tpu.dma_semaphore, #tpu.memory_space<semaphore_mem>>) {add = true}
        } else {
        }
      }
      %scan3A_37 = arith.constant 79 : i32
      %barrier3A_38 = arith.constant 0 : index
      tpu.barrier barrier_id(%barrier3A_38)
      %mul3A = arith.constant 1000 : i32
      %mul3A_39 = arith.muli %arg1, %mul3A : i32
      %lt3A_40 = arith.constant 10 : i32
      %lt3A_41 = arith.cmpi slt, %arg1, %lt3A_40 : i32
      %convert_element_type3A_42 = arith.extui %lt3A_41 : i1 to i32
      %cond3A_43 = arith.constant 0 : i32
      %cond3A_44 = arith.cmpi ne, %convert_element_type3A_42, %cond3A_43 : i32
      scf.if %cond3A_44 {
        "tpu.region"() ({
          %run_scoped3A = tpu.sem_alloc : memref<!tpu.dma_semaphore, #tpu.memory_space<semaphore_mem>>
          %dma_start3A_45 = arith.constant 0 : i32
          %dma_start3A_46 = tpu.memref_slice %arg5[%mul3A_39, %dma_start3A_45] : memref<10000x128xf32, #tpu.memory_space<hbm>> -> memref<1000x128xf32, #tpu.memory_space<hbm>>
          %dma_start3A_47 = arith.constant 0 : i32
          %dma_start3A_48 = tpu.memref_slice %arg8[%mul3A_39, %dma_start3A_47] : memref<10008x128xf32, #tpu.memory_space<vmem_shared>> -> memref<1000x128xf32, #tpu.memory_space<vmem_shared>>
          tpu.enqueue_dma source(%dma_start3A_48 : memref<1000x128xf32, #tpu.memory_space<vmem_shared>>) target(%dma_start3A_46 : memref<1000x128xf32, #tpu.memory_space<hbm>>) target_semaphore(%run_scoped3A : memref<!tpu.dma_semaphore, #tpu.memory_space<semaphore_mem>>)
          %dma_wait3A = arith.constant 0 : i32
          %dma_wait3A_49 = tpu.memref_slice %arg5[%mul3A_39, %dma_wait3A] : memref<10000x128xf32, #tpu.memory_space<hbm>> -> memref<1000x128xf32, #tpu.memory_space<hbm>>
          %dma_wait3A_50 = arith.constant 0 : i32
          %dma_wait3A_51 = tpu.memref_slice %arg8[%mul3A_39, %dma_wait3A_50] : memref<10008x128xf32, #tpu.memory_space<vmem_shared>> -> memref<1000x128xf32, #tpu.memory_space<vmem_shared>>
          tpu.wait_dma2 semaphore(%run_scoped3A : memref<!tpu.dma_semaphore, #tpu.memory_space<semaphore_mem>>) src(%dma_wait3A_51 : memref<1000x128xf32, #tpu.memory_space<vmem_shared>>) dst(%dma_wait3A_49 : memref<1000x128xf32, #tpu.memory_space<hbm>>)
          tpu.yield
        }) : () -> ()
      } else {
      }
    } else {
    }
    return
  }
}

#map = affine_map<(d0, d1) -> (0, 0)>
#map1 = affine_map<(d0, d1) -> (0, 0, 0)>
module attributes {stable_mosaic.version = 14 : i64} {
  func.func @_edge_gather_kernel(%arg0: i32, %arg1: i32, %arg2: memref<10000x128xf32, #tpu.memory_space<hbm>>, %arg3: memref<10000x128xf32, #tpu.memory_space<hbm>>, %arg4: memref<16x79x128xi32, #tpu.memory_space<hbm>>, %arg5: memref<16x79x128xi32, #tpu.memory_space<hbm>>, %arg6: memref<160000x128xf32, #tpu.memory_space<hbm>>, %arg7: memref<160000x128xf32, #tpu.memory_space<hbm>>, %arg8: memref<79x128xi32, #tpu.memory_space<vmem>>, %arg9: memref<4x128x128xf32, #tpu.memory_space<vmem>>, %arg10: memref<!tpu.dma_semaphore, #tpu.memory_space<semaphore_mem>>) attributes {dimension_semantics = [#tpu.dimension_semantics<core_parallel>, #tpu.dimension_semantics<subcore_parallel>], iteration_bounds = array<i64: 2, 16>, scalar_prefetch = 0 : i64, scratch_operands = 3 : i64, tpu.core_type = #tpu.core_type<sc_vector_subcore>, window_params = [{transform_indices = #map}, {transform_indices = #map}, {transform_indices = #map1}, {transform_indices = #map1}, {transform_indices = #map}, {transform_indices = #map}]} {
    %eq3A = arith.constant 0 : i32
    %eq3A_0 = arith.cmpi eq, %arg0, %eq3A : i32
    %convert_element_type3A = arith.extui %eq3A_0 : i1 to i32
    %cond3A = arith.constant 0 : i32
    %cond3A_1 = arith.cmpi ne, %convert_element_type3A, %cond3A : i32
    scf.if %cond3A_1 {
      "tpu.region"() ({
        %run_scoped3A_60 = tpu.sem_alloc : memref<!tpu.dma_semaphore, #tpu.memory_space<semaphore_mem>>
        %dma_start3A_61 = arith.constant 0 : i32
        %dma_start3A_62 = arith.constant 0 : i32
        %dma_start3A_63 = tpu.memref_slice %arg4[%arg1, %dma_start3A_61, %dma_start3A_62] : memref<16x79x128xi32, #tpu.memory_space<hbm>> -> memref<1x79x128xi32, #tpu.memory_space<hbm>>
        %dma_start3A_64 = tpu.memref_squeeze %dma_start3A_63 : memref<1x79x128xi32, #tpu.memory_space<hbm>> -> memref<79x128xi32, #tpu.memory_space<hbm>>
        %dma_start3A_65 = arith.constant 0 : i32
        %dma_start3A_66 = arith.constant 0 : i32
        %dma_start3A_67 = tpu.memref_slice %arg4[%arg1, %dma_start3A_65, %dma_start3A_66] : memref<16x79x128xi32, #tpu.memory_space<hbm>> -> memref<1x79x128xi32, #tpu.memory_space<hbm>>
        %dma_start3A_68 = tpu.memref_squeeze %dma_start3A_67 : memref<1x79x128xi32, #tpu.memory_space<hbm>> -> memref<79x128xi32, #tpu.memory_space<hbm>>
        tpu.enqueue_dma source(%dma_start3A_68 : memref<79x128xi32, #tpu.memory_space<hbm>>) target(%arg8 : memref<79x128xi32, #tpu.memory_space<vmem>>) target_semaphore(%run_scoped3A_60 : memref<!tpu.dma_semaphore, #tpu.memory_space<semaphore_mem>>)
        %dma_wait3A_69 = arith.constant 0 : i32
        %dma_wait3A_70 = arith.constant 0 : i32
        %dma_wait3A_71 = tpu.memref_slice %arg4[%arg1, %dma_wait3A_69, %dma_wait3A_70] : memref<16x79x128xi32, #tpu.memory_space<hbm>> -> memref<1x79x128xi32, #tpu.memory_space<hbm>>
        %dma_wait3A_72 = tpu.memref_squeeze %dma_wait3A_71 : memref<1x79x128xi32, #tpu.memory_space<hbm>> -> memref<79x128xi32, #tpu.memory_space<hbm>>
        %dma_wait3A_73 = arith.constant 0 : i32
        %dma_wait3A_74 = arith.constant 0 : i32
        %dma_wait3A_75 = tpu.memref_slice %arg4[%arg1, %dma_wait3A_73, %dma_wait3A_74] : memref<16x79x128xi32, #tpu.memory_space<hbm>> -> memref<1x79x128xi32, #tpu.memory_space<hbm>>
        %dma_wait3A_76 = tpu.memref_squeeze %dma_wait3A_75 : memref<1x79x128xi32, #tpu.memory_space<hbm>> -> memref<79x128xi32, #tpu.memory_space<hbm>>
        tpu.wait_dma2 semaphore(%run_scoped3A_60 : memref<!tpu.dma_semaphore, #tpu.memory_space<semaphore_mem>>) src(%dma_wait3A_76 : memref<79x128xi32, #tpu.memory_space<hbm>>) dst(%arg8 : memref<79x128xi32, #tpu.memory_space<vmem>>)
        tpu.yield
      }) : () -> ()
      %dma_start3A = arith.constant 0 : i32
      %dma_start3A_7 = arith.constant 0 : i32
      %dma_start3A_8 = arith.constant 0 : i32
      %dma_start3A_9 = arith.constant 0 : i32
      %dma_start3A_10 = tpu.memref_slice %arg9[%dma_start3A_7, %dma_start3A_8, %dma_start3A_9] : memref<4x128x128xf32, #tpu.memory_space<vmem>> -> memref<1x128x128xf32, #tpu.memory_space<vmem>>
      %dma_start3A_11 = tpu.memref_squeeze %dma_start3A_10 : memref<1x128x128xf32, #tpu.memory_space<vmem>> -> memref<128x128xf32, #tpu.memory_space<vmem>>
      %dma_start3A_12 = arith.constant 0 : i32
      %dma_start3A_13 = tpu.memref_slice %arg8[%dma_start3A, %dma_start3A_12] : memref<79x128xi32, #tpu.memory_space<vmem>> -> memref<1x128xi32, #tpu.memory_space<vmem>>
      %dma_start3A_14 = tpu.memref_squeeze %dma_start3A_13 : memref<1x128xi32, #tpu.memory_space<vmem>> -> memref<128xi32, #tpu.memory_space<vmem>>
      %dma_start3A_15 = arith.constant 0 : i32
      %dma_start3A_16 = arith.constant 0 : i32
      %dma_start3A_17 = tpu.memref_slice %arg2[%dma_start3A_15, %dma_start3A_16] : memref<10000x128xf32, #tpu.memory_space<hbm>> -> memref<10000x128xf32, #tpu.memory_space<hbm>>
      tpu.enqueue_indirect_dma source(%dma_start3A_17 : memref<10000x128xf32, #tpu.memory_space<hbm>>) target(%dma_start3A_11 : memref<128x128xf32, #tpu.memory_space<vmem>>) offsets(%dma_start3A_14 : memref<128xi32, #tpu.memory_space<vmem>>) semaphore(%arg10 : memref<!tpu.dma_semaphore, #tpu.memory_space<semaphore_mem>>)
      %dma_start3A_18 = arith.constant 1 : i32
      %dma_start3A_19 = arith.constant 1 : i32
      %dma_start3A_20 = arith.constant 0 : i32
      %dma_start3A_21 = arith.constant 0 : i32
      %dma_start3A_22 = tpu.memref_slice %arg9[%dma_start3A_19, %dma_start3A_20, %dma_start3A_21] : memref<4x128x128xf32, #tpu.memory_space<vmem>> -> memref<1x128x128xf32, #tpu.memory_space<vmem>>
      %dma_start3A_23 = tpu.memref_squeeze %dma_start3A_22 : memref<1x128x128xf32, #tpu.memory_space<vmem>> -> memref<128x128xf32, #tpu.memory_space<vmem>>
      %dma_start3A_24 = arith.constant 0 : i32
      %dma_start3A_25 = tpu.memref_slice %arg8[%dma_start3A_18, %dma_start3A_24] : memref<79x128xi32, #tpu.memory_space<vmem>> -> memref<1x128xi32, #tpu.memory_space<vmem>>
      %dma_start3A_26 = tpu.memref_squeeze %dma_start3A_25 : memref<1x128xi32, #tpu.memory_space<vmem>> -> memref<128xi32, #tpu.memory_space<vmem>>
      %dma_start3A_27 = arith.constant 0 : i32
      %dma_start3A_28 = arith.constant 0 : i32
      %dma_start3A_29 = tpu.memref_slice %arg2[%dma_start3A_27, %dma_start3A_28] : memref<10000x128xf32, #tpu.memory_space<hbm>> -> memref<10000x128xf32, #tpu.memory_space<hbm>>
      tpu.enqueue_indirect_dma source(%dma_start3A_29 : memref<10000x128xf32, #tpu.memory_space<hbm>>) target(%dma_start3A_23 : memref<128x128xf32, #tpu.memory_space<vmem>>) offsets(%dma_start3A_26 : memref<128xi32, #tpu.memory_space<vmem>>) semaphore(%arg10 : memref<!tpu.dma_semaphore, #tpu.memory_space<semaphore_mem>>)
      %dma_start3A_30 = arith.constant 2 : i32
      %dma_start3A_31 = arith.constant 2 : i32
      %dma_start3A_32 = arith.constant 0 : i32
      %dma_start3A_33 = arith.constant 0 : i32
      %dma_start3A_34 = tpu.memref_slice %arg9[%dma_start3A_31, %dma_start3A_32, %dma_start3A_33] : memref<4x128x128xf32, #tpu.memory_space<vmem>> -> memref<1x128x128xf32, #tpu.memory_space<vmem>>
      %dma_start3A_35 = tpu.memref_squeeze %dma_start3A_34 : memref<1x128x128xf32, #tpu.memory_space<vmem>> -> memref<128x128xf32, #tpu.memory_space<vmem>>
      %dma_start3A_36 = arith.constant 0 : i32
      %dma_start3A_37 = tpu.memref_slice %arg8[%dma_start3A_30, %dma_start3A_36] : memref<79x128xi32, #tpu.memory_space<vmem>> -> memref<1x128xi32, #tpu.memory_space<vmem>>
      %dma_start3A_38 = tpu.memref_squeeze %dma_start3A_37 : memref<1x128xi32, #tpu.memory_space<vmem>> -> memref<128xi32, #tpu.memory_space<vmem>>
      %dma_start3A_39 = arith.constant 0 : i32
      %dma_start3A_40 = arith.constant 0 : i32
      %dma_start3A_41 = tpu.memref_slice %arg2[%dma_start3A_39, %dma_start3A_40] : memref<10000x128xf32, #tpu.memory_space<hbm>> -> memref<10000x128xf32, #tpu.memory_space<hbm>>
      tpu.enqueue_indirect_dma source(%dma_start3A_41 : memref<10000x128xf32, #tpu.memory_space<hbm>>) target(%dma_start3A_35 : memref<128x128xf32, #tpu.memory_space<vmem>>) offsets(%dma_start3A_38 : memref<128xi32, #tpu.memory_space<vmem>>) semaphore(%arg10 : memref<!tpu.dma_semaphore, #tpu.memory_space<semaphore_mem>>)
      %scan3A = arith.constant 0 : i32
      %scan3A_42 = arith.constant 0 : i32
      %scan3A_43 = arith.constant 78 : i32
      %scan3A_44 = arith.addi %scan3A_42, %scan3A_43 : i32
      %scan3A_45 = arith.constant 1 : i32
      scf.for %scan3A_60 = %scan3A_42 to %scan3A_44 step %scan3A_45  : i32 {
        %rem3A = arith.constant 4 : i32
        %rem3A_61 = arith.remsi %scan3A_60, %rem3A : i32
        %dma_wait3A_62 = arith.constant 0 : i32
        %dma_wait3A_63 = arith.constant 0 : i32
        %dma_wait3A_64 = tpu.memref_slice %arg9[%rem3A_61, %dma_wait3A_62, %dma_wait3A_63] : memref<4x128x128xf32, #tpu.memory_space<vmem>> -> memref<1x128x128xf32, #tpu.memory_space<vmem>>
        %dma_wait3A_65 = tpu.memref_squeeze %dma_wait3A_64 : memref<1x128x128xf32, #tpu.memory_space<vmem>> -> memref<128x128xf32, #tpu.memory_space<vmem>>
        %dma_wait3A_66 = arith.constant 0 : i32
        %dma_wait3A_67 = tpu.memref_slice %arg8[%scan3A_60, %dma_wait3A_66] : memref<79x128xi32, #tpu.memory_space<vmem>> -> memref<1x128xi32, #tpu.memory_space<vmem>>
        %dma_wait3A_68 = tpu.memref_squeeze %dma_wait3A_67 : memref<1x128xi32, #tpu.memory_space<vmem>> -> memref<128xi32, #tpu.memory_space<vmem>>
        %dma_wait3A_69 = arith.constant 0 : i32
        %dma_wait3A_70 = arith.constant 0 : i32
        %dma_wait3A_71 = tpu.memref_slice %arg2[%dma_wait3A_69, %dma_wait3A_70] : memref<10000x128xf32, #tpu.memory_space<hbm>> -> memref<10000x128xf32, #tpu.memory_space<hbm>>
        tpu.wait_indirect_dma semaphore(%arg10 : memref<!tpu.dma_semaphore, #tpu.memory_space<semaphore_mem>>) src(%dma_wait3A_71 : memref<10000x128xf32, #tpu.memory_space<hbm>>) dst(%dma_wait3A_65 : memref<128x128xf32, #tpu.memory_space<vmem>>)
        %add3A_72 = arith.constant 3 : i32
        %add3A_73 = arith.addi %scan3A_60, %add3A_72 : i32
        %lt3A = arith.constant 79 : i32
        %lt3A_74 = arith.cmpi slt, %add3A_73, %lt3A : i32
        %convert_element_type3A_75 = arith.extui %lt3A_74 : i1 to i32
        %cond3A_76 = arith.constant 0 : i32
        %cond3A_77 = arith.cmpi ne, %convert_element_type3A_75, %cond3A_76 : i32
        scf.if %cond3A_77 {
          %add3A_83 = arith.constant 3 : i32
          %add3A_84 = arith.addi %scan3A_60, %add3A_83 : i32
          %add3A_85 = arith.constant 3 : i32
          %add3A_86 = arith.addi %scan3A_60, %add3A_85 : i32
          %rem3A_87 = arith.constant 4 : i32
          %rem3A_88 = arith.remsi %add3A_86, %rem3A_87 : i32
          %dma_start3A_89 = arith.constant 0 : i32
          %dma_start3A_90 = arith.constant 0 : i32
          %dma_start3A_91 = tpu.memref_slice %arg9[%rem3A_88, %dma_start3A_89, %dma_start3A_90] : memref<4x128x128xf32, #tpu.memory_space<vmem>> -> memref<1x128x128xf32, #tpu.memory_space<vmem>>
          %dma_start3A_92 = tpu.memref_squeeze %dma_start3A_91 : memref<1x128x128xf32, #tpu.memory_space<vmem>> -> memref<128x128xf32, #tpu.memory_space<vmem>>
          %dma_start3A_93 = arith.constant 0 : i32
          %dma_start3A_94 = tpu.memref_slice %arg8[%add3A_84, %dma_start3A_93] : memref<79x128xi32, #tpu.memory_space<vmem>> -> memref<1x128xi32, #tpu.memory_space<vmem>>
          %dma_start3A_95 = tpu.memref_squeeze %dma_start3A_94 : memref<1x128xi32, #tpu.memory_space<vmem>> -> memref<128xi32, #tpu.memory_space<vmem>>
          %dma_start3A_96 = arith.constant 0 : i32
          %dma_start3A_97 = arith.constant 0 : i32
          %dma_start3A_98 = tpu.memref_slice %arg2[%dma_start3A_96, %dma_start3A_97] : memref<10000x128xf32, #tpu.memory_space<hbm>> -> memref<10000x128xf32, #tpu.memory_space<hbm>>
          tpu.enqueue_indirect_dma source(%dma_start3A_98 : memref<10000x128xf32, #tpu.memory_space<hbm>>) target(%dma_start3A_92 : memref<128x128xf32, #tpu.memory_space<vmem>>) offsets(%dma_start3A_95 : memref<128xi32, #tpu.memory_space<vmem>>) semaphore(%arg10 : memref<!tpu.dma_semaphore, #tpu.memory_space<semaphore_mem>>)
        } else {
        }
        %mul3A_78 = arith.constant 10000 : i32
        %mul3A_79 = arith.muli %arg1, %mul3A_78 : i32
        %mul3A_80 = arith.constant 128 : i32
        %mul3A_81 = arith.muli %scan3A_60, %mul3A_80 : i32
        %add3A_82 = arith.addi %mul3A_79, %mul3A_81 : i32
        "tpu.region"() ({
          %run_scoped3A_83 = tpu.sem_alloc : memref<!tpu.dma_semaphore, #tpu.memory_space<semaphore_mem>>
          %dma_start3A_84 = arith.constant 0 : i32
          %dma_start3A_85 = arith.constant 0 : i32
          %dma_start3A_86 = tpu.memref_slice %arg9[%rem3A_61, %dma_start3A_84, %dma_start3A_85] : memref<4x128x128xf32, #tpu.memory_space<vmem>> -> memref<1x128x128xf32, #tpu.memory_space<vmem>>
          %dma_start3A_87 = tpu.memref_squeeze %dma_start3A_86 : memref<1x128x128xf32, #tpu.memory_space<vmem>> -> memref<128x128xf32, #tpu.memory_space<vmem>>
          %dma_start3A_88 = arith.constant 0 : i32
          %dma_start3A_89 = tpu.memref_slice %arg6[%add3A_82, %dma_start3A_88] : memref<160000x128xf32, #tpu.memory_space<hbm>> -> memref<128x128xf32, #tpu.memory_space<hbm>>
          %dma_start3A_90 = arith.constant 0 : i32
          %dma_start3A_91 = tpu.memref_slice %arg6[%add3A_82, %dma_start3A_90] : memref<160000x128xf32, #tpu.memory_space<hbm>> -> memref<128x128xf32, #tpu.memory_space<hbm>>
          %dma_start3A_92 = arith.constant 0 : i32
          %dma_start3A_93 = arith.constant 0 : i32
          %dma_start3A_94 = tpu.memref_slice %arg9[%rem3A_61, %dma_start3A_92, %dma_start3A_93] : memref<4x128x128xf32, #tpu.memory_space<vmem>> -> memref<1x128x128xf32, #tpu.memory_space<vmem>>
          %dma_start3A_95 = tpu.memref_squeeze %dma_start3A_94 : memref<1x128x128xf32, #tpu.memory_space<vmem>> -> memref<128x128xf32, #tpu.memory_space<vmem>>
          tpu.enqueue_dma source(%dma_start3A_95 : memref<128x128xf32, #tpu.memory_space<vmem>>) target(%dma_start3A_91 : memref<128x128xf32, #tpu.memory_space<hbm>>) target_semaphore(%run_scoped3A_83 : memref<!tpu.dma_semaphore, #tpu.memory_space<semaphore_mem>>)
          %dma_wait3A_96 = arith.constant 0 : i32
          %dma_wait3A_97 = arith.constant 0 : i32
          %dma_wait3A_98 = tpu.memref_slice %arg9[%rem3A_61, %dma_wait3A_96, %dma_wait3A_97] : memref<4x128x128xf32, #tpu.memory_space<vmem>> -> memref<1x128x128xf32, #tpu.memory_space<vmem>>
          %dma_wait3A_99 = tpu.memref_squeeze %dma_wait3A_98 : memref<1x128x128xf32, #tpu.memory_space<vmem>> -> memref<128x128xf32, #tpu.memory_space<vmem>>
          %dma_wait3A_100 = arith.constant 0 : i32
          %dma_wait3A_101 = tpu.memref_slice %arg6[%add3A_82, %dma_wait3A_100] : memref<160000x128xf32, #tpu.memory_space<hbm>> -> memref<128x128xf32, #tpu.memory_space<hbm>>
          %dma_wait3A_102 = arith.constant 0 : i32
          %dma_wait3A_103 = tpu.memref_slice %arg6[%add3A_82, %dma_wait3A_102] : memref<160000x128xf32, #tpu.memory_space<hbm>> -> memref<128x128xf32, #tpu.memory_space<hbm>>
          %dma_wait3A_104 = arith.constant 0 : i32
          %dma_wait3A_105 = arith.constant 0 : i32
          %dma_wait3A_106 = tpu.memref_slice %arg9[%rem3A_61, %dma_wait3A_104, %dma_wait3A_105] : memref<4x128x128xf32, #tpu.memory_space<vmem>> -> memref<1x128x128xf32, #tpu.memory_space<vmem>>
          %dma_wait3A_107 = tpu.memref_squeeze %dma_wait3A_106 : memref<1x128x128xf32, #tpu.memory_space<vmem>> -> memref<128x128xf32, #tpu.memory_space<vmem>>
          tpu.wait_dma2 semaphore(%run_scoped3A_83 : memref<!tpu.dma_semaphore, #tpu.memory_space<semaphore_mem>>) src(%dma_wait3A_107 : memref<128x128xf32, #tpu.memory_space<vmem>>) dst(%dma_wait3A_103 : memref<128x128xf32, #tpu.memory_space<hbm>>)
          tpu.yield
        }) : () -> ()
      }
      %scan3A_46 = arith.constant 78 : i32
      %dma_wait3A = arith.constant 78 : i32
      %dma_wait3A_47 = arith.constant 2 : i32
      %dma_wait3A_48 = arith.constant 0 : i32
      %dma_wait3A_49 = arith.constant 0 : i32
      %dma_wait3A_50 = tpu.memref_slice %arg9[%dma_wait3A_47, %dma_wait3A_48, %dma_wait3A_49] : memref<4x128x128xf32, #tpu.memory_space<vmem>> -> memref<1x128x128xf32, #tpu.memory_space<vmem>>
      %dma_wait3A_51 = tpu.memref_squeeze %dma_wait3A_50 : memref<1x128x128xf32, #tpu.memory_space<vmem>> -> memref<128x128xf32, #tpu.memory_space<vmem>>
      %dma_wait3A_52 = arith.constant 0 : i32
      %dma_wait3A_53 = tpu.memref_slice %arg8[%dma_wait3A, %dma_wait3A_52] : memref<79x128xi32, #tpu.memory_space<vmem>> -> memref<1x128xi32, #tpu.memory_space<vmem>>
      %dma_wait3A_54 = tpu.memref_squeeze %dma_wait3A_53 : memref<1x128xi32, #tpu.memory_space<vmem>> -> memref<128xi32, #tpu.memory_space<vmem>>
      %dma_wait3A_55 = arith.constant 0 : i32
      %dma_wait3A_56 = arith.constant 0 : i32
      %dma_wait3A_57 = tpu.memref_slice %arg2[%dma_wait3A_55, %dma_wait3A_56] : memref<10000x128xf32, #tpu.memory_space<hbm>> -> memref<10000x128xf32, #tpu.memory_space<hbm>>
      tpu.wait_indirect_dma semaphore(%arg10 : memref<!tpu.dma_semaphore, #tpu.memory_space<semaphore_mem>>) src(%dma_wait3A_57 : memref<10000x128xf32, #tpu.memory_space<hbm>>) dst(%dma_wait3A_51 : memref<128x128xf32, #tpu.memory_space<vmem>>)
      %mul3A = arith.constant 10000 : i32
      %mul3A_58 = arith.muli %arg1, %mul3A : i32
      %add3A = arith.constant 9984 : i32
      %add3A_59 = arith.addi %mul3A_58, %add3A : i32
      %run_scoped3A = arith.constant 2 : i32
      "tpu.region"() ({
        %run_scoped3A_60 = tpu.sem_alloc : memref<!tpu.dma_semaphore, #tpu.memory_space<semaphore_mem>>
        %dma_start3A_61 = arith.constant 0 : i32
        %dma_start3A_62 = arith.constant 0 : i32
        %dma_start3A_63 = tpu.memref_slice %arg9[%run_scoped3A, %dma_start3A_61, %dma_start3A_62] : memref<4x128x128xf32, #tpu.memory_space<vmem>> -> memref<1x128x128xf32, #tpu.memory_space<vmem>>
        %dma_start3A_64 = tpu.memref_squeeze %dma_start3A_63 : memref<1x128x128xf32, #tpu.memory_space<vmem>> -> memref<128x128xf32, #tpu.memory_space<vmem>>
        %dma_start3A_65 = arith.constant 0 : i32
        %dma_start3A_66 = arith.constant 0 : i32
        %dma_start3A_67 = tpu.memref_slice %dma_start3A_64[%dma_start3A_65, %dma_start3A_66] : memref<128x128xf32, #tpu.memory_space<vmem>> -> memref<16x128xf32, #tpu.memory_space<vmem>>
        %dma_start3A_68 = arith.constant 0 : i32
        %dma_start3A_69 = tpu.memref_slice %arg6[%add3A_59, %dma_start3A_68] : memref<160000x128xf32, #tpu.memory_space<hbm>> -> memref<16x128xf32, #tpu.memory_space<hbm>>
        %dma_start3A_70 = arith.constant 0 : i32
        %dma_start3A_71 = tpu.memref_slice %arg6[%add3A_59, %dma_start3A_70] : memref<160000x128xf32, #tpu.memory_space<hbm>> -> memref<16x128xf32, #tpu.memory_space<hbm>>
        %dma_start3A_72 = arith.constant 0 : i32
        %dma_start3A_73 = arith.constant 0 : i32
        %dma_start3A_74 = tpu.memref_slice %arg9[%run_scoped3A, %dma_start3A_72, %dma_start3A_73] : memref<4x128x128xf32, #tpu.memory_space<vmem>> -> memref<1x128x128xf32, #tpu.memory_space<vmem>>
        %dma_start3A_75 = tpu.memref_squeeze %dma_start3A_74 : memref<1x128x128xf32, #tpu.memory_space<vmem>> -> memref<128x128xf32, #tpu.memory_space<vmem>>
        %dma_start3A_76 = arith.constant 0 : i32
        %dma_start3A_77 = arith.constant 0 : i32
        %dma_start3A_78 = tpu.memref_slice %dma_start3A_75[%dma_start3A_76, %dma_start3A_77] : memref<128x128xf32, #tpu.memory_space<vmem>> -> memref<16x128xf32, #tpu.memory_space<vmem>>
        tpu.enqueue_dma source(%dma_start3A_78 : memref<16x128xf32, #tpu.memory_space<vmem>>) target(%dma_start3A_71 : memref<16x128xf32, #tpu.memory_space<hbm>>) target_semaphore(%run_scoped3A_60 : memref<!tpu.dma_semaphore, #tpu.memory_space<semaphore_mem>>)
        %dma_wait3A_79 = arith.constant 0 : i32
        %dma_wait3A_80 = arith.constant 0 : i32
        %dma_wait3A_81 = tpu.memref_slice %arg9[%run_scoped3A, %dma_wait3A_79, %dma_wait3A_80] : memref<4x128x128xf32, #tpu.memory_space<vmem>> -> memref<1x128x128xf32, #tpu.memory_space<vmem>>
        %dma_wait3A_82 = tpu.memref_squeeze %dma_wait3A_81 : memref<1x128x128xf32, #tpu.memory_space<vmem>> -> memref<128x128xf32, #tpu.memory_space<vmem>>
        %dma_wait3A_83 = arith.constant 0 : i32
        %dma_wait3A_84 = arith.constant 0 : i32
        %dma_wait3A_85 = tpu.memref_slice %dma_wait3A_82[%dma_wait3A_83, %dma_wait3A_84] : memref<128x128xf32, #tpu.memory_space<vmem>> -> memref<16x128xf32, #tpu.memory_space<vmem>>
        %dma_wait3A_86 = arith.constant 0 : i32
        %dma_wait3A_87 = tpu.memref_slice %arg6[%add3A_59, %dma_wait3A_86] : memref<160000x128xf32, #tpu.memory_space<hbm>> -> memref<16x128xf32, #tpu.memory_space<hbm>>
        %dma_wait3A_88 = arith.constant 0 : i32
        %dma_wait3A_89 = tpu.memref_slice %arg6[%add3A_59, %dma_wait3A_88] : memref<160000x128xf32, #tpu.memory_space<hbm>> -> memref<16x128xf32, #tpu.memory_space<hbm>>
        %dma_wait3A_90 = arith.constant 0 : i32
        %dma_wait3A_91 = arith.constant 0 : i32
        %dma_wait3A_92 = tpu.memref_slice %arg9[%run_scoped3A, %dma_wait3A_90, %dma_wait3A_91] : memref<4x128x128xf32, #tpu.memory_space<vmem>> -> memref<1x128x128xf32, #tpu.memory_space<vmem>>
        %dma_wait3A_93 = tpu.memref_squeeze %dma_wait3A_92 : memref<1x128x128xf32, #tpu.memory_space<vmem>> -> memref<128x128xf32, #tpu.memory_space<vmem>>
        %dma_wait3A_94 = arith.constant 0 : i32
        %dma_wait3A_95 = arith.constant 0 : i32
        %dma_wait3A_96 = tpu.memref_slice %dma_wait3A_93[%dma_wait3A_94, %dma_wait3A_95] : memref<128x128xf32, #tpu.memory_space<vmem>> -> memref<16x128xf32, #tpu.memory_space<vmem>>
        tpu.wait_dma2 semaphore(%run_scoped3A_60 : memref<!tpu.dma_semaphore, #tpu.memory_space<semaphore_mem>>) src(%dma_wait3A_96 : memref<16x128xf32, #tpu.memory_space<vmem>>) dst(%dma_wait3A_89 : memref<16x128xf32, #tpu.memory_space<hbm>>)
        tpu.yield
      }) : () -> ()
    } else {
    }
    %eq3A_2 = arith.constant 1 : i32
    %eq3A_3 = arith.cmpi eq, %arg0, %eq3A_2 : i32
    %convert_element_type3A_4 = arith.extui %eq3A_3 : i1 to i32
    %cond3A_5 = arith.constant 0 : i32
    %cond3A_6 = arith.cmpi ne, %convert_element_type3A_4, %cond3A_5 : i32
    scf.if %cond3A_6 {
      "tpu.region"() ({
        %run_scoped3A_60 = tpu.sem_alloc : memref<!tpu.dma_semaphore, #tpu.memory_space<semaphore_mem>>
        %dma_start3A_61 = arith.constant 0 : i32
        %dma_start3A_62 = arith.constant 0 : i32
        %dma_start3A_63 = tpu.memref_slice %arg5[%arg1, %dma_start3A_61, %dma_start3A_62] : memref<16x79x128xi32, #tpu.memory_space<hbm>> -> memref<1x79x128xi32, #tpu.memory_space<hbm>>
        %dma_start3A_64 = tpu.memref_squeeze %dma_start3A_63 : memref<1x79x128xi32, #tpu.memory_space<hbm>> -> memref<79x128xi32, #tpu.memory_space<hbm>>
        %dma_start3A_65 = arith.constant 0 : i32
        %dma_start3A_66 = arith.constant 0 : i32
        %dma_start3A_67 = tpu.memref_slice %arg5[%arg1, %dma_start3A_65, %dma_start3A_66] : memref<16x79x128xi32, #tpu.memory_space<hbm>> -> memref<1x79x128xi32, #tpu.memory_space<hbm>>
        %dma_start3A_68 = tpu.memref_squeeze %dma_start3A_67 : memref<1x79x128xi32, #tpu.memory_space<hbm>> -> memref<79x128xi32, #tpu.memory_space<hbm>>
        tpu.enqueue_dma source(%dma_start3A_68 : memref<79x128xi32, #tpu.memory_space<hbm>>) target(%arg8 : memref<79x128xi32, #tpu.memory_space<vmem>>) target_semaphore(%run_scoped3A_60 : memref<!tpu.dma_semaphore, #tpu.memory_space<semaphore_mem>>)
        %dma_wait3A_69 = arith.constant 0 : i32
        %dma_wait3A_70 = arith.constant 0 : i32
        %dma_wait3A_71 = tpu.memref_slice %arg5[%arg1, %dma_wait3A_69, %dma_wait3A_70] : memref<16x79x128xi32, #tpu.memory_space<hbm>> -> memref<1x79x128xi32, #tpu.memory_space<hbm>>
        %dma_wait3A_72 = tpu.memref_squeeze %dma_wait3A_71 : memref<1x79x128xi32, #tpu.memory_space<hbm>> -> memref<79x128xi32, #tpu.memory_space<hbm>>
        %dma_wait3A_73 = arith.constant 0 : i32
        %dma_wait3A_74 = arith.constant 0 : i32
        %dma_wait3A_75 = tpu.memref_slice %arg5[%arg1, %dma_wait3A_73, %dma_wait3A_74] : memref<16x79x128xi32, #tpu.memory_space<hbm>> -> memref<1x79x128xi32, #tpu.memory_space<hbm>>
        %dma_wait3A_76 = tpu.memref_squeeze %dma_wait3A_75 : memref<1x79x128xi32, #tpu.memory_space<hbm>> -> memref<79x128xi32, #tpu.memory_space<hbm>>
        tpu.wait_dma2 semaphore(%run_scoped3A_60 : memref<!tpu.dma_semaphore, #tpu.memory_space<semaphore_mem>>) src(%dma_wait3A_76 : memref<79x128xi32, #tpu.memory_space<hbm>>) dst(%arg8 : memref<79x128xi32, #tpu.memory_space<vmem>>)
        tpu.yield
      }) : () -> ()
      %dma_start3A = arith.constant 0 : i32
      %dma_start3A_7 = arith.constant 0 : i32
      %dma_start3A_8 = arith.constant 0 : i32
      %dma_start3A_9 = arith.constant 0 : i32
      %dma_start3A_10 = tpu.memref_slice %arg9[%dma_start3A_7, %dma_start3A_8, %dma_start3A_9] : memref<4x128x128xf32, #tpu.memory_space<vmem>> -> memref<1x128x128xf32, #tpu.memory_space<vmem>>
      %dma_start3A_11 = tpu.memref_squeeze %dma_start3A_10 : memref<1x128x128xf32, #tpu.memory_space<vmem>> -> memref<128x128xf32, #tpu.memory_space<vmem>>
      %dma_start3A_12 = arith.constant 0 : i32
      %dma_start3A_13 = tpu.memref_slice %arg8[%dma_start3A, %dma_start3A_12] : memref<79x128xi32, #tpu.memory_space<vmem>> -> memref<1x128xi32, #tpu.memory_space<vmem>>
      %dma_start3A_14 = tpu.memref_squeeze %dma_start3A_13 : memref<1x128xi32, #tpu.memory_space<vmem>> -> memref<128xi32, #tpu.memory_space<vmem>>
      %dma_start3A_15 = arith.constant 0 : i32
      %dma_start3A_16 = arith.constant 0 : i32
      %dma_start3A_17 = tpu.memref_slice %arg3[%dma_start3A_15, %dma_start3A_16] : memref<10000x128xf32, #tpu.memory_space<hbm>> -> memref<10000x128xf32, #tpu.memory_space<hbm>>
      tpu.enqueue_indirect_dma source(%dma_start3A_17 : memref<10000x128xf32, #tpu.memory_space<hbm>>) target(%dma_start3A_11 : memref<128x128xf32, #tpu.memory_space<vmem>>) offsets(%dma_start3A_14 : memref<128xi32, #tpu.memory_space<vmem>>) semaphore(%arg10 : memref<!tpu.dma_semaphore, #tpu.memory_space<semaphore_mem>>)
      %dma_start3A_18 = arith.constant 1 : i32
      %dma_start3A_19 = arith.constant 1 : i32
      %dma_start3A_20 = arith.constant 0 : i32
      %dma_start3A_21 = arith.constant 0 : i32
      %dma_start3A_22 = tpu.memref_slice %arg9[%dma_start3A_19, %dma_start3A_20, %dma_start3A_21] : memref<4x128x128xf32, #tpu.memory_space<vmem>> -> memref<1x128x128xf32, #tpu.memory_space<vmem>>
      %dma_start3A_23 = tpu.memref_squeeze %dma_start3A_22 : memref<1x128x128xf32, #tpu.memory_space<vmem>> -> memref<128x128xf32, #tpu.memory_space<vmem>>
      %dma_start3A_24 = arith.constant 0 : i32
      %dma_start3A_25 = tpu.memref_slice %arg8[%dma_start3A_18, %dma_start3A_24] : memref<79x128xi32, #tpu.memory_space<vmem>> -> memref<1x128xi32, #tpu.memory_space<vmem>>
      %dma_start3A_26 = tpu.memref_squeeze %dma_start3A_25 : memref<1x128xi32, #tpu.memory_space<vmem>> -> memref<128xi32, #tpu.memory_space<vmem>>
      %dma_start3A_27 = arith.constant 0 : i32
      %dma_start3A_28 = arith.constant 0 : i32
      %dma_start3A_29 = tpu.memref_slice %arg3[%dma_start3A_27, %dma_start3A_28] : memref<10000x128xf32, #tpu.memory_space<hbm>> -> memref<10000x128xf32, #tpu.memory_space<hbm>>
      tpu.enqueue_indirect_dma source(%dma_start3A_29 : memref<10000x128xf32, #tpu.memory_space<hbm>>) target(%dma_start3A_23 : memref<128x128xf32, #tpu.memory_space<vmem>>) offsets(%dma_start3A_26 : memref<128xi32, #tpu.memory_space<vmem>>) semaphore(%arg10 : memref<!tpu.dma_semaphore, #tpu.memory_space<semaphore_mem>>)
      %dma_start3A_30 = arith.constant 2 : i32
      %dma_start3A_31 = arith.constant 2 : i32
      %dma_start3A_32 = arith.constant 0 : i32
      %dma_start3A_33 = arith.constant 0 : i32
      %dma_start3A_34 = tpu.memref_slice %arg9[%dma_start3A_31, %dma_start3A_32, %dma_start3A_33] : memref<4x128x128xf32, #tpu.memory_space<vmem>> -> memref<1x128x128xf32, #tpu.memory_space<vmem>>
      %dma_start3A_35 = tpu.memref_squeeze %dma_start3A_34 : memref<1x128x128xf32, #tpu.memory_space<vmem>> -> memref<128x128xf32, #tpu.memory_space<vmem>>
      %dma_start3A_36 = arith.constant 0 : i32
      %dma_start3A_37 = tpu.memref_slice %arg8[%dma_start3A_30, %dma_start3A_36] : memref<79x128xi32, #tpu.memory_space<vmem>> -> memref<1x128xi32, #tpu.memory_space<vmem>>
      %dma_start3A_38 = tpu.memref_squeeze %dma_start3A_37 : memref<1x128xi32, #tpu.memory_space<vmem>> -> memref<128xi32, #tpu.memory_space<vmem>>
      %dma_start3A_39 = arith.constant 0 : i32
      %dma_start3A_40 = arith.constant 0 : i32
      %dma_start3A_41 = tpu.memref_slice %arg3[%dma_start3A_39, %dma_start3A_40] : memref<10000x128xf32, #tpu.memory_space<hbm>> -> memref<10000x128xf32, #tpu.memory_space<hbm>>
      tpu.enqueue_indirect_dma source(%dma_start3A_41 : memref<10000x128xf32, #tpu.memory_space<hbm>>) target(%dma_start3A_35 : memref<128x128xf32, #tpu.memory_space<vmem>>) offsets(%dma_start3A_38 : memref<128xi32, #tpu.memory_space<vmem>>) semaphore(%arg10 : memref<!tpu.dma_semaphore, #tpu.memory_space<semaphore_mem>>)
      %scan3A = arith.constant 0 : i32
      %scan3A_42 = arith.constant 0 : i32
      %scan3A_43 = arith.constant 78 : i32
      %scan3A_44 = arith.addi %scan3A_42, %scan3A_43 : i32
      %scan3A_45 = arith.constant 1 : i32
      scf.for %scan3A_60 = %scan3A_42 to %scan3A_44 step %scan3A_45  : i32 {
        %rem3A = arith.constant 4 : i32
        %rem3A_61 = arith.remsi %scan3A_60, %rem3A : i32
        %dma_wait3A_62 = arith.constant 0 : i32
        %dma_wait3A_63 = arith.constant 0 : i32
        %dma_wait3A_64 = tpu.memref_slice %arg9[%rem3A_61, %dma_wait3A_62, %dma_wait3A_63] : memref<4x128x128xf32, #tpu.memory_space<vmem>> -> memref<1x128x128xf32, #tpu.memory_space<vmem>>
        %dma_wait3A_65 = tpu.memref_squeeze %dma_wait3A_64 : memref<1x128x128xf32, #tpu.memory_space<vmem>> -> memref<128x128xf32, #tpu.memory_space<vmem>>
        %dma_wait3A_66 = arith.constant 0 : i32
        %dma_wait3A_67 = tpu.memref_slice %arg8[%scan3A_60, %dma_wait3A_66] : memref<79x128xi32, #tpu.memory_space<vmem>> -> memref<1x128xi32, #tpu.memory_space<vmem>>
        %dma_wait3A_68 = tpu.memref_squeeze %dma_wait3A_67 : memref<1x128xi32, #tpu.memory_space<vmem>> -> memref<128xi32, #tpu.memory_space<vmem>>
        %dma_wait3A_69 = arith.constant 0 : i32
        %dma_wait3A_70 = arith.constant 0 : i32
        %dma_wait3A_71 = tpu.memref_slice %arg3[%dma_wait3A_69, %dma_wait3A_70] : memref<10000x128xf32, #tpu.memory_space<hbm>> -> memref<10000x128xf32, #tpu.memory_space<hbm>>
        tpu.wait_indirect_dma semaphore(%arg10 : memref<!tpu.dma_semaphore, #tpu.memory_space<semaphore_mem>>) src(%dma_wait3A_71 : memref<10000x128xf32, #tpu.memory_space<hbm>>) dst(%dma_wait3A_65 : memref<128x128xf32, #tpu.memory_space<vmem>>)
        %add3A_72 = arith.constant 3 : i32
        %add3A_73 = arith.addi %scan3A_60, %add3A_72 : i32
        %lt3A = arith.constant 79 : i32
        %lt3A_74 = arith.cmpi slt, %add3A_73, %lt3A : i32
        %convert_element_type3A_75 = arith.extui %lt3A_74 : i1 to i32
        %cond3A_76 = arith.constant 0 : i32
        %cond3A_77 = arith.cmpi ne, %convert_element_type3A_75, %cond3A_76 : i32
        scf.if %cond3A_77 {
          %add3A_83 = arith.constant 3 : i32
          %add3A_84 = arith.addi %scan3A_60, %add3A_83 : i32
          %add3A_85 = arith.constant 3 : i32
          %add3A_86 = arith.addi %scan3A_60, %add3A_85 : i32
          %rem3A_87 = arith.constant 4 : i32
          %rem3A_88 = arith.remsi %add3A_86, %rem3A_87 : i32
          %dma_start3A_89 = arith.constant 0 : i32
          %dma_start3A_90 = arith.constant 0 : i32
          %dma_start3A_91 = tpu.memref_slice %arg9[%rem3A_88, %dma_start3A_89, %dma_start3A_90] : memref<4x128x128xf32, #tpu.memory_space<vmem>> -> memref<1x128x128xf32, #tpu.memory_space<vmem>>
          %dma_start3A_92 = tpu.memref_squeeze %dma_start3A_91 : memref<1x128x128xf32, #tpu.memory_space<vmem>> -> memref<128x128xf32, #tpu.memory_space<vmem>>
          %dma_start3A_93 = arith.constant 0 : i32
          %dma_start3A_94 = tpu.memref_slice %arg8[%add3A_84, %dma_start3A_93] : memref<79x128xi32, #tpu.memory_space<vmem>> -> memref<1x128xi32, #tpu.memory_space<vmem>>
          %dma_start3A_95 = tpu.memref_squeeze %dma_start3A_94 : memref<1x128xi32, #tpu.memory_space<vmem>> -> memref<128xi32, #tpu.memory_space<vmem>>
          %dma_start3A_96 = arith.constant 0 : i32
          %dma_start3A_97 = arith.constant 0 : i32
          %dma_start3A_98 = tpu.memref_slice %arg3[%dma_start3A_96, %dma_start3A_97] : memref<10000x128xf32, #tpu.memory_space<hbm>> -> memref<10000x128xf32, #tpu.memory_space<hbm>>
          tpu.enqueue_indirect_dma source(%dma_start3A_98 : memref<10000x128xf32, #tpu.memory_space<hbm>>) target(%dma_start3A_92 : memref<128x128xf32, #tpu.memory_space<vmem>>) offsets(%dma_start3A_95 : memref<128xi32, #tpu.memory_space<vmem>>) semaphore(%arg10 : memref<!tpu.dma_semaphore, #tpu.memory_space<semaphore_mem>>)
        } else {
        }
        %mul3A_78 = arith.constant 10000 : i32
        %mul3A_79 = arith.muli %arg1, %mul3A_78 : i32
        %mul3A_80 = arith.constant 128 : i32
        %mul3A_81 = arith.muli %scan3A_60, %mul3A_80 : i32
        %add3A_82 = arith.addi %mul3A_79, %mul3A_81 : i32
        "tpu.region"() ({
          %run_scoped3A_83 = tpu.sem_alloc : memref<!tpu.dma_semaphore, #tpu.memory_space<semaphore_mem>>
          %dma_start3A_84 = arith.constant 0 : i32
          %dma_start3A_85 = arith.constant 0 : i32
          %dma_start3A_86 = tpu.memref_slice %arg9[%rem3A_61, %dma_start3A_84, %dma_start3A_85] : memref<4x128x128xf32, #tpu.memory_space<vmem>> -> memref<1x128x128xf32, #tpu.memory_space<vmem>>
          %dma_start3A_87 = tpu.memref_squeeze %dma_start3A_86 : memref<1x128x128xf32, #tpu.memory_space<vmem>> -> memref<128x128xf32, #tpu.memory_space<vmem>>
          %dma_start3A_88 = arith.constant 0 : i32
          %dma_start3A_89 = tpu.memref_slice %arg7[%add3A_82, %dma_start3A_88] : memref<160000x128xf32, #tpu.memory_space<hbm>> -> memref<128x128xf32, #tpu.memory_space<hbm>>
          %dma_start3A_90 = arith.constant 0 : i32
          %dma_start3A_91 = tpu.memref_slice %arg7[%add3A_82, %dma_start3A_90] : memref<160000x128xf32, #tpu.memory_space<hbm>> -> memref<128x128xf32, #tpu.memory_space<hbm>>
          %dma_start3A_92 = arith.constant 0 : i32
          %dma_start3A_93 = arith.constant 0 : i32
          %dma_start3A_94 = tpu.memref_slice %arg9[%rem3A_61, %dma_start3A_92, %dma_start3A_93] : memref<4x128x128xf32, #tpu.memory_space<vmem>> -> memref<1x128x128xf32, #tpu.memory_space<vmem>>
          %dma_start3A_95 = tpu.memref_squeeze %dma_start3A_94 : memref<1x128x128xf32, #tpu.memory_space<vmem>> -> memref<128x128xf32, #tpu.memory_space<vmem>>
          tpu.enqueue_dma source(%dma_start3A_95 : memref<128x128xf32, #tpu.memory_space<vmem>>) target(%dma_start3A_91 : memref<128x128xf32, #tpu.memory_space<hbm>>) target_semaphore(%run_scoped3A_83 : memref<!tpu.dma_semaphore, #tpu.memory_space<semaphore_mem>>)
          %dma_wait3A_96 = arith.constant 0 : i32
          %dma_wait3A_97 = arith.constant 0 : i32
          %dma_wait3A_98 = tpu.memref_slice %arg9[%rem3A_61, %dma_wait3A_96, %dma_wait3A_97] : memref<4x128x128xf32, #tpu.memory_space<vmem>> -> memref<1x128x128xf32, #tpu.memory_space<vmem>>
          %dma_wait3A_99 = tpu.memref_squeeze %dma_wait3A_98 : memref<1x128x128xf32, #tpu.memory_space<vmem>> -> memref<128x128xf32, #tpu.memory_space<vmem>>
          %dma_wait3A_100 = arith.constant 0 : i32
          %dma_wait3A_101 = tpu.memref_slice %arg7[%add3A_82, %dma_wait3A_100] : memref<160000x128xf32, #tpu.memory_space<hbm>> -> memref<128x128xf32, #tpu.memory_space<hbm>>
          %dma_wait3A_102 = arith.constant 0 : i32
          %dma_wait3A_103 = tpu.memref_slice %arg7[%add3A_82, %dma_wait3A_102] : memref<160000x128xf32, #tpu.memory_space<hbm>> -> memref<128x128xf32, #tpu.memory_space<hbm>>
          %dma_wait3A_104 = arith.constant 0 : i32
          %dma_wait3A_105 = arith.constant 0 : i32
          %dma_wait3A_106 = tpu.memref_slice %arg9[%rem3A_61, %dma_wait3A_104, %dma_wait3A_105] : memref<4x128x128xf32, #tpu.memory_space<vmem>> -> memref<1x128x128xf32, #tpu.memory_space<vmem>>
          %dma_wait3A_107 = tpu.memref_squeeze %dma_wait3A_106 : memref<1x128x128xf32, #tpu.memory_space<vmem>> -> memref<128x128xf32, #tpu.memory_space<vmem>>
          tpu.wait_dma2 semaphore(%run_scoped3A_83 : memref<!tpu.dma_semaphore, #tpu.memory_space<semaphore_mem>>) src(%dma_wait3A_107 : memref<128x128xf32, #tpu.memory_space<vmem>>) dst(%dma_wait3A_103 : memref<128x128xf32, #tpu.memory_space<hbm>>)
          tpu.yield
        }) : () -> ()
      }
      %scan3A_46 = arith.constant 78 : i32
      %dma_wait3A = arith.constant 78 : i32
      %dma_wait3A_47 = arith.constant 2 : i32
      %dma_wait3A_48 = arith.constant 0 : i32
      %dma_wait3A_49 = arith.constant 0 : i32
      %dma_wait3A_50 = tpu.memref_slice %arg9[%dma_wait3A_47, %dma_wait3A_48, %dma_wait3A_49] : memref<4x128x128xf32, #tpu.memory_space<vmem>> -> memref<1x128x128xf32, #tpu.memory_space<vmem>>
      %dma_wait3A_51 = tpu.memref_squeeze %dma_wait3A_50 : memref<1x128x128xf32, #tpu.memory_space<vmem>> -> memref<128x128xf32, #tpu.memory_space<vmem>>
      %dma_wait3A_52 = arith.constant 0 : i32
      %dma_wait3A_53 = tpu.memref_slice %arg8[%dma_wait3A, %dma_wait3A_52] : memref<79x128xi32, #tpu.memory_space<vmem>> -> memref<1x128xi32, #tpu.memory_space<vmem>>
      %dma_wait3A_54 = tpu.memref_squeeze %dma_wait3A_53 : memref<1x128xi32, #tpu.memory_space<vmem>> -> memref<128xi32, #tpu.memory_space<vmem>>
      %dma_wait3A_55 = arith.constant 0 : i32
      %dma_wait3A_56 = arith.constant 0 : i32
      %dma_wait3A_57 = tpu.memref_slice %arg3[%dma_wait3A_55, %dma_wait3A_56] : memref<10000x128xf32, #tpu.memory_space<hbm>> -> memref<10000x128xf32, #tpu.memory_space<hbm>>
      tpu.wait_indirect_dma semaphore(%arg10 : memref<!tpu.dma_semaphore, #tpu.memory_space<semaphore_mem>>) src(%dma_wait3A_57 : memref<10000x128xf32, #tpu.memory_space<hbm>>) dst(%dma_wait3A_51 : memref<128x128xf32, #tpu.memory_space<vmem>>)
      %mul3A = arith.constant 10000 : i32
      %mul3A_58 = arith.muli %arg1, %mul3A : i32
      %add3A = arith.constant 9984 : i32
      %add3A_59 = arith.addi %mul3A_58, %add3A : i32
      %run_scoped3A = arith.constant 2 : i32
      "tpu.region"() ({
        %run_scoped3A_60 = tpu.sem_alloc : memref<!tpu.dma_semaphore, #tpu.memory_space<semaphore_mem>>
        %dma_start3A_61 = arith.constant 0 : i32
        %dma_start3A_62 = arith.constant 0 : i32
        %dma_start3A_63 = tpu.memref_slice %arg9[%run_scoped3A, %dma_start3A_61, %dma_start3A_62] : memref<4x128x128xf32, #tpu.memory_space<vmem>> -> memref<1x128x128xf32, #tpu.memory_space<vmem>>
        %dma_start3A_64 = tpu.memref_squeeze %dma_start3A_63 : memref<1x128x128xf32, #tpu.memory_space<vmem>> -> memref<128x128xf32, #tpu.memory_space<vmem>>
        %dma_start3A_65 = arith.constant 0 : i32
        %dma_start3A_66 = arith.constant 0 : i32
        %dma_start3A_67 = tpu.memref_slice %dma_start3A_64[%dma_start3A_65, %dma_start3A_66] : memref<128x128xf32, #tpu.memory_space<vmem>> -> memref<16x128xf32, #tpu.memory_space<vmem>>
        %dma_start3A_68 = arith.constant 0 : i32
        %dma_start3A_69 = tpu.memref_slice %arg7[%add3A_59, %dma_start3A_68] : memref<160000x128xf32, #tpu.memory_space<hbm>> -> memref<16x128xf32, #tpu.memory_space<hbm>>
        %dma_start3A_70 = arith.constant 0 : i32
        %dma_start3A_71 = tpu.memref_slice %arg7[%add3A_59, %dma_start3A_70] : memref<160000x128xf32, #tpu.memory_space<hbm>> -> memref<16x128xf32, #tpu.memory_space<hbm>>
        %dma_start3A_72 = arith.constant 0 : i32
        %dma_start3A_73 = arith.constant 0 : i32
        %dma_start3A_74 = tpu.memref_slice %arg9[%run_scoped3A, %dma_start3A_72, %dma_start3A_73] : memref<4x128x128xf32, #tpu.memory_space<vmem>> -> memref<1x128x128xf32, #tpu.memory_space<vmem>>
        %dma_start3A_75 = tpu.memref_squeeze %dma_start3A_74 : memref<1x128x128xf32, #tpu.memory_space<vmem>> -> memref<128x128xf32, #tpu.memory_space<vmem>>
        %dma_start3A_76 = arith.constant 0 : i32
        %dma_start3A_77 = arith.constant 0 : i32
        %dma_start3A_78 = tpu.memref_slice %dma_start3A_75[%dma_start3A_76, %dma_start3A_77] : memref<128x128xf32, #tpu.memory_space<vmem>> -> memref<16x128xf32, #tpu.memory_space<vmem>>
        tpu.enqueue_dma source(%dma_start3A_78 : memref<16x128xf32, #tpu.memory_space<vmem>>) target(%dma_start3A_71 : memref<16x128xf32, #tpu.memory_space<hbm>>) target_semaphore(%run_scoped3A_60 : memref<!tpu.dma_semaphore, #tpu.memory_space<semaphore_mem>>)
        %dma_wait3A_79 = arith.constant 0 : i32
        %dma_wait3A_80 = arith.constant 0 : i32
        %dma_wait3A_81 = tpu.memref_slice %arg9[%run_scoped3A, %dma_wait3A_79, %dma_wait3A_80] : memref<4x128x128xf32, #tpu.memory_space<vmem>> -> memref<1x128x128xf32, #tpu.memory_space<vmem>>
        %dma_wait3A_82 = tpu.memref_squeeze %dma_wait3A_81 : memref<1x128x128xf32, #tpu.memory_space<vmem>> -> memref<128x128xf32, #tpu.memory_space<vmem>>
        %dma_wait3A_83 = arith.constant 0 : i32
        %dma_wait3A_84 = arith.constant 0 : i32
        %dma_wait3A_85 = tpu.memref_slice %dma_wait3A_82[%dma_wait3A_83, %dma_wait3A_84] : memref<128x128xf32, #tpu.memory_space<vmem>> -> memref<16x128xf32, #tpu.memory_space<vmem>>
        %dma_wait3A_86 = arith.constant 0 : i32
        %dma_wait3A_87 = tpu.memref_slice %arg7[%add3A_59, %dma_wait3A_86] : memref<160000x128xf32, #tpu.memory_space<hbm>> -> memref<16x128xf32, #tpu.memory_space<hbm>>
        %dma_wait3A_88 = arith.constant 0 : i32
        %dma_wait3A_89 = tpu.memref_slice %arg7[%add3A_59, %dma_wait3A_88] : memref<160000x128xf32, #tpu.memory_space<hbm>> -> memref<16x128xf32, #tpu.memory_space<hbm>>
        %dma_wait3A_90 = arith.constant 0 : i32
        %dma_wait3A_91 = arith.constant 0 : i32
        %dma_wait3A_92 = tpu.memref_slice %arg9[%run_scoped3A, %dma_wait3A_90, %dma_wait3A_91] : memref<4x128x128xf32, #tpu.memory_space<vmem>> -> memref<1x128x128xf32, #tpu.memory_space<vmem>>
        %dma_wait3A_93 = tpu.memref_squeeze %dma_wait3A_92 : memref<1x128x128xf32, #tpu.memory_space<vmem>> -> memref<128x128xf32, #tpu.memory_space<vmem>>
        %dma_wait3A_94 = arith.constant 0 : i32
        %dma_wait3A_95 = arith.constant 0 : i32
        %dma_wait3A_96 = tpu.memref_slice %dma_wait3A_93[%dma_wait3A_94, %dma_wait3A_95] : memref<128x128xf32, #tpu.memory_space<vmem>> -> memref<16x128xf32, #tpu.memory_space<vmem>>
        tpu.wait_dma2 semaphore(%run_scoped3A_60 : memref<!tpu.dma_semaphore, #tpu.memory_space<semaphore_mem>>) src(%dma_wait3A_96 : memref<16x128xf32, #tpu.memory_space<vmem>>) dst(%dma_wait3A_89 : memref<16x128xf32, #tpu.memory_space<hbm>>)
        tpu.yield
      }) : () -> ()
    } else {
    }
    return
  }
}

module attributes {stable_mosaic.version = 14 : i64} {
  func.func @_embed_body(%arg0: i32, %arg1: memref<2000x1024xf32, #tpu.memory_space<vmem>>, %arg2: memref<1024x128xf32, #tpu.memory_space<vmem>>, %arg3: memref<1024x128xf32, #tpu.memory_space<vmem>>, %arg4: memref<1x128xf32, #tpu.memory_space<vmem>>, %arg5: memref<1x128xf32, #tpu.memory_space<vmem>>, %arg6: memref<2000x128xf32, #tpu.memory_space<vmem>>, %arg7: memref<2000x128xf32, #tpu.memory_space<vmem>>) attributes {dimension_semantics = [#tpu.dimension_semantics<arbitrary>], iteration_bounds = array<i64: 5>, scalar_prefetch = 0 : i64, scratch_operands = 0 : i64, tpu.core_type = #tpu.core_type<tc>, window_params = [{transform_indices = @transform_0, window_bounds = array<i64: 2000, 1024>}, {pipeline_mode = #tpu.pipeline_mode<synchronous>, transform_indices = @transform_1, window_bounds = array<i64: 1024, 128>}, {pipeline_mode = #tpu.pipeline_mode<synchronous>, transform_indices = @transform_2, window_bounds = array<i64: 1024, 128>}, {pipeline_mode = #tpu.pipeline_mode<synchronous>, transform_indices = @transform_3, window_bounds = array<i64: 1, 128>}, {pipeline_mode = #tpu.pipeline_mode<synchronous>, transform_indices = @transform_4, window_bounds = array<i64: 1, 128>}, {transform_indices = @transform_5, window_bounds = array<i64: 2000, 128>}, {transform_indices = @transform_6, window_bounds = array<i64: 2000, 128>}]} {
    %get3A = arith.constant 0 : index
    %get3A_0 = arith.constant 0 : index
    %get3A_1 = vector.load %arg1[%get3A, %get3A_0] : memref<2000x1024xf32, #tpu.memory_space<vmem>>, vector<2000x1024xf32>
    %get3A_2 = arith.constant 0 : index
    %get3A_3 = arith.constant 0 : index
    %get3A_4 = vector.load %arg2[%get3A_2, %get3A_3] : memref<1024x128xf32, #tpu.memory_space<vmem>>, vector<1024x128xf32>
    %dot_general3A = arith.constant dense<0.000000e+00> : vector<2000x128xf32>
    %dot_general3A_5 = tpu.matmul %get3A_1, %get3A_4, %dot_general3A {dimension_numbers = #tpu.dot_dimension_numbers<[1], [0], [0], [1], [0, 0, 1, 1], [], []>, transpose_lhs_hint = false} : vector<2000x1024xf32>, vector<1024x128xf32>, vector<2000x128xf32> -> vector<2000x128xf32>
    %get3A_6 = arith.constant 0 : index
    %get3A_7 = arith.constant 0 : index
    %get3A_8 = vector.load %arg4[%get3A_6, %get3A_7] : memref<1x128xf32, #tpu.memory_space<vmem>>, vector<1x128xf32>
    %add3A = vector.broadcast %get3A_8 : vector<1x128xf32> to vector<2000x128xf32>
    %add3A_9 = arith.addf %dot_general3A_5, %add3A : vector<2000x128xf32>
    %swap3A = arith.constant 0 : index
    %swap3A_10 = arith.constant 0 : index
    %swap3A_11 = vector.load %arg6[%swap3A, %swap3A_10] : memref<2000x128xf32, #tpu.memory_space<vmem>>, vector<2000x128xf32>
    tpu.vector_store %arg6[%swap3A, %swap3A_10], %add3A_9 {strides = array<i32>} : memref<2000x128xf32, #tpu.memory_space<vmem>>, vector<2000x128xf32>,
    %get3A_12 = arith.constant 0 : index
    %get3A_13 = arith.constant 0 : index
    %get3A_14 = vector.load %arg3[%get3A_12, %get3A_13] : memref<1024x128xf32, #tpu.memory_space<vmem>>, vector<1024x128xf32>
    %dot_general3A_15 = arith.constant dense<0.000000e+00> : vector<2000x128xf32>
    %dot_general3A_16 = tpu.matmul %get3A_1, %get3A_14, %dot_general3A_15 {dimension_numbers = #tpu.dot_dimension_numbers<[1], [0], [0], [1], [0, 0, 1, 1], [], []>, transpose_lhs_hint = false} : vector<2000x1024xf32>, vector<1024x128xf32>, vector<2000x128xf32> -> vector<2000x128xf32>
    %get3A_17 = arith.constant 0 : index
    %get3A_18 = arith.constant 0 : index
    %get3A_19 = vector.load %arg5[%get3A_17, %get3A_18] : memref<1x128xf32, #tpu.memory_space<vmem>>, vector<1x128xf32>
    %add3A_20 = vector.broadcast %get3A_19 : vector<1x128xf32> to vector<2000x128xf32>
    %add3A_21 = arith.addf %dot_general3A_16, %add3A_20 : vector<2000x128xf32>
    %swap3A_22 = arith.constant 0 : index
    %swap3A_23 = arith.constant 0 : index
    %swap3A_24 = vector.load %arg7[%swap3A_22, %swap3A_23] : memref<2000x128xf32, #tpu.memory_space<vmem>>, vector<2000x128xf32>
    tpu.vector_store %arg7[%swap3A_22, %swap3A_23], %add3A_21 {strides = array<i32>} : memref<2000x128xf32, #tpu.memory_space<vmem>>, vector<2000x128xf32>,
    return
  }
  func.func @transform_0(%arg0: i32) -> (i32, i32) {
    %c0_i32 = arith.constant 0 : i32
    %c0_i32_0 = arith.constant 0 : i32
    return %arg0, %c0_i32 : i32, i32
  }
  func.func @transform_1(%arg0: i32) -> (i32, i32) {
    %c0_i32 = arith.constant 0 : i32
    %c0_i32_0 = arith.constant 0 : i32
    %c0_i32_1 = arith.constant 0 : i32
    return %c0_i32, %c0_i32_0 : i32, i32
  }
  func.func @transform_2(%arg0: i32) -> (i32, i32) {
    %c0_i32 = arith.constant 0 : i32
    %c0_i32_0 = arith.constant 0 : i32
    %c0_i32_1 = arith.constant 0 : i32
    return %c0_i32, %c0_i32_0 : i32, i32
  }
  func.func @transform_3(%arg0: i32) -> (i32, i32) {
    %c0_i32 = arith.constant 0 : i32
    %c0_i32_0 = arith.constant 0 : i32
    %c0_i32_1 = arith.constant 0 : i32
    return %c0_i32, %c0_i32_0 : i32, i32
  }
  func.func @transform_4(%arg0: i32) -> (i32, i32) {
    %c0_i32 = arith.constant 0 : i32
    %c0_i32_0 = arith.constant 0 : i32
    %c0_i32_1 = arith.constant 0 : i32
    return %c0_i32, %c0_i32_0 : i32, i32
  }
  func.func @transform_5(%arg0: i32) -> (i32, i32) {
    %c0_i32 = arith.constant 0 : i32
    %c0_i32_0 = arith.constant 0 : i32
    return %arg0, %c0_i32 : i32, i32
  }
  func.func @transform_6(%arg0: i32) -> (i32, i32) {
    %c0_i32 = arith.constant 0 : i32
    %c0_i32_0 = arith.constant 0 : i32
    return %arg0, %c0_i32 : i32, i32
  }
}

module attributes {stable_mosaic.version = 14 : i64} {
  func.func @_layer_body(%arg0: i32, %arg1: memref<2000x128xf32, #tpu.memory_space<vmem>>, %arg2: memref<2000x128xf32, #tpu.memory_space<vmem>>, %arg3: memref<2000x128xf32, #tpu.memory_space<vmem>>, %arg4: memref<2000x128xf32, #tpu.memory_space<vmem>>, %arg5: memref<2000x128xf32, #tpu.memory_space<vmem>>, %arg6: memref<128x256xf32, #tpu.memory_space<vmem>>, %arg7: memref<128x256xf32, #tpu.memory_space<vmem>>, %arg8: memref<128x256xf32, #tpu.memory_space<vmem>>, %arg9: memref<128x256xf32, #tpu.memory_space<vmem>>, %arg10: memref<1x256xf32, #tpu.memory_space<vmem>>, %arg11: memref<1x256xf32, #tpu.memory_space<vmem>>, %arg12: memref<1x256xf32, #tpu.memory_space<vmem>>, %arg13: memref<2000x128xf32, #tpu.memory_space<vmem>>, %arg14: memref<2000x128xf32, #tpu.memory_space<vmem>>) attributes {dimension_semantics = [#tpu.dimension_semantics<arbitrary>], iteration_bounds = array<i64: 5>, scalar_prefetch = 0 : i64, scratch_operands = 0 : i64, tpu.core_type = #tpu.core_type<tc>, window_params = [{transform_indices = @transform_0, window_bounds = array<i64: 2000, 128>}, {transform_indices = @transform_1, window_bounds = array<i64: 2000, 128>}, {transform_indices = @transform_2, window_bounds = array<i64: 2000, 128>}, {transform_indices = @transform_3, window_bounds = array<i64: 2000, 128>}, {transform_indices = @transform_4, window_bounds = array<i64: 2000, 128>}, {pipeline_mode = #tpu.pipeline_mode<synchronous>, transform_indices = @transform_5, window_bounds = array<i64: 128, 256>}, {pipeline_mode = #tpu.pipeline_mode<synchronous>, transform_indices = @transform_6, window_bounds = array<i64: 128, 256>}, {pipeline_mode = #tpu.pipeline_mode<synchronous>, transform_indices = @transform_7, window_bounds = array<i64: 128, 256>}, {pipeline_mode = #tpu.pipeline_mode<synchronous>, transform_indices = @transform_8, window_bounds = array<i64: 128, 256>}, {pipeline_mode = #tpu.pipeline_mode<synchronous>, transform_indices = @transform_9, window_bounds = array<i64: 1, 256>}, {pipeline_mode = #tpu.pipeline_mode<synchronous>, transform_indices = @transform_10, window_bounds = array<i64: 1, 256>}, {pipeline_mode = #tpu.pipeline_mode<synchronous>, transform_indices = @transform_11, window_bounds = array<i64: 1, 256>}, {transform_indices = @transform_12, window_bounds = array<i64: 2000, 128>}, {transform_indices = @transform_13, window_bounds = array<i64: 2000, 128>}]} {
    %get3A = arith.constant 0 : index
    %get3A_0 = arith.constant 0 : index
    %get3A_1 = vector.load %arg5[%get3A, %get3A_0] : memref<2000x128xf32, #tpu.memory_space<vmem>>, vector<2000x128xf32>
    %slice3A = vector.extract_strided_slice %get3A_1 {offsets = [0, 0], sizes = [2000, 1], strides = [1, 1]} : vector<2000x128xf32> to vector<2000x1xf32>
    %max3A = arith.constant 1.000000e+00 : f32
    %max3A_2 = vector.broadcast %max3A : f32 to vector<2000x1xf32>
    %max3A_3 = arith.maximumf %slice3A, %max3A_2 : vector<2000x1xf32>
    %div3A = arith.constant 1.000000e+00 : f32
    %div3A_4 = vector.broadcast %div3A : f32 to vector<2000x1xf32>
    %div3A_5 = arith.divf %div3A_4, %max3A_3 : vector<2000x1xf32>
    %get3A_6 = arith.constant 0 : index
    %get3A_7 = arith.constant 0 : index
    %get3A_8 = vector.load %arg1[%get3A_6, %get3A_7] : memref<2000x128xf32, #tpu.memory_space<vmem>>, vector<2000x128xf32>
    %get3A_9 = arith.constant 0 : index
    %get3A_10 = arith.constant 0 : index
    %get3A_11 = vector.load %arg6[%get3A_9, %get3A_10] : memref<128x256xf32, #tpu.memory_space<vmem>>, vector<128x256xf32>
    %dot_general3A = arith.constant dense<0.000000e+00> : vector<2000x256xf32>
    %dot_general3A_12 = tpu.matmul %get3A_8, %get3A_11, %dot_general3A {dimension_numbers = #tpu.dot_dimension_numbers<[1], [0], [0], [1], [0, 0, 1, 1], [], []>, transpose_lhs_hint = false} : vector<2000x128xf32>, vector<128x256xf32>, vector<2000x256xf32> -> vector<2000x256xf32>
    %get3A_13 = arith.constant 0 : index
    %get3A_14 = arith.constant 0 : index
    %get3A_15 = vector.load %arg2[%get3A_13, %get3A_14] : memref<2000x128xf32, #tpu.memory_space<vmem>>, vector<2000x128xf32>
    %get3A_16 = arith.constant 0 : index
    %get3A_17 = arith.constant 0 : index
    %get3A_18 = vector.load %arg7[%get3A_16, %get3A_17] : memref<128x256xf32, #tpu.memory_space<vmem>>, vector<128x256xf32>
    %dot_general3A_19 = arith.constant dense<0.000000e+00> : vector<2000x256xf32>
    %dot_general3A_20 = tpu.matmul %get3A_15, %get3A_18, %dot_general3A_19 {dimension_numbers = #tpu.dot_dimension_numbers<[1], [0], [0], [1], [0, 0, 1, 1], [], []>, transpose_lhs_hint = false} : vector<2000x128xf32>, vector<128x256xf32>, vector<2000x256xf32> -> vector<2000x256xf32>
    %add3A = arith.addf %dot_general3A_12, %dot_general3A_20 : vector<2000x256xf32>
    %get3A_21 = arith.constant 0 : index
    %get3A_22 = arith.constant 0 : index
    %get3A_23 = vector.load %arg3[%get3A_21, %get3A_22] : memref<2000x128xf32, #tpu.memory_space<vmem>>, vector<2000x128xf32>
    %mul3A = vector.broadcast %div3A_5 : vector<2000x1xf32> to vector<2000x128xf32>
    %mul3A_24 = arith.mulf %get3A_23, %mul3A : vector<2000x128xf32>
    %get3A_25 = arith.constant 0 : index
    %get3A_26 = arith.constant 0 : index
    %get3A_27 = vector.load %arg8[%get3A_25, %get3A_26] : memref<128x256xf32, #tpu.memory_space<vmem>>, vector<128x256xf32>
    %dot_general3A_28 = arith.constant dense<0.000000e+00> : vector<2000x256xf32>
    %dot_general3A_29 = tpu.matmul %mul3A_24, %get3A_27, %dot_general3A_28 {dimension_numbers = #tpu.dot_dimension_numbers<[1], [0], [0], [1], [0, 0, 1, 1], [], []>, transpose_lhs_hint = false} : vector<2000x128xf32>, vector<128x256xf32>, vector<2000x256xf32> -> vector<2000x256xf32>
    %add3A_30 = arith.addf %add3A, %dot_general3A_29 : vector<2000x256xf32>
    %get3A_31 = arith.constant 0 : index
    %get3A_32 = arith.constant 0 : index
    %get3A_33 = vector.load %arg4[%get3A_31, %get3A_32] : memref<2000x128xf32, #tpu.memory_space<vmem>>, vector<2000x128xf32>
    %mul3A_34 = vector.broadcast %div3A_5 : vector<2000x1xf32> to vector<2000x128xf32>
    %mul3A_35 = arith.mulf %get3A_33, %mul3A_34 : vector<2000x128xf32>
    %get3A_36 = arith.constant 0 : index
    %get3A_37 = arith.constant 0 : index
    %get3A_38 = vector.load %arg9[%get3A_36, %get3A_37] : memref<128x256xf32, #tpu.memory_space<vmem>>, vector<128x256xf32>
    %dot_general3A_39 = arith.constant dense<0.000000e+00> : vector<2000x256xf32>
    %dot_general3A_40 = tpu.matmul %mul3A_35, %get3A_38, %dot_general3A_39 {dimension_numbers = #tpu.dot_dimension_numbers<[1], [0], [0], [1], [0, 0, 1, 1], [], []>, transpose_lhs_hint = false} : vector<2000x128xf32>, vector<128x256xf32>, vector<2000x256xf32> -> vector<2000x256xf32>
    %add3A_41 = arith.addf %add3A_30, %dot_general3A_40 : vector<2000x256xf32>
    %get3A_42 = arith.constant 0 : index
    %get3A_43 = arith.constant 0 : index
    %get3A_44 = vector.load %arg10[%get3A_42, %get3A_43] : memref<1x256xf32, #tpu.memory_space<vmem>>, vector<1x256xf32>
    %add3A_45 = vector.broadcast %get3A_44 : vector<1x256xf32> to vector<2000x256xf32>
    %add3A_46 = arith.addf %add3A_41, %add3A_45 : vector<2000x256xf32>
    %mul3A_47 = arith.mulf %add3A_46, %add3A_46 : vector<2000x256xf32>
    %reduce_sum3A = arith.constant dense<0.000000e+00> : vector<2000xf32>
    %reduce_sum3A_48 = vector.multi_reduction <add>, %mul3A_47, %reduce_sum3A [1] : vector<2000x256xf32> to vector<2000xf32>
    %broadcast_in_dim3A = vector.shape_cast %reduce_sum3A_48 : vector<2000xf32> to vector<2000x1xf32>
    %sqrt3A = math.sqrt %broadcast_in_dim3A : vector<2000x1xf32>
    %max3A_49 = arith.constant 9.99999996E-13 : f32
    %max3A_50 = vector.broadcast %max3A_49 : f32 to vector<2000x1xf32>
    %max3A_51 = arith.maximumf %sqrt3A, %max3A_50 : vector<2000x1xf32>
    %div3A_52 = arith.constant 1.000000e+00 : f32
    %div3A_53 = vector.broadcast %div3A_52 : f32 to vector<2000x1xf32>
    %div3A_54 = arith.divf %div3A_53, %max3A_51 : vector<2000x1xf32>
    %mul3A_55 = vector.broadcast %div3A_54 : vector<2000x1xf32> to vector<2000x256xf32>
    %mul3A_56 = arith.mulf %add3A_46, %mul3A_55 : vector<2000x256xf32>
    %max3A_57 = arith.constant 0.000000e+00 : f32
    %max3A_58 = vector.broadcast %max3A_57 : f32 to vector<2000x256xf32>
    %max3A_59 = arith.maximumf %mul3A_56, %max3A_58 : vector<2000x256xf32>
    %get3A_60 = arith.constant 0 : index
    %get3A_61 = arith.constant 0 : index
    %get3A_62 = vector.load %arg11[%get3A_60, %get3A_61] : memref<1x256xf32, #tpu.memory_space<vmem>>, vector<1x256xf32>
    %mul3A_63 = vector.broadcast %get3A_62 : vector<1x256xf32> to vector<2000x256xf32>
    %mul3A_64 = arith.mulf %max3A_59, %mul3A_63 : vector<2000x256xf32>
    %get3A_65 = arith.constant 0 : index
    %get3A_66 = arith.constant 0 : index
    %get3A_67 = vector.load %arg12[%get3A_65, %get3A_66] : memref<1x256xf32, #tpu.memory_space<vmem>>, vector<1x256xf32>
    %add3A_68 = vector.broadcast %get3A_67 : vector<1x256xf32> to vector<2000x256xf32>
    %add3A_69 = arith.addf %mul3A_64, %add3A_68 : vector<2000x256xf32>
    %get3A_70 = arith.constant 0 : index
    %get3A_71 = arith.constant 0 : index
    %get3A_72 = vector.load %arg1[%get3A_70, %get3A_71] : memref<2000x128xf32, #tpu.memory_space<vmem>>, vector<2000x128xf32>
    %slice3A_73 = vector.extract_strided_slice %add3A_69 {offsets = [0, 0], sizes = [2000, 128], strides = [1, 1]} : vector<2000x256xf32> to vector<2000x128xf32>
    %add3A_74 = arith.addf %get3A_72, %slice3A_73 : vector<2000x128xf32>
    %swap3A = arith.constant 0 : index
    %swap3A_75 = arith.constant 0 : index
    %swap3A_76 = vector.load %arg13[%swap3A, %swap3A_75] : memref<2000x128xf32, #tpu.memory_space<vmem>>, vector<2000x128xf32>
    tpu.vector_store %arg13[%swap3A, %swap3A_75], %add3A_74 {strides = array<i32>} : memref<2000x128xf32, #tpu.memory_space<vmem>>, vector<2000x128xf32>,
    %get3A_77 = arith.constant 0 : index
    %get3A_78 = arith.constant 0 : index
    %get3A_79 = vector.load %arg2[%get3A_77, %get3A_78] : memref<2000x128xf32, #tpu.memory_space<vmem>>, vector<2000x128xf32>
    %slice3A_80 = vector.extract_strided_slice %add3A_69 {offsets = [0, 128], sizes = [2000, 128], strides = [1, 1]} : vector<2000x256xf32> to vector<2000x128xf32>
    %add3A_81 = arith.addf %get3A_79, %slice3A_80 : vector<2000x128xf32>
    %swap3A_82 = arith.constant 0 : index
    %swap3A_83 = arith.constant 0 : index
    %swap3A_84 = vector.load %arg14[%swap3A_82, %swap3A_83] : memref<2000x128xf32, #tpu.memory_space<vmem>>, vector<2000x128xf32>
    tpu.vector_store %arg14[%swap3A_82, %swap3A_83], %add3A_81 {strides = array<i32>} : memref<2000x128xf32, #tpu.memory_space<vmem>>, vector<2000x128xf32>,
    return
  }
  func.func @transform_0(%arg0: i32) -> (i32, i32) {
    %c0_i32 = arith.constant 0 : i32
    %c0_i32_0 = arith.constant 0 : i32
    return %arg0, %c0_i32 : i32, i32
  }
  func.func @transform_1(%arg0: i32) -> (i32, i32) {
    %c0_i32 = arith.constant 0 : i32
    %c0_i32_0 = arith.constant 0 : i32
    return %arg0, %c0_i32 : i32, i32
  }
  func.func @transform_2(%arg0: i32) -> (i32, i32) {
    %c0_i32 = arith.constant 0 : i32
    %c0_i32_0 = arith.constant 0 : i32
    return %arg0, %c0_i32 : i32, i32
  }
  func.func @transform_3(%arg0: i32) -> (i32, i32) {
    %c0_i32 = arith.constant 0 : i32
    %c0_i32_0 = arith.constant 0 : i32
    return %arg0, %c0_i32 : i32, i32
  }
  func.func @transform_4(%arg0: i32) -> (i32, i32) {
    %c0_i32 = arith.constant 0 : i32
    %c0_i32_0 = arith.constant 0 : i32
    return %arg0, %c0_i32 : i32, i32
  }
  func.func @transform_5(%arg0: i32) -> (i32, i32) {
    %c0_i32 = arith.constant 0 : i32
    %c0_i32_0 = arith.constant 0 : i32
    %c0_i32_1 = arith.constant 0 : i32
    return %c0_i32, %c0_i32_0 : i32, i32
  }
  func.func @transform_6(%arg0: i32) -> (i32, i32) {
    %c0_i32 = arith.constant 0 : i32
    %c0_i32_0 = arith.constant 0 : i32
    %c0_i32_1 = arith.constant 0 : i32
    return %c0_i32, %c0_i32_0 : i32, i32
  }
  func.func @transform_7(%arg0: i32) -> (i32, i32) {
    %c0_i32 = arith.constant 0 : i32
    %c0_i32_0 = arith.constant 0 : i32
    %c0_i32_1 = arith.constant 0 : i32
    return %c0_i32, %c0_i32_0 : i32, i32
  }
  func.func @transform_8(%arg0: i32) -> (i32, i32) {
    %c0_i32 = arith.constant 0 : i32
    %c0_i32_0 = arith.constant 0 : i32
    %c0_i32_1 = arith.constant 0 : i32
    return %c0_i32, %c0_i32_0 : i32, i32
  }
  func.func @transform_9(%arg0: i32) -> (i32, i32) {
    %c0_i32 = arith.constant 0 : i32
    %c0_i32_0 = arith.constant 0 : i32
    %c0_i32_1 = arith.constant 0 : i32
    return %c0_i32, %c0_i32_0 : i32, i32
  }
  func.func @transform_10(%arg0: i32) -> (i32, i32) {
    %c0_i32 = arith.constant 0 : i32
    %c0_i32_0 = arith.constant 0 : i32
    %c0_i32_1 = arith.constant 0 : i32
    return %c0_i32, %c0_i32_0 : i32, i32
  }
  func.func @transform_11(%arg0: i32) -> (i32, i32) {
    %c0_i32 = arith.constant 0 : i32
    %c0_i32_0 = arith.constant 0 : i32
    %c0_i32_1 = arith.constant 0 : i32
    return %c0_i32, %c0_i32_0 : i32, i32
  }
  func.func @transform_12(%arg0: i32) -> (i32, i32) {
    %c0_i32 = arith.constant 0 : i32
    %c0_i32_0 = arith.constant 0 : i32
    return %arg0, %c0_i32 : i32, i32
  }
  func.func @transform_13(%arg0: i32) -> (i32, i32) {
    %c0_i32 = arith.constant 0 : i32
    %c0_i32_0 = arith.constant 0 : i32
    return %arg0, %c0_i32 : i32, i32
  }
}

module attributes {stable_mosaic.version = 14 : i64} {
  func.func @_ab_body(%arg0: i32, %arg1: memref<2000x128xf32, #tpu.memory_space<vmem>>, %arg2: memref<2000x128xf32, #tpu.memory_space<vmem>>, %arg3: memref<128x256xf32, #tpu.memory_space<vmem>>, %arg4: memref<128x256xf32, #tpu.memory_space<vmem>>, %arg5: memref<128x256xf32, #tpu.memory_space<vmem>>, %arg6: memref<128x256xf32, #tpu.memory_space<vmem>>, %arg7: memref<2000x128xf32, #tpu.memory_space<vmem>>, %arg8: memref<2000x128xf32, #tpu.memory_space<vmem>>) attributes {dimension_semantics = [#tpu.dimension_semantics<arbitrary>], iteration_bounds = array<i64: 5>, scalar_prefetch = 0 : i64, scratch_operands = 0 : i64, tpu.core_type = #tpu.core_type<tc>, window_params = [{transform_indices = @transform_0, window_bounds = array<i64: 2000, 128>}, {transform_indices = @transform_1, window_bounds = array<i64: 2000, 128>}, {pipeline_mode = #tpu.pipeline_mode<synchronous>, transform_indices = @transform_2, window_bounds = array<i64: 128, 256>}, {pipeline_mode = #tpu.pipeline_mode<synchronous>, transform_indices = @transform_3, window_bounds = array<i64: 128, 256>}, {pipeline_mode = #tpu.pipeline_mode<synchronous>, transform_indices = @transform_4, window_bounds = array<i64: 128, 256>}, {pipeline_mode = #tpu.pipeline_mode<synchronous>, transform_indices = @transform_5, window_bounds = array<i64: 128, 256>}, {transform_indices = @transform_6, window_bounds = array<i64: 2000, 128>}, {transform_indices = @transform_7, window_bounds = array<i64: 2000, 128>}]} {
    %get3A = arith.constant 0 : index
    %get3A_0 = arith.constant 0 : index
    %get3A_1 = vector.load %arg1[%get3A, %get3A_0] : memref<2000x128xf32, #tpu.memory_space<vmem>>, vector<2000x128xf32>
    %get3A_2 = arith.constant 0 : index
    %get3A_3 = arith.constant 0 : index
    %get3A_4 = vector.load %arg2[%get3A_2, %get3A_3] : memref<2000x128xf32, #tpu.memory_space<vmem>>, vector<2000x128xf32>
    %get3A_5 = arith.constant 0 : index
    %get3A_6 = arith.constant 0 : index
    %get3A_7 = vector.load %arg3[%get3A_5, %get3A_6] : memref<128x256xf32, #tpu.memory_space<vmem>>, vector<128x256xf32>
    %dot_general3A = arith.constant dense<0.000000e+00> : vector<2000x256xf32>
    %dot_general3A_8 = tpu.matmul %get3A_1, %get3A_7, %dot_general3A {dimension_numbers = #tpu.dot_dimension_numbers<[1], [0], [0], [1], [0, 0, 1, 1], [], []>, transpose_lhs_hint = false} : vector<2000x128xf32>, vector<128x256xf32>, vector<2000x256xf32> -> vector<2000x256xf32>
    %get3A_9 = arith.constant 0 : index
    %get3A_10 = arith.constant 0 : index
    %get3A_11 = vector.load %arg4[%get3A_9, %get3A_10] : memref<128x256xf32, #tpu.memory_space<vmem>>, vector<128x256xf32>
    %dot_general3A_12 = arith.constant dense<0.000000e+00> : vector<2000x256xf32>
    %dot_general3A_13 = tpu.matmul %get3A_4, %get3A_11, %dot_general3A_12 {dimension_numbers = #tpu.dot_dimension_numbers<[1], [0], [0], [1], [0, 0, 1, 1], [], []>, transpose_lhs_hint = false} : vector<2000x128xf32>, vector<128x256xf32>, vector<2000x256xf32> -> vector<2000x256xf32>
    %add3A = arith.addf %dot_general3A_8, %dot_general3A_13 : vector<2000x256xf32>
    %get3A_14 = arith.constant 0 : index
    %get3A_15 = arith.constant 0 : index
    %get3A_16 = vector.load %arg5[%get3A_14, %get3A_15] : memref<128x256xf32, #tpu.memory_space<vmem>>, vector<128x256xf32>
    %dot_general3A_17 = arith.constant dense<0.000000e+00> : vector<2000x256xf32>
    %dot_general3A_18 = tpu.matmul %get3A_1, %get3A_16, %dot_general3A_17 {dimension_numbers = #tpu.dot_dimension_numbers<[1], [0], [0], [1], [0, 0, 1, 1], [], []>, transpose_lhs_hint = false} : vector<2000x128xf32>, vector<128x256xf32>, vector<2000x256xf32> -> vector<2000x256xf32>
    %get3A_19 = arith.constant 0 : index
    %get3A_20 = arith.constant 0 : index
    %get3A_21 = vector.load %arg6[%get3A_19, %get3A_20] : memref<128x256xf32, #tpu.memory_space<vmem>>, vector<128x256xf32>
    %dot_general3A_22 = arith.constant dense<0.000000e+00> : vector<2000x256xf32>
    %dot_general3A_23 = tpu.matmul %get3A_4, %get3A_21, %dot_general3A_22 {dimension_numbers = #tpu.dot_dimension_numbers<[1], [0], [0], [1], [0, 0, 1, 1], [], []>, transpose_lhs_hint = false} : vector<2000x128xf32>, vector<128x256xf32>, vector<2000x256xf32> -> vector<2000x256xf32>
    %add3A_24 = arith.addf %dot_general3A_18, %dot_general3A_23 : vector<2000x256xf32>
    %convert_element_type3A = arith.truncf %add3A : vector<2000x256xf32> to vector<2000x256xbf16>
    %slice3A = vector.extract_strided_slice %convert_element_type3A {offsets = [0, 0], sizes = [2000, 128], strides = [1, 1]} : vector<2000x256xbf16> to vector<2000x128xbf16>
    %bitcast_convert_type3A = tpu.bitcast %slice3A : vector<2000x128xbf16> -> vector<2000x128xi16>
    %convert_element_type3A_25 = arith.extui %bitcast_convert_type3A : vector<2000x128xi16> to vector<2000x128xi32>
    %slice3A_26 = vector.extract_strided_slice %convert_element_type3A {offsets = [0, 128], sizes = [2000, 128], strides = [1, 1]} : vector<2000x256xbf16> to vector<2000x128xbf16>
    %bitcast_convert_type3A_27 = tpu.bitcast %slice3A_26 : vector<2000x128xbf16> -> vector<2000x128xi16>
    %convert_element_type3A_28 = arith.extui %bitcast_convert_type3A_27 : vector<2000x128xi16> to vector<2000x128xi32>
    %shift_left3A = arith.constant 16 : i32
    %shift_left3A_29 = vector.broadcast %shift_left3A : i32 to vector<2000x128xi32>
    %shift_left3A_30 = arith.shli %convert_element_type3A_28, %shift_left3A_29 : vector<2000x128xi32>
    %or3A = arith.ori %convert_element_type3A_25, %shift_left3A_30 : vector<2000x128xi32>
    %bitcast_convert_type3A_31 = tpu.bitcast %or3A : vector<2000x128xi32> -> vector<2000x128xf32>
    %swap3A = arith.constant 0 : index
    %swap3A_32 = arith.constant 0 : index
    %swap3A_33 = vector.load %arg7[%swap3A, %swap3A_32] : memref<2000x128xf32, #tpu.memory_space<vmem>>, vector<2000x128xf32>
    tpu.vector_store %arg7[%swap3A, %swap3A_32], %bitcast_convert_type3A_31 {strides = array<i32>} : memref<2000x128xf32, #tpu.memory_space<vmem>>, vector<2000x128xf32>,
    %convert_element_type3A_34 = arith.truncf %add3A_24 : vector<2000x256xf32> to vector<2000x256xbf16>
    %slice3A_35 = vector.extract_strided_slice %convert_element_type3A_34 {offsets = [0, 0], sizes = [2000, 128], strides = [1, 1]} : vector<2000x256xbf16> to vector<2000x128xbf16>
    %bitcast_convert_type3A_36 = tpu.bitcast %slice3A_35 : vector<2000x128xbf16> -> vector<2000x128xi16>
    %convert_element_type3A_37 = arith.extui %bitcast_convert_type3A_36 : vector<2000x128xi16> to vector<2000x128xi32>
    %slice3A_38 = vector.extract_strided_slice %convert_element_type3A_34 {offsets = [0, 128], sizes = [2000, 128], strides = [1, 1]} : vector<2000x256xbf16> to vector<2000x128xbf16>
    %bitcast_convert_type3A_39 = tpu.bitcast %slice3A_38 : vector<2000x128xbf16> -> vector<2000x128xi16>
    %convert_element_type3A_40 = arith.extui %bitcast_convert_type3A_39 : vector<2000x128xi16> to vector<2000x128xi32>
    %shift_left3A_41 = arith.constant 16 : i32
    %shift_left3A_42 = vector.broadcast %shift_left3A_41 : i32 to vector<2000x128xi32>
    %shift_left3A_43 = arith.shli %convert_element_type3A_40, %shift_left3A_42 : vector<2000x128xi32>
    %or3A_44 = arith.ori %convert_element_type3A_37, %shift_left3A_43 : vector<2000x128xi32>
    %bitcast_convert_type3A_45 = tpu.bitcast %or3A_44 : vector<2000x128xi32> -> vector<2000x128xf32>
    %swap3A_46 = arith.constant 0 : index
    %swap3A_47 = arith.constant 0 : index
    %swap3A_48 = vector.load %arg8[%swap3A_46, %swap3A_47] : memref<2000x128xf32, #tpu.memory_space<vmem>>, vector<2000x128xf32>
    tpu.vector_store %arg8[%swap3A_46, %swap3A_47], %bitcast_convert_type3A_45 {strides = array<i32>} : memref<2000x128xf32, #tpu.memory_space<vmem>>, vector<2000x128xf32>,
    return
  }
  func.func @transform_0(%arg0: i32) -> (i32, i32) {
    %c0_i32 = arith.constant 0 : i32
    %c0_i32_0 = arith.constant 0 : i32
    return %arg0, %c0_i32 : i32, i32
  }
  func.func @transform_1(%arg0: i32) -> (i32, i32) {
    %c0_i32 = arith.constant 0 : i32
    %c0_i32_0 = arith.constant 0 : i32
    return %arg0, %c0_i32 : i32, i32
  }
  func.func @transform_2(%arg0: i32) -> (i32, i32) {
    %c0_i32 = arith.constant 0 : i32
    %c0_i32_0 = arith.constant 0 : i32
    %c0_i32_1 = arith.constant 0 : i32
    return %c0_i32, %c0_i32_0 : i32, i32
  }
  func.func @transform_3(%arg0: i32) -> (i32, i32) {
    %c0_i32 = arith.constant 0 : i32
    %c0_i32_0 = arith.constant 0 : i32
    %c0_i32_1 = arith.constant 0 : i32
    return %c0_i32, %c0_i32_0 : i32, i32
  }
  func.func @transform_4(%arg0: i32) -> (i32, i32) {
    %c0_i32 = arith.constant 0 : i32
    %c0_i32_0 = arith.constant 0 : i32
    %c0_i32_1 = arith.constant 0 : i32
    return %c0_i32, %c0_i32_0 : i32, i32
  }
  func.func @transform_5(%arg0: i32) -> (i32, i32) {
    %c0_i32 = arith.constant 0 : i32
    %c0_i32_0 = arith.constant 0 : i32
    %c0_i32_1 = arith.constant 0 : i32
    return %c0_i32, %c0_i32_0 : i32, i32
  }
  func.func @transform_6(%arg0: i32) -> (i32, i32) {
    %c0_i32 = arith.constant 0 : i32
    %c0_i32_0 = arith.constant 0 : i32
    return %arg0, %c0_i32 : i32, i32
  }
  func.func @transform_7(%arg0: i32) -> (i32, i32) {
    %c0_i32 = arith.constant 0 : i32
    %c0_i32_0 = arith.constant 0 : i32
    return %arg0, %c0_i32 : i32, i32
  }
}

module attributes {stable_mosaic.version = 14 : i64} {
  func.func @_mlp_body(%arg0: i32, %arg1: memref<4000x128xf32, #tpu.memory_space<vmem>>, %arg2: memref<4000x128xf32, #tpu.memory_space<vmem>>, %arg3: memref<1x128xbf16, #tpu.memory_space<vmem>>, %arg4: memref<1x128xbf16, #tpu.memory_space<vmem>>, %arg5: memref<128x128xbf16, #tpu.memory_space<vmem>>, %arg6: memref<128x128xbf16, #tpu.memory_space<vmem>>, %arg7: memref<1x128xf32, #tpu.memory_space<vmem>>, %arg8: memref<128x2xf32, #tpu.memory_space<vmem>>, %arg9: memref<1x2xf32, #tpu.memory_space<vmem>>, %arg10: memref<4000x2xf32, #tpu.memory_space<vmem>>) attributes {dimension_semantics = [#tpu.dimension_semantics<arbitrary>], iteration_bounds = array<i64: 40>, scalar_prefetch = 0 : i64, scratch_operands = 0 : i64, tpu.core_type = #tpu.core_type<tc>, window_params = [{transform_indices = @transform_0, window_bounds = array<i64: 4000, 128>}, {transform_indices = @transform_1, window_bounds = array<i64: 4000, 128>}, {pipeline_mode = #tpu.pipeline_mode<synchronous>, transform_indices = @transform_2, window_bounds = array<i64: 1, 128>}, {pipeline_mode = #tpu.pipeline_mode<synchronous>, transform_indices = @transform_3, window_bounds = array<i64: 1, 128>}, {pipeline_mode = #tpu.pipeline_mode<synchronous>, transform_indices = @transform_4, window_bounds = array<i64: 128, 128>}, {pipeline_mode = #tpu.pipeline_mode<synchronous>, transform_indices = @transform_5, window_bounds = array<i64: 128, 128>}, {pipeline_mode = #tpu.pipeline_mode<synchronous>, transform_indices = @transform_6, window_bounds = array<i64: 1, 128>}, {pipeline_mode = #tpu.pipeline_mode<synchronous>, transform_indices = @transform_7, window_bounds = array<i64: 128, 2>}, {pipeline_mode = #tpu.pipeline_mode<synchronous>, transform_indices = @transform_8, window_bounds = array<i64: 1, 2>}, {transform_indices = @transform_9, window_bounds = array<i64: 4000, 2>}]} {
    %get3A = arith.constant 0 : index
    %get3A_0 = arith.constant 0 : index
    %get3A_1 = vector.load %arg1[%get3A, %get3A_0] : memref<4000x128xf32, #tpu.memory_space<vmem>>, vector<4000x128xf32>
    %bitcast_convert_type3A = tpu.bitcast %get3A_1 : vector<4000x128xf32> -> vector<4000x128xi32>
    %and3A = arith.constant 65535 : i32
    %and3A_2 = vector.broadcast %and3A : i32 to vector<4000x128xi32>
    %and3A_3 = arith.andi %bitcast_convert_type3A, %and3A_2 : vector<4000x128xi32>
    %convert_element_type3A = arith.trunci %and3A_3 : vector<4000x128xi32> to vector<4000x128xi16>
    %bitcast_convert_type3A_4 = tpu.bitcast %convert_element_type3A : vector<4000x128xi16> -> vector<4000x128xbf16>
    %shift_right_logical3A = arith.constant 16 : i32
    %shift_right_logical3A_5 = vector.broadcast %shift_right_logical3A : i32 to vector<4000x128xi32>
    %shift_right_logical3A_6 = arith.shrui %bitcast_convert_type3A, %shift_right_logical3A_5 : vector<4000x128xi32>
    %convert_element_type3A_7 = arith.trunci %shift_right_logical3A_6 : vector<4000x128xi32> to vector<4000x128xi16>
    %bitcast_convert_type3A_8 = tpu.bitcast %convert_element_type3A_7 : vector<4000x128xi16> -> vector<4000x128xbf16>
    %get3A_9 = arith.constant 0 : index
    %get3A_10 = arith.constant 0 : index
    %get3A_11 = vector.load %arg2[%get3A_9, %get3A_10] : memref<4000x128xf32, #tpu.memory_space<vmem>>, vector<4000x128xf32>
    %bitcast_convert_type3A_12 = tpu.bitcast %get3A_11 : vector<4000x128xf32> -> vector<4000x128xi32>
    %and3A_13 = arith.constant 65535 : i32
    %and3A_14 = vector.broadcast %and3A_13 : i32 to vector<4000x128xi32>
    %and3A_15 = arith.andi %bitcast_convert_type3A_12, %and3A_14 : vector<4000x128xi32>
    %convert_element_type3A_16 = arith.trunci %and3A_15 : vector<4000x128xi32> to vector<4000x128xi16>
    %bitcast_convert_type3A_17 = tpu.bitcast %convert_element_type3A_16 : vector<4000x128xi16> -> vector<4000x128xbf16>
    %shift_right_logical3A_18 = arith.constant 16 : i32
    %shift_right_logical3A_19 = vector.broadcast %shift_right_logical3A_18 : i32 to vector<4000x128xi32>
    %shift_right_logical3A_20 = arith.shrui %bitcast_convert_type3A_12, %shift_right_logical3A_19 : vector<4000x128xi32>
    %convert_element_type3A_21 = arith.trunci %shift_right_logical3A_20 : vector<4000x128xi32> to vector<4000x128xi16>
    %bitcast_convert_type3A_22 = tpu.bitcast %convert_element_type3A_21 : vector<4000x128xi16> -> vector<4000x128xbf16>
    %add3A = arith.addf %bitcast_convert_type3A_4, %bitcast_convert_type3A_17 : vector<4000x128xbf16>
    %get3A_23 = arith.constant 0 : index
    %get3A_24 = arith.constant 0 : index
    %get3A_25 = vector.load %arg3[%get3A_23, %get3A_24] : memref<1x128xbf16, #tpu.memory_space<vmem>>, vector<1x128xbf16>
    %add3A_26 = vector.broadcast %get3A_25 : vector<1x128xbf16> to vector<4000x128xbf16>
    %add3A_27 = arith.addf %add3A, %add3A_26 : vector<4000x128xbf16>
    %max3A = arith.constant 0.000000e+00 : bf16
    %max3A_28 = vector.broadcast %max3A : bf16 to vector<4000x128xbf16>
    %max3A_29 = arith.maximumf %add3A_27, %max3A_28 : vector<4000x128xbf16>
    %add3A_30 = arith.addf %bitcast_convert_type3A_8, %bitcast_convert_type3A_22 : vector<4000x128xbf16>
    %get3A_31 = arith.constant 0 : index
    %get3A_32 = arith.constant 0 : index
    %get3A_33 = vector.load %arg4[%get3A_31, %get3A_32] : memref<1x128xbf16, #tpu.memory_space<vmem>>, vector<1x128xbf16>
    %add3A_34 = vector.broadcast %get3A_33 : vector<1x128xbf16> to vector<4000x128xbf16>
    %add3A_35 = arith.addf %add3A_30, %add3A_34 : vector<4000x128xbf16>
    %max3A_36 = arith.constant 0.000000e+00 : bf16
    %max3A_37 = vector.broadcast %max3A_36 : bf16 to vector<4000x128xbf16>
    %max3A_38 = arith.maximumf %add3A_35, %max3A_37 : vector<4000x128xbf16>
    %get3A_39 = arith.constant 0 : index
    %get3A_40 = arith.constant 0 : index
    %get3A_41 = vector.load %arg5[%get3A_39, %get3A_40] : memref<128x128xbf16, #tpu.memory_space<vmem>>, vector<128x128xbf16>
    %dot_general3A = arith.constant dense<0.000000e+00> : vector<4000x128xf32>
    %dot_general3A_42 = tpu.matmul %max3A_29, %get3A_41, %dot_general3A {dimension_numbers = #tpu.dot_dimension_numbers<[1], [0], [0], [1], [0, 0, 1, 1], [], []>, transpose_lhs_hint = false} : vector<4000x128xbf16>, vector<128x128xbf16>, vector<4000x128xf32> -> vector<4000x128xf32>
    %get3A_43 = arith.constant 0 : index
    %get3A_44 = arith.constant 0 : index
    %get3A_45 = vector.load %arg6[%get3A_43, %get3A_44] : memref<128x128xbf16, #tpu.memory_space<vmem>>, vector<128x128xbf16>
    %dot_general3A_46 = arith.constant dense<0.000000e+00> : vector<4000x128xf32>
    %dot_general3A_47 = tpu.matmul %max3A_38, %get3A_45, %dot_general3A_46 {dimension_numbers = #tpu.dot_dimension_numbers<[1], [0], [0], [1], [0, 0, 1, 1], [], []>, transpose_lhs_hint = false} : vector<4000x128xbf16>, vector<128x128xbf16>, vector<4000x128xf32> -> vector<4000x128xf32>
    %add3A_48 = arith.addf %dot_general3A_42, %dot_general3A_47 : vector<4000x128xf32>
    %get3A_49 = arith.constant 0 : index
    %get3A_50 = arith.constant 0 : index
    %get3A_51 = vector.load %arg7[%get3A_49, %get3A_50] : memref<1x128xf32, #tpu.memory_space<vmem>>, vector<1x128xf32>
    %add3A_52 = vector.broadcast %get3A_51 : vector<1x128xf32> to vector<4000x128xf32>
    %add3A_53 = arith.addf %add3A_48, %add3A_52 : vector<4000x128xf32>
    %max3A_54 = arith.constant 0.000000e+00 : f32
    %max3A_55 = vector.broadcast %max3A_54 : f32 to vector<4000x128xf32>
    %max3A_56 = arith.maximumf %add3A_53, %max3A_55 : vector<4000x128xf32>
    %get3A_57 = arith.constant 0 : index
    %get3A_58 = arith.constant 0 : index
    %get3A_59 = vector.load %arg8[%get3A_57, %get3A_58] : memref<128x2xf32, #tpu.memory_space<vmem>>, vector<128x2xf32>
    %dot_general3A_60 = arith.constant dense<0.000000e+00> : vector<4000x2xf32>
    %dot_general3A_61 = tpu.matmul %max3A_56, %get3A_59, %dot_general3A_60 {dimension_numbers = #tpu.dot_dimension_numbers<[1], [0], [0], [1], [0, 0, 1, 1], [], []>, transpose_lhs_hint = false} : vector<4000x128xf32>, vector<128x2xf32>, vector<4000x2xf32> -> vector<4000x2xf32>
    %get3A_62 = arith.constant 0 : index
    %get3A_63 = arith.constant 0 : index
    %get3A_64 = vector.load %arg9[%get3A_62, %get3A_63] : memref<1x2xf32, #tpu.memory_space<vmem>>, vector<1x2xf32>
    %add3A_65 = vector.broadcast %get3A_64 : vector<1x2xf32> to vector<4000x2xf32>
    %add3A_66 = arith.addf %dot_general3A_61, %add3A_65 : vector<4000x2xf32>
    %swap3A = arith.constant 0 : index
    %swap3A_67 = arith.constant 0 : index
    %swap3A_68 = vector.load %arg10[%swap3A, %swap3A_67] : memref<4000x2xf32, #tpu.memory_space<vmem>>, vector<4000x2xf32>
    tpu.vector_store %arg10[%swap3A, %swap3A_67], %add3A_66 {strides = array<i32>} : memref<4000x2xf32, #tpu.memory_space<vmem>>, vector<4000x2xf32>,
    return
  }
  func.func @transform_0(%arg0: i32) -> (i32, i32) {
    %c0_i32 = arith.constant 0 : i32
    %c0_i32_0 = arith.constant 0 : i32
    return %arg0, %c0_i32 : i32, i32
  }
  func.func @transform_1(%arg0: i32) -> (i32, i32) {
    %c0_i32 = arith.constant 0 : i32
    %c0_i32_0 = arith.constant 0 : i32
    return %arg0, %c0_i32 : i32, i32
  }
  func.func @transform_2(%arg0: i32) -> (i32, i32) {
    %c0_i32 = arith.constant 0 : i32
    %c0_i32_0 = arith.constant 0 : i32
    %c0_i32_1 = arith.constant 0 : i32
    return %c0_i32, %c0_i32_0 : i32, i32
  }
  func.func @transform_3(%arg0: i32) -> (i32, i32) {
    %c0_i32 = arith.constant 0 : i32
    %c0_i32_0 = arith.constant 0 : i32
    %c0_i32_1 = arith.constant 0 : i32
    return %c0_i32, %c0_i32_0 : i32, i32
  }
  func.func @transform_4(%arg0: i32) -> (i32, i32) {
    %c0_i32 = arith.constant 0 : i32
    %c0_i32_0 = arith.constant 0 : i32
    %c0_i32_1 = arith.constant 0 : i32
    return %c0_i32, %c0_i32_0 : i32, i32
  }
  func.func @transform_5(%arg0: i32) -> (i32, i32) {
    %c0_i32 = arith.constant 0 : i32
    %c0_i32_0 = arith.constant 0 : i32
    %c0_i32_1 = arith.constant 0 : i32
    return %c0_i32, %c0_i32_0 : i32, i32
  }
  func.func @transform_6(%arg0: i32) -> (i32, i32) {
    %c0_i32 = arith.constant 0 : i32
    %c0_i32_0 = arith.constant 0 : i32
    %c0_i32_1 = arith.constant 0 : i32
    return %c0_i32, %c0_i32_0 : i32, i32
  }
  func.func @transform_7(%arg0: i32) -> (i32, i32) {
    %c0_i32 = arith.constant 0 : i32
    %c0_i32_0 = arith.constant 0 : i32
    %c0_i32_1 = arith.constant 0 : i32
    return %c0_i32, %c0_i32_0 : i32, i32
  }
  func.func @transform_8(%arg0: i32) -> (i32, i32) {
    %c0_i32 = arith.constant 0 : i32
    %c0_i32_0 = arith.constant 0 : i32
    %c0_i32_1 = arith.constant 0 : i32
    return %c0_i32, %c0_i32_0 : i32, i32
  }
  func.func @transform_9(%arg0: i32) -> (i32, i32) {
    %c0_i32 = arith.constant 0 : i32
    %c0_i32_0 = arith.constant 0 : i32
    return %arg0, %c0_i32 : i32, i32
  }
}

</mosaic_0001>

<sc_bundles>
// kernel: kernel.13.cloned.1.call-start
scs
__scs_entry_jumppad:
0x0: {  	(pc) =	sbr.rel $0x88, $3  }
0x1: {  	(tag) =	ssettag $0x0;
	lr =	simm.s32 $0x1  }
0x2: {  	[smem:$0x3F85] =	sst lr;
	_ =	strace $0xD0000000  }
0x3: {  	_ = 	snop  }
0x4: {  	_ = 	snop  }
0x5: {  	_ = 	snop  }
0x6: {  	_ = 	snop  }
0x7: {  	_ = 	snop  }
__scs_overlays_trampoline_lowered:
0x8: {  	[smem:$0x3F94] =	sst s0  }
0x9: {  	[smem:$0x3F95] =	sst s1  }
0xa: {  	[smem:$0x3F96] =	sst s2  }
0xb: {  	[smem:$0x3F97] =	sst s3  }
0xc: {  	[smem:$0x3F98] =	sst s4  }
0xd: {  	[smem:$0x3F99] =	sst s5  }
0xe: {  	[smem:$0x3F9A] =	sst s6  }
0xf: {  	[smem:$0x3F9B] =	sst s7  }
0x10: {  	[smem:$0x3F9C] =	sst s8  }
0x11: {  	[smem:$0x3F9D] =	sst s9;
	s0 =	simm.s32 @!p0 $0x0  }
0x12: {  	s1 =	sld [smem:$0x3F83];
	s0 =	simm.s32 @p0 $0x1  }
0x13: {  	[smem:$0x3F9E] =	sst s0;
	s0 =	simm.s32 @!p1 $0x0  }
0x14: {  	s2 =	sld [smem:$0x3F82];
	s0 =	simm.s32 @p1 $0x1  }
0x15: {  	[smem:$0x3F9F] =	sst s0;
	s0 =	simm.s32 @!p2 $0x0  }
0x16: {  	s3 =	sld [smem:$0x3FDB];
	s0 =	simm.s32 @p2 $0x1  }
0x17: {  	s4 =	simm.s32 $0x1BF5;
	[smem:$0x3FA1] =	sst s0  }
0x18: {  	s0 =	sld [smem:$0x3F84];
	_ =	swait.ge [sflag:s4], $0x0  }
0x19: {  	s7 =	sld [smem:$0x3F85]  }
0x1a: {  	s8 =	sadd.s32 $0xFFFFE003, lr  }
0x1b: {  	s9 =	sadd.s32 $0xFFFFFEF7, lr;
	s5 =	simm.s32 $0xFFFFFFFF;
	p2 =	slt.u32 s8, $0xFFFFF086  }
0x1c: {  	p1 =	slt.u32 s9, $0xF7A;
	s5 =	simm.s32 @!p2 $0x0  }
0x1d: {  	s5 =	simm.s32 @p1 $0x1;
	p0 =	seq.s32 s7, s2  }
0x1e: {  	s7 =	smul.u32 @!p0 $0xF7A, s2;
	p2 =	seq.s32 @!p0 s5, $0x0  }
0x1f: {  	s9 =	smul.u32 $0xF7A, s1;
	s8 =	simm.s32 @!p0 $0x1BF5;
	p2 =	por !p2, p0  }
0x20: {  	[sflag:s8] =	ssyncset.s32 @!p0 $0xFFFFF086;
	s6 =	sadd.s32 @!p0 s3, s7;
	s7 =	simm.s32 @!p0 $0x108  }
0x21: {  	s3 =	sadd.s32 s3, s9;
	s6 =	sadd.s32 @!p0 $0x88, s6;
	s7 =	simm.s32 @p2 $0x1082  }
0x22: {  	[simem:s7], [sflag:s8] =	dma.local @!p0 [hbm:s6], $0xF7A  }
0x23: {  	s9 =	sor.u32 $0xD0000000, s2;
	s6 =	simm.s32 $0x108;
	_ =	swait.ge @!p0 [sflag:s8], $0x0  }
0x24: {  	s3 =	sadd.s32 $0x88, s3;
	s6 =	simm.s32 @!p1 $0x1082;
	[sflag:s4] =	ssyncset.s32 $0xFFFFF086  }
0x25: {  	[simem:s6], [sflag:s4] =	dma.local [hbm:s3], $0xF7A  }
0x26: {  	[smem:$0x3F85] =	sst s1;
	(tag) =	ssettag s2;
	_ =	strace s9  }
0x27: {  	s1 =	sld [smem:$0x3F95]  }
0x28: {  	s2 =	sld [smem:$0x3F96]  }
0x29: {  	s4 =	sld [smem:$0x3F98]  }
0x2a: {  	p0 =	seq.s32 s5, $0x0;
	s5 =	sld [smem:$0x3F99]  }
0x2b: {  	s6 =	sld [smem:$0x3F9A]  }
0x2c: {  	s7 =	sld [smem:$0x3F9B]  }
0x2d: {  	s3 =	simm.s32 $0x108;
	s8 =	sld [smem:$0x3F9C]  }
0x2e: {  	s3 =	simm.s32 @!p0 $0x1082;
	s9 =	sld [smem:$0x3F9D]  }
0x2f: {  	lr =	sadd.s32 s0, s3;
	s0 =	sld [smem:$0x3F94]  }
0x30: {  	s3 =	sld [smem:$0x3F97]  }
0x31: {  	[smem:$0x3FA0] =	sst s10  }
0x32: {  	s10 =	sld [smem:$0x3F9E];
	_ =	sdelay $0x3  }
0x33: {  	p0 =	seq.s32 s10, $0x1;
	s10 =	sld [smem:$0x3FA0];
	_ =	sdelay $0x3  }
0x34: {  	[smem:$0x3FA0] =	sst s10  }
0x35: {  	s10 =	sld [smem:$0x3F9F];
	_ =	sdelay $0x3  }
0x36: {  	p1 =	seq.s32 s10, $0x1;
	s10 =	sld [smem:$0x3FA0];
	_ =	sdelay $0x3  }
0x37: {  	[smem:$0x3FA0] =	sst s10  }
0x38: {  	s10 =	sld [smem:$0x3FA1]  }
0x39: {  	_ = 	snop;
	(pc) =	sbr.ind lr, $3  }
0x3a: {  	_ = 	snop  }
0x3b: {  	_ = 	snop  }
0x3c: {  	p2 =	seq.s32 s10, $0x1;
	s10 =	sld [smem:$0x3FA0]  }
0x3d: {  	_ =	shalt  }
0x3e: {  	_ =	shalt  }
0x3f: {  	_ =	shalt  }
0x40: {  	_ =	shalt  }
0x41: {  	_ =	shalt  }
0x42: {  	_ =	shalt  }
0x43: {  	_ =	shalt  }
0x44: {  	_ =	shalt  }
0x45: {  	_ =	shalt  }
0x46: {  	_ =	shalt  }
0x47: {  	_ =	shalt  }
0x48: {  	_ =	shalt  }
0x49: {  	_ =	shalt  }
0x4a: {  	_ =	shalt  }
0x4b: {  	_ =	shalt  }
0x4c: {  	_ =	shalt  }
0x4d: {  	_ =	shalt  }
0x4e: {  	_ =	shalt  }
0x4f: {  	_ =	shalt  }
0x50: {  	_ =	shalt  }
0x51: {  	_ =	shalt  }
0x52: {  	_ =	shalt  }
0x53: {  	_ =	shalt  }
0x54: {  	_ =	shalt  }
0x55: {  	_ =	shalt  }
0x56: {  	_ =	shalt  }
0x57: {  	_ =	shalt  }
0x58: {  	_ =	shalt  }
0x59: {  	_ =	shalt  }
0x5a: {  	_ =	shalt  }
0x5b: {  	_ =	shalt  }
0x5c: {  	_ =	shalt  }
0x5d: {  	_ =	shalt  }
0x5e: {  	_ =	shalt  }
0x5f: {  	_ =	shalt  }
0x60: {  	_ =	shalt  }
0x61: {  	_ =	shalt  }
0x62: {  	_ =	shalt  }
0x63: {  	_ =	shalt  }
0x64: {  	_ =	shalt  }
0x65: {  	_ =	shalt  }
0x66: {  	_ =	shalt  }
0x67: {  	_ =	shalt  }
0x68: {  	_ =	shalt  }
0x69: {  	_ =	shalt  }
0x6a: {  	_ =	shalt  }
0x6b: {  	_ =	shalt  }
0x6c: {  	_ =	shalt  }
0x6d: {  	_ =	shalt  }
0x6e: {  	_ =	shalt  }
0x6f: {  	_ =	shalt  }
0x70: {  	_ =	shalt  }
0x71: {  	_ =	shalt  }
0x72: {  	_ =	shalt  }
0x73: {  	_ =	shalt  }
0x74: {  	_ =	shalt  }
0x75: {  	_ =	shalt  }
0x76: {  	_ =	shalt  }
0x77: {  	_ =	shalt  }
0x78: {  	_ =	shalt  }
0x79: {  	_ =	shalt  }
0x7a: {  	_ =	shalt  }
0x7b: {  	_ =	shalt  }
0x7c: {  	_ =	shalt  }
0x7d: {  	_ =	shalt  }
0x7e: {  	_ =	shalt  }
0x7f: {  	_ =	shalt  }
0x80: {  	_ =	shalt  }
0x81: {  	_ =	shalt  }
0x82: {  	_ =	shalt  }
0x83: {  	_ =	shalt  }
0x84: {  	_ =	shalt  }
0x85: {  	_ =	shalt  }
0x86: {  	_ =	shalt  }
0x87: {  	_ =	shalt  }
.Lfunc_end0:
.L_simem_size_0:
called_computation_lowered:
.L_overlay_start_0:
0x88: {  	s2 =	sld [smem:$0x3FD9]  }
0x89: {  	s3 =	sld [smem:$0x3FFE];
	_ =	sdelay $0x1  }
0x8a: {  	s1 =	srdreg.scid  }
0x8b: {  	s0 =	sand.u32 $0x1, s1  }
0x8c: {  	s16 =	sshll.u32 s0, $0xA;
	s2 =	sadd.s32 s3, s2  }
0x8d: {  	s2 =	sadd.s32 s2, s16  }
0x8e: {  	[smem:$0x3FAC] =	sst s2  }
0x8f: {  	_ = 	snop  }
0x90: {  	(tm) =	ssettm $0x1  }
0x91: {  	s17 =	sld [smem:$0x3FFB];
	_ =	sdelay $0x3  }
0x92: {  	_ =	strace s17  }
0x93: {  	s2 =	sld [smem:$0x3FFC];
	_ =	sdelay $0x3  }
0x94: {  	_ =	strace s2  }
0x95: {  	s2 =	sld [smem:$0x3FFD];
	_ =	sdelay $0x3  }
0x96: {  	_ =	strace s2  }
0x97: {  	_ =	strace $0x8FFFFFFF  }
0x98: {  	s18 =	sld [smem:$0x3FDB];
	_ =	sdelay $0x1  }
0x99: {  	s19 =	simm.s32 $_scs_section_size  }
0x9a: {  	s4 =	simm.s32 $_size__tile_overlayer_lowered;
	s5 =	simm.s32 $_tile_overlayer_lowered  }
0x9b: {  	s22 =	simm.s32 $0x1BFF;
	s21 =	sshll.u32 s5, $0x1;
	s2 =	sadd.s32 s19, s18  }
0x9c: {  	s6 =	simm.s32 $0x0;
	s20 =	sshll.u32 s4, $0x1;
	s4 =	sadd.s32 s21, s2  }
0x9d: {  	[timem:s6], [sflag:s22] =	dma.local [hbm:s4], s20  }
0x9e: {  	_ =	swait.ge [sflag:s22], s20  }
0x9f: {  	s3 =	ssub.s32 $0x0, s20;
	[sflag:s22] =	ssyncset.done $0x0  }
0xa0: {  	[sflag:s22] =	ssyncadd.s32 s3;
	_ =	sdelay $0x1  }
0xa1: {  	s23 =	simm.s32 $0x1B8B  }
0xa2: {  	_ =	swait.ge [sflag:s23], $0x1  }
0xa3: {  	[sflag:s23] =	ssyncset.done $0x0  }
0xa4: {  	s25 =	simm.s32 $0x1B8E;
	s24 =	sld [smem:$0x3FFE];
	[sflag:s23] =	ssyncadd.s32 $0xFFFFFFFF  }
0xa5: {  	s26 =	simm.s32 $execute0_lowered;
	[smem:$0x3FD2] =	sst s25  }
0xa6: {  	s4 =	sshll.u32 s26, $0x1;
	_ =	strace $0x80000046;
	[dreg:$0x1] =	wrdreg $0xFFFFFFFF  }
0xa7: {  	s28 =	simm.s32 $_size_execute0_lowered;
	s2 =	sadd.s32 s2, s4;
	[dreg:$0x0] =	wrdreg $0x0  }
0xa8: {  	s4 =	sshll.u32 s28, $0x1;
	[dreg:$0x2] =	wrdreg s2  }
0xa9: {  	[dreg:$0x3] =	wrdreg s4  }
0xaa: {  	[dreg:$0x4] =	wrdreg $0xC0  }
0xab: {  	_ =	task [dreg:s6], $0x5FFFF  }
0xac: {  	[dreg:$0x1] =	wrdreg $0xFFFFFFFF  }
0xad: {  	[dreg:$0x0] =	wrdreg $0x60  }
0xae: {  	[dreg:$0x2] =	wrdreg s24  }
0xaf: {  	[dreg:$0x3] =	wrdreg $0x68000  }
0xb0: {  	[dreg:$0x4] =	wrdreg $0x9  }
0xb1: {  	_ =	task.clear_ibuf [dreg:s6], $0x5FFFF;
	_ =	strace $0x90000046  }
0xb2: {  	s29 =	simm.s32 $0x9;
	_ =	strace $0x80000048  }
0xb3: {  	_ =	swait.ge [sflag:s29], $0x1  }
0xb4: {  	[sflag:s29] =	ssyncadd.s32 $0xFFFFFFFF  }
0xb5: {  	_ =	strace $0x90000048  }
0xb6: {  	_ =	sfence  }
0xb7: {  	s30 =	sld [smem:$0x0];
	_ =	sdelay $0x2  }
0xb8: {  	s31 =	sshll.u32 s1, $0xD;
	s1 =	sshrl.u32 s1, $0x2  }
0xb9: {  	s3 =	sand.u32 $0x4000, s31;
	s1 =	sadd.s32 s1, s30  }
0xba: {  	s0 =	sor.u32 s3, s0;
	s1 =	sshll.u32 s1, $0x11  }
0xbb: {  	s0 =	sor.u32 s1, s0  }
0xbc: {  	s0 =	sadd.s32 $0x8F2B, s0  }
0xbd: {  	[sflag:s0] =	ssyncadd.remote.s32 $0x1  }
0xbe: {  	_ =	sfence.sel $0xFFFF  }
0xbf: {  	[dreg:$0x0] =	wrdreg $0xFFFFFFFF;
	(pc) =	sbr.abs _section_cstart, $3  }
0xc0: {  	[dreg:$0x1] =	wrdreg $0xFFFFFFFF  }
0xc1: {  	_ =	task.clear_ibuf [dreg:s6], $0x2FFFF;
	_ =	strace $0x9FFFFFFF  }
0xc2: {  	(tm) =	ssettm $0x7FFFFFFF  }
0xc3: {  	_ =	shalt  }
tec
execute0_lowered:
.L_overlay_start_1:
0x0: {  	(tag) =	ssettag $0x1  }
0x1: {  	s1 =	srdreg.scid  }
0x2: {  	s1 =	sand.u32 $0x1, s1  }
0x3: {  	p0 =	seq.s32 s1, $0x1  }
.Ltmp0:
0x4: {  	_ = 	snop;
	(pc) =	sbr.rel @p0 .LBB2_4-.Ltmp0, $4  }
0x5: {  	s5 =	rddreg [dreg:$0x0]  }
0x6: {  	s2 =	rddreg [dreg:$0x1];
	s6 =	simm.s32 $0x0  }
0x7: {  	[smem:$0x7FF] =	sst s6  }
0x8: {  	s0 =	rddreg [dreg:$0x2];
	_ =	strace $0x80000047;
	s1 =	stileid.u32  }
0x9: {  	s3 =	smul.u32 $0x7D000, s1;
	_ =	sdelay $0x1  }
0xa: {  	p0 =	sgt.u32 s1, $0x9;
	s7 =	sadd.s32 $0xF000, s5;
	s3 =	sshrl.u32 s3, $0x2  }
0xb: {  	s23 =	smul.u32 $0x500, s1;
	s4 =	sadd.s32 s3, s2;
	s3 =	sshll.u32 @!p0 s1, $0x6  }
0xc: {  	s8 =	simm.s32 @!p0 $0x2;
	s3 =	sor.u32 @!p0 $0x1C02, s3;
	s4 =	sshrl.u32 @!p0 s4, $0x3  }
0xd: {  	[spmem:s4], [sflag:s3] =	dma.local @!p0 [hbm:s7], $0x3E80  }
0xe: {  	_ =	swait.ge @!p0 [sflag:s8], $0x3E80  }
0xf: {  	s7 =	sadd.s32 s23, s5;
	[sflag:s8] =	ssyncset.done @!p0 $0x0  }
0x10: {  	s24 =	simm.s32 $0x2;
	s7 =	sadd.s32 $0x9800, s7;
	[sflag:s8] =	ssyncadd.s32 @!p0 $0xFFFFC180  }
0x11: {  	[tilespmem:s6], [sflag:$0x2] =	stream.linear.gather [hbm4b:s7+s6], $0x2780, $0x38;
	[tilespmem:$0x1A0C0] =	vst v63  }
0x12: {  	_ =	swait.ge [sflag:s24], $0x2780  }
0x13: {  	[sflag:s24] =	ssyncset.done $0x0  }
0x14: {  	s25 =	sadd.s32 $0xE800, s5;
	s9 =	simm.s32 $0x2800;
	[sflag:s24] =	ssyncadd.s32 $0xFFFFD880  }
0x15: {  	[tilespmem:s9], [sflag:$0x2] =	stream.linear.gather [hbm4b:s25+s6], $0x4000, $0x38;
	[tilespmem:$0x1A0C0] =	vst v63  }
0x16: {  	_ =	swait.ge [sflag:s24], $0x4000  }
0x17: {  	[sflag:s24] =	ssyncset.done $0x0  }
0x18: {  	[sflag:s24] =	ssyncadd.s32 $0xFFFFC000  }
0x19: {  	s26 =	simm.s32 $0x80;
	[bflag:$0x0] =	sbarrier.arrive $0xFFFF  }
0x1a: {  	[spmem:s2] =	stream.indirect.scatter.add.f32 [tilespmem:s9], [sflag:$0x1], $0x80, s6, s26, $0xb8;
	[tilespmem:$0x1A0C0] =	vst v63  }
0x1b: {  	_ = 	snop  }
0x1c: {  	[spmem:s2] =	stream.indirect.scatter.add.f32 [tilespmem:s9], [sflag:$0x1], $0x80, s26, s26, $0xb8;
	[tilespmem:$0x1A0C0] =	vst v63  }
0x1d: {  	s28 =	smul.u32 $0x3E80, s1;
	s29 =	simm.s32 $0x100;
	p1 =	por $0x0, $0x0  }
0x1e: {  	[spmem:s2] =	stream.indirect.scatter.add.f32 [tilespmem:s9], [sflag:$0x1], $0x80, s29, s26, $0xb8;
	[tilespmem:$0x1A0C0] =	vst v63  }
0x1f: {  	s31 =	simm.s32 $0x180;
	s10 =	simm.s32 @!p1 $0x80;
	s6 =	simm.s32 $0x1  }
0x20: {  	[spmem:s2] =	stream.indirect.scatter.add.f32 [tilespmem:s9], [sflag:$0x1], $0x80, s31, s26, $0xb8;
	[tilespmem:$0x1A0C0] =	vst v63  }
0x21: {  	s11 =	simm.s32 @!p1 $0x2800;
	s30 =	sadd.s32 s28, s5;
	_ =	swait.ge [sflag:s6], $0x4000  }
0x22: {  	s5 =	sadd.s32 $0x13000, s30;
	s8 =	simm.s32 $0x200;
	[sflag:s6] =	ssyncset.done $0x0  }
0x23: {  	s7 =	simm.s32 $0x1;
	s9 =	simm.s32 $0x280;
	[sflag:s6] =	ssyncadd.s32 $0xFFFFC000  }
.LBB2_2:
0x24: {  	[spmem:s2] =	stream.indirect.scatter.add.f32 @!p1 [tilespmem:s11], [sflag:$0x1], $0x80, s8, s10, $0xb8;
	[tilespmem:$0x1A0C0] =	vst v63  }
0x25: {  	s10 =	smov.u32 s7;
	s7 =	sadd.s32 $0x1, s7  }
0x26: {  	p2 =	sne.s32 s7, $0x4F  }
.Ltmp1:
0x27: {  	(pc) =	sbr.rel @p2 .LBB2_2-.Ltmp1, $4  }
0x28: {  	s8 =	smov.u32 s9  }
0x29: {  	_ =	swait.ge [sflag:s6], $0x4000  }
0x2a: {  	s9 =	sadd.s32 $0x80, s9;
	p1 =	sgt.u32 s10, $0x4A;
	[sflag:s6] =	ssyncset.done $0x0  }
0x2b: {  	s10 =	simm.s32 @!p1 $0x80;
	s11 =	simm.s32 @!p1 $0x2800;
	[sflag:s6] =	ssyncadd.s32 $0xFFFFC000  }
0x2c: {  	[spmem:s2] =	stream.indirect.scatter.add.f32 @!p1 [tilespmem:s11], [sflag:$0x1], $0x80, s8, s10, $0xb8;
	[tilespmem:$0x1A0C0] =	vst v63  }
0x2d: {  	s2 =	simm.s32 @!p0 $0x2;
	[bflag:$0x0] =	sbarrier.arrive $0xFFFF  }
0x2e: {  	[hbm:s5], [sflag:s3] =	dma.local @!p0 [spmem:s4], $0x3E80  }
0x2f: {  	_ =	swait.ge @!p0 [sflag:s2], $0x3E80  }
0x30: {  	[sflag:s2] =	ssyncset.done @!p0 $0x0  }
0x31: {  	[sflag:s2] =	ssyncadd.s32 @!p0 $0xFFFFC180  }
.LBB2_4:
0x32: {  	_ =	sfence.sel $0x180000  }
0x33: {  	[bflag:$0x0] =	sbarrier.arrive $0xFFFF  }
0x34: {  	p0 =	sne.s32 s1, $0x0;
	_ =	strace $0x90000047  }
0x35: {  	s0 =	sadd.s32 @!p0 $0x100000, s0;
	[bflag:$0x2] =	sbarrier.arrive $0xFFFF  }
0x36: {  	[sflag:s0] =	ssyncadd.tile.s32 @!p0 $0x1;
	_ =	shalt  }
.Lfunc_end2:
_tile_overlayer_lowered:
.L_overlay_start_2:
0x37: {  	(tag) =	ssettag $0x2  }
0x38: {  	s0 =	rddreg [dreg:$0x0];
	s2 =	stileid.u32  }
0x39: {  	s1 =	rddreg [dreg:$0x1];
	p0 =	sne.s32 s2, $0x0  }
0x3a: {  	s3 =	rddreg [dreg:$0x2];
	[bflag:$0x3] =	sbarrier.arrive $0xFFFF;
	s2 =	simm.s32 @!p0 $0x1C02  }
0x3b: {  	[timem:s3], [sflag:s2] =	dma.local @!p0 [hbm:s0], s1  }
0x3c: {  	s0 =	simm.s32 @!p0 $0x2  }
0x3d: {  	_ =	swait.ge @!p0 [sflag:s0], s1  }
0x3e: {  	s1 =	ssub.s32 @!p0 $0x0, s1;
	[sflag:s0] =	ssyncset.done @!p0 $0x0  }
0x3f: {  	[sflag:s0] =	ssyncadd.s32 @!p0 s1  }
0x40: {  	[bflag:$0x3] =	sbarrier.arrive $0xFFFF  }
0x41: {  	_ =	shalt  }

// kernel: kernel.16.cloned.1.call-start
scs
__scs_entry_jumppad:
0x0: {  	(pc) =	sbr.rel $0x88, $3  }
0x1: {  	(tag) =	ssettag $0x0;
	lr =	simm.s32 $0x1  }
0x2: {  	[smem:$0x3F85] =	sst lr;
	_ =	strace $0xD0000000  }
0x3: {  	_ = 	snop  }
0x4: {  	_ = 	snop  }
0x5: {  	_ = 	snop  }
0x6: {  	_ = 	snop  }
0x7: {  	_ = 	snop  }
__scs_overlays_trampoline_lowered:
0x8: {  	[smem:$0x3F94] =	sst s0  }
0x9: {  	[smem:$0x3F95] =	sst s1  }
0xa: {  	[smem:$0x3F96] =	sst s2  }
0xb: {  	[smem:$0x3F97] =	sst s3  }
0xc: {  	[smem:$0x3F98] =	sst s4  }
0xd: {  	[smem:$0x3F99] =	sst s5  }
0xe: {  	[smem:$0x3F9A] =	sst s6  }
0xf: {  	[smem:$0x3F9B] =	sst s7  }
0x10: {  	[smem:$0x3F9C] =	sst s8  }
0x11: {  	[smem:$0x3F9D] =	sst s9;
	s0 =	simm.s32 @!p0 $0x0  }
0x12: {  	s1 =	sld [smem:$0x3F83];
	s0 =	simm.s32 @p0 $0x1  }
0x13: {  	[smem:$0x3F9E] =	sst s0;
	s0 =	simm.s32 @!p1 $0x0  }
0x14: {  	s2 =	sld [smem:$0x3F82];
	s0 =	simm.s32 @p1 $0x1  }
0x15: {  	[smem:$0x3F9F] =	sst s0;
	s0 =	simm.s32 @!p2 $0x0  }
0x16: {  	s3 =	sld [smem:$0x3FDB];
	s0 =	simm.s32 @p2 $0x1  }
0x17: {  	s4 =	simm.s32 $0x1BF5;
	[smem:$0x3FA1] =	sst s0  }
0x18: {  	s0 =	sld [smem:$0x3F84];
	_ =	swait.ge [sflag:s4], $0x0  }
0x19: {  	s7 =	sld [smem:$0x3F85]  }
0x1a: {  	s8 =	sadd.s32 $0xFFFFE003, lr  }
0x1b: {  	s9 =	sadd.s32 $0xFFFFFEF7, lr;
	s5 =	simm.s32 $0xFFFFFFFF;
	p2 =	slt.u32 s8, $0xFFFFF086  }
0x1c: {  	p1 =	slt.u32 s9, $0xF7A;
	s5 =	simm.s32 @!p2 $0x0  }
0x1d: {  	s5 =	simm.s32 @p1 $0x1;
	p0 =	seq.s32 s7, s2  }
0x1e: {  	s7 =	smul.u32 @!p0 $0xF7A, s2;
	p2 =	seq.s32 @!p0 s5, $0x0  }
0x1f: {  	s9 =	smul.u32 $0xF7A, s1;
	s8 =	simm.s32 @!p0 $0x1BF5;
	p2 =	por !p2, p0  }
0x20: {  	[sflag:s8] =	ssyncset.s32 @!p0 $0xFFFFF086;
	s6 =	sadd.s32 @!p0 s3, s7;
	s7 =	simm.s32 @!p0 $0x108  }
0x21: {  	s3 =	sadd.s32 s3, s9;
	s6 =	sadd.s32 @!p0 $0x88, s6;
	s7 =	simm.s32 @p2 $0x1082  }
0x22: {  	[simem:s7], [sflag:s8] =	dma.local @!p0 [hbm:s6], $0xF7A  }
0x23: {  	s9 =	sor.u32 $0xD0000000, s2;
	s6 =	simm.s32 $0x108;
	_ =	swait.ge @!p0 [sflag:s8], $0x0  }
0x24: {  	s3 =	sadd.s32 $0x88, s3;
	s6 =	simm.s32 @!p1 $0x1082;
	[sflag:s4] =	ssyncset.s32 $0xFFFFF086  }
0x25: {  	[simem:s6], [sflag:s4] =	dma.local [hbm:s3], $0xF7A  }
0x26: {  	[smem:$0x3F85] =	sst s1;
	(tag) =	ssettag s2;
	_ =	strace s9  }
0x27: {  	s1 =	sld [smem:$0x3F95]  }
0x28: {  	s2 =	sld [smem:$0x3F96]  }
0x29: {  	s4 =	sld [smem:$0x3F98]  }
0x2a: {  	p0 =	seq.s32 s5, $0x0;
	s5 =	sld [smem:$0x3F99]  }
0x2b: {  	s6 =	sld [smem:$0x3F9A]  }
0x2c: {  	s7 =	sld [smem:$0x3F9B]  }
0x2d: {  	s3 =	simm.s32 $0x108;
	s8 =	sld [smem:$0x3F9C]  }
0x2e: {  	s3 =	simm.s32 @!p0 $0x1082;
	s9 =	sld [smem:$0x3F9D]  }
0x2f: {  	lr =	sadd.s32 s0, s3;
	s0 =	sld [smem:$0x3F94]  }
0x30: {  	s3 =	sld [smem:$0x3F97]  }
0x31: {  	[smem:$0x3FA0] =	sst s10  }
0x32: {  	s10 =	sld [smem:$0x3F9E];
	_ =	sdelay $0x3  }
0x33: {  	p0 =	seq.s32 s10, $0x1;
	s10 =	sld [smem:$0x3FA0];
	_ =	sdelay $0x3  }
0x34: {  	[smem:$0x3FA0] =	sst s10  }
0x35: {  	s10 =	sld [smem:$0x3F9F];
	_ =	sdelay $0x3  }
0x36: {  	p1 =	seq.s32 s10, $0x1;
	s10 =	sld [smem:$0x3FA0];
	_ =	sdelay $0x3  }
0x37: {  	[smem:$0x3FA0] =	sst s10  }
0x38: {  	s10 =	sld [smem:$0x3FA1]  }
0x39: {  	_ = 	snop;
	(pc) =	sbr.ind lr, $3  }
0x3a: {  	_ = 	snop  }
0x3b: {  	_ = 	snop  }
0x3c: {  	p2 =	seq.s32 s10, $0x1;
	s10 =	sld [smem:$0x3FA0]  }
0x3d: {  	_ =	shalt  }
0x3e: {  	_ =	shalt  }
0x3f: {  	_ =	shalt  }
0x40: {  	_ =	shalt  }
0x41: {  	_ =	shalt  }
0x42: {  	_ =	shalt  }
0x43: {  	_ =	shalt  }
0x44: {  	_ =	shalt  }
0x45: {  	_ =	shalt  }
0x46: {  	_ =	shalt  }
0x47: {  	_ =	shalt  }
0x48: {  	_ =	shalt  }
0x49: {  	_ =	shalt  }
0x4a: {  	_ =	shalt  }
0x4b: {  	_ =	shalt  }
0x4c: {  	_ =	shalt  }
0x4d: {  	_ =	shalt  }
0x4e: {  	_ =	shalt  }
0x4f: {  	_ =	shalt  }
0x50: {  	_ =	shalt  }
0x51: {  	_ =	shalt  }
0x52: {  	_ =	shalt  }
0x53: {  	_ =	shalt  }
0x54: {  	_ =	shalt  }
0x55: {  	_ =	shalt  }
0x56: {  	_ =	shalt  }
0x57: {  	_ =	shalt  }
0x58: {  	_ =	shalt  }
0x59: {  	_ =	shalt  }
0x5a: {  	_ =	shalt  }
0x5b: {  	_ =	shalt  }
0x5c: {  	_ =	shalt  }
0x5d: {  	_ =	shalt  }
0x5e: {  	_ =	shalt  }
0x5f: {  	_ =	shalt  }
0x60: {  	_ =	shalt  }
0x61: {  	_ =	shalt  }
0x62: {  	_ =	shalt  }
0x63: {  	_ =	shalt  }
0x64: {  	_ =	shalt  }
0x65: {  	_ =	shalt  }
0x66: {  	_ =	shalt  }
0x67: {  	_ =	shalt  }
0x68: {  	_ =	shalt  }
0x69: {  	_ =	shalt  }
0x6a: {  	_ =	shalt  }
0x6b: {  	_ =	shalt  }
0x6c: {  	_ =	shalt  }
0x6d: {  	_ =	shalt  }
0x6e: {  	_ =	shalt  }
0x6f: {  	_ =	shalt  }
0x70: {  	_ =	shalt  }
0x71: {  	_ =	shalt  }
0x72: {  	_ =	shalt  }
0x73: {  	_ =	shalt  }
0x74: {  	_ =	shalt  }
0x75: {  	_ =	shalt  }
0x76: {  	_ =	shalt  }
0x77: {  	_ =	shalt  }
0x78: {  	_ =	shalt  }
0x79: {  	_ =	shalt  }
0x7a: {  	_ =	shalt  }
0x7b: {  	_ =	shalt  }
0x7c: {  	_ =	shalt  }
0x7d: {  	_ =	shalt  }
0x7e: {  	_ =	shalt  }
0x7f: {  	_ =	shalt  }
0x80: {  	_ =	shalt  }
0x81: {  	_ =	shalt  }
0x82: {  	_ =	shalt  }
0x83: {  	_ =	shalt  }
0x84: {  	_ =	shalt  }
0x85: {  	_ =	shalt  }
0x86: {  	_ =	shalt  }
0x87: {  	_ =	shalt  }
.Lfunc_end0:
.L_simem_size_0:
called_computation.1_lowered:
.L_overlay_start_0:
0x88: {  	s2 =	sld [smem:$0x3FD9]  }
0x89: {  	s3 =	sld [smem:$0x3FFE];
	_ =	sdelay $0x1  }
0x8a: {  	s1 =	srdreg.scid  }
0x8b: {  	s0 =	sand.u32 $0x1, s1  }
0x8c: {  	s17 =	sshll.u32 s0, $0xA;
	s2 =	sadd.s32 s3, s2  }
0x8d: {  	s2 =	sadd.s32 s2, s17  }
0x8e: {  	[smem:$0x3FAC] =	sst s2  }
0x8f: {  	_ = 	snop  }
0x90: {  	s18 =	sld [smem:$0x3FD0];
	(tm) =	ssettm $0x1  }
0x91: {  	s19 =	sld [smem:$0x3FFB];
	_ =	sdelay $0x3  }
0x92: {  	_ =	strace s19  }
0x93: {  	s2 =	sld [smem:$0x3FFC];
	_ =	sdelay $0x3  }
0x94: {  	_ =	strace s2  }
0x95: {  	s2 =	sld [smem:$0x3FFD];
	_ =	sdelay $0x3  }
0x96: {  	_ =	strace s2  }
0x97: {  	_ =	strace $0x8FFFFFFF  }
0x98: {  	s20 =	sld [smem:$0x3FDB];
	_ =	sdelay $0x1  }
0x99: {  	s4 =	simm.s32 $_scs_section_size  }
0x9a: {  	s5 =	simm.s32 $_size__tile_overlayer_lowered;
	s6 =	simm.s32 $_tile_overlayer_lowered  }
0x9b: {  	s7 =	simm.s32 $0x1BFF;
	s21 =	sshll.u32 s6, $0x1;
	s4 =	sadd.s32 s4, s20  }
0x9c: {  	s22 =	simm.s32 $0x0;
	s5 =	sshll.u32 s5, $0x1;
	s6 =	sadd.s32 s21, s4  }
0x9d: {  	[timem:s22], [sflag:s7] =	dma.local [hbm:s6], s5  }
0x9e: {  	_ =	swait.ge [sflag:s7], s5  }
0x9f: {  	s5 =	ssub.s32 $0x0, s5;
	[sflag:s7] =	ssyncset.done $0x0  }
0xa0: {  	[sflag:s7] =	ssyncadd.s32 s5;
	_ =	sdelay $0x1  }
0xa1: {  	s23 =	simm.s32 $0x1B8B  }
0xa2: {  	_ =	swait.ge [sflag:s23], $0x1  }
0xa3: {  	[sflag:s23] =	ssyncset.done $0x0  }
0xa4: {  	[sflag:s23] =	ssyncadd.s32 $0xFFFFFFFF  }
0xa5: {  	s5 =	sld [smem:$0x0]  }
0xa6: {  	s6 =	sand.u32 $0xFFFFFFFE, s1  }
0xa7: {  	p0 =	sne.s32 s1, s6  }
0xa8: {  	s6 =	sshll.u32 @p0 s6, $0xE  }
0xa9: {  	s6 =	sadd.s32 @p0 $0x11B8D, s6;
	s7 =	sshll.u32 @p0 s5, $0x11  }
0xaa: {  	s6 =	sor.u32 @p0 s7, s6  }
0xab: {  	[sflag:s6] =	ssyncadd.remote.s32 @p0 $0x1;
	_ =	sdelay $0x1  }
0xac: {  	s6 =	simm.s32 @p0 $0x1B8D  }
0xad: {  	_ =	swait.eq @p0 [sflag:s6], $0x1  }
0xae: {  	[sflag:s6] =	ssyncadd.s32 @p0 $0xFFFFFFFF  }
0xaf: {  	s7 =	sshll.u32 @!p0 s1, $0xE  }
0xb0: {  	s7 =	sor.u32 @!p0 $0x4000, s7;
	s6 =	simm.s32 @!p0 $0x1B8D  }
0xb1: {  	s5 =	sshll.u32 @!p0 s5, $0x11;
	s7 =	sadd.s32 @!p0 $0x11B8D, s7;
	_ =	swait.eq @!p0 [sflag:s6], $0x1  }
0xb2: {  	s5 =	sor.u32 @!p0 s5, s7;
	[sflag:s6] =	ssyncadd.s32 @!p0 $0xFFFFFFFF  }
0xb3: {  	s25 =	simm.s32 $0x1B8E;
	s24 =	sld [smem:$0x3FFE];
	[sflag:s5] =	ssyncadd.remote.s32 @!p0 $0x1  }
0xb4: {  	s26 =	simm.s32 $execute0_lowered;
	[smem:$0x3FD2] =	sst s25  }
0xb5: {  	s6 =	sshll.u32 s26, $0x1;
	_ =	strace $0x80000049;
	[dreg:$0x1] =	wrdreg $0xFFFFFFFF  }
0xb6: {  	s28 =	simm.s32 $_size_execute0_lowered;
	s4 =	sadd.s32 s4, s6;
	[dreg:$0x0] =	wrdreg $0x0  }
0xb7: {  	s6 =	sshll.u32 s28, $0x1;
	[dreg:$0x2] =	wrdreg s4  }
0xb8: {  	[dreg:$0x3] =	wrdreg s6  }
0xb9: {  	[dreg:$0x4] =	wrdreg $0xC0  }
0xba: {  	_ =	task [dreg:s22], $0x5FFFF  }
0xbb: {  	[dreg:$0x1] =	wrdreg $0xFFFFFFFF  }
0xbc: {  	[dreg:$0x0] =	wrdreg $0x60  }
0xbd: {  	[dreg:$0x2] =	wrdreg s24  }
0xbe: {  	[dreg:$0x3] =	wrdreg s18  }
0xbf: {  	[dreg:$0x4] =	wrdreg $0xC4000  }
0xc0: {  	[dreg:$0x5] =	wrdreg $0xA  }
0xc1: {  	_ =	task.clear_ibuf [dreg:s22], $0x6FFFF;
	_ =	strace $0x90000049  }
0xc2: {  	s29 =	simm.s32 $0xA;
	_ =	strace $0x8000004B  }
0xc3: {  	_ =	swait.ge [sflag:s29], $0x1  }
0xc4: {  	[sflag:s29] =	ssyncadd.s32 $0xFFFFFFFF  }
0xc5: {  	_ =	strace $0x9000004B  }
0xc6: {  	_ =	sfence  }
0xc7: {  	s30 =	sld [smem:$0x0];
	_ =	sdelay $0x2  }
0xc8: {  	s31 =	sshll.u32 s1, $0xD;
	s1 =	sshrl.u32 s1, $0x2  }
0xc9: {  	s4 =	sand.u32 $0x4000, s31;
	s1 =	sadd.s32 s1, s30  }
0xca: {  	s0 =	sor.u32 s4, s0;
	s1 =	sshll.u32 s1, $0x11  }
0xcb: {  	s0 =	sor.u32 s1, s0  }
0xcc: {  	s0 =	sadd.s32 $0x8F2B, s0  }
0xcd: {  	[sflag:s0] =	ssyncadd.remote.s32 $0x1  }
0xce: {  	_ =	sfence.sel $0xFFFF  }
0xcf: {  	[dreg:$0x0] =	wrdreg $0xFFFFFFFF;
	(pc) =	sbr.abs _section_cstart, $3  }
0xd0: {  	[dreg:$0x1] =	wrdreg $0xFFFFFFFF  }
0xd1: {  	_ =	task.clear_ibuf [dreg:s22], $0x2FFFF;
	_ =	strace $0x9FFFFFFF  }
0xd2: {  	(tm) =	ssettm $0x7FFFFFFF  }
0xd3: {  	_ =	shalt  }
tec
execute0_lowered:
.L_overlay_start_1:
0x0: {  	(tag) =	ssettag $0x1  }
0x1: {  	s0 =	rddreg [dreg:$0x0]  }
0x2: {  	s1 =	rddreg [dreg:$0x1]  }
0x3: {  	s2 =	rddreg [dreg:$0x2]  }
0x4: {  	s3 =	simm.s32 $0x0;
	s4 =	srdreg.scid;
	s13 =	stileid.u32  }
0x5: {  	s29 =	simm.s32 $0x100;
	s28 =	simm.s32 $0x1;
	s30 =	simm.s32 $0x0  }
0x6: {  	[smem:$0x7FF] =	sst s3;
	s5 =	sadd.s32 $0x3A200, s0;
	s6 =	sadd.s32 $0x61400, s0  }
0x7: {  	s7 =	sadd.s32 $0x9800, s0;
	s4 =	sand.u32 $0x1, s4;
	s8 =	smul.u32 $0x7D000, s13  }
0x8: {  	s9 =	sadd.s32 $0xF000, s0;
	s11 =	sadd.s32 $0x88600, s0;
	s0 =	sadd.s32 $0xAF800, s0  }
0x9: {  	p0 =	sgt.u32 s13, $0x9;
	_ =	strace $0x8000004A;
	[dreg:$0x4] =	wrdreg s9  }
0xa: {  	s31 =	smul.u32 $0x3E80, s13;
	p2 =	slt.u32 s13, $0xA;
	[dreg:$0x5] =	wrdreg s11  }
0xb: {  	s10 =	ssub.s32 $0x2, s4;
	s9 =	smul.u32 $0x2800, s13;
	[dreg:$0x6] =	wrdreg s0  }
0xc: {  	p1 =	sne.s32 s4, $0x0;
	s18 =	sshrl.u32 s10, $0x1;
	s8 =	sshrl.u32 s8, $0x2  }
0xd: {  	[dreg:$0xc] =	wrdreg s31;
	s0 =	ssub.s32 s10, s18;
	s19 =	sshrl.u32 s9, $0x3  }
0xe: {  	s12 =	sadd.s32 s8, s2;
	s10 =	simm.s32 $0x2;
	s20 =	sadd.s32 s1, s19  }
0xf: {  	s21 =	sor.u32 $0x10, s19;
	s22 =	sadd.s32 s7, s19;
	[dreg:$0x7] =	wrdreg s20  }
0x10: {  	s24 =	sor.u32 $0x20, s19;
	s26 =	sor.u32 $0x30, s19;
	[dreg:$0x8] =	wrdreg s22  }
.Ltmp0:
0x11: {  	s23 =	sadd.s32 s1, s21;
	s8 =	sadd.s32 s7, s21;
	(pc) =	sbr.rel .LBB2_1-.Ltmp0, $4  }
0x12: {  	s25 =	sadd.s32 s1, s24;
	s18 =	sadd.s32 s7, s24;
	s19 =	sadd.s32 s1, s26  }
0x13: {  	s20 =	sadd.s32 s7, s26;
	s22 =	smax.u32 s0, $0x1;
	[dreg:$0x9] =	wrdreg s23  }
0x14: {  	s24 =	simm.s32 $0x3;
	[dreg:$0xa] =	wrdreg s8;
	s8 =	sshll.u32 @!p0 s13, $0x6  }
0x15: {  	s26 =	simm.s32 $0x80;
	[dreg:$0xb] =	wrdreg s25;
	s23 =	sor.u32 @!p0 $0x1C03, s8  }
.LBB2_8:
0x16: {  	s4 =	stileid.u32  }
0x17: {  	s8 =	rddreg [dreg:$0xc];
	s4 =	sshll.u32 s4, $0x6  }
0x18: {  	s31 =	sshrl.u32 s12, $0x3;
	s0 =	sadd.s32 s0, s8;
	s4 =	sor.u32 $0x1C03, s4  }
0x19: {  	[hbm:s0], [sflag:s4] =	dma.local [spmem:s31], $0x3E80  }
0x1a: {  	_ =	swait.ge [sflag:s24], $0x3E80  }
0x1b: {  	[sflag:s24] =	ssyncset.done $0x0  }
0x1c: {  	[sflag:s24] =	ssyncadd.s32 $0xFFFFC180  }
.LBB2_9:
0x1d: {  	s30 =	sadd.s32 $0x1, s30  }
0x1e: {  	p3 =	sne.s32 s30, s22  }
.Ltmp1:
0x1f: {  	_ = 	snop;
	(pc) =	sbr.rel @!p3 .LBB2_10-.Ltmp1, $1  }
0x20: {  	_ =	sdelay $0x3  }
.LBB2_1:
0x21: {  	s0 =	sshrl.u32 @!p0 s12, $0x3;
	s4 =	rddreg [dreg:$0x4]  }
0x22: {  	[spmem:s0], [sflag:s23] =	dma.local @!p0 [hbm:s4], $0x3E80  }
0x23: {  	s0 =	simm.s32 @!p0 $0x3  }
0x24: {  	_ =	swait.ge @!p0 [sflag:s0], $0x3E80  }
0x25: {  	[sflag:s0] =	ssyncset.done @!p0 $0x0  }
0x26: {  	s8 =	rddreg [dreg:$0x7];
	[sflag:s0] =	ssyncadd.s32 @!p0 $0xFFFFC180  }
0x27: {  	[tilespmem:s3], [sflag:$0x3] =	stream.linear.gather [hbm4b:s8+s3], $0x80, $0x38;
	[tilespmem:$0x1FCC0] =	vst v63  }
0x28: {  	_ =	swait.ge [sflag:s24], $0x80  }
0x29: {  	[sflag:s24] =	ssyncset.done $0x0  }
0x2a: {  	s13 =	simm.s32 $0x200;
	s11 =	rddreg [dreg:$0x8];
	[sflag:s24] =	ssyncadd.s32 $0xFFFFFF80  }
0x2b: {  	[tilespmem:s13], [sflag:$0x3] =	stream.linear.gather [hbm4b:s11+s3], $0x80, $0x38;
	[tilespmem:$0x1FCC0] =	vst v63  }
0x2c: {  	_ =	swait.ge [sflag:s24], $0x80  }
0x2d: {  	[sflag:s24] =	ssyncset.done $0x0  }
0x2e: {  	[sflag:s24] =	ssyncadd.s32 $0xFFFFFF80  }
0x2f: {  	[bflag:$0x0] =	sbarrier.arrive $0xFFFF  }
0x30: {  	s14 =	rddreg [dreg:$0x9]  }
0x31: {  	[tilespmem:s26], [sflag:$0x2] =	stream.linear.gather [hbm4b:s14+s3], $0x80, $0x38;
	[tilespmem:$0x1FCC0] =	vst v63  }
0x32: {  	s16 =	simm.s32 $0x280;
	s15 =	rddreg [dreg:$0xa]  }
0x33: {  	[tilespmem:s16], [sflag:$0x2] =	stream.linear.gather [hbm4b:s15+s3], $0x80, $0x38;
	[tilespmem:$0x1FCC0] =	vst v63  }
0x34: {  	s17 =	rddreg [dreg:$0xb]  }
0x35: {  	[tilespmem:s29], [sflag:$0x2] =	stream.linear.gather [hbm4b:s17+s3], $0x80, $0x38;
	[tilespmem:$0x1FCC0] =	vst v63  }
0x36: {  	s21 =	simm.s32 $0x300  }
0x37: {  	[tilespmem:s21], [sflag:$0x2] =	stream.linear.gather [hbm4b:s18+s3], $0x80, $0x38;
	[tilespmem:$0x1FCC0] =	vst v63  }
.Ltmp2:
0x38: {  	_ = 	snop;
	(pc) =	sbr.rel @p1 .LBB2_5-.Ltmp2, $4  }
0x39: {  	s25 =	simm.s32 $0x180  }
0x3a: {  	[tilespmem:s25], [sflag:$0x2] =	stream.linear.gather [hbm4b:s19+s3], $0x80, $0x38;
	[tilespmem:$0x1FCC0] =	vst v63  }
0x3b: {  	s31 =	simm.s32 $0x380;
	s4 =	simm.s32 $0x400;
	s0 =	simm.s32 $0x0  }
0x3c: {  	[tilespmem:s31], [sflag:$0x2] =	stream.linear.gather [hbm4b:s20+s3], $0x80, $0x38;
	[tilespmem:$0x1FCC0] =	vst v63  }
0x3d: {  	[tilespmem:s4], [sflag:$0x1] =	stream.indirect.gather [hbm4b:s5+s26], $0x80, s0, s26, $0xb8;
	[tilespmem:$0x1FCC0] =	vst v63  }
0x3e: {  	_ =	swait.ge [sflag:s10], $0x80  }
0x3f: {  	[sflag:s10] =	ssyncset.done $0x0  }
0x40: {  	[sflag:s10] =	ssyncadd.s32 $0xFFFFFF80  }
0x41: {  	_ =	swait.ge [sflag:s10], $0x80  }
0x42: {  	[sflag:s10] =	ssyncset.done $0x0  }
0x43: {  	s16 =	simm.s32 $0x4400;
	s17 =	smul.u32 $0xAB, s0;
	[sflag:s10] =	ssyncadd.s32 $0xFFFFFF80  }
0x44: {  	[tilespmem:s16], [sflag:$0x1] =	stream.indirect.gather [hbm4b:s5+s26], $0x80, s26, s26, $0xb8;
	[tilespmem:$0x1FCC0] =	vst v63  }
0x45: {  	_ =	swait.ge [sflag:s10], $0x80  }
0x46: {  	s0 =	sshrl.u32 s17, $0x9;
	[sflag:s10] =	ssyncset.done $0x0  }
0x47: {  	s21 =	simm.s32 $0x8400;
	s0 =	sand.u32 $0x7F, s0;
	[sflag:s10] =	ssyncadd.s32 $0xFFFFFF80  }
0x48: {  	s13 =	simm.s32 $0x600;
	s0 =	smul.u32 $0x3, s0;
	_ =	swait.ge [sflag:s10], $0x80  }
0x49: {  	s25 =	simm.s32 $0x0;
	s14 =	simm.s32 $0x200;
	[sflag:s10] =	ssyncset.done $0x0  }
0x4a: {  	p4 =	por $0x0, $0x0;
	s0 =	ssub.s32 $0x0, s0;
	[sflag:s10] =	ssyncadd.s32 $0xFFFFFF80  }
0x4b: {  	[tilespmem:s21], [sflag:$0x1] =	stream.indirect.gather [hbm4b:s5+s26], $0x80, s29, s26, $0xb8;
	[tilespmem:$0x1FCC0] =	vst v63  }
0x4c: {  	s25 =	sand.u32 $0x180, s25;
	s0 =	sand.u32 $0xFF, s0;
	_ =	swait.ge [sflag:s28], $0x4000  }
0x4d: {  	p3 =	por @!p4 $0x0, $0x0;
	s0 =	sshll.u32 s0, $0xE;
	[sflag:s28] =	ssyncset.done $0x0  }
0x4e: {  	s4 =	sor.u32 $0x200, s25;
	s8 =	sor.u32 $0x400, s0;
	[sflag:s28] =	ssyncadd.s32 $0xFFFFC000  }
0x4f: {  	[spmem:s2] =	stream.indirect.scatter.add.f32 [tilespmem:s8], [sflag:$0x3], $0x80, s4, s26, $0xb8;
	[tilespmem:$0x1FCC0] =	vst v63  }
0x50: {  	s31 =	simm.s32 $0x800;
	p3 =	por p3, p4;
	_ =	swait.ge [sflag:s24], $0x4000  }
0x51: {  	s15 =	simm.s32 @!p4 $0x2;
	s17 =	sand.u32 @!p3 $0x7C00, s14;
	[sflag:s24] =	ssyncset.done $0x0  }
0x52: {  	s14 =	sand.u32 @!p3 $0x380, s14;
	s21 =	simm.s32 $0x1;
	[sflag:s24] =	ssyncadd.s32 $0xFFFFC000  }
0x53: {  	s17 =	sadd.s32 @!p3 s9, s17;
	s16 =	smul.u32 $0xAB, s21;
	_ =	swait.ge @!p4 [sflag:s15], $0x80  }
0x54: {  	s11 =	simm.s32 $0xA00;
	s14 =	sor.u32 @!p3 s14, s17;
	[sflag:s15] =	ssyncset.done @!p4 $0x0  }
0x55: {  	s17 =	sand.u32 @!p4 $0x600, s13;
	s16 =	sshrl.u32 s16, $0x9;
	[sflag:s15] =	ssyncadd.s32 @!p4 $0xFFFFFF80  }
0x56: {  	s13 =	sshrl.u32 @!p3 s14, $0x3;
	s16 =	sand.u32 $0x7F, s16;
	_ =	swait.ge @!p4 [sflag:s15], $0x80  }
0x57: {  	s0 =	simm.s32 $0x280;
	s14 =	smul.u32 $0x3, s16;
	[sflag:s15] =	ssyncset.done @!p4 $0x0  }
0x58: {  	s16 =	simm.s32 @!p4 $0x80;
	[sflag:s15] =	ssyncadd.s32 @!p4 $0xFFFFFF80;
	s15 =	sshrl.u32 @!p4 s17, $0x2  }
.LBB2_3:
0x59: {  	[tilespmem:s8], [sflag:$0x1] =	stream.indirect.gather @!p4 [hbm4b:s5+s16], $0x80, s15, s16, $0xb8;
	[tilespmem:$0x1FCC0] =	vst v63  }
0x5a: {  	s15 =	smov.u32 s31;
	s31 =	smov.u32 s11;
	s16 =	smov.u32 s0  }
0x5b: {  	s17 =	simm.s32 @!p3 $0x0;
	s8 =	ssub.s32 s21, s14;
	s14 =	sadd.s32 @!p3 s1, s13  }
0x5c: {  	[tilespmem:s25], [sflag:$0x2] =	stream.linear.gather @!p3 [hbm4b:s14+s17], $0x80, $0x38;
	[tilespmem:$0x1FCC0] =	vst v63  }
0x5d: {  	s11 =	sadd.s32 $0x200, s11;
	s13 =	sadd.s32 @!p3 s7, s13;
	s8 =	sand.u32 $0xFF, s8  }
0x5e: {  	[tilespmem:s4], [sflag:$0x2] =	stream.linear.gather @!p3 [hbm4b:s13+s17], $0x80, $0x38;
	[tilespmem:$0x1FCC0] =	vst v63  }
0x5f: {  	s4 =	sshll.u32 s8, $0xE;
	s8 =	sadd.s32 $0xFFFFFE00, s0;
	_ =	swait.ge [sflag:s28], $0x4000  }
0x60: {  	p5 =	seq.s32 s11, $0xA400;
	s25 =	sand.u32 $0x180, s8;
	[sflag:s28] =	ssyncset.done $0x0  }
0x61: {  	s8 =	sor.u32 $0x400, s4;
	s4 =	sor.u32 $0x200, s25;
	[sflag:s28] =	ssyncadd.s32 $0xFFFFC000  }
0x62: {  	[spmem:s2] =	stream.indirect.scatter.add.f32 [tilespmem:s8], [sflag:$0x3], $0x80, s4, s26, $0xb8;
	[tilespmem:$0x1FCC0] =	vst v63  }
0x63: {  	_ =	swait.ge [sflag:s24], $0x4000  }
0x64: {  	p4 =	sgt.u32 s21, $0x4B;
	s0 =	sadd.s32 $0x80, s0;
	[sflag:s24] =	ssyncset.done $0x0  }
0x65: {  	s13 =	simm.s32 @!p4 $0x2;
	p3 =	seq.s32 @!p4 s15, $0x9C00;
	[sflag:s24] =	ssyncadd.s32 $0xFFFFC000  }
0x66: {  	s21 =	sadd.s32 $0x1, s21;
	p3 =	por p3, p4;
	_ =	swait.ge @!p4 [sflag:s13], $0x80  }
0x67: {  	s14 =	smul.u32 $0xAB, s21;
	s17 =	sand.u32 @!p3 $0x7C00, s16;
	[sflag:s13] =	ssyncset.done @!p4 $0x0  }
.Ltmp3:
0x68: {  	s16 =	sand.u32 @!p3 $0x380, s16;
	[sflag:s13] =	ssyncadd.s32 @!p4 $0xFFFFFF80;
	(pc) =	sbr.rel @!p5 .LBB2_3-.Ltmp3, $4  }
0x69: {  	s14 =	sshrl.u32 s14, $0x9;
	s17 =	sadd.s32 @!p3 s9, s17;
	_ =	swait.ge @!p4 [sflag:s13], $0x80  }
0x6a: {  	s14 =	sand.u32 $0x7F, s14;
	s16 =	sor.u32 @!p3 s16, s17;
	[sflag:s13] =	ssyncset.done @!p4 $0x0  }
0x6b: {  	s15 =	sand.u32 @!p4 $0x600, s15;
	[sflag:s13] =	ssyncadd.s32 @!p4 $0xFFFFFF80;
	s13 =	sshrl.u32 @!p3 s16, $0x3  }
0x6c: {  	s15 =	sshrl.u32 @!p4 s15, $0x2;
	s14 =	smul.u32 $0x3, s14;
	s16 =	simm.s32 @!p4 $0x80  }
0x6d: {  	[tilespmem:s8], [sflag:$0x1] =	stream.indirect.gather @!p4 [hbm4b:s5+s16], $0x80, s15, s16, $0xb8;
	[tilespmem:$0x1FCC0] =	vst v63  }
0x6e: {  	s8 =	sadd.s32 @!p3 s1, s13;
	s11 =	simm.s32 @!p3 $0x0  }
0x6f: {  	[tilespmem:s25], [sflag:$0x2] =	stream.linear.gather @!p3 [hbm4b:s8+s11], $0x80, $0x38;
	[tilespmem:$0x1FCC0] =	vst v63  }
0x70: {  	s13 =	sadd.s32 @!p3 s7, s13;
	s16 =	ssub.s32 s21, s14  }
0x71: {  	[tilespmem:s4], [sflag:$0x2] =	stream.linear.gather @!p3 [hbm4b:s13+s11], $0x80, $0x38;
	[tilespmem:$0x1FCC0] =	vst v63  }
0x72: {  	s17 =	sand.u32 $0xFF, s16;
	s25 =	sadd.s32 $0xFFFFFE00, s0;
	_ =	swait.ge [sflag:s28], $0x4000  }
0x73: {  	s8 =	sand.u32 $0x180, s25;
	s4 =	sshll.u32 s17, $0xE;
	[sflag:s28] =	ssyncset.done $0x0  }
0x74: {  	s11 =	sor.u32 $0x200, s8;
	s4 =	sor.u32 $0x400, s4;
	[sflag:s28] =	ssyncadd.s32 $0xFFFFC000  }
0x75: {  	[spmem:s2] =	stream.indirect.scatter.add.f32 [tilespmem:s4], [sflag:$0x3], $0x80, s11, s26, $0xb8;
	[tilespmem:$0x1FCC0] =	vst v63  }
0x76: {  	_ =	swait.ge [sflag:s24], $0x4000  }
0x77: {  	p3 =	sgt.u32 s21, $0x4B;
	[sflag:s24] =	ssyncset.done $0x0  }
0x78: {  	s13 =	simm.s32 @!p3 $0x2;
	p4 =	seq.s32 @!p3 s31, $0x9C00;
	[sflag:s24] =	ssyncadd.s32 $0xFFFFC000  }
0x79: {  	p4 =	por p4, p3;
	_ =	swait.ge @!p3 [sflag:s13], $0x80  }
0x7a: {  	s14 =	sand.u32 @!p4 $0x7C00, s0;
	[sflag:s13] =	ssyncset.done @!p3 $0x0  }
0x7b: {  	s0 =	sand.u32 @!p4 $0x380, s0;
	s14 =	sadd.s32 @!p4 s9, s14;
	[sflag:s13] =	ssyncadd.s32 @!p3 $0xFFFFFF80  }
0x7c: {  	s0 =	sor.u32 @!p4 s0, s14;
	_ =	swait.ge @!p3 [sflag:s13], $0x80  }
0x7d: {  	s14 =	sand.u32 @!p3 $0x600, s31;
	s0 =	sshrl.u32 @!p4 s0, $0x3;
	[sflag:s13] =	ssyncset.done @!p3 $0x0  }
0x7e: {  	[sflag:s13] =	ssyncadd.s32 @!p3 $0xFFFFFF80;
	s13 =	sshrl.u32 @!p3 s14, $0x2;
	s14 =	simm.s32 @!p3 $0x80  }
0x7f: {  	[tilespmem:s4], [sflag:$0x1] =	stream.indirect.gather @!p3 [hbm4b:s5+s14], $0x80, s13, s14, $0xb8;
	[tilespmem:$0x1FCC0] =	vst v63  }
0x80: {  	s4 =	sadd.s32 @!p4 s1, s0;
	s13 =	simm.s32 @!p4 $0x0  }
0x81: {  	[tilespmem:s8], [sflag:$0x2] =	stream.linear.gather @!p4 [hbm4b:s4+s13], $0x80, $0x38;
	[tilespmem:$0x1FCC0] =	vst v63  }
.Ltmp4:
0x82: {  	_ = 	snop;
	(pc) =	sbr.rel @p0 .LBB2_9-.Ltmp4, $4  }
.Ltmp5:
0x83: {  	s0 =	sadd.s32 @!p4 s7, s0;
	(pc) =	sbr.rel @!p0 .LBB2_8-.Ltmp5, $4  }
0x84: {  	[tilespmem:s11], [sflag:$0x2] =	stream.linear.gather @!p4 [hbm4b:s0+s13], $0x80, $0x38;
	[tilespmem:$0x1FCC0] =	vst v63  }
0x85: {  	[bflag:$0x0] =	sbarrier.arrive $0xFFFF  }
0x86: {  	s0 =	rddreg [dreg:$0x5]  }
0x87: {  	_ = 	snop  }
.LBB2_5:
0x88: {  	[tilespmem:s4], [sflag:$0x1] =	stream.indirect.gather [hbm4b:s6+s26], $0x80, s0, s26, $0xb8;
	[tilespmem:$0x1FCC0] =	vst v63  }
0x89: {  	_ =	swait.ge [sflag:s10], $0x80  }
0x8a: {  	[sflag:s10] =	ssyncset.done $0x0  }
0x8b: {  	[sflag:s10] =	ssyncadd.s32 $0xFFFFFF80  }
0x8c: {  	_ =	swait.ge [sflag:s10], $0x80  }
0x8d: {  	[sflag:s10] =	ssyncset.done $0x0  }
0x8e: {  	s16 =	simm.s32 $0x4400;
	s17 =	smul.u32 $0xAB, s0;
	[sflag:s10] =	ssyncadd.s32 $0xFFFFFF80  }
0x8f: {  	[tilespmem:s16], [sflag:$0x1] =	stream.indirect.gather [hbm4b:s6+s26], $0x80, s26, s26, $0xb8;
	[tilespmem:$0x1FCC0] =	vst v63  }
0x90: {  	_ =	swait.ge [sflag:s10], $0x80  }
0x91: {  	s0 =	sshrl.u32 s17, $0x9;
	[sflag:s10] =	ssyncset.done $0x0  }
0x92: {  	s21 =	simm.s32 $0x8400;
	s0 =	sand.u32 $0x7F, s0;
	[sflag:s10] =	ssyncadd.s32 $0xFFFFFF80  }
0x93: {  	s13 =	simm.s32 $0x600;
	s0 =	smul.u32 $0x3, s0;
	_ =	swait.ge [sflag:s10], $0x80  }
0x94: {  	s25 =	simm.s32 $0x0;
	s14 =	simm.s32 $0x200;
	[sflag:s10] =	ssyncset.done $0x0  }
0x95: {  	p4 =	por $0x0, $0x0;
	s0 =	ssub.s32 $0x0, s0;
	[sflag:s10] =	ssyncadd.s32 $0xFFFFFF80  }
0x96: {  	[tilespmem:s21], [sflag:$0x1] =	stream.indirect.gather [hbm4b:s6+s26], $0x80, s29, s26, $0xb8;
	[tilespmem:$0x1FCC0] =	vst v63  }
0x97: {  	s25 =	sand.u32 $0x180, s25;
	s0 =	sand.u32 $0xFF, s0;
	_ =	swait.ge [sflag:s28], $0x4000  }
0x98: {  	p3 =	por @!p4 $0x0, $0x0;
	s0 =	sshll.u32 s0, $0xE;
	[sflag:s28] =	ssyncset.done $0x0  }
0x99: {  	s4 =	sor.u32 $0x200, s25;
	s8 =	sor.u32 $0x400, s0;
	[sflag:s28] =	ssyncadd.s32 $0xFFFFC000  }
0x9a: {  	[spmem:s2] =	stream.indirect.scatter.add.f32 [tilespmem:s8], [sflag:$0x3], $0x80, s4, s26, $0xb8;
	[tilespmem:$0x1FCC0] =	vst v63  }
0x9b: {  	s31 =	simm.s32 $0x800;
	p3 =	por p3, p4;
	_ =	swait.ge [sflag:s24], $0x4000  }
0x9c: {  	s15 =	simm.s32 @!p4 $0x2;
	s17 =	sand.u32 @!p3 $0x7C00, s14;
	[sflag:s24] =	ssyncset.done $0x0  }
0x9d: {  	s14 =	sand.u32 @!p3 $0x380, s14;
	s21 =	simm.s32 $0x1;
	[sflag:s24] =	ssyncadd.s32 $0xFFFFC000  }
0x9e: {  	s17 =	sadd.s32 @!p3 s9, s17;
	s16 =	smul.u32 $0xAB, s21;
	_ =	swait.ge @!p4 [sflag:s15], $0x80  }
0x9f: {  	s11 =	simm.s32 $0xA00;
	s14 =	sor.u32 @!p3 s14, s17;
	[sflag:s15] =	ssyncset.done @!p4 $0x0  }
0xa0: {  	s17 =	sand.u32 @!p4 $0x600, s13;
	s16 =	sshrl.u32 s16, $0x9;
	[sflag:s15] =	ssyncadd.s32 @!p4 $0xFFFFFF80  }
0xa1: {  	s13 =	sshrl.u32 @!p3 s14, $0x3;
	s16 =	sand.u32 $0x7F, s16;
	_ =	swait.ge @!p4 [sflag:s15], $0x80  }
0xa2: {  	s0 =	simm.s32 $0x280;
	s14 =	smul.u32 $0x3, s16;
	[sflag:s15] =	ssyncset.done @!p4 $0x0  }
0xa3: {  	s16 =	simm.s32 @!p4 $0x80;
	[sflag:s15] =	ssyncadd.s32 @!p4 $0xFFFFFF80;
	s15 =	sshrl.u32 @!p4 s17, $0x2  }
.LBB2_6:
0xa4: {  	[tilespmem:s8], [sflag:$0x1] =	stream.indirect.gather @!p4 [hbm4b:s6+s16], $0x80, s15, s16, $0xb8;
	[tilespmem:$0x1FCC0] =	vst v63  }
0xa5: {  	s15 =	smov.u32 s31;
	s31 =	smov.u32 s11;
	s16 =	smov.u32 s0  }
0xa6: {  	s17 =	simm.s32 @!p3 $0x0;
	s8 =	ssub.s32 s21, s14;
	s14 =	sadd.s32 @!p3 s1, s13  }
0xa7: {  	[tilespmem:s25], [sflag:$0x2] =	stream.linear.gather @!p3 [hbm4b:s14+s17], $0x80, $0x38;
	[tilespmem:$0x1FCC0] =	vst v63  }
0xa8: {  	s11 =	sadd.s32 $0x200, s11;
	s13 =	sadd.s32 @!p3 s7, s13;
	s8 =	sand.u32 $0xFF, s8  }
0xa9: {  	[tilespmem:s4], [sflag:$0x2] =	stream.linear.gather @!p3 [hbm4b:s13+s17], $0x80, $0x38;
	[tilespmem:$0x1FCC0] =	vst v63  }
0xaa: {  	s4 =	sshll.u32 s8, $0xE;
	s8 =	sadd.s32 $0xFFFFFE00, s0;
	_ =	swait.ge [sflag:s28], $0x4000  }
0xab: {  	p5 =	sne.s32 s11, $0xA400;
	s25 =	sand.u32 $0x180, s8;
	[sflag:s28] =	ssyncset.done $0x0  }
0xac: {  	s8 =	sor.u32 $0x400, s4;
	s4 =	sor.u32 $0x200, s25;
	[sflag:s28] =	ssyncadd.s32 $0xFFFFC000  }
0xad: {  	[spmem:s2] =	stream.indirect.scatter.add.f32 [tilespmem:s8], [sflag:$0x3], $0x80, s4, s26, $0xb8;
	[tilespmem:$0x1FCC0] =	vst v63  }
0xae: {  	_ =	swait.ge [sflag:s24], $0x4000  }
0xaf: {  	p4 =	sgt.u32 s21, $0x4B;
	s0 =	sadd.s32 $0x80, s0;
	[sflag:s24] =	ssyncset.done $0x0  }
0xb0: {  	s13 =	simm.s32 @!p4 $0x2;
	p3 =	seq.s32 @!p4 s15, $0x9C00;
	[sflag:s24] =	ssyncadd.s32 $0xFFFFC000  }
0xb1: {  	s21 =	sadd.s32 $0x1, s21;
	p3 =	por p3, p4;
	_ =	swait.ge @!p4 [sflag:s13], $0x80  }
0xb2: {  	s14 =	smul.u32 $0xAB, s21;
	s17 =	sand.u32 @!p3 $0x7C00, s16;
	[sflag:s13] =	ssyncset.done @!p4 $0x0  }
.Ltmp6:
0xb3: {  	s16 =	sand.u32 @!p3 $0x380, s16;
	[sflag:s13] =	ssyncadd.s32 @!p4 $0xFFFFFF80;
	(pc) =	sbr.rel @p5 .LBB2_6-.Ltmp6, $4  }
0xb4: {  	s14 =	sshrl.u32 s14, $0x9;
	s17 =	sadd.s32 @!p3 s9, s17;
	_ =	swait.ge @!p4 [sflag:s13], $0x80  }
0xb5: {  	s14 =	sand.u32 $0x7F, s14;
	s16 =	sor.u32 @!p3 s16, s17;
	[sflag:s13] =	ssyncset.done @!p4 $0x0  }
0xb6: {  	s15 =	sand.u32 @!p4 $0x600, s15;
	[sflag:s13] =	ssyncadd.s32 @!p4 $0xFFFFFF80;
	s13 =	sshrl.u32 @!p3 s16, $0x3  }
0xb7: {  	s15 =	sshrl.u32 @!p4 s15, $0x2;
	s14 =	smul.u32 $0x3, s14;
	s16 =	simm.s32 @!p4 $0x80  }
0xb8: {  	[tilespmem:s8], [sflag:$0x1] =	stream.indirect.gather @!p4 [hbm4b:s6+s16], $0x80, s15, s16, $0xb8;
	[tilespmem:$0x1FCC0] =	vst v63  }
0xb9: {  	s8 =	sadd.s32 @!p3 s1, s13;
	s11 =	simm.s32 @!p3 $0x0  }
0xba: {  	[tilespmem:s25], [sflag:$0x2] =	stream.linear.gather @!p3 [hbm4b:s8+s11], $0x80, $0x38;
	[tilespmem:$0x1FCC0] =	vst v63  }
0xbb: {  	s13 =	sadd.s32 @!p3 s7, s13;
	s16 =	ssub.s32 s21, s14  }
0xbc: {  	[tilespmem:s4], [sflag:$0x2] =	stream.linear.gather @!p3 [hbm4b:s13+s11], $0x80, $0x38;
	[tilespmem:$0x1FCC0] =	vst v63  }
0xbd: {  	s17 =	sand.u32 $0xFF, s16;
	s25 =	sadd.s32 $0xFFFFFE00, s0;
	_ =	swait.ge [sflag:s28], $0x4000  }
0xbe: {  	s8 =	sand.u32 $0x180, s25;
	s4 =	sshll.u32 s17, $0xE;
	[sflag:s28] =	ssyncset.done $0x0  }
0xbf: {  	s11 =	sor.u32 $0x200, s8;
	s4 =	sor.u32 $0x400, s4;
	[sflag:s28] =	ssyncadd.s32 $0xFFFFC000  }
0xc0: {  	[spmem:s2] =	stream.indirect.scatter.add.f32 [tilespmem:s4], [sflag:$0x3], $0x80, s11, s26, $0xb8;
	[tilespmem:$0x1FCC0] =	vst v63  }
0xc1: {  	_ =	swait.ge [sflag:s24], $0x4000  }
0xc2: {  	p3 =	sgt.u32 s21, $0x4B;
	[sflag:s24] =	ssyncset.done $0x0  }
0xc3: {  	s13 =	simm.s32 @!p3 $0x2;
	p4 =	seq.s32 @!p3 s31, $0x9C00;
	[sflag:s24] =	ssyncadd.s32 $0xFFFFC000  }
0xc4: {  	p4 =	por p4, p3;
	_ =	swait.ge @!p3 [sflag:s13], $0x80  }
0xc5: {  	s14 =	sand.u32 @!p4 $0x7C00, s0;
	[sflag:s13] =	ssyncset.done @!p3 $0x0  }
0xc6: {  	s0 =	sand.u32 @!p4 $0x380, s0;
	s14 =	sadd.s32 @!p4 s9, s14;
	[sflag:s13] =	ssyncadd.s32 @!p3 $0xFFFFFF80  }
0xc7: {  	s0 =	sor.u32 @!p4 s0, s14;
	_ =	swait.ge @!p3 [sflag:s13], $0x80  }
0xc8: {  	s14 =	sand.u32 @!p3 $0x600, s31;
	s0 =	sshrl.u32 @!p4 s0, $0x3;
	[sflag:s13] =	ssyncset.done @!p3 $0x0  }
0xc9: {  	[sflag:s13] =	ssyncadd.s32 @!p3 $0xFFFFFF80;
	s13 =	sshrl.u32 @!p3 s14, $0x2;
	s14 =	simm.s32 @!p3 $0x80  }
0xca: {  	[tilespmem:s4], [sflag:$0x1] =	stream.indirect.gather @!p3 [hbm4b:s6+s14], $0x80, s13, s14, $0xb8;
	[tilespmem:$0x1FCC0] =	vst v63  }
0xcb: {  	s4 =	sadd.s32 @!p4 s1, s0;
	s13 =	simm.s32 @!p4 $0x0  }
0xcc: {  	[tilespmem:s8], [sflag:$0x2] =	stream.linear.gather @!p4 [hbm4b:s4+s13], $0x80, $0x38;
	[tilespmem:$0x1FCC0] =	vst v63  }
.Ltmp7:
0xcd: {  	_ = 	snop;
	(pc) =	sbr.rel @!p2 .LBB2_9-.Ltmp7, $4  }
.Ltmp8:
0xce: {  	s0 =	sadd.s32 @!p4 s7, s0;
	(pc) =	sbr.rel @p2 .LBB2_8-.Ltmp8, $4  }
0xcf: {  	[tilespmem:s11], [sflag:$0x2] =	stream.linear.gather @!p4 [hbm4b:s0+s13], $0x80, $0x38;
	[tilespmem:$0x1FCC0] =	vst v63  }
0xd0: {  	[bflag:$0x0] =	sbarrier.arrive $0xFFFF  }
0xd1: {  	s0 =	rddreg [dreg:$0x6]  }
0xd2: {  	_ = 	snop  }
.LBB2_10:
0xd3: {  	_ =	sfence.sel $0x180000  }
0xd4: {  	[bflag:$0x0] =	sbarrier.arrive $0xFFFF  }
0xd5: {  	_ =	strace $0x9000004A  }
0xd6: {  	s0 =	stileid.u32;
	[bflag:$0x2] =	sbarrier.arrive $0xFFFF  }
0xd7: {  	p0 =	sne.s32 s0, $0x0;
	s0 =	rddreg [dreg:$0x3]  }
0xd8: {  	s0 =	sadd.s32 @!p0 $0x100000, s0  }
0xd9: {  	[sflag:s0] =	ssyncadd.tile.s32 @!p0 $0x1;
	_ =	shalt  }
.Lfunc_end2:
_tile_overlayer_lowered:
.L_overlay_start_2:
0xda: {  	(tag) =	ssettag $0x2  }
0xdb: {  	s0 =	rddreg [dreg:$0x0];
	s2 =	stileid.u32  }
0xdc: {  	s1 =	rddreg [dreg:$0x1];
	p0 =	sne.s32 s2, $0x0  }
0xdd: {  	s3 =	rddreg [dreg:$0x2];
	[bflag:$0x3] =	sbarrier.arrive $0xFFFF;
	s2 =	simm.s32 @!p0 $0x1C03  }
0xde: {  	[timem:s3], [sflag:s2] =	dma.local @!p0 [hbm:s0], s1  }
0xdf: {  	s0 =	simm.s32 @!p0 $0x3  }
0xe0: {  	_ =	swait.ge @!p0 [sflag:s0], s1  }
0xe1: {  	s1 =	ssub.s32 @!p0 $0x0, s1;
	[sflag:s0] =	ssyncset.done @!p0 $0x0  }
0xe2: {  	[sflag:s0] =	ssyncadd.s32 @!p0 s1  }
0xe3: {  	[bflag:$0x3] =	sbarrier.arrive $0xFFFF  }
0xe4: {  	_ =	shalt  }

// kernel: kernel.19.cloned.1.call-start
scs
__scs_entry_jumppad:
0x0: {  	(pc) =	sbr.rel $0x88, $3  }
0x1: {  	(tag) =	ssettag $0x0;
	lr =	simm.s32 $0x1  }
0x2: {  	[smem:$0x3F85] =	sst lr;
	_ =	strace $0xD0000000  }
0x3: {  	_ = 	snop  }
0x4: {  	_ = 	snop  }
0x5: {  	_ = 	snop  }
0x6: {  	_ = 	snop  }
0x7: {  	_ = 	snop  }
__scs_overlays_trampoline_lowered:
0x8: {  	[smem:$0x3F94] =	sst s0  }
0x9: {  	[smem:$0x3F95] =	sst s1  }
0xa: {  	[smem:$0x3F96] =	sst s2  }
0xb: {  	[smem:$0x3F97] =	sst s3  }
0xc: {  	[smem:$0x3F98] =	sst s4  }
0xd: {  	[smem:$0x3F99] =	sst s5  }
0xe: {  	[smem:$0x3F9A] =	sst s6  }
0xf: {  	[smem:$0x3F9B] =	sst s7  }
0x10: {  	[smem:$0x3F9C] =	sst s8  }
0x11: {  	[smem:$0x3F9D] =	sst s9;
	s0 =	simm.s32 @!p0 $0x0  }
0x12: {  	s1 =	sld [smem:$0x3F83];
	s0 =	simm.s32 @p0 $0x1  }
0x13: {  	[smem:$0x3F9E] =	sst s0;
	s0 =	simm.s32 @!p1 $0x0  }
0x14: {  	s2 =	sld [smem:$0x3F82];
	s0 =	simm.s32 @p1 $0x1  }
0x15: {  	[smem:$0x3F9F] =	sst s0;
	s0 =	simm.s32 @!p2 $0x0  }
0x16: {  	s3 =	sld [smem:$0x3FDB];
	s0 =	simm.s32 @p2 $0x1  }
0x17: {  	s4 =	simm.s32 $0x1BF5;
	[smem:$0x3FA1] =	sst s0  }
0x18: {  	s0 =	sld [smem:$0x3F84];
	_ =	swait.ge [sflag:s4], $0x0  }
0x19: {  	s7 =	sld [smem:$0x3F85]  }
0x1a: {  	s8 =	sadd.s32 $0xFFFFE003, lr  }
0x1b: {  	s9 =	sadd.s32 $0xFFFFFEF7, lr;
	s5 =	simm.s32 $0xFFFFFFFF;
	p2 =	slt.u32 s8, $0xFFFFF086  }
0x1c: {  	p1 =	slt.u32 s9, $0xF7A;
	s5 =	simm.s32 @!p2 $0x0  }
0x1d: {  	s5 =	simm.s32 @p1 $0x1;
	p0 =	seq.s32 s7, s2  }
0x1e: {  	s7 =	smul.u32 @!p0 $0xF7A, s2;
	p2 =	seq.s32 @!p0 s5, $0x0  }
0x1f: {  	s9 =	smul.u32 $0xF7A, s1;
	s8 =	simm.s32 @!p0 $0x1BF5;
	p2 =	por !p2, p0  }
0x20: {  	[sflag:s8] =	ssyncset.s32 @!p0 $0xFFFFF086;
	s6 =	sadd.s32 @!p0 s3, s7;
	s7 =	simm.s32 @!p0 $0x108  }
0x21: {  	s3 =	sadd.s32 s3, s9;
	s6 =	sadd.s32 @!p0 $0x88, s6;
	s7 =	simm.s32 @p2 $0x1082  }
0x22: {  	[simem:s7], [sflag:s8] =	dma.local @!p0 [hbm:s6], $0xF7A  }
0x23: {  	s9 =	sor.u32 $0xD0000000, s2;
	s6 =	simm.s32 $0x108;
	_ =	swait.ge @!p0 [sflag:s8], $0x0  }
0x24: {  	s3 =	sadd.s32 $0x88, s3;
	s6 =	simm.s32 @!p1 $0x1082;
	[sflag:s4] =	ssyncset.s32 $0xFFFFF086  }
0x25: {  	[simem:s6], [sflag:s4] =	dma.local [hbm:s3], $0xF7A  }
0x26: {  	[smem:$0x3F85] =	sst s1;
	(tag) =	ssettag s2;
	_ =	strace s9  }
0x27: {  	s1 =	sld [smem:$0x3F95]  }
0x28: {  	s2 =	sld [smem:$0x3F96]  }
0x29: {  	s4 =	sld [smem:$0x3F98]  }
0x2a: {  	p0 =	seq.s32 s5, $0x0;
	s5 =	sld [smem:$0x3F99]  }
0x2b: {  	s6 =	sld [smem:$0x3F9A]  }
0x2c: {  	s7 =	sld [smem:$0x3F9B]  }
0x2d: {  	s3 =	simm.s32 $0x108;
	s8 =	sld [smem:$0x3F9C]  }
0x2e: {  	s3 =	simm.s32 @!p0 $0x1082;
	s9 =	sld [smem:$0x3F9D]  }
0x2f: {  	lr =	sadd.s32 s0, s3;
	s0 =	sld [smem:$0x3F94]  }
0x30: {  	s3 =	sld [smem:$0x3F97]  }
0x31: {  	[smem:$0x3FA0] =	sst s10  }
0x32: {  	s10 =	sld [smem:$0x3F9E];
	_ =	sdelay $0x3  }
0x33: {  	p0 =	seq.s32 s10, $0x1;
	s10 =	sld [smem:$0x3FA0];
	_ =	sdelay $0x3  }
0x34: {  	[smem:$0x3FA0] =	sst s10  }
0x35: {  	s10 =	sld [smem:$0x3F9F];
	_ =	sdelay $0x3  }
0x36: {  	p1 =	seq.s32 s10, $0x1;
	s10 =	sld [smem:$0x3FA0];
	_ =	sdelay $0x3  }
0x37: {  	[smem:$0x3FA0] =	sst s10  }
0x38: {  	s10 =	sld [smem:$0x3FA1]  }
0x39: {  	_ = 	snop;
	(pc) =	sbr.ind lr, $3  }
0x3a: {  	_ = 	snop  }
0x3b: {  	_ = 	snop  }
0x3c: {  	p2 =	seq.s32 s10, $0x1;
	s10 =	sld [smem:$0x3FA0]  }
0x3d: {  	_ =	shalt  }
0x3e: {  	_ =	shalt  }
0x3f: {  	_ =	shalt  }
0x40: {  	_ =	shalt  }
0x41: {  	_ =	shalt  }
0x42: {  	_ =	shalt  }
0x43: {  	_ =	shalt  }
0x44: {  	_ =	shalt  }
0x45: {  	_ =	shalt  }
0x46: {  	_ =	shalt  }
0x47: {  	_ =	shalt  }
0x48: {  	_ =	shalt  }
0x49: {  	_ =	shalt  }
0x4a: {  	_ =	shalt  }
0x4b: {  	_ =	shalt  }
0x4c: {  	_ =	shalt  }
0x4d: {  	_ =	shalt  }
0x4e: {  	_ =	shalt  }
0x4f: {  	_ =	shalt  }
0x50: {  	_ =	shalt  }
0x51: {  	_ =	shalt  }
0x52: {  	_ =	shalt  }
0x53: {  	_ =	shalt  }
0x54: {  	_ =	shalt  }
0x55: {  	_ =	shalt  }
0x56: {  	_ =	shalt  }
0x57: {  	_ =	shalt  }
0x58: {  	_ =	shalt  }
0x59: {  	_ =	shalt  }
0x5a: {  	_ =	shalt  }
0x5b: {  	_ =	shalt  }
0x5c: {  	_ =	shalt  }
0x5d: {  	_ =	shalt  }
0x5e: {  	_ =	shalt  }
0x5f: {  	_ =	shalt  }
0x60: {  	_ =	shalt  }
0x61: {  	_ =	shalt  }
0x62: {  	_ =	shalt  }
0x63: {  	_ =	shalt  }
0x64: {  	_ =	shalt  }
0x65: {  	_ =	shalt  }
0x66: {  	_ =	shalt  }
0x67: {  	_ =	shalt  }
0x68: {  	_ =	shalt  }
0x69: {  	_ =	shalt  }
0x6a: {  	_ =	shalt  }
0x6b: {  	_ =	shalt  }
0x6c: {  	_ =	shalt  }
0x6d: {  	_ =	shalt  }
0x6e: {  	_ =	shalt  }
0x6f: {  	_ =	shalt  }
0x70: {  	_ =	shalt  }
0x71: {  	_ =	shalt  }
0x72: {  	_ =	shalt  }
0x73: {  	_ =	shalt  }
0x74: {  	_ =	shalt  }
0x75: {  	_ =	shalt  }
0x76: {  	_ =	shalt  }
0x77: {  	_ =	shalt  }
0x78: {  	_ =	shalt  }
0x79: {  	_ =	shalt  }
0x7a: {  	_ =	shalt  }
0x7b: {  	_ =	shalt  }
0x7c: {  	_ =	shalt  }
0x7d: {  	_ =	shalt  }
0x7e: {  	_ =	shalt  }
0x7f: {  	_ =	shalt  }
0x80: {  	_ =	shalt  }
0x81: {  	_ =	shalt  }
0x82: {  	_ =	shalt  }
0x83: {  	_ =	shalt  }
0x84: {  	_ =	shalt  }
0x85: {  	_ =	shalt  }
0x86: {  	_ =	shalt  }
0x87: {  	_ =	shalt  }
.Lfunc_end0:
.L_simem_size_0:
called_computation.2_lowered:
.L_overlay_start_0:
0x88: {  	s2 =	sld [smem:$0x3FD9]  }
0x89: {  	s3 =	sld [smem:$0x3FFE];
	_ =	sdelay $0x1  }
0x8a: {  	s1 =	srdreg.scid  }
0x8b: {  	s0 =	sand.u32 $0x1, s1  }
0x8c: {  	s17 =	sshll.u32 s0, $0xA;
	s2 =	sadd.s32 s3, s2  }
0x8d: {  	s2 =	sadd.s32 s2, s17  }
0x8e: {  	[smem:$0x3FAC] =	sst s2  }
0x8f: {  	_ = 	snop  }
0x90: {  	s2 =	sld [smem:$0x3FD0];
	(tm) =	ssettm $0x1  }
0x91: {  	s18 =	sld [smem:$0x3FFB];
	_ =	sdelay $0x3  }
0x92: {  	_ =	strace s18  }
0x93: {  	s3 =	sld [smem:$0x3FFC];
	_ =	sdelay $0x3  }
0x94: {  	_ =	strace s3  }
0x95: {  	s3 =	sld [smem:$0x3FFD];
	_ =	sdelay $0x3  }
0x96: {  	_ =	strace s3  }
0x97: {  	_ =	strace $0x8FFFFFFF  }
0x98: {  	s19 =	sld [smem:$0x3FDB];
	_ =	sdelay $0x1  }
0x99: {  	s4 =	simm.s32 $_scs_section_size  }
0x9a: {  	s5 =	simm.s32 $_size__tile_overlayer_lowered;
	s6 =	simm.s32 $_tile_overlayer_lowered  }
0x9b: {  	s22 =	simm.s32 $0x1BFF;
	s21 =	sshll.u32 s6, $0x1;
	s3 =	sadd.s32 s4, s19  }
0x9c: {  	s7 =	simm.s32 $0x0;
	s20 =	sshll.u32 s5, $0x1;
	s5 =	sadd.s32 s21, s3  }
0x9d: {  	[timem:s7], [sflag:s22] =	dma.local [hbm:s5], s20  }
0x9e: {  	_ =	swait.ge [sflag:s22], s20  }
0x9f: {  	s4 =	ssub.s32 $0x0, s20;
	[sflag:s22] =	ssyncset.done $0x0  }
0xa0: {  	[sflag:s22] =	ssyncadd.s32 s4;
	_ =	sdelay $0x1  }
0xa1: {  	s23 =	simm.s32 $0x1B8B  }
0xa2: {  	_ =	swait.ge [sflag:s23], $0x1  }
0xa3: {  	[sflag:s23] =	ssyncset.done $0x0  }
0xa4: {  	s25 =	simm.s32 $0x1B8E;
	s24 =	sld [smem:$0x3FFE];
	[sflag:s23] =	ssyncadd.s32 $0xFFFFFFFF  }
0xa5: {  	s26 =	simm.s32 $execute0_lowered;
	[smem:$0x3FD2] =	sst s25  }
0xa6: {  	s5 =	sshll.u32 s26, $0x1;
	_ =	strace $0x8000004C;
	[dreg:$0x1] =	wrdreg $0xFFFFFFFF  }
0xa7: {  	s28 =	simm.s32 $_size_execute0_lowered;
	s3 =	sadd.s32 s3, s5;
	[dreg:$0x0] =	wrdreg $0x0  }
0xa8: {  	s5 =	sshll.u32 s28, $0x1;
	[dreg:$0x2] =	wrdreg s3  }
0xa9: {  	[dreg:$0x3] =	wrdreg s5  }
0xaa: {  	[dreg:$0x4] =	wrdreg $0xC0  }
0xab: {  	_ =	task [dreg:s7], $0x5FFFF  }
0xac: {  	[dreg:$0x1] =	wrdreg $0xFFFFFFFF  }
0xad: {  	[dreg:$0x0] =	wrdreg $0x60  }
0xae: {  	[dreg:$0x2] =	wrdreg s24  }
0xaf: {  	[dreg:$0x3] =	wrdreg s2  }
0xb0: {  	[dreg:$0x4] =	wrdreg $0xC4000  }
0xb1: {  	[dreg:$0x5] =	wrdreg $0x9  }
0xb2: {  	_ =	task.clear_ibuf [dreg:s7], $0x6FFFF;
	_ =	strace $0x9000004C  }
0xb3: {  	s29 =	simm.s32 $0x9;
	_ =	strace $0x8000004E  }
0xb4: {  	_ =	swait.ge [sflag:s29], $0x1  }
0xb5: {  	[sflag:s29] =	ssyncadd.s32 $0xFFFFFFFF  }
0xb6: {  	_ =	strace $0x9000004E  }
0xb7: {  	_ =	sfence  }
0xb8: {  	s30 =	sld [smem:$0x0];
	_ =	sdelay $0x2  }
0xb9: {  	s31 =	sshll.u32 s1, $0xD;
	s1 =	sshrl.u32 s1, $0x2  }
0xba: {  	s3 =	sand.u32 $0x4000, s31;
	s1 =	sadd.s32 s1, s30  }
0xbb: {  	s0 =	sor.u32 s3, s0;
	s1 =	sshll.u32 s1, $0x11  }
0xbc: {  	s0 =	sor.u32 s1, s0  }
0xbd: {  	s0 =	sadd.s32 $0x8F2B, s0  }
0xbe: {  	[sflag:s0] =	ssyncadd.remote.s32 $0x1  }
0xbf: {  	_ =	sfence.sel $0xFFFF  }
0xc0: {  	[dreg:$0x0] =	wrdreg $0xFFFFFFFF;
	(pc) =	sbr.abs _section_cstart, $3  }
0xc1: {  	[dreg:$0x1] =	wrdreg $0xFFFFFFFF  }
0xc2: {  	_ =	task.clear_ibuf [dreg:s7], $0x2FFFF;
	_ =	strace $0x9FFFFFFF  }
0xc3: {  	(tm) =	ssettm $0x7FFFFFFF  }
tec
execute0_lowered:
.L_overlay_start_1:
0x0: {  	(tag) =	ssettag $0x1  }
0x1: {  	s0 =	rddreg [dreg:$0x0]  }
0x2: {  	s1 =	rddreg [dreg:$0x1]  }
0x3: {  	s2 =	rddreg [dreg:$0x2]  }
0x4: {  	s3 =	simm.s32 $0x0;
	s4 =	srdreg.scid;
	s13 =	stileid.u32  }
0x5: {  	s29 =	simm.s32 $0x100;
	s28 =	simm.s32 $0x1;
	s30 =	simm.s32 $0x0  }
0x6: {  	[smem:$0x7FF] =	sst s3;
	s5 =	sadd.s32 $0x3A200, s0;
	s6 =	sadd.s32 $0x61400, s0  }
0x7: {  	s7 =	sadd.s32 $0x9800, s0;
	s4 =	sand.u32 $0x1, s4;
	s8 =	smul.u32 $0x7D000, s13  }
0x8: {  	s9 =	sadd.s32 $0xF000, s0;
	s11 =	sadd.s32 $0x88600, s0;
	s0 =	sadd.s32 $0xAF800, s0  }
0x9: {  	p0 =	sgt.u32 s13, $0x9;
	_ =	strace $0x8000004D;
	[dreg:$0x4] =	wrdreg s9  }
0xa: {  	s31 =	smul.u32 $0x3E80, s13;
	p2 =	slt.u32 s13, $0xA;
	[dreg:$0x5] =	wrdreg s11  }
0xb: {  	s10 =	ssub.s32 $0x2, s4;
	s9 =	smul.u32 $0x2800, s13;
	[dreg:$0x6] =	wrdreg s0  }
0xc: {  	p1 =	sne.s32 s4, $0x0;
	s18 =	sshrl.u32 s10, $0x1;
	s8 =	sshrl.u32 s8, $0x2  }
0xd: {  	[dreg:$0xc] =	wrdreg s31;
	s0 =	ssub.s32 s10, s18;
	s19 =	sshrl.u32 s9, $0x3  }
0xe: {  	s12 =	sadd.s32 s8, s2;
	s10 =	simm.s32 $0x2;
	s20 =	sadd.s32 s1, s19  }
0xf: {  	s21 =	sor.u32 $0x10, s19;
	s22 =	sadd.s32 s7, s19;
	[dreg:$0x7] =	wrdreg s20  }
0x10: {  	s24 =	sor.u32 $0x20, s19;
	s26 =	sor.u32 $0x30, s19;
	[dreg:$0x8] =	wrdreg s22  }
.Ltmp0:
0x11: {  	s23 =	sadd.s32 s1, s21;
	s8 =	sadd.s32 s7, s21;
	(pc) =	sbr.rel .LBB2_1-.Ltmp0, $4  }
0x12: {  	s25 =	sadd.s32 s1, s24;
	s18 =	sadd.s32 s7, s24;
	s19 =	sadd.s32 s1, s26  }
0x13: {  	s20 =	sadd.s32 s7, s26;
	s22 =	smax.u32 s0, $0x1;
	[dreg:$0x9] =	wrdreg s23  }
0x14: {  	s24 =	simm.s32 $0x3;
	[dreg:$0xa] =	wrdreg s8;
	s8 =	sshll.u32 @!p0 s13, $0x6  }
0x15: {  	s26 =	simm.s32 $0x80;
	[dreg:$0xb] =	wrdreg s25;
	s23 =	sor.u32 @!p0 $0x1C03, s8  }
.LBB2_8:
0x16: {  	s4 =	stileid.u32  }
0x17: {  	s8 =	rddreg [dreg:$0xc];
	s4 =	sshll.u32 s4, $0x6  }
0x18: {  	s31 =	sshrl.u32 s12, $0x3;
	s0 =	sadd.s32 s0, s8;
	s4 =	sor.u32 $0x1C03, s4  }
0x19: {  	[hbm:s0], [sflag:s4] =	dma.local [spmem:s31], $0x3E80  }
0x1a: {  	_ =	swait.ge [sflag:s24], $0x3E80  }
0x1b: {  	[sflag:s24] =	ssyncset.done $0x0  }
0x1c: {  	[sflag:s24] =	ssyncadd.s32 $0xFFFFC180  }
.LBB2_9:
0x1d: {  	s30 =	sadd.s32 $0x1, s30  }
0x1e: {  	p3 =	sne.s32 s30, s22  }
.Ltmp1:
0x1f: {  	_ = 	snop;
	(pc) =	sbr.rel @!p3 .LBB2_10-.Ltmp1, $1  }
0x20: {  	_ =	sdelay $0x3  }
.LBB2_1:
0x21: {  	s0 =	sshrl.u32 @!p0 s12, $0x3;
	s4 =	rddreg [dreg:$0x4]  }
0x22: {  	[spmem:s0], [sflag:s23] =	dma.local @!p0 [hbm:s4], $0x3E80  }
0x23: {  	s0 =	simm.s32 @!p0 $0x3  }
0x24: {  	_ =	swait.ge @!p0 [sflag:s0], $0x3E80  }
0x25: {  	[sflag:s0] =	ssyncset.done @!p0 $0x0  }
0x26: {  	s8 =	rddreg [dreg:$0x7];
	[sflag:s0] =	ssyncadd.s32 @!p0 $0xFFFFC180  }
0x27: {  	[tilespmem:s3], [sflag:$0x3] =	stream.linear.gather [hbm4b:s8+s3], $0x80, $0x38;
	[tilespmem:$0x1FCC0] =	vst v63  }
0x28: {  	_ =	swait.ge [sflag:s24], $0x80  }
0x29: {  	[sflag:s24] =	ssyncset.done $0x0  }
0x2a: {  	s13 =	simm.s32 $0x200;
	s11 =	rddreg [dreg:$0x8];
	[sflag:s24] =	ssyncadd.s32 $0xFFFFFF80  }
0x2b: {  	[tilespmem:s13], [sflag:$0x3] =	stream.linear.gather [hbm4b:s11+s3], $0x80, $0x38;
	[tilespmem:$0x1FCC0] =	vst v63  }
0x2c: {  	_ =	swait.ge [sflag:s24], $0x80  }
0x2d: {  	[sflag:s24] =	ssyncset.done $0x0  }
0x2e: {  	[sflag:s24] =	ssyncadd.s32 $0xFFFFFF80  }
0x2f: {  	[bflag:$0x0] =	sbarrier.arrive $0xFFFF  }
0x30: {  	s14 =	rddreg [dreg:$0x9]  }
0x31: {  	[tilespmem:s26], [sflag:$0x2] =	stream.linear.gather [hbm4b:s14+s3], $0x80, $0x38;
	[tilespmem:$0x1FCC0] =	vst v63  }
0x32: {  	s16 =	simm.s32 $0x280;
	s15 =	rddreg [dreg:$0xa]  }
0x33: {  	[tilespmem:s16], [sflag:$0x2] =	stream.linear.gather [hbm4b:s15+s3], $0x80, $0x38;
	[tilespmem:$0x1FCC0] =	vst v63  }
0x34: {  	s17 =	rddreg [dreg:$0xb]  }
0x35: {  	[tilespmem:s29], [sflag:$0x2] =	stream.linear.gather [hbm4b:s17+s3], $0x80, $0x38;
	[tilespmem:$0x1FCC0] =	vst v63  }
0x36: {  	s21 =	simm.s32 $0x300  }
0x37: {  	[tilespmem:s21], [sflag:$0x2] =	stream.linear.gather [hbm4b:s18+s3], $0x80, $0x38;
	[tilespmem:$0x1FCC0] =	vst v63  }
.Ltmp2:
0x38: {  	_ = 	snop;
	(pc) =	sbr.rel @p1 .LBB2_5-.Ltmp2, $4  }
0x39: {  	s25 =	simm.s32 $0x180  }
0x3a: {  	[tilespmem:s25], [sflag:$0x2] =	stream.linear.gather [hbm4b:s19+s3], $0x80, $0x38;
	[tilespmem:$0x1FCC0] =	vst v63  }
0x3b: {  	s31 =	simm.s32 $0x380;
	s4 =	simm.s32 $0x400;
	s0 =	simm.s32 $0x0  }
0x3c: {  	[tilespmem:s31], [sflag:$0x2] =	stream.linear.gather [hbm4b:s20+s3], $0x80, $0x38;
	[tilespmem:$0x1FCC0] =	vst v63  }
0x3d: {  	[tilespmem:s4], [sflag:$0x1] =	stream.indirect.gather [hbm4b:s5+s26], $0x80, s0, s26, $0xb8;
	[tilespmem:$0x1FCC0] =	vst v63  }
0x3e: {  	_ =	swait.ge [sflag:s10], $0x80  }
0x3f: {  	[sflag:s10] =	ssyncset.done $0x0  }
0x40: {  	[sflag:s10] =	ssyncadd.s32 $0xFFFFFF80  }
0x41: {  	_ =	swait.ge [sflag:s10], $0x80  }
0x42: {  	[sflag:s10] =	ssyncset.done $0x0  }
0x43: {  	s16 =	simm.s32 $0x4400;
	s17 =	smul.u32 $0xAB, s0;
	[sflag:s10] =	ssyncadd.s32 $0xFFFFFF80  }
0x44: {  	[tilespmem:s16], [sflag:$0x1] =	stream.indirect.gather [hbm4b:s5+s26], $0x80, s26, s26, $0xb8;
	[tilespmem:$0x1FCC0] =	vst v63  }
0x45: {  	_ =	swait.ge [sflag:s10], $0x80  }
0x46: {  	s0 =	sshrl.u32 s17, $0x9;
	[sflag:s10] =	ssyncset.done $0x0  }
0x47: {  	s21 =	simm.s32 $0x8400;
	s0 =	sand.u32 $0x7F, s0;
	[sflag:s10] =	ssyncadd.s32 $0xFFFFFF80  }
0x48: {  	s13 =	simm.s32 $0x600;
	s0 =	smul.u32 $0x3, s0;
	_ =	swait.ge [sflag:s10], $0x80  }
0x49: {  	s25 =	simm.s32 $0x0;
	s14 =	simm.s32 $0x200;
	[sflag:s10] =	ssyncset.done $0x0  }
0x4a: {  	p4 =	por $0x0, $0x0;
	s0 =	ssub.s32 $0x0, s0;
	[sflag:s10] =	ssyncadd.s32 $0xFFFFFF80  }
0x4b: {  	[tilespmem:s21], [sflag:$0x1] =	stream.indirect.gather [hbm4b:s5+s26], $0x80, s29, s26, $0xb8;
	[tilespmem:$0x1FCC0] =	vst v63  }
0x4c: {  	s25 =	sand.u32 $0x180, s25;
	s0 =	sand.u32 $0xFF, s0;
	_ =	swait.ge [sflag:s28], $0x4000  }
0x4d: {  	p3 =	por @!p4 $0x0, $0x0;
	s0 =	sshll.u32 s0, $0xE;
	[sflag:s28] =	ssyncset.done $0x0  }
0x4e: {  	s4 =	sor.u32 $0x200, s25;
	s8 =	sor.u32 $0x400, s0;
	[sflag:s28] =	ssyncadd.s32 $0xFFFFC000  }
0x4f: {  	[spmem:s2] =	stream.indirect.scatter.add.f32 [tilespmem:s8], [sflag:$0x3], $0x80, s4, s26, $0xb8;
	[tilespmem:$0x1FCC0] =	vst v63  }
0x50: {  	s31 =	simm.s32 $0x800;
	p3 =	por p3, p4;
	_ =	swait.ge [sflag:s24], $0x4000  }
0x51: {  	s15 =	simm.s32 @!p4 $0x2;
	s17 =	sand.u32 @!p3 $0x7C00, s14;
	[sflag:s24] =	ssyncset.done $0x0  }
0x52: {  	s14 =	sand.u32 @!p3 $0x380, s14;
	s21 =	simm.s32 $0x1;
	[sflag:s24] =	ssyncadd.s32 $0xFFFFC000  }
0x53: {  	s17 =	sadd.s32 @!p3 s9, s17;
	s16 =	smul.u32 $0xAB, s21;
	_ =	swait.ge @!p4 [sflag:s15], $0x80  }
0x54: {  	s11 =	simm.s32 $0xA00;
	s14 =	sor.u32 @!p3 s14, s17;
	[sflag:s15] =	ssyncset.done @!p4 $0x0  }
0x55: {  	s17 =	sand.u32 @!p4 $0x600, s13;
	s16 =	sshrl.u32 s16, $0x9;
	[sflag:s15] =	ssyncadd.s32 @!p4 $0xFFFFFF80  }
0x56: {  	s13 =	sshrl.u32 @!p3 s14, $0x3;
	s16 =	sand.u32 $0x7F, s16;
	_ =	swait.ge @!p4 [sflag:s15], $0x80  }
0x57: {  	s0 =	simm.s32 $0x280;
	s14 =	smul.u32 $0x3, s16;
	[sflag:s15] =	ssyncset.done @!p4 $0x0  }
0x58: {  	s16 =	simm.s32 @!p4 $0x80;
	[sflag:s15] =	ssyncadd.s32 @!p4 $0xFFFFFF80;
	s15 =	sshrl.u32 @!p4 s17, $0x2  }
.LBB2_3:
0x59: {  	[tilespmem:s8], [sflag:$0x1] =	stream.indirect.gather @!p4 [hbm4b:s5+s16], $0x80, s15, s16, $0xb8;
	[tilespmem:$0x1FCC0] =	vst v63  }
0x5a: {  	s15 =	smov.u32 s31;
	s31 =	smov.u32 s11;
	s16 =	smov.u32 s0  }
0x5b: {  	s17 =	simm.s32 @!p3 $0x0;
	s8 =	ssub.s32 s21, s14;
	s14 =	sadd.s32 @!p3 s1, s13  }
0x5c: {  	[tilespmem:s25], [sflag:$0x2] =	stream.linear.gather @!p3 [hbm4b:s14+s17], $0x80, $0x38;
	[tilespmem:$0x1FCC0] =	vst v63  }
0x5d: {  	s11 =	sadd.s32 $0x200, s11;
	s13 =	sadd.s32 @!p3 s7, s13;
	s8 =	sand.u32 $0xFF, s8  }
0x5e: {  	[tilespmem:s4], [sflag:$0x2] =	stream.linear.gather @!p3 [hbm4b:s13+s17], $0x80, $0x38;
	[tilespmem:$0x1FCC0] =	vst v63  }
0x5f: {  	s4 =	sshll.u32 s8, $0xE;
	s8 =	sadd.s32 $0xFFFFFE00, s0;
	_ =	swait.ge [sflag:s28], $0x4000  }
0x60: {  	p5 =	seq.s32 s11, $0xA400;
	s25 =	sand.u32 $0x180, s8;
	[sflag:s28] =	ssyncset.done $0x0  }
0x61: {  	s8 =	sor.u32 $0x400, s4;
	s4 =	sor.u32 $0x200, s25;
	[sflag:s28] =	ssyncadd.s32 $0xFFFFC000  }
0x62: {  	[spmem:s2] =	stream.indirect.scatter.add.f32 [tilespmem:s8], [sflag:$0x3], $0x80, s4, s26, $0xb8;
	[tilespmem:$0x1FCC0] =	vst v63  }
0x63: {  	_ =	swait.ge [sflag:s24], $0x4000  }
0x64: {  	p4 =	sgt.u32 s21, $0x4B;
	s0 =	sadd.s32 $0x80, s0;
	[sflag:s24] =	ssyncset.done $0x0  }
0x65: {  	s13 =	simm.s32 @!p4 $0x2;
	p3 =	seq.s32 @!p4 s15, $0x9C00;
	[sflag:s24] =	ssyncadd.s32 $0xFFFFC000  }
0x66: {  	s21 =	sadd.s32 $0x1, s21;
	p3 =	por p3, p4;
	_ =	swait.ge @!p4 [sflag:s13], $0x80  }
0x67: {  	s14 =	smul.u32 $0xAB, s21;
	s17 =	sand.u32 @!p3 $0x7C00, s16;
	[sflag:s13] =	ssyncset.done @!p4 $0x0  }
.Ltmp3:
0x68: {  	s16 =	sand.u32 @!p3 $0x380, s16;
	[sflag:s13] =	ssyncadd.s32 @!p4 $0xFFFFFF80;
	(pc) =	sbr.rel @!p5 .LBB2_3-.Ltmp3, $4  }
0x69: {  	s14 =	sshrl.u32 s14, $0x9;
	s17 =	sadd.s32 @!p3 s9, s17;
	_ =	swait.ge @!p4 [sflag:s13], $0x80  }
0x6a: {  	s14 =	sand.u32 $0x7F, s14;
	s16 =	sor.u32 @!p3 s16, s17;
	[sflag:s13] =	ssyncset.done @!p4 $0x0  }
0x6b: {  	s15 =	sand.u32 @!p4 $0x600, s15;
	[sflag:s13] =	ssyncadd.s32 @!p4 $0xFFFFFF80;
	s13 =	sshrl.u32 @!p3 s16, $0x3  }
0x6c: {  	s15 =	sshrl.u32 @!p4 s15, $0x2;
	s14 =	smul.u32 $0x3, s14;
	s16 =	simm.s32 @!p4 $0x80  }
0x6d: {  	[tilespmem:s8], [sflag:$0x1] =	stream.indirect.gather @!p4 [hbm4b:s5+s16], $0x80, s15, s16, $0xb8;
	[tilespmem:$0x1FCC0] =	vst v63  }
0x6e: {  	s8 =	sadd.s32 @!p3 s1, s13;
	s11 =	simm.s32 @!p3 $0x0  }
0x6f: {  	[tilespmem:s25], [sflag:$0x2] =	stream.linear.gather @!p3 [hbm4b:s8+s11], $0x80, $0x38;
	[tilespmem:$0x1FCC0] =	vst v63  }
0x70: {  	s13 =	sadd.s32 @!p3 s7, s13;
	s16 =	ssub.s32 s21, s14  }
0x71: {  	[tilespmem:s4], [sflag:$0x2] =	stream.linear.gather @!p3 [hbm4b:s13+s11], $0x80, $0x38;
	[tilespmem:$0x1FCC0] =	vst v63  }
0x72: {  	s17 =	sand.u32 $0xFF, s16;
	s25 =	sadd.s32 $0xFFFFFE00, s0;
	_ =	swait.ge [sflag:s28], $0x4000  }
0x73: {  	s8 =	sand.u32 $0x180, s25;
	s4 =	sshll.u32 s17, $0xE;
	[sflag:s28] =	ssyncset.done $0x0  }
0x74: {  	s11 =	sor.u32 $0x200, s8;
	s4 =	sor.u32 $0x400, s4;
	[sflag:s28] =	ssyncadd.s32 $0xFFFFC000  }
0x75: {  	[spmem:s2] =	stream.indirect.scatter.add.f32 [tilespmem:s4], [sflag:$0x3], $0x80, s11, s26, $0xb8;
	[tilespmem:$0x1FCC0] =	vst v63  }
0x76: {  	_ =	swait.ge [sflag:s24], $0x4000  }
0x77: {  	p3 =	sgt.u32 s21, $0x4B;
	[sflag:s24] =	ssyncset.done $0x0  }
0x78: {  	s13 =	simm.s32 @!p3 $0x2;
	p4 =	seq.s32 @!p3 s31, $0x9C00;
	[sflag:s24] =	ssyncadd.s32 $0xFFFFC000  }
0x79: {  	p4 =	por p4, p3;
	_ =	swait.ge @!p3 [sflag:s13], $0x80  }
0x7a: {  	s14 =	sand.u32 @!p4 $0x7C00, s0;
	[sflag:s13] =	ssyncset.done @!p3 $0x0  }
0x7b: {  	s0 =	sand.u32 @!p4 $0x380, s0;
	s14 =	sadd.s32 @!p4 s9, s14;
	[sflag:s13] =	ssyncadd.s32 @!p3 $0xFFFFFF80  }
0x7c: {  	s0 =	sor.u32 @!p4 s0, s14;
	_ =	swait.ge @!p3 [sflag:s13], $0x80  }
0x7d: {  	s14 =	sand.u32 @!p3 $0x600, s31;
	s0 =	sshrl.u32 @!p4 s0, $0x3;
	[sflag:s13] =	ssyncset.done @!p3 $0x0  }
0x7e: {  	[sflag:s13] =	ssyncadd.s32 @!p3 $0xFFFFFF80;
	s13 =	sshrl.u32 @!p3 s14, $0x2;
	s14 =	simm.s32 @!p3 $0x80  }
0x7f: {  	[tilespmem:s4], [sflag:$0x1] =	stream.indirect.gather @!p3 [hbm4b:s5+s14], $0x80, s13, s14, $0xb8;
	[tilespmem:$0x1FCC0] =	vst v63  }
0x80: {  	s4 =	sadd.s32 @!p4 s1, s0;
	s13 =	simm.s32 @!p4 $0x0  }
0x81: {  	[tilespmem:s8], [sflag:$0x2] =	stream.linear.gather @!p4 [hbm4b:s4+s13], $0x80, $0x38;
	[tilespmem:$0x1FCC0] =	vst v63  }
.Ltmp4:
0x82: {  	_ = 	snop;
	(pc) =	sbr.rel @p0 .LBB2_9-.Ltmp4, $4  }
.Ltmp5:
0x83: {  	s0 =	sadd.s32 @!p4 s7, s0;
	(pc) =	sbr.rel @!p0 .LBB2_8-.Ltmp5, $4  }
0x84: {  	[tilespmem:s11], [sflag:$0x2] =	stream.linear.gather @!p4 [hbm4b:s0+s13], $0x80, $0x38;
	[tilespmem:$0x1FCC0] =	vst v63  }
0x85: {  	[bflag:$0x0] =	sbarrier.arrive $0xFFFF  }
0x86: {  	s0 =	rddreg [dreg:$0x5]  }
0x87: {  	_ = 	snop  }
.LBB2_5:
0x88: {  	[tilespmem:s4], [sflag:$0x1] =	stream.indirect.gather [hbm4b:s6+s26], $0x80, s0, s26, $0xb8;
	[tilespmem:$0x1FCC0] =	vst v63  }
0x89: {  	_ =	swait.ge [sflag:s10], $0x80  }
0x8a: {  	[sflag:s10] =	ssyncset.done $0x0  }
0x8b: {  	[sflag:s10] =	ssyncadd.s32 $0xFFFFFF80  }
0x8c: {  	_ =	swait.ge [sflag:s10], $0x80  }
0x8d: {  	[sflag:s10] =	ssyncset.done $0x0  }
0x8e: {  	s16 =	simm.s32 $0x4400;
	s17 =	smul.u32 $0xAB, s0;
	[sflag:s10] =	ssyncadd.s32 $0xFFFFFF80  }
0x8f: {  	[tilespmem:s16], [sflag:$0x1] =	stream.indirect.gather [hbm4b:s6+s26], $0x80, s26, s26, $0xb8;
	[tilespmem:$0x1FCC0] =	vst v63  }
0x90: {  	_ =	swait.ge [sflag:s10], $0x80  }
0x91: {  	s0 =	sshrl.u32 s17, $0x9;
	[sflag:s10] =	ssyncset.done $0x0  }
0x92: {  	s21 =	simm.s32 $0x8400;
	s0 =	sand.u32 $0x7F, s0;
	[sflag:s10] =	ssyncadd.s32 $0xFFFFFF80  }
0x93: {  	s13 =	simm.s32 $0x600;
	s0 =	smul.u32 $0x3, s0;
	_ =	swait.ge [sflag:s10], $0x80  }
0x94: {  	s25 =	simm.s32 $0x0;
	s14 =	simm.s32 $0x200;
	[sflag:s10] =	ssyncset.done $0x0  }
0x95: {  	p4 =	por $0x0, $0x0;
	s0 =	ssub.s32 $0x0, s0;
	[sflag:s10] =	ssyncadd.s32 $0xFFFFFF80  }
0x96: {  	[tilespmem:s21], [sflag:$0x1] =	stream.indirect.gather [hbm4b:s6+s26], $0x80, s29, s26, $0xb8;
	[tilespmem:$0x1FCC0] =	vst v63  }
0x97: {  	s25 =	sand.u32 $0x180, s25;
	s0 =	sand.u32 $0xFF, s0;
	_ =	swait.ge [sflag:s28], $0x4000  }
0x98: {  	p3 =	por @!p4 $0x0, $0x0;
	s0 =	sshll.u32 s0, $0xE;
	[sflag:s28] =	ssyncset.done $0x0  }
0x99: {  	s4 =	sor.u32 $0x200, s25;
	s8 =	sor.u32 $0x400, s0;
	[sflag:s28] =	ssyncadd.s32 $0xFFFFC000  }
0x9a: {  	[spmem:s2] =	stream.indirect.scatter.add.f32 [tilespmem:s8], [sflag:$0x3], $0x80, s4, s26, $0xb8;
	[tilespmem:$0x1FCC0] =	vst v63  }
0x9b: {  	s31 =	simm.s32 $0x800;
	p3 =	por p3, p4;
	_ =	swait.ge [sflag:s24], $0x4000  }
0x9c: {  	s15 =	simm.s32 @!p4 $0x2;
	s17 =	sand.u32 @!p3 $0x7C00, s14;
	[sflag:s24] =	ssyncset.done $0x0  }
0x9d: {  	s14 =	sand.u32 @!p3 $0x380, s14;
	s21 =	simm.s32 $0x1;
	[sflag:s24] =	ssyncadd.s32 $0xFFFFC000  }
0x9e: {  	s17 =	sadd.s32 @!p3 s9, s17;
	s16 =	smul.u32 $0xAB, s21;
	_ =	swait.ge @!p4 [sflag:s15], $0x80  }
0x9f: {  	s11 =	simm.s32 $0xA00;
	s14 =	sor.u32 @!p3 s14, s17;
	[sflag:s15] =	ssyncset.done @!p4 $0x0  }
0xa0: {  	s17 =	sand.u32 @!p4 $0x600, s13;
	s16 =	sshrl.u32 s16, $0x9;
	[sflag:s15] =	ssyncadd.s32 @!p4 $0xFFFFFF80  }
0xa1: {  	s13 =	sshrl.u32 @!p3 s14, $0x3;
	s16 =	sand.u32 $0x7F, s16;
	_ =	swait.ge @!p4 [sflag:s15], $0x80  }
0xa2: {  	s0 =	simm.s32 $0x280;
	s14 =	smul.u32 $0x3, s16;
	[sflag:s15] =	ssyncset.done @!p4 $0x0  }
0xa3: {  	s16 =	simm.s32 @!p4 $0x80;
	[sflag:s15] =	ssyncadd.s32 @!p4 $0xFFFFFF80;
	s15 =	sshrl.u32 @!p4 s17, $0x2  }
.LBB2_6:
0xa4: {  	[tilespmem:s8], [sflag:$0x1] =	stream.indirect.gather @!p4 [hbm4b:s6+s16], $0x80, s15, s16, $0xb8;
	[tilespmem:$0x1FCC0] =	vst v63  }
0xa5: {  	s15 =	smov.u32 s31;
	s31 =	smov.u32 s11;
	s16 =	smov.u32 s0  }
0xa6: {  	s17 =	simm.s32 @!p3 $0x0;
	s8 =	ssub.s32 s21, s14;
	s14 =	sadd.s32 @!p3 s1, s13  }
0xa7: {  	[tilespmem:s25], [sflag:$0x2] =	stream.linear.gather @!p3 [hbm4b:s14+s17], $0x80, $0x38;
	[tilespmem:$0x1FCC0] =	vst v63  }
0xa8: {  	s11 =	sadd.s32 $0x200, s11;
	s13 =	sadd.s32 @!p3 s7, s13;
	s8 =	sand.u32 $0xFF, s8  }
0xa9: {  	[tilespmem:s4], [sflag:$0x2] =	stream.linear.gather @!p3 [hbm4b:s13+s17], $0x80, $0x38;
	[tilespmem:$0x1FCC0] =	vst v63  }
0xaa: {  	s4 =	sshll.u32 s8, $0xE;
	s8 =	sadd.s32 $0xFFFFFE00, s0;
	_ =	swait.ge [sflag:s28], $0x4000  }
0xab: {  	p5 =	sne.s32 s11, $0xA400;
	s25 =	sand.u32 $0x180, s8;
	[sflag:s28] =	ssyncset.done $0x0  }
0xac: {  	s8 =	sor.u32 $0x400, s4;
	s4 =	sor.u32 $0x200, s25;
	[sflag:s28] =	ssyncadd.s32 $0xFFFFC000  }
0xad: {  	[spmem:s2] =	stream.indirect.scatter.add.f32 [tilespmem:s8], [sflag:$0x3], $0x80, s4, s26, $0xb8;
	[tilespmem:$0x1FCC0] =	vst v63  }
0xae: {  	_ =	swait.ge [sflag:s24], $0x4000  }
0xaf: {  	p4 =	sgt.u32 s21, $0x4B;
	s0 =	sadd.s32 $0x80, s0;
	[sflag:s24] =	ssyncset.done $0x0  }
0xb0: {  	s13 =	simm.s32 @!p4 $0x2;
	p3 =	seq.s32 @!p4 s15, $0x9C00;
	[sflag:s24] =	ssyncadd.s32 $0xFFFFC000  }
0xb1: {  	s21 =	sadd.s32 $0x1, s21;
	p3 =	por p3, p4;
	_ =	swait.ge @!p4 [sflag:s13], $0x80  }
0xb2: {  	s14 =	smul.u32 $0xAB, s21;
	s17 =	sand.u32 @!p3 $0x7C00, s16;
	[sflag:s13] =	ssyncset.done @!p4 $0x0  }
.Ltmp6:
0xb3: {  	s16 =	sand.u32 @!p3 $0x380, s16;
	[sflag:s13] =	ssyncadd.s32 @!p4 $0xFFFFFF80;
	(pc) =	sbr.rel @p5 .LBB2_6-.Ltmp6, $4  }
0xb4: {  	s14 =	sshrl.u32 s14, $0x9;
	s17 =	sadd.s32 @!p3 s9, s17;
	_ =	swait.ge @!p4 [sflag:s13], $0x80  }
0xb5: {  	s14 =	sand.u32 $0x7F, s14;
	s16 =	sor.u32 @!p3 s16, s17;
	[sflag:s13] =	ssyncset.done @!p4 $0x0  }
0xb6: {  	s15 =	sand.u32 @!p4 $0x600, s15;
	[sflag:s13] =	ssyncadd.s32 @!p4 $0xFFFFFF80;
	s13 =	sshrl.u32 @!p3 s16, $0x3  }
0xb7: {  	s15 =	sshrl.u32 @!p4 s15, $0x2;
	s14 =	smul.u32 $0x3, s14;
	s16 =	simm.s32 @!p4 $0x80  }
0xb8: {  	[tilespmem:s8], [sflag:$0x1] =	stream.indirect.gather @!p4 [hbm4b:s6+s16], $0x80, s15, s16, $0xb8;
	[tilespmem:$0x1FCC0] =	vst v63  }
0xb9: {  	s8 =	sadd.s32 @!p3 s1, s13;
	s11 =	simm.s32 @!p3 $0x0  }
0xba: {  	[tilespmem:s25], [sflag:$0x2] =	stream.linear.gather @!p3 [hbm4b:s8+s11], $0x80, $0x38;
	[tilespmem:$0x1FCC0] =	vst v63  }
0xbb: {  	s13 =	sadd.s32 @!p3 s7, s13;
	s16 =	ssub.s32 s21, s14  }
0xbc: {  	[tilespmem:s4], [sflag:$0x2] =	stream.linear.gather @!p3 [hbm4b:s13+s11], $0x80, $0x38;
	[tilespmem:$0x1FCC0] =	vst v63  }
0xbd: {  	s17 =	sand.u32 $0xFF, s16;
	s25 =	sadd.s32 $0xFFFFFE00, s0;
	_ =	swait.ge [sflag:s28], $0x4000  }
0xbe: {  	s8 =	sand.u32 $0x180, s25;
	s4 =	sshll.u32 s17, $0xE;
	[sflag:s28] =	ssyncset.done $0x0  }
0xbf: {  	s11 =	sor.u32 $0x200, s8;
	s4 =	sor.u32 $0x400, s4;
	[sflag:s28] =	ssyncadd.s32 $0xFFFFC000  }
0xc0: {  	[spmem:s2] =	stream.indirect.scatter.add.f32 [tilespmem:s4], [sflag:$0x3], $0x80, s11, s26, $0xb8;
	[tilespmem:$0x1FCC0] =	vst v63  }
0xc1: {  	_ =	swait.ge [sflag:s24], $0x4000  }
0xc2: {  	p3 =	sgt.u32 s21, $0x4B;
	[sflag:s24] =	ssyncset.done $0x0  }
0xc3: {  	s13 =	simm.s32 @!p3 $0x2;
	p4 =	seq.s32 @!p3 s31, $0x9C00;
	[sflag:s24] =	ssyncadd.s32 $0xFFFFC000  }
0xc4: {  	p4 =	por p4, p3;
	_ =	swait.ge @!p3 [sflag:s13], $0x80  }
0xc5: {  	s14 =	sand.u32 @!p4 $0x7C00, s0;
	[sflag:s13] =	ssyncset.done @!p3 $0x0  }
0xc6: {  	s0 =	sand.u32 @!p4 $0x380, s0;
	s14 =	sadd.s32 @!p4 s9, s14;
	[sflag:s13] =	ssyncadd.s32 @!p3 $0xFFFFFF80  }
0xc7: {  	s0 =	sor.u32 @!p4 s0, s14;
	_ =	swait.ge @!p3 [sflag:s13], $0x80  }
0xc8: {  	s14 =	sand.u32 @!p3 $0x600, s31;
	s0 =	sshrl.u32 @!p4 s0, $0x3;
	[sflag:s13] =	ssyncset.done @!p3 $0x0  }
0xc9: {  	[sflag:s13] =	ssyncadd.s32 @!p3 $0xFFFFFF80;
	s13 =	sshrl.u32 @!p3 s14, $0x2;
	s14 =	simm.s32 @!p3 $0x80  }
0xca: {  	[tilespmem:s4], [sflag:$0x1] =	stream.indirect.gather @!p3 [hbm4b:s6+s14], $0x80, s13, s14, $0xb8;
	[tilespmem:$0x1FCC0] =	vst v63  }
0xcb: {  	s4 =	sadd.s32 @!p4 s1, s0;
	s13 =	simm.s32 @!p4 $0x0  }
0xcc: {  	[tilespmem:s8], [sflag:$0x2] =	stream.linear.gather @!p4 [hbm4b:s4+s13], $0x80, $0x38;
	[tilespmem:$0x1FCC0] =	vst v63  }
.Ltmp7:
0xcd: {  	_ = 	snop;
	(pc) =	sbr.rel @!p2 .LBB2_9-.Ltmp7, $4  }
.Ltmp8:
0xce: {  	s0 =	sadd.s32 @!p4 s7, s0;
	(pc) =	sbr.rel @p2 .LBB2_8-.Ltmp8, $4  }
0xcf: {  	[tilespmem:s11], [sflag:$0x2] =	stream.linear.gather @!p4 [hbm4b:s0+s13], $0x80, $0x38;
	[tilespmem:$0x1FCC0] =	vst v63  }
0xd0: {  	[bflag:$0x0] =	sbarrier.arrive $0xFFFF  }
0xd1: {  	s0 =	rddreg [dreg:$0x6]  }
0xd2: {  	_ = 	snop  }
.LBB2_10:
0xd3: {  	_ =	sfence.sel $0x180000  }
0xd4: {  	[bflag:$0x0] =	sbarrier.arrive $0xFFFF  }
0xd5: {  	_ =	strace $0x9000004D  }
0xd6: {  	s0 =	stileid.u32;
	[bflag:$0x2] =	sbarrier.arrive $0xFFFF  }
0xd7: {  	p0 =	sne.s32 s0, $0x0;
	s0 =	rddreg [dreg:$0x3]  }
0xd8: {  	s0 =	sadd.s32 @!p0 $0x100000, s0  }
0xd9: {  	[sflag:s0] =	ssyncadd.tile.s32 @!p0 $0x1;
	_ =	shalt  }
.Lfunc_end2:
_tile_overlayer_lowered:
.L_overlay_start_2:
0xda: {  	(tag) =	ssettag $0x2  }
0xdb: {  	s0 =	rddreg [dreg:$0x0];
	s2 =	stileid.u32  }
0xdc: {  	s1 =	rddreg [dreg:$0x1];
	p0 =	sne.s32 s2, $0x0  }
0xdd: {  	s3 =	rddreg [dreg:$0x2];
	[bflag:$0x3] =	sbarrier.arrive $0xFFFF;
	s2 =	simm.s32 @!p0 $0x1C03  }
0xde: {  	[timem:s3], [sflag:s2] =	dma.local @!p0 [hbm:s0], s1  }
0xdf: {  	s0 =	simm.s32 @!p0 $0x3  }
0xe0: {  	_ =	swait.ge @!p0 [sflag:s0], s1  }
0xe1: {  	s1 =	ssub.s32 @!p0 $0x0, s1;
	[sflag:s0] =	ssyncset.done @!p0 $0x0  }
0xe2: {  	[sflag:s0] =	ssyncadd.s32 @!p0 s1  }
0xe3: {  	[bflag:$0x3] =	sbarrier.arrive $0xFFFF  }
0xe4: {  	_ =	shalt  }

// kernel: kernel.22.cloned.1.call-start
scs
__scs_entry_jumppad:
0x0: {  	(pc) =	sbr.rel $0x88, $3  }
0x1: {  	(tag) =	ssettag $0x0;
	lr =	simm.s32 $0x1  }
0x2: {  	[smem:$0x3F85] =	sst lr;
	_ =	strace $0xD0000000  }
0x3: {  	_ = 	snop  }
0x4: {  	_ = 	snop  }
0x5: {  	_ = 	snop  }
0x6: {  	_ = 	snop  }
0x7: {  	_ = 	snop  }
__scs_overlays_trampoline_lowered:
0x8: {  	[smem:$0x3F94] =	sst s0  }
0x9: {  	[smem:$0x3F95] =	sst s1  }
0xa: {  	[smem:$0x3F96] =	sst s2  }
0xb: {  	[smem:$0x3F97] =	sst s3  }
0xc: {  	[smem:$0x3F98] =	sst s4  }
0xd: {  	[smem:$0x3F99] =	sst s5  }
0xe: {  	[smem:$0x3F9A] =	sst s6  }
0xf: {  	[smem:$0x3F9B] =	sst s7  }
0x10: {  	[smem:$0x3F9C] =	sst s8  }
0x11: {  	[smem:$0x3F9D] =	sst s9;
	s0 =	simm.s32 @!p0 $0x0  }
0x12: {  	s1 =	sld [smem:$0x3F83];
	s0 =	simm.s32 @p0 $0x1  }
0x13: {  	[smem:$0x3F9E] =	sst s0;
	s0 =	simm.s32 @!p1 $0x0  }
0x14: {  	s2 =	sld [smem:$0x3F82];
	s0 =	simm.s32 @p1 $0x1  }
0x15: {  	[smem:$0x3F9F] =	sst s0;
	s0 =	simm.s32 @!p2 $0x0  }
0x16: {  	s3 =	sld [smem:$0x3FDB];
	s0 =	simm.s32 @p2 $0x1  }
0x17: {  	s4 =	simm.s32 $0x1BF5;
	[smem:$0x3FA1] =	sst s0  }
0x18: {  	s0 =	sld [smem:$0x3F84];
	_ =	swait.ge [sflag:s4], $0x0  }
0x19: {  	s7 =	sld [smem:$0x3F85]  }
0x1a: {  	s8 =	sadd.s32 $0xFFFFE003, lr  }
0x1b: {  	s9 =	sadd.s32 $0xFFFFFEF7, lr;
	s5 =	simm.s32 $0xFFFFFFFF;
	p2 =	slt.u32 s8, $0xFFFFF086  }
0x1c: {  	p1 =	slt.u32 s9, $0xF7A;
	s5 =	simm.s32 @!p2 $0x0  }
0x1d: {  	s5 =	simm.s32 @p1 $0x1;
	p0 =	seq.s32 s7, s2  }
0x1e: {  	s7 =	smul.u32 @!p0 $0xF7A, s2;
	p2 =	seq.s32 @!p0 s5, $0x0  }
0x1f: {  	s9 =	smul.u32 $0xF7A, s1;
	s8 =	simm.s32 @!p0 $0x1BF5;
	p2 =	por !p2, p0  }
0x20: {  	[sflag:s8] =	ssyncset.s32 @!p0 $0xFFFFF086;
	s6 =	sadd.s32 @!p0 s3, s7;
	s7 =	simm.s32 @!p0 $0x108  }
0x21: {  	s3 =	sadd.s32 s3, s9;
	s6 =	sadd.s32 @!p0 $0x88, s6;
	s7 =	simm.s32 @p2 $0x1082  }
0x22: {  	[simem:s7], [sflag:s8] =	dma.local @!p0 [hbm:s6], $0xF7A  }
0x23: {  	s9 =	sor.u32 $0xD0000000, s2;
	s6 =	simm.s32 $0x108;
	_ =	swait.ge @!p0 [sflag:s8], $0x0  }
0x24: {  	s3 =	sadd.s32 $0x88, s3;
	s6 =	simm.s32 @!p1 $0x1082;
	[sflag:s4] =	ssyncset.s32 $0xFFFFF086  }
0x25: {  	[simem:s6], [sflag:s4] =	dma.local [hbm:s3], $0xF7A  }
0x26: {  	[smem:$0x3F85] =	sst s1;
	(tag) =	ssettag s2;
	_ =	strace s9  }
0x27: {  	s1 =	sld [smem:$0x3F95]  }
0x28: {  	s2 =	sld [smem:$0x3F96]  }
0x29: {  	s4 =	sld [smem:$0x3F98]  }
0x2a: {  	p0 =	seq.s32 s5, $0x0;
	s5 =	sld [smem:$0x3F99]  }
0x2b: {  	s6 =	sld [smem:$0x3F9A]  }
0x2c: {  	s7 =	sld [smem:$0x3F9B]  }
0x2d: {  	s3 =	simm.s32 $0x108;
	s8 =	sld [smem:$0x3F9C]  }
0x2e: {  	s3 =	simm.s32 @!p0 $0x1082;
	s9 =	sld [smem:$0x3F9D]  }
0x2f: {  	lr =	sadd.s32 s0, s3;
	s0 =	sld [smem:$0x3F94]  }
0x30: {  	s3 =	sld [smem:$0x3F97]  }
0x31: {  	[smem:$0x3FA0] =	sst s10  }
0x32: {  	s10 =	sld [smem:$0x3F9E];
	_ =	sdelay $0x3  }
0x33: {  	p0 =	seq.s32 s10, $0x1;
	s10 =	sld [smem:$0x3FA0];
	_ =	sdelay $0x3  }
0x34: {  	[smem:$0x3FA0] =	sst s10  }
0x35: {  	s10 =	sld [smem:$0x3F9F];
	_ =	sdelay $0x3  }
0x36: {  	p1 =	seq.s32 s10, $0x1;
	s10 =	sld [smem:$0x3FA0];
	_ =	sdelay $0x3  }
0x37: {  	[smem:$0x3FA0] =	sst s10  }
0x38: {  	s10 =	sld [smem:$0x3FA1]  }
0x39: {  	_ = 	snop;
	(pc) =	sbr.ind lr, $3  }
0x3a: {  	_ = 	snop  }
0x3b: {  	_ = 	snop  }
0x3c: {  	p2 =	seq.s32 s10, $0x1;
	s10 =	sld [smem:$0x3FA0]  }
0x3d: {  	_ =	shalt  }
0x3e: {  	_ =	shalt  }
0x3f: {  	_ =	shalt  }
0x40: {  	_ =	shalt  }
0x41: {  	_ =	shalt  }
0x42: {  	_ =	shalt  }
0x43: {  	_ =	shalt  }
0x44: {  	_ =	shalt  }
0x45: {  	_ =	shalt  }
0x46: {  	_ =	shalt  }
0x47: {  	_ =	shalt  }
0x48: {  	_ =	shalt  }
0x49: {  	_ =	shalt  }
0x4a: {  	_ =	shalt  }
0x4b: {  	_ =	shalt  }
0x4c: {  	_ =	shalt  }
0x4d: {  	_ =	shalt  }
0x4e: {  	_ =	shalt  }
0x4f: {  	_ =	shalt  }
0x50: {  	_ =	shalt  }
0x51: {  	_ =	shalt  }
0x52: {  	_ =	shalt  }
0x53: {  	_ =	shalt  }
0x54: {  	_ =	shalt  }
0x55: {  	_ =	shalt  }
0x56: {  	_ =	shalt  }
0x57: {  	_ =	shalt  }
0x58: {  	_ =	shalt  }
0x59: {  	_ =	shalt  }
0x5a: {  	_ =	shalt  }
0x5b: {  	_ =	shalt  }
0x5c: {  	_ =	shalt  }
0x5d: {  	_ =	shalt  }
0x5e: {  	_ =	shalt  }
0x5f: {  	_ =	shalt  }
0x60: {  	_ =	shalt  }
0x61: {  	_ =	shalt  }
0x62: {  	_ =	shalt  }
0x63: {  	_ =	shalt  }
0x64: {  	_ =	shalt  }
0x65: {  	_ =	shalt  }
0x66: {  	_ =	shalt  }
0x67: {  	_ =	shalt  }
0x68: {  	_ =	shalt  }
0x69: {  	_ =	shalt  }
0x6a: {  	_ =	shalt  }
0x6b: {  	_ =	shalt  }
0x6c: {  	_ =	shalt  }
0x6d: {  	_ =	shalt  }
0x6e: {  	_ =	shalt  }
0x6f: {  	_ =	shalt  }
0x70: {  	_ =	shalt  }
0x71: {  	_ =	shalt  }
0x72: {  	_ =	shalt  }
0x73: {  	_ =	shalt  }
0x74: {  	_ =	shalt  }
0x75: {  	_ =	shalt  }
0x76: {  	_ =	shalt  }
0x77: {  	_ =	shalt  }
0x78: {  	_ =	shalt  }
0x79: {  	_ =	shalt  }
0x7a: {  	_ =	shalt  }
0x7b: {  	_ =	shalt  }
0x7c: {  	_ =	shalt  }
0x7d: {  	_ =	shalt  }
0x7e: {  	_ =	shalt  }
0x7f: {  	_ =	shalt  }
0x80: {  	_ =	shalt  }
0x81: {  	_ =	shalt  }
0x82: {  	_ =	shalt  }
0x83: {  	_ =	shalt  }
0x84: {  	_ =	shalt  }
0x85: {  	_ =	shalt  }
0x86: {  	_ =	shalt  }
0x87: {  	_ =	shalt  }
.Lfunc_end0:
.L_simem_size_0:
called_computation.3_lowered:
.L_overlay_start_0:
0x88: {  	s2 =	sld [smem:$0x3FD9]  }
0x89: {  	s3 =	sld [smem:$0x3FFE];
	_ =	sdelay $0x1  }
0x8a: {  	s1 =	srdreg.scid  }
0x8b: {  	s0 =	sand.u32 $0x1, s1  }
0x8c: {  	s17 =	sshll.u32 s0, $0xA;
	s2 =	sadd.s32 s3, s2  }
0x8d: {  	s2 =	sadd.s32 s2, s17  }
0x8e: {  	[smem:$0x3FAC] =	sst s2  }
0x8f: {  	_ = 	snop  }
0x90: {  	s2 =	sld [smem:$0x3FD0];
	(tm) =	ssettm $0x1  }
0x91: {  	s18 =	sld [smem:$0x3FFB];
	_ =	sdelay $0x3  }
0x92: {  	_ =	strace s18  }
0x93: {  	s3 =	sld [smem:$0x3FFC];
	_ =	sdelay $0x3  }
0x94: {  	_ =	strace s3  }
0x95: {  	s3 =	sld [smem:$0x3FFD];
	_ =	sdelay $0x3  }
0x96: {  	_ =	strace s3  }
0x97: {  	_ =	strace $0x8FFFFFFF  }
0x98: {  	s19 =	sld [smem:$0x3FDB];
	_ =	sdelay $0x1  }
0x99: {  	s4 =	simm.s32 $_scs_section_size  }
0x9a: {  	s5 =	simm.s32 $_size__tile_overlayer_lowered;
	s6 =	simm.s32 $_tile_overlayer_lowered  }
0x9b: {  	s22 =	simm.s32 $0x1BFF;
	s21 =	sshll.u32 s6, $0x1;
	s3 =	sadd.s32 s4, s19  }
0x9c: {  	s7 =	simm.s32 $0x0;
	s20 =	sshll.u32 s5, $0x1;
	s5 =	sadd.s32 s21, s3  }
0x9d: {  	[timem:s7], [sflag:s22] =	dma.local [hbm:s5], s20  }
0x9e: {  	_ =	swait.ge [sflag:s22], s20  }
0x9f: {  	s4 =	ssub.s32 $0x0, s20;
	[sflag:s22] =	ssyncset.done $0x0  }
0xa0: {  	[sflag:s22] =	ssyncadd.s32 s4;
	_ =	sdelay $0x1  }
0xa1: {  	s23 =	simm.s32 $0x1B8B  }
0xa2: {  	_ =	swait.ge [sflag:s23], $0x1  }
0xa3: {  	[sflag:s23] =	ssyncset.done $0x0  }
0xa4: {  	s25 =	simm.s32 $0x1B8E;
	s24 =	sld [smem:$0x3FFE];
	[sflag:s23] =	ssyncadd.s32 $0xFFFFFFFF  }
0xa5: {  	s26 =	simm.s32 $execute0_lowered;
	[smem:$0x3FD2] =	sst s25  }
0xa6: {  	s5 =	sshll.u32 s26, $0x1;
	_ =	strace $0x8000004F;
	[dreg:$0x1] =	wrdreg $0xFFFFFFFF  }
0xa7: {  	s28 =	simm.s32 $_size_execute0_lowered;
	s3 =	sadd.s32 s3, s5;
	[dreg:$0x0] =	wrdreg $0x0  }
0xa8: {  	s5 =	sshll.u32 s28, $0x1;
	[dreg:$0x2] =	wrdreg s3  }
0xa9: {  	[dreg:$0x3] =	wrdreg s5  }
0xaa: {  	[dreg:$0x4] =	wrdreg $0xC0  }
0xab: {  	_ =	task [dreg:s7], $0x5FFFF  }
0xac: {  	[dreg:$0x1] =	wrdreg $0xFFFFFFFF  }
0xad: {  	[dreg:$0x0] =	wrdreg $0x60  }
0xae: {  	[dreg:$0x2] =	wrdreg s24  }
0xaf: {  	[dreg:$0x3] =	wrdreg s2  }
0xb0: {  	[dreg:$0x4] =	wrdreg $0xC4000  }
0xb1: {  	[dreg:$0x5] =	wrdreg $0x9  }
0xb2: {  	_ =	task.clear_ibuf [dreg:s7], $0x6FFFF;
	_ =	strace $0x9000004F  }
0xb3: {  	s29 =	simm.s32 $0x9;
	_ =	strace $0x80000051  }
0xb4: {  	_ =	swait.ge [sflag:s29], $0x1  }
0xb5: {  	[sflag:s29] =	ssyncadd.s32 $0xFFFFFFFF  }
0xb6: {  	_ =	strace $0x90000051  }
0xb7: {  	_ =	sfence  }
0xb8: {  	s30 =	sld [smem:$0x0];
	_ =	sdelay $0x2  }
0xb9: {  	s31 =	sshll.u32 s1, $0xD;
	s1 =	sshrl.u32 s1, $0x2  }
0xba: {  	s3 =	sand.u32 $0x4000, s31;
	s1 =	sadd.s32 s1, s30  }
0xbb: {  	s0 =	sor.u32 s3, s0;
	s1 =	sshll.u32 s1, $0x11  }
0xbc: {  	s0 =	sor.u32 s1, s0  }
0xbd: {  	s0 =	sadd.s32 $0x8F2B, s0  }
0xbe: {  	[sflag:s0] =	ssyncadd.remote.s32 $0x1  }
0xbf: {  	_ =	sfence.sel $0xFFFF  }
0xc0: {  	[dreg:$0x0] =	wrdreg $0xFFFFFFFF;
	(pc) =	sbr.abs _section_cstart, $3  }
0xc1: {  	[dreg:$0x1] =	wrdreg $0xFFFFFFFF  }
0xc2: {  	_ =	task.clear_ibuf [dreg:s7], $0x2FFFF;
	_ =	strace $0x9FFFFFFF  }
0xc3: {  	(tm) =	ssettm $0x7FFFFFFF  }
tec
execute0_lowered:
.L_overlay_start_1:
0x0: {  	(tag) =	ssettag $0x1  }
0x1: {  	s0 =	rddreg [dreg:$0x0]  }
0x2: {  	s1 =	rddreg [dreg:$0x1]  }
0x3: {  	s2 =	rddreg [dreg:$0x2]  }
0x4: {  	s3 =	simm.s32 $0x0;
	s4 =	srdreg.scid;
	s13 =	stileid.u32  }
0x5: {  	s29 =	simm.s32 $0x100;
	s28 =	simm.s32 $0x1;
	s30 =	simm.s32 $0x0  }
0x6: {  	[smem:$0x7FF] =	sst s3;
	s5 =	sadd.s32 $0x3A200, s0;
	s6 =	sadd.s32 $0x61400, s0  }
0x7: {  	s7 =	sadd.s32 $0x9800, s0;
	s4 =	sand.u32 $0x1, s4;
	s8 =	smul.u32 $0x7D000, s13  }
0x8: {  	s9 =	sadd.s32 $0xF000, s0;
	s11 =	sadd.s32 $0x88600, s0;
	s0 =	sadd.s32 $0xAF800, s0  }
0x9: {  	p0 =	sgt.u32 s13, $0x9;
	_ =	strace $0x80000050;
	[dreg:$0x4] =	wrdreg s9  }
0xa: {  	s31 =	smul.u32 $0x3E80, s13;
	p2 =	slt.u32 s13, $0xA;
	[dreg:$0x5] =	wrdreg s11  }
0xb: {  	s10 =	ssub.s32 $0x2, s4;
	s9 =	smul.u32 $0x2800, s13;
	[dreg:$0x6] =	wrdreg s0  }
0xc: {  	p1 =	sne.s32 s4, $0x0;
	s18 =	sshrl.u32 s10, $0x1;
	s8 =	sshrl.u32 s8, $0x2  }
0xd: {  	[dreg:$0xc] =	wrdreg s31;
	s0 =	ssub.s32 s10, s18;
	s19 =	sshrl.u32 s9, $0x3  }
0xe: {  	s12 =	sadd.s32 s8, s2;
	s10 =	simm.s32 $0x2;
	s20 =	sadd.s32 s1, s19  }
0xf: {  	s21 =	sor.u32 $0x10, s19;
	s22 =	sadd.s32 s7, s19;
	[dreg:$0x7] =	wrdreg s20  }
0x10: {  	s24 =	sor.u32 $0x20, s19;
	s26 =	sor.u32 $0x30, s19;
	[dreg:$0x8] =	wrdreg s22  }
.Ltmp0:
0x11: {  	s23 =	sadd.s32 s1, s21;
	s8 =	sadd.s32 s7, s21;
	(pc) =	sbr.rel .LBB2_1-.Ltmp0, $4  }
0x12: {  	s25 =	sadd.s32 s1, s24;
	s18 =	sadd.s32 s7, s24;
	s19 =	sadd.s32 s1, s26  }
0x13: {  	s20 =	sadd.s32 s7, s26;
	s22 =	smax.u32 s0, $0x1;
	[dreg:$0x9] =	wrdreg s23  }
0x14: {  	s24 =	simm.s32 $0x3;
	[dreg:$0xa] =	wrdreg s8;
	s8 =	sshll.u32 @!p0 s13, $0x6  }
0x15: {  	s26 =	simm.s32 $0x80;
	[dreg:$0xb] =	wrdreg s25;
	s23 =	sor.u32 @!p0 $0x1C03, s8  }
.LBB2_8:
0x16: {  	s4 =	stileid.u32  }
0x17: {  	s8 =	rddreg [dreg:$0xc];
	s4 =	sshll.u32 s4, $0x6  }
0x18: {  	s31 =	sshrl.u32 s12, $0x3;
	s0 =	sadd.s32 s0, s8;
	s4 =	sor.u32 $0x1C03, s4  }
0x19: {  	[hbm:s0], [sflag:s4] =	dma.local [spmem:s31], $0x3E80  }
0x1a: {  	_ =	swait.ge [sflag:s24], $0x3E80  }
0x1b: {  	[sflag:s24] =	ssyncset.done $0x0  }
0x1c: {  	[sflag:s24] =	ssyncadd.s32 $0xFFFFC180  }
.LBB2_9:
0x1d: {  	s30 =	sadd.s32 $0x1, s30  }
0x1e: {  	p3 =	sne.s32 s30, s22  }
.Ltmp1:
0x1f: {  	_ = 	snop;
	(pc) =	sbr.rel @!p3 .LBB2_10-.Ltmp1, $1  }
0x20: {  	_ =	sdelay $0x3  }
.LBB2_1:
0x21: {  	s0 =	sshrl.u32 @!p0 s12, $0x3;
	s4 =	rddreg [dreg:$0x4]  }
0x22: {  	[spmem:s0], [sflag:s23] =	dma.local @!p0 [hbm:s4], $0x3E80  }
0x23: {  	s0 =	simm.s32 @!p0 $0x3  }
0x24: {  	_ =	swait.ge @!p0 [sflag:s0], $0x3E80  }
0x25: {  	[sflag:s0] =	ssyncset.done @!p0 $0x0  }
0x26: {  	s8 =	rddreg [dreg:$0x7];
	[sflag:s0] =	ssyncadd.s32 @!p0 $0xFFFFC180  }
0x27: {  	[tilespmem:s3], [sflag:$0x3] =	stream.linear.gather [hbm4b:s8+s3], $0x80, $0x38;
	[tilespmem:$0x1FCC0] =	vst v63  }
0x28: {  	_ =	swait.ge [sflag:s24], $0x80  }
0x29: {  	[sflag:s24] =	ssyncset.done $0x0  }
0x2a: {  	s13 =	simm.s32 $0x200;
	s11 =	rddreg [dreg:$0x8];
	[sflag:s24] =	ssyncadd.s32 $0xFFFFFF80  }
0x2b: {  	[tilespmem:s13], [sflag:$0x3] =	stream.linear.gather [hbm4b:s11+s3], $0x80, $0x38;
	[tilespmem:$0x1FCC0] =	vst v63  }
0x2c: {  	_ =	swait.ge [sflag:s24], $0x80  }
0x2d: {  	[sflag:s24] =	ssyncset.done $0x0  }
0x2e: {  	[sflag:s24] =	ssyncadd.s32 $0xFFFFFF80  }
0x2f: {  	[bflag:$0x0] =	sbarrier.arrive $0xFFFF  }
0x30: {  	s14 =	rddreg [dreg:$0x9]  }
0x31: {  	[tilespmem:s26], [sflag:$0x2] =	stream.linear.gather [hbm4b:s14+s3], $0x80, $0x38;
	[tilespmem:$0x1FCC0] =	vst v63  }
0x32: {  	s16 =	simm.s32 $0x280;
	s15 =	rddreg [dreg:$0xa]  }
0x33: {  	[tilespmem:s16], [sflag:$0x2] =	stream.linear.gather [hbm4b:s15+s3], $0x80, $0x38;
	[tilespmem:$0x1FCC0] =	vst v63  }
0x34: {  	s17 =	rddreg [dreg:$0xb]  }
0x35: {  	[tilespmem:s29], [sflag:$0x2] =	stream.linear.gather [hbm4b:s17+s3], $0x80, $0x38;
	[tilespmem:$0x1FCC0] =	vst v63  }
0x36: {  	s21 =	simm.s32 $0x300  }
0x37: {  	[tilespmem:s21], [sflag:$0x2] =	stream.linear.gather [hbm4b:s18+s3], $0x80, $0x38;
	[tilespmem:$0x1FCC0] =	vst v63  }
.Ltmp2:
0x38: {  	_ = 	snop;
	(pc) =	sbr.rel @p1 .LBB2_5-.Ltmp2, $4  }
0x39: {  	s25 =	simm.s32 $0x180  }
0x3a: {  	[tilespmem:s25], [sflag:$0x2] =	stream.linear.gather [hbm4b:s19+s3], $0x80, $0x38;
	[tilespmem:$0x1FCC0] =	vst v63  }
0x3b: {  	s31 =	simm.s32 $0x380;
	s4 =	simm.s32 $0x400;
	s0 =	simm.s32 $0x0  }
0x3c: {  	[tilespmem:s31], [sflag:$0x2] =	stream.linear.gather [hbm4b:s20+s3], $0x80, $0x38;
	[tilespmem:$0x1FCC0] =	vst v63  }
0x3d: {  	[tilespmem:s4], [sflag:$0x1] =	stream.indirect.gather [hbm4b:s5+s26], $0x80, s0, s26, $0xb8;
	[tilespmem:$0x1FCC0] =	vst v63  }
0x3e: {  	_ =	swait.ge [sflag:s10], $0x80  }
0x3f: {  	[sflag:s10] =	ssyncset.done $0x0  }
0x40: {  	[sflag:s10] =	ssyncadd.s32 $0xFFFFFF80  }
0x41: {  	_ =	swait.ge [sflag:s10], $0x80  }
0x42: {  	[sflag:s10] =	ssyncset.done $0x0  }
0x43: {  	s16 =	simm.s32 $0x4400;
	s17 =	smul.u32 $0xAB, s0;
	[sflag:s10] =	ssyncadd.s32 $0xFFFFFF80  }
0x44: {  	[tilespmem:s16], [sflag:$0x1] =	stream.indirect.gather [hbm4b:s5+s26], $0x80, s26, s26, $0xb8;
	[tilespmem:$0x1FCC0] =	vst v63  }
0x45: {  	_ =	swait.ge [sflag:s10], $0x80  }
0x46: {  	s0 =	sshrl.u32 s17, $0x9;
	[sflag:s10] =	ssyncset.done $0x0  }
0x47: {  	s21 =	simm.s32 $0x8400;
	s0 =	sand.u32 $0x7F, s0;
	[sflag:s10] =	ssyncadd.s32 $0xFFFFFF80  }
0x48: {  	s13 =	simm.s32 $0x600;
	s0 =	smul.u32 $0x3, s0;
	_ =	swait.ge [sflag:s10], $0x80  }
0x49: {  	s25 =	simm.s32 $0x0;
	s14 =	simm.s32 $0x200;
	[sflag:s10] =	ssyncset.done $0x0  }
0x4a: {  	p4 =	por $0x0, $0x0;
	s0 =	ssub.s32 $0x0, s0;
	[sflag:s10] =	ssyncadd.s32 $0xFFFFFF80  }
0x4b: {  	[tilespmem:s21], [sflag:$0x1] =	stream.indirect.gather [hbm4b:s5+s26], $0x80, s29, s26, $0xb8;
	[tilespmem:$0x1FCC0] =	vst v63  }
0x4c: {  	s25 =	sand.u32 $0x180, s25;
	s0 =	sand.u32 $0xFF, s0;
	_ =	swait.ge [sflag:s28], $0x4000  }
0x4d: {  	p3 =	por @!p4 $0x0, $0x0;
	s0 =	sshll.u32 s0, $0xE;
	[sflag:s28] =	ssyncset.done $0x0  }
0x4e: {  	s4 =	sor.u32 $0x200, s25;
	s8 =	sor.u32 $0x400, s0;
	[sflag:s28] =	ssyncadd.s32 $0xFFFFC000  }
0x4f: {  	[spmem:s2] =	stream.indirect.scatter.add.f32 [tilespmem:s8], [sflag:$0x3], $0x80, s4, s26, $0xb8;
	[tilespmem:$0x1FCC0] =	vst v63  }
0x50: {  	s31 =	simm.s32 $0x800;
	p3 =	por p3, p4;
	_ =	swait.ge [sflag:s24], $0x4000  }
0x51: {  	s15 =	simm.s32 @!p4 $0x2;
	s17 =	sand.u32 @!p3 $0x7C00, s14;
	[sflag:s24] =	ssyncset.done $0x0  }
0x52: {  	s14 =	sand.u32 @!p3 $0x380, s14;
	s21 =	simm.s32 $0x1;
	[sflag:s24] =	ssyncadd.s32 $0xFFFFC000  }
0x53: {  	s17 =	sadd.s32 @!p3 s9, s17;
	s16 =	smul.u32 $0xAB, s21;
	_ =	swait.ge @!p4 [sflag:s15], $0x80  }
0x54: {  	s11 =	simm.s32 $0xA00;
	s14 =	sor.u32 @!p3 s14, s17;
	[sflag:s15] =	ssyncset.done @!p4 $0x0  }
0x55: {  	s17 =	sand.u32 @!p4 $0x600, s13;
	s16 =	sshrl.u32 s16, $0x9;
	[sflag:s15] =	ssyncadd.s32 @!p4 $0xFFFFFF80  }
0x56: {  	s13 =	sshrl.u32 @!p3 s14, $0x3;
	s16 =	sand.u32 $0x7F, s16;
	_ =	swait.ge @!p4 [sflag:s15], $0x80  }
0x57: {  	s0 =	simm.s32 $0x280;
	s14 =	smul.u32 $0x3, s16;
	[sflag:s15] =	ssyncset.done @!p4 $0x0  }
0x58: {  	s16 =	simm.s32 @!p4 $0x80;
	[sflag:s15] =	ssyncadd.s32 @!p4 $0xFFFFFF80;
	s15 =	sshrl.u32 @!p4 s17, $0x2  }
.LBB2_3:
0x59: {  	[tilespmem:s8], [sflag:$0x1] =	stream.indirect.gather @!p4 [hbm4b:s5+s16], $0x80, s15, s16, $0xb8;
	[tilespmem:$0x1FCC0] =	vst v63  }
0x5a: {  	s15 =	smov.u32 s31;
	s31 =	smov.u32 s11;
	s16 =	smov.u32 s0  }
0x5b: {  	s17 =	simm.s32 @!p3 $0x0;
	s8 =	ssub.s32 s21, s14;
	s14 =	sadd.s32 @!p3 s1, s13  }
0x5c: {  	[tilespmem:s25], [sflag:$0x2] =	stream.linear.gather @!p3 [hbm4b:s14+s17], $0x80, $0x38;
	[tilespmem:$0x1FCC0] =	vst v63  }
0x5d: {  	s11 =	sadd.s32 $0x200, s11;
	s13 =	sadd.s32 @!p3 s7, s13;
	s8 =	sand.u32 $0xFF, s8  }
0x5e: {  	[tilespmem:s4], [sflag:$0x2] =	stream.linear.gather @!p3 [hbm4b:s13+s17], $0x80, $0x38;
	[tilespmem:$0x1FCC0] =	vst v63  }
0x5f: {  	s4 =	sshll.u32 s8, $0xE;
	s8 =	sadd.s32 $0xFFFFFE00, s0;
	_ =	swait.ge [sflag:s28], $0x4000  }
0x60: {  	p5 =	seq.s32 s11, $0xA400;
	s25 =	sand.u32 $0x180, s8;
	[sflag:s28] =	ssyncset.done $0x0  }
0x61: {  	s8 =	sor.u32 $0x400, s4;
	s4 =	sor.u32 $0x200, s25;
	[sflag:s28] =	ssyncadd.s32 $0xFFFFC000  }
0x62: {  	[spmem:s2] =	stream.indirect.scatter.add.f32 [tilespmem:s8], [sflag:$0x3], $0x80, s4, s26, $0xb8;
	[tilespmem:$0x1FCC0] =	vst v63  }
0x63: {  	_ =	swait.ge [sflag:s24], $0x4000  }
0x64: {  	p4 =	sgt.u32 s21, $0x4B;
	s0 =	sadd.s32 $0x80, s0;
	[sflag:s24] =	ssyncset.done $0x0  }
0x65: {  	s13 =	simm.s32 @!p4 $0x2;
	p3 =	seq.s32 @!p4 s15, $0x9C00;
	[sflag:s24] =	ssyncadd.s32 $0xFFFFC000  }
0x66: {  	s21 =	sadd.s32 $0x1, s21;
	p3 =	por p3, p4;
	_ =	swait.ge @!p4 [sflag:s13], $0x80  }
0x67: {  	s14 =	smul.u32 $0xAB, s21;
	s17 =	sand.u32 @!p3 $0x7C00, s16;
	[sflag:s13] =	ssyncset.done @!p4 $0x0  }
.Ltmp3:
0x68: {  	s16 =	sand.u32 @!p3 $0x380, s16;
	[sflag:s13] =	ssyncadd.s32 @!p4 $0xFFFFFF80;
	(pc) =	sbr.rel @!p5 .LBB2_3-.Ltmp3, $4  }
0x69: {  	s14 =	sshrl.u32 s14, $0x9;
	s17 =	sadd.s32 @!p3 s9, s17;
	_ =	swait.ge @!p4 [sflag:s13], $0x80  }
0x6a: {  	s14 =	sand.u32 $0x7F, s14;
	s16 =	sor.u32 @!p3 s16, s17;
	[sflag:s13] =	ssyncset.done @!p4 $0x0  }
0x6b: {  	s15 =	sand.u32 @!p4 $0x600, s15;
	[sflag:s13] =	ssyncadd.s32 @!p4 $0xFFFFFF80;
	s13 =	sshrl.u32 @!p3 s16, $0x3  }
0x6c: {  	s15 =	sshrl.u32 @!p4 s15, $0x2;
	s14 =	smul.u32 $0x3, s14;
	s16 =	simm.s32 @!p4 $0x80  }
0x6d: {  	[tilespmem:s8], [sflag:$0x1] =	stream.indirect.gather @!p4 [hbm4b:s5+s16], $0x80, s15, s16, $0xb8;
	[tilespmem:$0x1FCC0] =	vst v63  }
0x6e: {  	s8 =	sadd.s32 @!p3 s1, s13;
	s11 =	simm.s32 @!p3 $0x0  }
0x6f: {  	[tilespmem:s25], [sflag:$0x2] =	stream.linear.gather @!p3 [hbm4b:s8+s11], $0x80, $0x38;
	[tilespmem:$0x1FCC0] =	vst v63  }
0x70: {  	s13 =	sadd.s32 @!p3 s7, s13;
	s16 =	ssub.s32 s21, s14  }
0x71: {  	[tilespmem:s4], [sflag:$0x2] =	stream.linear.gather @!p3 [hbm4b:s13+s11], $0x80, $0x38;
	[tilespmem:$0x1FCC0] =	vst v63  }
0x72: {  	s17 =	sand.u32 $0xFF, s16;
	s25 =	sadd.s32 $0xFFFFFE00, s0;
	_ =	swait.ge [sflag:s28], $0x4000  }
0x73: {  	s8 =	sand.u32 $0x180, s25;
	s4 =	sshll.u32 s17, $0xE;
	[sflag:s28] =	ssyncset.done $0x0  }
0x74: {  	s11 =	sor.u32 $0x200, s8;
	s4 =	sor.u32 $0x400, s4;
	[sflag:s28] =	ssyncadd.s32 $0xFFFFC000  }
0x75: {  	[spmem:s2] =	stream.indirect.scatter.add.f32 [tilespmem:s4], [sflag:$0x3], $0x80, s11, s26, $0xb8;
	[tilespmem:$0x1FCC0] =	vst v63  }
0x76: {  	_ =	swait.ge [sflag:s24], $0x4000  }
0x77: {  	p3 =	sgt.u32 s21, $0x4B;
	[sflag:s24] =	ssyncset.done $0x0  }
0x78: {  	s13 =	simm.s32 @!p3 $0x2;
	p4 =	seq.s32 @!p3 s31, $0x9C00;
	[sflag:s24] =	ssyncadd.s32 $0xFFFFC000  }
0x79: {  	p4 =	por p4, p3;
	_ =	swait.ge @!p3 [sflag:s13], $0x80  }
0x7a: {  	s14 =	sand.u32 @!p4 $0x7C00, s0;
	[sflag:s13] =	ssyncset.done @!p3 $0x0  }
0x7b: {  	s0 =	sand.u32 @!p4 $0x380, s0;
	s14 =	sadd.s32 @!p4 s9, s14;
	[sflag:s13] =	ssyncadd.s32 @!p3 $0xFFFFFF80  }
0x7c: {  	s0 =	sor.u32 @!p4 s0, s14;
	_ =	swait.ge @!p3 [sflag:s13], $0x80  }
0x7d: {  	s14 =	sand.u32 @!p3 $0x600, s31;
	s0 =	sshrl.u32 @!p4 s0, $0x3;
	[sflag:s13] =	ssyncset.done @!p3 $0x0  }
0x7e: {  	[sflag:s13] =	ssyncadd.s32 @!p3 $0xFFFFFF80;
	s13 =	sshrl.u32 @!p3 s14, $0x2;
	s14 =	simm.s32 @!p3 $0x80  }
0x7f: {  	[tilespmem:s4], [sflag:$0x1] =	stream.indirect.gather @!p3 [hbm4b:s5+s14], $0x80, s13, s14, $0xb8;
	[tilespmem:$0x1FCC0] =	vst v63  }
0x80: {  	s4 =	sadd.s32 @!p4 s1, s0;
	s13 =	simm.s32 @!p4 $0x0  }
0x81: {  	[tilespmem:s8], [sflag:$0x2] =	stream.linear.gather @!p4 [hbm4b:s4+s13], $0x80, $0x38;
	[tilespmem:$0x1FCC0] =	vst v63  }
.Ltmp4:
0x82: {  	_ = 	snop;
	(pc) =	sbr.rel @p0 .LBB2_9-.Ltmp4, $4  }
.Ltmp5:
0x83: {  	s0 =	sadd.s32 @!p4 s7, s0;
	(pc) =	sbr.rel @!p0 .LBB2_8-.Ltmp5, $4  }
0x84: {  	[tilespmem:s11], [sflag:$0x2] =	stream.linear.gather @!p4 [hbm4b:s0+s13], $0x80, $0x38;
	[tilespmem:$0x1FCC0] =	vst v63  }
0x85: {  	[bflag:$0x0] =	sbarrier.arrive $0xFFFF  }
0x86: {  	s0 =	rddreg [dreg:$0x5]  }
0x87: {  	_ = 	snop  }
.LBB2_5:
0x88: {  	[tilespmem:s4], [sflag:$0x1] =	stream.indirect.gather [hbm4b:s6+s26], $0x80, s0, s26, $0xb8;
	[tilespmem:$0x1FCC0] =	vst v63  }
0x89: {  	_ =	swait.ge [sflag:s10], $0x80  }
0x8a: {  	[sflag:s10] =	ssyncset.done $0x0  }
0x8b: {  	[sflag:s10] =	ssyncadd.s32 $0xFFFFFF80  }
0x8c: {  	_ =	swait.ge [sflag:s10], $0x80  }
0x8d: {  	[sflag:s10] =	ssyncset.done $0x0  }
0x8e: {  	s16 =	simm.s32 $0x4400;
	s17 =	smul.u32 $0xAB, s0;
	[sflag:s10] =	ssyncadd.s32 $0xFFFFFF80  }
0x8f: {  	[tilespmem:s16], [sflag:$0x1] =	stream.indirect.gather [hbm4b:s6+s26], $0x80, s26, s26, $0xb8;
	[tilespmem:$0x1FCC0] =	vst v63  }
0x90: {  	_ =	swait.ge [sflag:s10], $0x80  }
0x91: {  	s0 =	sshrl.u32 s17, $0x9;
	[sflag:s10] =	ssyncset.done $0x0  }
0x92: {  	s21 =	simm.s32 $0x8400;
	s0 =	sand.u32 $0x7F, s0;
	[sflag:s10] =	ssyncadd.s32 $0xFFFFFF80  }
0x93: {  	s13 =	simm.s32 $0x600;
	s0 =	smul.u32 $0x3, s0;
	_ =	swait.ge [sflag:s10], $0x80  }
0x94: {  	s25 =	simm.s32 $0x0;
	s14 =	simm.s32 $0x200;
	[sflag:s10] =	ssyncset.done $0x0  }
0x95: {  	p4 =	por $0x0, $0x0;
	s0 =	ssub.s32 $0x0, s0;
	[sflag:s10] =	ssyncadd.s32 $0xFFFFFF80  }
0x96: {  	[tilespmem:s21], [sflag:$0x1] =	stream.indirect.gather [hbm4b:s6+s26], $0x80, s29, s26, $0xb8;
	[tilespmem:$0x1FCC0] =	vst v63  }
0x97: {  	s25 =	sand.u32 $0x180, s25;
	s0 =	sand.u32 $0xFF, s0;
	_ =	swait.ge [sflag:s28], $0x4000  }
0x98: {  	p3 =	por @!p4 $0x0, $0x0;
	s0 =	sshll.u32 s0, $0xE;
	[sflag:s28] =	ssyncset.done $0x0  }
0x99: {  	s4 =	sor.u32 $0x200, s25;
	s8 =	sor.u32 $0x400, s0;
	[sflag:s28] =	ssyncadd.s32 $0xFFFFC000  }
0x9a: {  	[spmem:s2] =	stream.indirect.scatter.add.f32 [tilespmem:s8], [sflag:$0x3], $0x80, s4, s26, $0xb8;
	[tilespmem:$0x1FCC0] =	vst v63  }
0x9b: {  	s31 =	simm.s32 $0x800;
	p3 =	por p3, p4;
	_ =	swait.ge [sflag:s24], $0x4000  }
0x9c: {  	s15 =	simm.s32 @!p4 $0x2;
	s17 =	sand.u32 @!p3 $0x7C00, s14;
	[sflag:s24] =	ssyncset.done $0x0  }
0x9d: {  	s14 =	sand.u32 @!p3 $0x380, s14;
	s21 =	simm.s32 $0x1;
	[sflag:s24] =	ssyncadd.s32 $0xFFFFC000  }
0x9e: {  	s17 =	sadd.s32 @!p3 s9, s17;
	s16 =	smul.u32 $0xAB, s21;
	_ =	swait.ge @!p4 [sflag:s15], $0x80  }
0x9f: {  	s11 =	simm.s32 $0xA00;
	s14 =	sor.u32 @!p3 s14, s17;
	[sflag:s15] =	ssyncset.done @!p4 $0x0  }
0xa0: {  	s17 =	sand.u32 @!p4 $0x600, s13;
	s16 =	sshrl.u32 s16, $0x9;
	[sflag:s15] =	ssyncadd.s32 @!p4 $0xFFFFFF80  }
0xa1: {  	s13 =	sshrl.u32 @!p3 s14, $0x3;
	s16 =	sand.u32 $0x7F, s16;
	_ =	swait.ge @!p4 [sflag:s15], $0x80  }
0xa2: {  	s0 =	simm.s32 $0x280;
	s14 =	smul.u32 $0x3, s16;
	[sflag:s15] =	ssyncset.done @!p4 $0x0  }
0xa3: {  	s16 =	simm.s32 @!p4 $0x80;
	[sflag:s15] =	ssyncadd.s32 @!p4 $0xFFFFFF80;
	s15 =	sshrl.u32 @!p4 s17, $0x2  }
.LBB2_6:
0xa4: {  	[tilespmem:s8], [sflag:$0x1] =	stream.indirect.gather @!p4 [hbm4b:s6+s16], $0x80, s15, s16, $0xb8;
	[tilespmem:$0x1FCC0] =	vst v63  }
0xa5: {  	s15 =	smov.u32 s31;
	s31 =	smov.u32 s11;
	s16 =	smov.u32 s0  }
0xa6: {  	s17 =	simm.s32 @!p3 $0x0;
	s8 =	ssub.s32 s21, s14;
	s14 =	sadd.s32 @!p3 s1, s13  }
0xa7: {  	[tilespmem:s25], [sflag:$0x2] =	stream.linear.gather @!p3 [hbm4b:s14+s17], $0x80, $0x38;
	[tilespmem:$0x1FCC0] =	vst v63  }
0xa8: {  	s11 =	sadd.s32 $0x200, s11;
	s13 =	sadd.s32 @!p3 s7, s13;
	s8 =	sand.u32 $0xFF, s8  }
0xa9: {  	[tilespmem:s4], [sflag:$0x2] =	stream.linear.gather @!p3 [hbm4b:s13+s17], $0x80, $0x38;
	[tilespmem:$0x1FCC0] =	vst v63  }
0xaa: {  	s4 =	sshll.u32 s8, $0xE;
	s8 =	sadd.s32 $0xFFFFFE00, s0;
	_ =	swait.ge [sflag:s28], $0x4000  }
0xab: {  	p5 =	sne.s32 s11, $0xA400;
	s25 =	sand.u32 $0x180, s8;
	[sflag:s28] =	ssyncset.done $0x0  }
0xac: {  	s8 =	sor.u32 $0x400, s4;
	s4 =	sor.u32 $0x200, s25;
	[sflag:s28] =	ssyncadd.s32 $0xFFFFC000  }
0xad: {  	[spmem:s2] =	stream.indirect.scatter.add.f32 [tilespmem:s8], [sflag:$0x3], $0x80, s4, s26, $0xb8;
	[tilespmem:$0x1FCC0] =	vst v63  }
0xae: {  	_ =	swait.ge [sflag:s24], $0x4000  }
0xaf: {  	p4 =	sgt.u32 s21, $0x4B;
	s0 =	sadd.s32 $0x80, s0;
	[sflag:s24] =	ssyncset.done $0x0  }
0xb0: {  	s13 =	simm.s32 @!p4 $0x2;
	p3 =	seq.s32 @!p4 s15, $0x9C00;
	[sflag:s24] =	ssyncadd.s32 $0xFFFFC000  }
0xb1: {  	s21 =	sadd.s32 $0x1, s21;
	p3 =	por p3, p4;
	_ =	swait.ge @!p4 [sflag:s13], $0x80  }
0xb2: {  	s14 =	smul.u32 $0xAB, s21;
	s17 =	sand.u32 @!p3 $0x7C00, s16;
	[sflag:s13] =	ssyncset.done @!p4 $0x0  }
.Ltmp6:
0xb3: {  	s16 =	sand.u32 @!p3 $0x380, s16;
	[sflag:s13] =	ssyncadd.s32 @!p4 $0xFFFFFF80;
	(pc) =	sbr.rel @p5 .LBB2_6-.Ltmp6, $4  }
0xb4: {  	s14 =	sshrl.u32 s14, $0x9;
	s17 =	sadd.s32 @!p3 s9, s17;
	_ =	swait.ge @!p4 [sflag:s13], $0x80  }
0xb5: {  	s14 =	sand.u32 $0x7F, s14;
	s16 =	sor.u32 @!p3 s16, s17;
	[sflag:s13] =	ssyncset.done @!p4 $0x0  }
0xb6: {  	s15 =	sand.u32 @!p4 $0x600, s15;
	[sflag:s13] =	ssyncadd.s32 @!p4 $0xFFFFFF80;
	s13 =	sshrl.u32 @!p3 s16, $0x3  }
0xb7: {  	s15 =	sshrl.u32 @!p4 s15, $0x2;
	s14 =	smul.u32 $0x3, s14;
	s16 =	simm.s32 @!p4 $0x80  }
0xb8: {  	[tilespmem:s8], [sflag:$0x1] =	stream.indirect.gather @!p4 [hbm4b:s6+s16], $0x80, s15, s16, $0xb8;
	[tilespmem:$0x1FCC0] =	vst v63  }
0xb9: {  	s8 =	sadd.s32 @!p3 s1, s13;
	s11 =	simm.s32 @!p3 $0x0  }
0xba: {  	[tilespmem:s25], [sflag:$0x2] =	stream.linear.gather @!p3 [hbm4b:s8+s11], $0x80, $0x38;
	[tilespmem:$0x1FCC0] =	vst v63  }
0xbb: {  	s13 =	sadd.s32 @!p3 s7, s13;
	s16 =	ssub.s32 s21, s14  }
0xbc: {  	[tilespmem:s4], [sflag:$0x2] =	stream.linear.gather @!p3 [hbm4b:s13+s11], $0x80, $0x38;
	[tilespmem:$0x1FCC0] =	vst v63  }
0xbd: {  	s17 =	sand.u32 $0xFF, s16;
	s25 =	sadd.s32 $0xFFFFFE00, s0;
	_ =	swait.ge [sflag:s28], $0x4000  }
0xbe: {  	s8 =	sand.u32 $0x180, s25;
	s4 =	sshll.u32 s17, $0xE;
	[sflag:s28] =	ssyncset.done $0x0  }
0xbf: {  	s11 =	sor.u32 $0x200, s8;
	s4 =	sor.u32 $0x400, s4;
	[sflag:s28] =	ssyncadd.s32 $0xFFFFC000  }
0xc0: {  	[spmem:s2] =	stream.indirect.scatter.add.f32 [tilespmem:s4], [sflag:$0x3], $0x80, s11, s26, $0xb8;
	[tilespmem:$0x1FCC0] =	vst v63  }
0xc1: {  	_ =	swait.ge [sflag:s24], $0x4000  }
0xc2: {  	p3 =	sgt.u32 s21, $0x4B;
	[sflag:s24] =	ssyncset.done $0x0  }
0xc3: {  	s13 =	simm.s32 @!p3 $0x2;
	p4 =	seq.s32 @!p3 s31, $0x9C00;
	[sflag:s24] =	ssyncadd.s32 $0xFFFFC000  }
0xc4: {  	p4 =	por p4, p3;
	_ =	swait.ge @!p3 [sflag:s13], $0x80  }
0xc5: {  	s14 =	sand.u32 @!p4 $0x7C00, s0;
	[sflag:s13] =	ssyncset.done @!p3 $0x0  }
0xc6: {  	s0 =	sand.u32 @!p4 $0x380, s0;
	s14 =	sadd.s32 @!p4 s9, s14;
	[sflag:s13] =	ssyncadd.s32 @!p3 $0xFFFFFF80  }
0xc7: {  	s0 =	sor.u32 @!p4 s0, s14;
	_ =	swait.ge @!p3 [sflag:s13], $0x80  }
0xc8: {  	s14 =	sand.u32 @!p3 $0x600, s31;
	s0 =	sshrl.u32 @!p4 s0, $0x3;
	[sflag:s13] =	ssyncset.done @!p3 $0x0  }
0xc9: {  	[sflag:s13] =	ssyncadd.s32 @!p3 $0xFFFFFF80;
	s13 =	sshrl.u32 @!p3 s14, $0x2;
	s14 =	simm.s32 @!p3 $0x80  }
0xca: {  	[tilespmem:s4], [sflag:$0x1] =	stream.indirect.gather @!p3 [hbm4b:s6+s14], $0x80, s13, s14, $0xb8;
	[tilespmem:$0x1FCC0] =	vst v63  }
0xcb: {  	s4 =	sadd.s32 @!p4 s1, s0;
	s13 =	simm.s32 @!p4 $0x0  }
0xcc: {  	[tilespmem:s8], [sflag:$0x2] =	stream.linear.gather @!p4 [hbm4b:s4+s13], $0x80, $0x38;
	[tilespmem:$0x1FCC0] =	vst v63  }
.Ltmp7:
0xcd: {  	_ = 	snop;
	(pc) =	sbr.rel @!p2 .LBB2_9-.Ltmp7, $4  }
.Ltmp8:
0xce: {  	s0 =	sadd.s32 @!p4 s7, s0;
	(pc) =	sbr.rel @p2 .LBB2_8-.Ltmp8, $4  }
0xcf: {  	[tilespmem:s11], [sflag:$0x2] =	stream.linear.gather @!p4 [hbm4b:s0+s13], $0x80, $0x38;
	[tilespmem:$0x1FCC0] =	vst v63  }
0xd0: {  	[bflag:$0x0] =	sbarrier.arrive $0xFFFF  }
0xd1: {  	s0 =	rddreg [dreg:$0x6]  }
0xd2: {  	_ = 	snop  }
.LBB2_10:
0xd3: {  	_ =	sfence.sel $0x180000  }
0xd4: {  	[bflag:$0x0] =	sbarrier.arrive $0xFFFF  }
0xd5: {  	_ =	strace $0x90000050  }
0xd6: {  	s0 =	stileid.u32;
	[bflag:$0x2] =	sbarrier.arrive $0xFFFF  }
0xd7: {  	p0 =	sne.s32 s0, $0x0;
	s0 =	rddreg [dreg:$0x3]  }
0xd8: {  	s0 =	sadd.s32 @!p0 $0x100000, s0  }
0xd9: {  	[sflag:s0] =	ssyncadd.tile.s32 @!p0 $0x1;
	_ =	shalt  }
.Lfunc_end2:
_tile_overlayer_lowered:
.L_overlay_start_2:
0xda: {  	(tag) =	ssettag $0x2  }
0xdb: {  	s0 =	rddreg [dreg:$0x0];
	s2 =	stileid.u32  }
0xdc: {  	s1 =	rddreg [dreg:$0x1];
	p0 =	sne.s32 s2, $0x0  }
0xdd: {  	s3 =	rddreg [dreg:$0x2];
	[bflag:$0x3] =	sbarrier.arrive $0xFFFF;
	s2 =	simm.s32 @!p0 $0x1C03  }
0xde: {  	[timem:s3], [sflag:s2] =	dma.local @!p0 [hbm:s0], s1  }
0xdf: {  	s0 =	simm.s32 @!p0 $0x3  }
0xe0: {  	_ =	swait.ge @!p0 [sflag:s0], s1  }
0xe1: {  	s1 =	ssub.s32 @!p0 $0x0, s1;
	[sflag:s0] =	ssyncset.done @!p0 $0x0  }
0xe2: {  	[sflag:s0] =	ssyncadd.s32 @!p0 s1  }
0xe3: {  	[bflag:$0x3] =	sbarrier.arrive $0xFFFF  }
0xe4: {  	_ =	shalt  }

// kernel: kernel.25.cloned.1.call-start
scs
__scs_entry_jumppad:
0x0: {  	(pc) =	sbr.rel $0x88, $3  }
0x1: {  	(tag) =	ssettag $0x0;
	lr =	simm.s32 $0x1  }
0x2: {  	[smem:$0x3F85] =	sst lr;
	_ =	strace $0xD0000000  }
0x3: {  	_ = 	snop  }
0x4: {  	_ = 	snop  }
0x5: {  	_ = 	snop  }
0x6: {  	_ = 	snop  }
0x7: {  	_ = 	snop  }
__scs_overlays_trampoline_lowered:
0x8: {  	[smem:$0x3F94] =	sst s0  }
0x9: {  	[smem:$0x3F95] =	sst s1  }
0xa: {  	[smem:$0x3F96] =	sst s2  }
0xb: {  	[smem:$0x3F97] =	sst s3  }
0xc: {  	[smem:$0x3F98] =	sst s4  }
0xd: {  	[smem:$0x3F99] =	sst s5  }
0xe: {  	[smem:$0x3F9A] =	sst s6  }
0xf: {  	[smem:$0x3F9B] =	sst s7  }
0x10: {  	[smem:$0x3F9C] =	sst s8  }
0x11: {  	[smem:$0x3F9D] =	sst s9;
	s0 =	simm.s32 @!p0 $0x0  }
0x12: {  	s1 =	sld [smem:$0x3F83];
	s0 =	simm.s32 @p0 $0x1  }
0x13: {  	[smem:$0x3F9E] =	sst s0;
	s0 =	simm.s32 @!p1 $0x0  }
0x14: {  	s2 =	sld [smem:$0x3F82];
	s0 =	simm.s32 @p1 $0x1  }
0x15: {  	[smem:$0x3F9F] =	sst s0;
	s0 =	simm.s32 @!p2 $0x0  }
0x16: {  	s3 =	sld [smem:$0x3FDB];
	s0 =	simm.s32 @p2 $0x1  }
0x17: {  	s4 =	simm.s32 $0x1BF5;
	[smem:$0x3FA1] =	sst s0  }
0x18: {  	s0 =	sld [smem:$0x3F84];
	_ =	swait.ge [sflag:s4], $0x0  }
0x19: {  	s7 =	sld [smem:$0x3F85]  }
0x1a: {  	s8 =	sadd.s32 $0xFFFFE003, lr  }
0x1b: {  	s9 =	sadd.s32 $0xFFFFFEF7, lr;
	s5 =	simm.s32 $0xFFFFFFFF;
	p2 =	slt.u32 s8, $0xFFFFF086  }
0x1c: {  	p1 =	slt.u32 s9, $0xF7A;
	s5 =	simm.s32 @!p2 $0x0  }
0x1d: {  	s5 =	simm.s32 @p1 $0x1;
	p0 =	seq.s32 s7, s2  }
0x1e: {  	s7 =	smul.u32 @!p0 $0xF7A, s2;
	p2 =	seq.s32 @!p0 s5, $0x0  }
0x1f: {  	s9 =	smul.u32 $0xF7A, s1;
	s8 =	simm.s32 @!p0 $0x1BF5;
	p2 =	por !p2, p0  }
0x20: {  	[sflag:s8] =	ssyncset.s32 @!p0 $0xFFFFF086;
	s6 =	sadd.s32 @!p0 s3, s7;
	s7 =	simm.s32 @!p0 $0x108  }
0x21: {  	s3 =	sadd.s32 s3, s9;
	s6 =	sadd.s32 @!p0 $0x88, s6;
	s7 =	simm.s32 @p2 $0x1082  }
0x22: {  	[simem:s7], [sflag:s8] =	dma.local @!p0 [hbm:s6], $0xF7A  }
0x23: {  	s9 =	sor.u32 $0xD0000000, s2;
	s6 =	simm.s32 $0x108;
	_ =	swait.ge @!p0 [sflag:s8], $0x0  }
0x24: {  	s3 =	sadd.s32 $0x88, s3;
	s6 =	simm.s32 @!p1 $0x1082;
	[sflag:s4] =	ssyncset.s32 $0xFFFFF086  }
0x25: {  	[simem:s6], [sflag:s4] =	dma.local [hbm:s3], $0xF7A  }
0x26: {  	[smem:$0x3F85] =	sst s1;
	(tag) =	ssettag s2;
	_ =	strace s9  }
0x27: {  	s1 =	sld [smem:$0x3F95]  }
0x28: {  	s2 =	sld [smem:$0x3F96]  }
0x29: {  	s4 =	sld [smem:$0x3F98]  }
0x2a: {  	p0 =	seq.s32 s5, $0x0;
	s5 =	sld [smem:$0x3F99]  }
0x2b: {  	s6 =	sld [smem:$0x3F9A]  }
0x2c: {  	s7 =	sld [smem:$0x3F9B]  }
0x2d: {  	s3 =	simm.s32 $0x108;
	s8 =	sld [smem:$0x3F9C]  }
0x2e: {  	s3 =	simm.s32 @!p0 $0x1082;
	s9 =	sld [smem:$0x3F9D]  }
0x2f: {  	lr =	sadd.s32 s0, s3;
	s0 =	sld [smem:$0x3F94]  }
0x30: {  	s3 =	sld [smem:$0x3F97]  }
0x31: {  	[smem:$0x3FA0] =	sst s10  }
0x32: {  	s10 =	sld [smem:$0x3F9E];
	_ =	sdelay $0x3  }
0x33: {  	p0 =	seq.s32 s10, $0x1;
	s10 =	sld [smem:$0x3FA0];
	_ =	sdelay $0x3  }
0x34: {  	[smem:$0x3FA0] =	sst s10  }
0x35: {  	s10 =	sld [smem:$0x3F9F];
	_ =	sdelay $0x3  }
0x36: {  	p1 =	seq.s32 s10, $0x1;
	s10 =	sld [smem:$0x3FA0];
	_ =	sdelay $0x3  }
0x37: {  	[smem:$0x3FA0] =	sst s10  }
0x38: {  	s10 =	sld [smem:$0x3FA1]  }
0x39: {  	_ = 	snop;
	(pc) =	sbr.ind lr, $3  }
0x3a: {  	_ = 	snop  }
0x3b: {  	_ = 	snop  }
0x3c: {  	p2 =	seq.s32 s10, $0x1;
	s10 =	sld [smem:$0x3FA0]  }
0x3d: {  	_ =	shalt  }
0x3e: {  	_ =	shalt  }
0x3f: {  	_ =	shalt  }
0x40: {  	_ =	shalt  }
0x41: {  	_ =	shalt  }
0x42: {  	_ =	shalt  }
0x43: {  	_ =	shalt  }
0x44: {  	_ =	shalt  }
0x45: {  	_ =	shalt  }
0x46: {  	_ =	shalt  }
0x47: {  	_ =	shalt  }
0x48: {  	_ =	shalt  }
0x49: {  	_ =	shalt  }
0x4a: {  	_ =	shalt  }
0x4b: {  	_ =	shalt  }
0x4c: {  	_ =	shalt  }
0x4d: {  	_ =	shalt  }
0x4e: {  	_ =	shalt  }
0x4f: {  	_ =	shalt  }
0x50: {  	_ =	shalt  }
0x51: {  	_ =	shalt  }
0x52: {  	_ =	shalt  }
0x53: {  	_ =	shalt  }
0x54: {  	_ =	shalt  }
0x55: {  	_ =	shalt  }
0x56: {  	_ =	shalt  }
0x57: {  	_ =	shalt  }
0x58: {  	_ =	shalt  }
0x59: {  	_ =	shalt  }
0x5a: {  	_ =	shalt  }
0x5b: {  	_ =	shalt  }
0x5c: {  	_ =	shalt  }
0x5d: {  	_ =	shalt  }
0x5e: {  	_ =	shalt  }
0x5f: {  	_ =	shalt  }
0x60: {  	_ =	shalt  }
0x61: {  	_ =	shalt  }
0x62: {  	_ =	shalt  }
0x63: {  	_ =	shalt  }
0x64: {  	_ =	shalt  }
0x65: {  	_ =	shalt  }
0x66: {  	_ =	shalt  }
0x67: {  	_ =	shalt  }
0x68: {  	_ =	shalt  }
0x69: {  	_ =	shalt  }
0x6a: {  	_ =	shalt  }
0x6b: {  	_ =	shalt  }
0x6c: {  	_ =	shalt  }
0x6d: {  	_ =	shalt  }
0x6e: {  	_ =	shalt  }
0x6f: {  	_ =	shalt  }
0x70: {  	_ =	shalt  }
0x71: {  	_ =	shalt  }
0x72: {  	_ =	shalt  }
0x73: {  	_ =	shalt  }
0x74: {  	_ =	shalt  }
0x75: {  	_ =	shalt  }
0x76: {  	_ =	shalt  }
0x77: {  	_ =	shalt  }
0x78: {  	_ =	shalt  }
0x79: {  	_ =	shalt  }
0x7a: {  	_ =	shalt  }
0x7b: {  	_ =	shalt  }
0x7c: {  	_ =	shalt  }
0x7d: {  	_ =	shalt  }
0x7e: {  	_ =	shalt  }
0x7f: {  	_ =	shalt  }
0x80: {  	_ =	shalt  }
0x81: {  	_ =	shalt  }
0x82: {  	_ =	shalt  }
0x83: {  	_ =	shalt  }
0x84: {  	_ =	shalt  }
0x85: {  	_ =	shalt  }
0x86: {  	_ =	shalt  }
0x87: {  	_ =	shalt  }
.Lfunc_end0:
.L_simem_size_0:
called_computation.4_lowered:
.L_overlay_start_0:
0x88: {  	s2 =	sld [smem:$0x3FD9]  }
0x89: {  	s3 =	sld [smem:$0x3FFE];
	_ =	sdelay $0x1  }
0x8a: {  	s1 =	srdreg.scid  }
0x8b: {  	s0 =	sand.u32 $0x1, s1  }
0x8c: {  	s17 =	sshll.u32 s0, $0xA;
	s2 =	sadd.s32 s3, s2  }
0x8d: {  	s2 =	sadd.s32 s2, s17  }
0x8e: {  	[smem:$0x3FAC] =	sst s2  }
0x8f: {  	_ = 	snop  }
0x90: {  	s2 =	sld [smem:$0x3FD0];
	(tm) =	ssettm $0x1  }
0x91: {  	s18 =	sld [smem:$0x3FFB];
	_ =	sdelay $0x3  }
0x92: {  	_ =	strace s18  }
0x93: {  	s3 =	sld [smem:$0x3FFC];
	_ =	sdelay $0x3  }
0x94: {  	_ =	strace s3  }
0x95: {  	s3 =	sld [smem:$0x3FFD];
	_ =	sdelay $0x3  }
0x96: {  	_ =	strace s3  }
0x97: {  	_ =	strace $0x8FFFFFFF  }
0x98: {  	s19 =	sld [smem:$0x3FDB];
	_ =	sdelay $0x1  }
0x99: {  	s4 =	simm.s32 $_scs_section_size  }
0x9a: {  	s5 =	simm.s32 $_size__tile_overlayer_lowered;
	s6 =	simm.s32 $_tile_overlayer_lowered  }
0x9b: {  	s22 =	simm.s32 $0x1BFF;
	s21 =	sshll.u32 s6, $0x1;
	s3 =	sadd.s32 s4, s19  }
0x9c: {  	s7 =	simm.s32 $0x0;
	s20 =	sshll.u32 s5, $0x1;
	s5 =	sadd.s32 s21, s3  }
0x9d: {  	[timem:s7], [sflag:s22] =	dma.local [hbm:s5], s20  }
0x9e: {  	_ =	swait.ge [sflag:s22], s20  }
0x9f: {  	s4 =	ssub.s32 $0x0, s20;
	[sflag:s22] =	ssyncset.done $0x0  }
0xa0: {  	[sflag:s22] =	ssyncadd.s32 s4;
	_ =	sdelay $0x1  }
0xa1: {  	s23 =	simm.s32 $0x1B8B  }
0xa2: {  	_ =	swait.ge [sflag:s23], $0x1  }
0xa3: {  	[sflag:s23] =	ssyncset.done $0x0  }
0xa4: {  	s25 =	simm.s32 $0x1B8E;
	s24 =	sld [smem:$0x3FFE];
	[sflag:s23] =	ssyncadd.s32 $0xFFFFFFFF  }
0xa5: {  	s26 =	simm.s32 $execute0_lowered;
	[smem:$0x3FD2] =	sst s25  }
0xa6: {  	s5 =	sshll.u32 s26, $0x1;
	_ =	strace $0x80000052;
	[dreg:$0x1] =	wrdreg $0xFFFFFFFF  }
0xa7: {  	s28 =	simm.s32 $_size_execute0_lowered;
	s3 =	sadd.s32 s3, s5;
	[dreg:$0x0] =	wrdreg $0x0  }
0xa8: {  	s5 =	sshll.u32 s28, $0x1;
	[dreg:$0x2] =	wrdreg s3  }
0xa9: {  	[dreg:$0x3] =	wrdreg s5  }
0xaa: {  	[dreg:$0x4] =	wrdreg $0xC0  }
0xab: {  	_ =	task [dreg:s7], $0x5FFFF  }
0xac: {  	[dreg:$0x1] =	wrdreg $0xFFFFFFFF  }
0xad: {  	[dreg:$0x0] =	wrdreg $0x60  }
0xae: {  	[dreg:$0x2] =	wrdreg s24  }
0xaf: {  	[dreg:$0x3] =	wrdreg s2  }
0xb0: {  	[dreg:$0x4] =	wrdreg $0x9  }
0xb1: {  	_ =	task.clear_ibuf [dreg:s7], $0x5FFFF;
	_ =	strace $0x90000052  }
0xb2: {  	s29 =	simm.s32 $0x9;
	_ =	strace $0x80000054  }
0xb3: {  	_ =	swait.ge [sflag:s29], $0x1  }
0xb4: {  	[sflag:s29] =	ssyncadd.s32 $0xFFFFFFFF  }
0xb5: {  	_ =	strace $0x90000054  }
0xb6: {  	_ =	sfence  }
0xb7: {  	s30 =	sld [smem:$0x0];
	_ =	sdelay $0x2  }
0xb8: {  	s31 =	sshll.u32 s1, $0xD;
	s1 =	sshrl.u32 s1, $0x2  }
0xb9: {  	s3 =	sand.u32 $0x4000, s31;
	s1 =	sadd.s32 s1, s30  }
0xba: {  	s0 =	sor.u32 s3, s0;
	s1 =	sshll.u32 s1, $0x11  }
0xbb: {  	s0 =	sor.u32 s1, s0  }
0xbc: {  	s0 =	sadd.s32 $0x8F2B, s0  }
0xbd: {  	[sflag:s0] =	ssyncadd.remote.s32 $0x1  }
0xbe: {  	_ =	sfence.sel $0xFFFF  }
0xbf: {  	[dreg:$0x0] =	wrdreg $0xFFFFFFFF;
	(pc) =	sbr.abs _section_cstart, $3  }
0xc0: {  	[dreg:$0x1] =	wrdreg $0xFFFFFFFF  }
0xc1: {  	_ =	task.clear_ibuf [dreg:s7], $0x2FFFF;
	_ =	strace $0x9FFFFFFF  }
0xc2: {  	(tm) =	ssettm $0x7FFFFFFF  }
0xc3: {  	_ =	shalt  }
tec
execute0_lowered:
.L_overlay_start_1:
0x0: {  	(tag) =	ssettag $0x1  }
0x1: {  	s6 =	rddreg [dreg:$0x0]  }
0x2: {  	s7 =	rddreg [dreg:$0x1]  }
0x3: {  	s0 =	rddreg [dreg:$0x2];
	s2 =	simm.s32 $0x0  }
0x4: {  	s1 =	stileid.u32;
	s5 =	srdreg.scid;
	s14 =	simm.s32 $0x80  }
0x5: {  	s15 =	simm.s32 $0x2800;
	s16 =	simm.s32 $0x6800;
	s17 =	simm.s32 $0x100  }
0x6: {  	s18 =	simm.s32 $0xA800;
	s19 =	simm.s32 $0x1;
	s20 =	simm.s32 $0x0  }
0x7: {  	[smem:$0x7FF] =	sst s2;
	s8 =	smul.u32 $0x500, s1;
	s3 =	sadd.s32 $0xE800, s6  }
0x8: {  	s4 =	sadd.s32 $0x35A00, s6;
	s9 =	sand.u32 $0x1, s5;
	s12 =	smul.u32 $0x138800, s1  }
0x9: {  	s5 =	sadd.s32 $0x5CC00, s6;
	s31 =	smul.u32 $0x27100, s1;
	_ =	strace $0x80000053  }
.Ltmp0:
0xa: {  	s11 =	ssub.s32 $0x2, s9;
	p0 =	seq.s32 s9, $0x1;
	(pc) =	sbr.rel .LBB2_1-.Ltmp0, $4  }
0xb: {  	s10 =	sadd.s32 s8, s6;
	s6 =	sadd.s32 $0x2CDC00, s6;
	s13 =	sshrl.u32 s11, $0x1  }
0xc: {  	s12 =	sshrl.u32 s12, $0x3;
	s7 =	sadd.s32 s7, s8;
	s11 =	ssub.s32 s11, s13  }
0xd: {  	s8 =	sadd.s32 $0x27000, s12;
	s9 =	sadd.s32 $0x9800, s10;
	s12 =	sadd.s32 s31, s6  }
0xe: {  	s13 =	simm.s32 $0x2;
	s10 =	smax.u32 s11, $0x1;
	s11 =	sadd.s32 s31, s5  }
.LBB2_7:
0xf: {  	[sflag:s13] =	ssyncset.done $0x0  }
0x10: {  	s21 =	smov.u32 s6;
	[sflag:s13] =	ssyncadd.s32 $0xFFFFC000  }
.LBB2_8:
0x11: {  	_ =	swait.ge [sflag:s19], $0x4000;
	s20 =	sadd.s32 $0x1, s20  }
0x12: {  	[sflag:s19] =	ssyncset.done $0x0;
	p1 =	sne.s32 s20, s10  }
.Ltmp1:
0x13: {  	s21 =	sadd.s32 s21, s8;
	[sflag:s19] =	ssyncadd.s32 $0xFFFFC000;
	(pc) =	sbr.rel @!p1 .LBB2_9-.Ltmp1, $4  }
0x14: {  	[hbm4b:s21+s2] =	stream.linear.scatter [tilespmem:s18], [sflag:$0x2], $0x800, $0x38;
	[tilespmem:$0x12800] =	vst v63  }
0x15: {  	_ =	swait.ge [sflag:s13], $0x800  }
0x16: {  	[sflag:s13] =	ssyncset.done $0x0  }
0x17: {  	[sflag:s13] =	ssyncadd.s32 $0xFFFFF800  }
.LBB2_1:
.Ltmp2:
0x18: {  	(pc) =	sbr.rel @!p0 .LBB2_2-.Ltmp2, $2  }
0x19: {  	_ =	sdelay $0x2  }
0x1a: {  	s21 =	simm.s32 $0x0  }
0x1b: {  	[tilespmem:s21], [sflag:$0x2] =	stream.linear.gather [hbm4b:s9+s21], $0x2780, $0x38;
	[tilespmem:$0x12800] =	vst v63  }
0x1c: {  	_ =	swait.ge [sflag:s13], $0x2780  }
0x1d: {  	[sflag:s13] =	ssyncset.done $0x0  }
0x1e: {  	[sflag:s13] =	ssyncadd.s32 $0xFFFFD880  }
0x1f: {  	[tilespmem:s15], [sflag:$0x1] =	stream.indirect.gather [hbm4b:s4+s14], $0x80, s21, s14, $0xb8;
	[tilespmem:$0x12800] =	vst v63  }
0x20: {  	s22 =	simm.s32 $0x30000  }
0x21: {  	[tilespmem:s16], [sflag:$0x1] =	stream.indirect.gather [hbm4b:s4+s14], $0x80, s14, s14, $0xb8;
	[tilespmem:$0x12800] =	vst v63  }
0x22: {  	s23 =	simm.s32 $0x180;
	p1 =	por $0x0, $0x0;
	s25 =	simm.s32 $0x0  }
0x23: {  	[tilespmem:s18], [sflag:$0x1] =	stream.indirect.gather [hbm4b:s4+s14], $0x80, s17, s14, $0xb8;
	[tilespmem:$0x12800] =	vst v63  }
0x24: {  	s22 =	sand.u32 @!p1 $0x30000, s22;
	s24 =	simm.s32 @!p1 $0x80;
	_ =	swait.ge [sflag:s19], $0x4000  }
0x25: {  	s25 =	sand.u32 $0x30000, s25;
	s22 =	sshrl.u32 @!p1 s22, $0x2;
	[sflag:s19] =	ssyncset.done $0x0  }
0x26: {  	s31 =	sshrl.u32 s25, $0x2;
	s22 =	sor.u32 @!p1 $0x2800, s22;
	[sflag:s19] =	ssyncadd.s32 $0xFFFFC000  }
0x27: {  	[tilespmem:s22], [sflag:$0x1] =	stream.indirect.gather @!p1 [hbm4b:s4+s24], $0x80, s23, s24, $0xb8;
	[tilespmem:$0x12800] =	vst v63  }
0x28: {  	s22 =	sor.u32 $0x2800, s31;
	s23 =	simm.s32 $0x200  }
0x29: {  	[hbm4b:s12+s2] =	stream.linear.scatter [tilespmem:s22], [sflag:$0x2], $0x4000, $0x38;
	[tilespmem:$0x12800] =	vst v63  }
0x2a: {  	s24 =	sadd.s32 $0x800, s12;
	s22 =	simm.s32 $0x40000;
	_ =	swait.ge [sflag:s13], $0x4000  }
.LBB2_6:
0x2b: {  	[sflag:s13] =	ssyncset.done $0x0  }
0x2c: {  	s21 =	sadd.s32 $0x1, s21;
	s25 =	smov.u32 s22;
	s22 =	sadd.s32 $0x10000, s22  }
0x2d: {  	p2 =	sgt.u32 s21, $0x4B;
	p1 =	sne.s32 s22, $0x510000;
	[sflag:s13] =	ssyncadd.s32 $0xFFFFC000  }
0x2e: {  	_ =	swait.ge [sflag:s19], $0x4000;
	s26 =	sand.u32 @!p2 $0x30000, s25;
	s28 =	simm.s32 @!p2 $0x80  }
0x2f: {  	s25 =	sadd.s32 $0xFFFD0000, s25;
	[sflag:s19] =	ssyncset.done $0x0;
	s26 =	sshrl.u32 @!p2 s26, $0x2  }
0x30: {  	s25 =	sand.u32 $0x30000, s25;
	[sflag:s19] =	ssyncadd.s32 $0xFFFFC000;
	s26 =	sor.u32 @!p2 $0x2800, s26  }
0x31: {  	[tilespmem:s26], [sflag:$0x1] =	stream.indirect.gather @!p2 [hbm4b:s4+s28], $0x80, s23, s28, $0xb8;
	[tilespmem:$0x12800] =	vst v63  }
.Ltmp3:
0x32: {  	_ = 	snop;
	(pc) =	sbr.rel @p1 .LBB2_6-.Ltmp3, $4  }
0x33: {  	s25 =	sshrl.u32 s25, $0x2  }
0x34: {  	s25 =	sor.u32 $0x2800, s25  }
0x35: {  	[hbm4b:s24+s2] =	stream.linear.scatter [tilespmem:s25], [sflag:$0x2], $0x4000, $0x38;
	[tilespmem:$0x12800] =	vst v63  }
0x36: {  	s23 =	sadd.s32 $0x80, s23;
	s24 =	sadd.s32 $0x800, s24;
	_ =	swait.ge [sflag:s13], $0x4000  }
.Ltmp4:
0x37: {  	_ = 	snop;
	(pc) =	sbr.rel .LBB2_7-.Ltmp4, $1  }
0x38: {  	_ =	sdelay $0x3  }
.LBB2_2:
0x39: {  	[tilespmem:s21], [sflag:$0x2] =	stream.linear.gather [hbm4b:s7+s21], $0x2780, $0x38;
	[tilespmem:$0x12800] =	vst v63  }
0x3a: {  	_ =	swait.ge [sflag:s13], $0x2780  }
0x3b: {  	[sflag:s13] =	ssyncset.done $0x0  }
0x3c: {  	[sflag:s13] =	ssyncadd.s32 $0xFFFFD880  }
0x3d: {  	[tilespmem:s15], [sflag:$0x1] =	stream.indirect.gather [hbm4b:s3+s14], $0x80, s21, s14, $0xb8;
	[tilespmem:$0x12800] =	vst v63  }
0x3e: {  	s22 =	simm.s32 $0x30000  }
0x3f: {  	[tilespmem:s16], [sflag:$0x1] =	stream.indirect.gather [hbm4b:s3+s14], $0x80, s14, s14, $0xb8;
	[tilespmem:$0x12800] =	vst v63  }
0x40: {  	s23 =	simm.s32 $0x180;
	p1 =	por $0x0, $0x0;
	s25 =	simm.s32 $0x0  }
0x41: {  	[tilespmem:s18], [sflag:$0x1] =	stream.indirect.gather [hbm4b:s3+s14], $0x80, s17, s14, $0xb8;
	[tilespmem:$0x12800] =	vst v63  }
0x42: {  	s22 =	sand.u32 @!p1 $0x30000, s22;
	s24 =	simm.s32 @!p1 $0x80;
	_ =	swait.ge [sflag:s19], $0x4000  }
0x43: {  	s25 =	sand.u32 $0x30000, s25;
	s22 =	sshrl.u32 @!p1 s22, $0x2;
	[sflag:s19] =	ssyncset.done $0x0  }
0x44: {  	s31 =	sshrl.u32 s25, $0x2;
	s22 =	sor.u32 @!p1 $0x2800, s22;
	[sflag:s19] =	ssyncadd.s32 $0xFFFFC000  }
0x45: {  	[tilespmem:s22], [sflag:$0x1] =	stream.indirect.gather @!p1 [hbm4b:s3+s24], $0x80, s23, s24, $0xb8;
	[tilespmem:$0x12800] =	vst v63  }
0x46: {  	s22 =	sor.u32 $0x2800, s31;
	s23 =	simm.s32 $0x200  }
0x47: {  	[hbm4b:s11+s2] =	stream.linear.scatter [tilespmem:s22], [sflag:$0x2], $0x4000, $0x38;
	[tilespmem:$0x12800] =	vst v63  }
0x48: {  	s24 =	sadd.s32 $0x800, s11;
	s22 =	simm.s32 $0x40000;
	_ =	swait.ge [sflag:s13], $0x4000  }
.LBB2_3:
0x49: {  	[sflag:s13] =	ssyncset.done $0x0  }
0x4a: {  	s21 =	sadd.s32 $0x1, s21;
	s25 =	smov.u32 s22;
	s22 =	sadd.s32 $0x10000, s22  }
0x4b: {  	p2 =	sgt.u32 s21, $0x4B;
	p1 =	seq.s32 s22, $0x510000;
	[sflag:s13] =	ssyncadd.s32 $0xFFFFC000  }
0x4c: {  	_ =	swait.ge [sflag:s19], $0x4000;
	s26 =	sand.u32 @!p2 $0x30000, s25;
	s28 =	simm.s32 @!p2 $0x80  }
0x4d: {  	s25 =	sadd.s32 $0xFFFD0000, s25;
	[sflag:s19] =	ssyncset.done $0x0;
	s26 =	sshrl.u32 @!p2 s26, $0x2  }
0x4e: {  	s25 =	sand.u32 $0x30000, s25;
	[sflag:s19] =	ssyncadd.s32 $0xFFFFC000;
	s26 =	sor.u32 @!p2 $0x2800, s26  }
0x4f: {  	[tilespmem:s26], [sflag:$0x1] =	stream.indirect.gather @!p2 [hbm4b:s3+s28], $0x80, s23, s28, $0xb8;
	[tilespmem:$0x12800] =	vst v63  }
.Ltmp5:
0x50: {  	_ = 	snop;
	(pc) =	sbr.rel @!p1 .LBB2_3-.Ltmp5, $4  }
0x51: {  	s25 =	sshrl.u32 s25, $0x2  }
0x52: {  	s25 =	sor.u32 $0x2800, s25  }
0x53: {  	[hbm4b:s24+s2] =	stream.linear.scatter [tilespmem:s25], [sflag:$0x2], $0x4000, $0x38;
	[tilespmem:$0x12800] =	vst v63  }
0x54: {  	s23 =	sadd.s32 $0x80, s23;
	s24 =	sadd.s32 $0x800, s24;
	_ =	swait.ge [sflag:s13], $0x4000  }
.Ltmp6:
0x55: {  	(pc) =	sbr.rel .LBB2_8-.Ltmp6, $3  }
0x56: {  	_ =	sdelay $0x1  }
0x57: {  	[sflag:s13] =	ssyncset.done $0x0  }
0x58: {  	s21 =	smov.u32 s5;
	[sflag:s13] =	ssyncadd.s32 $0xFFFFC000  }
.LBB2_9:
0x59: {  	_ =	sfence.sel $0x180000  }
0x5a: {  	[bflag:$0x0] =	sbarrier.arrive $0xFFFF  }
0x5b: {  	p0 =	sne.s32 s1, $0x0;
	_ =	strace $0x90000053  }
0x5c: {  	s0 =	sadd.s32 @!p0 $0x100000, s0;
	[bflag:$0x2] =	sbarrier.arrive $0xFFFF  }
0x5d: {  	[sflag:s0] =	ssyncadd.tile.s32 @!p0 $0x1;
	_ =	shalt  }
.Lfunc_end2:
_tile_overlayer_lowered:
.L_overlay_start_2:
0x5e: {  	(tag) =	ssettag $0x2  }
0x5f: {  	s0 =	rddreg [dreg:$0x0];
	s2 =	stileid.u32  }
0x60: {  	s1 =	rddreg [dreg:$0x1];
	p0 =	sne.s32 s2, $0x0  }
0x61: {  	s3 =	rddreg [dreg:$0x2];
	[bflag:$0x3] =	sbarrier.arrive $0xFFFF;
	s2 =	simm.s32 @!p0 $0x1C02  }
0x62: {  	[timem:s3], [sflag:s2] =	dma.local @!p0 [hbm:s0], s1  }
0x63: {  	s0 =	simm.s32 @!p0 $0x2  }
0x64: {  	_ =	swait.ge @!p0 [sflag:s0], s1  }
0x65: {  	s1 =	ssub.s32 @!p0 $0x0, s1;
	[sflag:s0] =	ssyncset.done @!p0 $0x0  }
0x66: {  	[sflag:s0] =	ssyncadd.s32 @!p0 s1  }
0x67: {  	[bflag:$0x3] =	sbarrier.arrive $0xFFFF  }
0x68: {  	_ =	shalt  }

</sc_bundles>
